<compile_context>
chip_gen: v7x
topology: tpu7x:2x2x1
jax: 0.10.2.dev20260603
libtpu: 0.0.44.dev20260713+nightly
codegen_flags: <defaults>
</compile_context>

<pallas_src>
import functools

import jax
import jax.numpy as jnp
from jax import lax
from jax.experimental import pallas as pl
from jax.experimental.pallas import tpu as pltpu
from jax.experimental.pallas import tpu_sc as plsc

_D = 1024
_S = 8192
_B = 4
_NC = 2
_NS = 16
_NW = _NC * _NS
_RPW = _S // _NW
_CH = 8
_NCH = _RPW // _CH
_NPAIR = _NCH // 2
_VL = 16


def _body(x_hbm, cls_hbm, pos_hbm, out_hbm,
          xs0, xs1, obuf, pp, pz, oz, clsv, sx0, sx1, sp0, sp1, so1, so2):
    cid = lax.axis_index("c")
    sid = lax.axis_index("s")
    wid = sid * _NC + cid
    base = wid * _RPW

    XS = (xs0, xs1)
    SX = (sx0, sx1)
    SP = (sp0, sp1)

    def xsl(cc, b):
        return x_hbm.at[b, pl.ds(base + cc * _CH, _CH), :]

    def psl(blk):
        return pos_hbm.at[pl.ds(base + blk * _CH, _CH), :]

    @pl.when(wid == 0)
    def _():
        pltpu.sync_copy(pos_hbm.at[pl.ds(0, _CH), :], pz)
        pltpu.sync_copy(cls_hbm, clsv)

        @plsc.parallel_loop(0, _D, step=_VL, unroll=8)
        def _(c):
            ds = pl.ds(c, _VL)
            v = clsv[0, ds] + pz[0, ds]
            for b in range(_B):
                oz[0, b, ds] = v

        pltpu.sync_copy(oz, out_hbm.at[pl.ds(0, 1), :, :])

    for b in range(_B):
        pltpu.async_copy(xsl(0, b), xs0.at[b], sx0)
    pltpu.async_copy(psl(0), pp.at[0], sp0)
    pltpu.async_copy(psl(1), pp.at[1], sp1)
    pltpu.make_async_copy(psl(0), pp.at[0], sp0).wait()

    def pair_body(j, carry):
        for k in range(2):
            cc = 2 * j + k
            s = k
            ns = 1 - k
            a = base + cc * _CH

            for b in range(_B):
                pltpu.make_async_copy(xsl(cc, b), XS[s].at[b], SX[s]).wait()

            if k == 0:
                for b in range(_B):
                    pltpu.async_copy(xsl(cc + 1, b), XS[ns].at[b], SX[ns])
            else:
                @pl.when(j < _NPAIR - 1)
                def _():
                    for b in range(_B):
                        pltpu.async_copy(xsl(cc + 1, b), XS[ns].at[b], SX[ns])

            def wait_o1():
                pltpu.make_async_copy(
                    obuf.at[pl.ds(0, 4)], out_hbm.at[pl.ds(a, 4), :, :],
                    so1).wait()

            def wait_o2():
                pltpu.make_async_copy(
                    obuf.at[pl.ds(4, 4)], out_hbm.at[pl.ds(a, 4), :, :],
                    so2).wait()

            if k == 0:
                @pl.when(j > 0)
                def _():
                    wait_o1()
            else:
                wait_o1()

            @plsc.parallel_loop(0, _D, step=_VL, unroll=4)
            def _(c):
                ds = pl.ds(c, _VL)
                for r in range(4):
                    pv = pp[s, r + 1, ds]
                    for b in range(_B):
                        obuf[r, b, ds] = XS[s][b, r, ds] + pv

            pltpu.async_copy(
                obuf.at[pl.ds(0, 4)], out_hbm.at[pl.ds(a + 1, 4), :, :], so1)

            if k == 0:
                @pl.when(j > 0)
                def _():
                    wait_o2()
            else:
                wait_o2()

            @plsc.parallel_loop(0, _D, step=_VL, unroll=4)
            def _(c):
                ds = pl.ds(c, _VL)
                for r in range(4, 7):
                    pv = pp[s, r + 1, ds]
                    for b in range(_B):
                        obuf[r, b, ds] = XS[s][b, r, ds] + pv

            if k == 0:
                pltpu.async_copy(psl(cc + 2), pp.at[s], SP[s])
            else:
                @pl.when(j < _NPAIR - 1)
                def _():
                    pltpu.async_copy(psl(cc + 2), pp.at[s], SP[s])

            pltpu.make_async_copy(psl(cc + 1), pp.at[ns], SP[ns]).wait()

            @plsc.parallel_loop(0, _D, step=_VL, unroll=4)
            def _(c):
                ds = pl.ds(c, _VL)
                pv = pp[ns, 0, ds]
                for b in range(_B):
                    obuf[7, b, ds] = XS[s][b, 7, ds] + pv

            pltpu.async_copy(
                obuf.at[pl.ds(4, 4)], out_hbm.at[pl.ds(a + 5, 4), :, :], so2)
        return carry

    lax.fori_loop(0, _NPAIR, pair_body, 0)

    pltpu.make_async_copy(
        obuf.at[pl.ds(0, 4)], out_hbm.at[pl.ds(base, 4), :, :], so1).wait()
    pltpu.make_async_copy(
        obuf.at[pl.ds(4, 4)], out_hbm.at[pl.ds(base, 4), :, :], so2).wait()


_pe_call = functools.partial(
    pl.kernel,
    out_type=jax.ShapeDtypeStruct((_S + 1, _B, _D), jnp.float32),
    mesh=plsc.VectorSubcoreMesh(core_axis_name="c", subcore_axis_name="s"),
    scratch_types=[
        pltpu.VMEM((_B, _CH, _D), jnp.float32),
        pltpu.VMEM((_B, _CH, _D), jnp.float32),
        pltpu.VMEM((_CH, _B, _D), jnp.float32),
        pltpu.VMEM((2, _CH, _D), jnp.float32),
        pltpu.VMEM((_CH, _D), jnp.float32),
        pltpu.VMEM((1, _B, _D), jnp.float32),
        pltpu.VMEM((1, _D), jnp.float32),
        pltpu.SemaphoreType.DMA,
        pltpu.SemaphoreType.DMA,
        pltpu.SemaphoreType.DMA,
        pltpu.SemaphoreType.DMA,
        pltpu.SemaphoreType.DMA,
        pltpu.SemaphoreType.DMA,
    ],
)(_body)


@jax.jit
def kernel(x, cls_token, pos_table):
    out_tmajor = _pe_call(x, cls_token.reshape(1, _D), pos_table)
    return out_tmajor.transpose(1, 0, 2)

# --- scband reference (transcript-rebuilt; emitter-appended) ---
"""Pipeline reference for scband-positional-embedding-24988119728493 (READ-ONLY COPY).

The authoritative reference and input builder live on the scoring server;
editing this copy changes nothing except your own understanding.
"""

import jax, jax.numpy as jnp
import numpy as np

D_MODEL = 1024
SEQ_LEN = 8192
BATCH = 4

def setup_inputs(seed: int = 0) -> dict:
    key = jax.random.key(seed)
    k1, k2, k3 = jax.random.split(key, 3)
    x = jax.random.normal(k1, (BATCH, SEQ_LEN, D_MODEL), dtype=jnp.float32)
    # learned params, init per module's init_weights (uniform -0.1..0.1)
    cls_token = jax.random.uniform(k2, (1, 1, D_MODEL), minval=-0.1, maxval=0.1, dtype=jnp.float32)
    pos_table = jax.random.uniform(k3, (SEQ_LEN + 1, D_MODEL), minval=-0.1, maxval=0.1, dtype=jnp.float32)
    return {"x": x, "cls_token": cls_token, "pos_table": pos_table}

def reference(x, cls_token, pos_table):
    B = x.shape[0]
    cls = jnp.broadcast_to(cls_token, (B, 1, x.shape[2]))
    h = jnp.concatenate([cls, x], axis=1)  # [B, S+1, D]
    positions = jnp.arange(pos_table.shape[0], dtype=jnp.int32)  # [S+1]
    pe = jnp.take(pos_table, positions, axis=0)  # embedding lookup -> [S+1, D]
    out = h + pe[None, :, :]
    return out

if __name__ == "__main__":
    import jax
    _d = setup_inputs()
    print(jax.jit(kernel)(*tuple(_d.values())))

</pallas_src>

<mosaic_0001>
#map = affine_map<(d0, d1) -> (0, 0, 0)>
#map1 = affine_map<(d0, d1) -> (0, 0)>
module attributes {stable_mosaic.version = 14 : i64} {
  func.func @_body(%arg0: i32, %arg1: i32, %arg2: memref<4x8192x1024xf32, #tpu.memory_space<hbm>>, %arg3: memref<1x1024xf32, #tpu.memory_space<hbm>>, %arg4: memref<8193x1024xf32, #tpu.memory_space<hbm>>, %arg5: memref<8193x4x1024xf32, #tpu.memory_space<hbm>>, %arg6: memref<4x8x1024xf32, #tpu.memory_space<vmem>>, %arg7: memref<4x8x1024xf32, #tpu.memory_space<vmem>>, %arg8: memref<8x4x1024xf32, #tpu.memory_space<vmem>>, %arg9: memref<2x8x1024xf32, #tpu.memory_space<vmem>>, %arg10: memref<8x1024xf32, #tpu.memory_space<vmem>>, %arg11: memref<1x4x1024xf32, #tpu.memory_space<vmem>>, %arg12: memref<1x1024xf32, #tpu.memory_space<vmem>>, %arg13: memref<!tpu.dma_semaphore, #tpu.memory_space<semaphore_mem>>, %arg14: memref<!tpu.dma_semaphore, #tpu.memory_space<semaphore_mem>>, %arg15: memref<!tpu.dma_semaphore, #tpu.memory_space<semaphore_mem>>, %arg16: memref<!tpu.dma_semaphore, #tpu.memory_space<semaphore_mem>>, %arg17: memref<!tpu.dma_semaphore, #tpu.memory_space<semaphore_mem>>, %arg18: memref<!tpu.dma_semaphore, #tpu.memory_space<semaphore_mem>>) attributes {dimension_semantics = [#tpu.dimension_semantics<core_parallel>, #tpu.dimension_semantics<subcore_parallel>], iteration_bounds = array<i64: 2, 16>, scalar_prefetch = 0 : i64, scratch_operands = 13 : i64, tpu.core_type = #tpu.core_type<sc_vector_subcore>, window_params = [{transform_indices = #map}, {transform_indices = #map1}, {transform_indices = #map1}, {transform_indices = #map}]} {
    %mul3A = arith.constant 2 : i32
    %mul3A_0 = arith.muli %arg1, %mul3A : i32
    %add3A = arith.addi %mul3A_0, %arg0 : i32
    %mul3A_1 = arith.constant 256 : i32
    %mul3A_2 = arith.muli %add3A, %mul3A_1 : i32
    %eq3A = arith.constant 0 : i32
    %eq3A_3 = arith.cmpi eq, %add3A, %eq3A : i32
    %convert_element_type3A = arith.extui %eq3A_3 : i1 to i32
    %cond3A = arith.constant 0 : i32
    %cond3A_4 = arith.cmpi ne, %convert_element_type3A, %cond3A : i32
    scf.if %cond3A_4 {
      "tpu.region"() ({
        %run_scoped3A = tpu.sem_alloc : memref<!tpu.dma_semaphore, #tpu.memory_space<semaphore_mem>>
        %dma_start3A_155 = arith.constant 0 : i32
        %dma_start3A_156 = arith.constant 0 : i32
        %dma_start3A_157 = tpu.memref_slice %arg4[%dma_start3A_155, %dma_start3A_156] : memref<8193x1024xf32, #tpu.memory_space<hbm>> -> memref<8x1024xf32, #tpu.memory_space<hbm>>
        %dma_start3A_158 = arith.constant 0 : i32
        %dma_start3A_159 = arith.constant 0 : i32
        %dma_start3A_160 = tpu.memref_slice %arg4[%dma_start3A_158, %dma_start3A_159] : memref<8193x1024xf32, #tpu.memory_space<hbm>> -> memref<8x1024xf32, #tpu.memory_space<hbm>>
        tpu.enqueue_dma source(%dma_start3A_160 : memref<8x1024xf32, #tpu.memory_space<hbm>>) target(%arg10 : memref<8x1024xf32, #tpu.memory_space<vmem>>) target_semaphore(%run_scoped3A : memref<!tpu.dma_semaphore, #tpu.memory_space<semaphore_mem>>)
        %dma_wait3A_161 = arith.constant 0 : i32
        %dma_wait3A_162 = arith.constant 0 : i32
        %dma_wait3A_163 = tpu.memref_slice %arg4[%dma_wait3A_161, %dma_wait3A_162] : memref<8193x1024xf32, #tpu.memory_space<hbm>> -> memref<8x1024xf32, #tpu.memory_space<hbm>>
        %dma_wait3A_164 = arith.constant 0 : i32
        %dma_wait3A_165 = arith.constant 0 : i32
        %dma_wait3A_166 = tpu.memref_slice %arg4[%dma_wait3A_164, %dma_wait3A_165] : memref<8193x1024xf32, #tpu.memory_space<hbm>> -> memref<8x1024xf32, #tpu.memory_space<hbm>>
        tpu.wait_dma2 semaphore(%run_scoped3A : memref<!tpu.dma_semaphore, #tpu.memory_space<semaphore_mem>>) src(%dma_wait3A_166 : memref<8x1024xf32, #tpu.memory_space<hbm>>) dst(%arg10 : memref<8x1024xf32, #tpu.memory_space<vmem>>)
        tpu.yield
      }) : () -> ()
      "tpu.region"() ({
        %run_scoped3A = tpu.sem_alloc : memref<!tpu.dma_semaphore, #tpu.memory_space<semaphore_mem>>
        tpu.enqueue_dma source(%arg3 : memref<1x1024xf32, #tpu.memory_space<hbm>>) target(%arg12 : memref<1x1024xf32, #tpu.memory_space<vmem>>) target_semaphore(%run_scoped3A : memref<!tpu.dma_semaphore, #tpu.memory_space<semaphore_mem>>)
        tpu.wait_dma2 semaphore(%run_scoped3A : memref<!tpu.dma_semaphore, #tpu.memory_space<semaphore_mem>>) src(%arg3 : memref<1x1024xf32, #tpu.memory_space<hbm>>) dst(%arg12 : memref<1x1024xf32, #tpu.memory_space<vmem>>)
        tpu.yield
      }) : () -> ()
      %parallel_loop3A = arith.constant 0 : i32
      %parallel_loop3A_153 = arith.constant 1024 : i32
      %parallel_loop3A_154 = arith.constant 16 : i32
      scf.for %parallel_loop3A_155 = %parallel_loop3A to %parallel_loop3A_153 step %parallel_loop3A_154  : i32 {
        %parallel_loop3A_156 = arith.constant 0 : i32
        %parallel_loop3A_157 = arith.index_cast %parallel_loop3A_156 : i32 to index
        %parallel_loop3A_158 = arith.index_cast %parallel_loop3A_155 : i32 to index
        %parallel_loop3A_159 = tpu.vector_load %arg12[%parallel_loop3A_157, %parallel_loop3A_158] {strides = array<i32>} : memref<1x1024xf32, #tpu.memory_space<vmem>>, vector<1x16xf32>,
        %parallel_loop3A_160 = vector.shape_cast %parallel_loop3A_159 : vector<1x16xf32> to vector<16xf32>
        %parallel_loop3A_161 = arith.constant 0 : i32
        %parallel_loop3A_162 = arith.index_cast %parallel_loop3A_161 : i32 to index
        %parallel_loop3A_163 = arith.index_cast %parallel_loop3A_155 : i32 to index
        %parallel_loop3A_164 = tpu.vector_load %arg10[%parallel_loop3A_162, %parallel_loop3A_163] {strides = array<i32>} : memref<8x1024xf32, #tpu.memory_space<vmem>>, vector<1x16xf32>,
        %parallel_loop3A_165 = vector.shape_cast %parallel_loop3A_164 : vector<1x16xf32> to vector<16xf32>
        %parallel_loop3A_166 = arith.addf %parallel_loop3A_160, %parallel_loop3A_165 : vector<16xf32>
        %parallel_loop3A_167 = arith.constant 0 : i32
        %parallel_loop3A_168 = arith.constant 0 : i32
        %parallel_loop3A_169 = arith.index_cast %parallel_loop3A_167 : i32 to index
        %parallel_loop3A_170 = arith.index_cast %parallel_loop3A_168 : i32 to index
        %parallel_loop3A_171 = arith.index_cast %parallel_loop3A_155 : i32 to index
        %parallel_loop3A_172 = tpu.vector_load %arg11[%parallel_loop3A_169, %parallel_loop3A_170, %parallel_loop3A_171] {strides = array<i32>} : memref<1x4x1024xf32, #tpu.memory_space<vmem>>, vector<1x1x16xf32>,
        %parallel_loop3A_173 = vector.shape_cast %parallel_loop3A_172 : vector<1x1x16xf32> to vector<16xf32>
        %parallel_loop3A_174 = vector.shape_cast %parallel_loop3A_166 : vector<16xf32> to vector<1x1x16xf32>
        tpu.vector_store %arg11[%parallel_loop3A_169, %parallel_loop3A_170, %parallel_loop3A_171], %parallel_loop3A_174 {strides = array<i32>} : memref<1x4x1024xf32, #tpu.memory_space<vmem>>, vector<1x1x16xf32>,
        %parallel_loop3A_175 = arith.constant 0 : i32
        %parallel_loop3A_176 = arith.constant 1 : i32
        %parallel_loop3A_177 = arith.index_cast %parallel_loop3A_175 : i32 to index
        %parallel_loop3A_178 = arith.index_cast %parallel_loop3A_176 : i32 to index
        %parallel_loop3A_179 = arith.index_cast %parallel_loop3A_155 : i32 to index
        %parallel_loop3A_180 = tpu.vector_load %arg11[%parallel_loop3A_177, %parallel_loop3A_178, %parallel_loop3A_179] {strides = array<i32>} : memref<1x4x1024xf32, #tpu.memory_space<vmem>>, vector<1x1x16xf32>,
        %parallel_loop3A_181 = vector.shape_cast %parallel_loop3A_180 : vector<1x1x16xf32> to vector<16xf32>
        %parallel_loop3A_182 = vector.shape_cast %parallel_loop3A_166 : vector<16xf32> to vector<1x1x16xf32>
        tpu.vector_store %arg11[%parallel_loop3A_177, %parallel_loop3A_178, %parallel_loop3A_179], %parallel_loop3A_182 {strides = array<i32>} : memref<1x4x1024xf32, #tpu.memory_space<vmem>>, vector<1x1x16xf32>,
        %parallel_loop3A_183 = arith.constant 0 : i32
        %parallel_loop3A_184 = arith.constant 2 : i32
        %parallel_loop3A_185 = arith.index_cast %parallel_loop3A_183 : i32 to index
        %parallel_loop3A_186 = arith.index_cast %parallel_loop3A_184 : i32 to index
        %parallel_loop3A_187 = arith.index_cast %parallel_loop3A_155 : i32 to index
        %parallel_loop3A_188 = tpu.vector_load %arg11[%parallel_loop3A_185, %parallel_loop3A_186, %parallel_loop3A_187] {strides = array<i32>} : memref<1x4x1024xf32, #tpu.memory_space<vmem>>, vector<1x1x16xf32>,
        %parallel_loop3A_189 = vector.shape_cast %parallel_loop3A_188 : vector<1x1x16xf32> to vector<16xf32>
        %parallel_loop3A_190 = vector.shape_cast %parallel_loop3A_166 : vector<16xf32> to vector<1x1x16xf32>
        tpu.vector_store %arg11[%parallel_loop3A_185, %parallel_loop3A_186, %parallel_loop3A_187], %parallel_loop3A_190 {strides = array<i32>} : memref<1x4x1024xf32, #tpu.memory_space<vmem>>, vector<1x1x16xf32>,
        %parallel_loop3A_191 = arith.constant 0 : i32
        %parallel_loop3A_192 = arith.constant 3 : i32
        %parallel_loop3A_193 = arith.index_cast %parallel_loop3A_191 : i32 to index
        %parallel_loop3A_194 = arith.index_cast %parallel_loop3A_192 : i32 to index
        %parallel_loop3A_195 = arith.index_cast %parallel_loop3A_155 : i32 to index
        %parallel_loop3A_196 = tpu.vector_load %arg11[%parallel_loop3A_193, %parallel_loop3A_194, %parallel_loop3A_195] {strides = array<i32>} : memref<1x4x1024xf32, #tpu.memory_space<vmem>>, vector<1x1x16xf32>,
        %parallel_loop3A_197 = vector.shape_cast %parallel_loop3A_196 : vector<1x1x16xf32> to vector<16xf32>
        %parallel_loop3A_198 = vector.shape_cast %parallel_loop3A_166 : vector<16xf32> to vector<1x1x16xf32>
        tpu.vector_store %arg11[%parallel_loop3A_193, %parallel_loop3A_194, %parallel_loop3A_195], %parallel_loop3A_198 {strides = array<i32>} : memref<1x4x1024xf32, #tpu.memory_space<vmem>>, vector<1x1x16xf32>,
      } {sc.loop_unroll_factor = 8 : i64, sc.parallel_access}
      "tpu.region"() ({
        %run_scoped3A = tpu.sem_alloc : memref<!tpu.dma_semaphore, #tpu.memory_space<semaphore_mem>>
        %dma_start3A_155 = arith.constant 0 : i32
        %dma_start3A_156 = arith.constant 0 : i32
        %dma_start3A_157 = arith.constant 0 : i32
        %dma_start3A_158 = tpu.memref_slice %arg5[%dma_start3A_155, %dma_start3A_156, %dma_start3A_157] : memref<8193x4x1024xf32, #tpu.memory_space<hbm>> -> memref<1x4x1024xf32, #tpu.memory_space<hbm>>
        %dma_start3A_159 = arith.constant 0 : i32
        %dma_start3A_160 = arith.constant 0 : i32
        %dma_start3A_161 = arith.constant 0 : i32
        %dma_start3A_162 = tpu.memref_slice %arg5[%dma_start3A_159, %dma_start3A_160, %dma_start3A_161] : memref<8193x4x1024xf32, #tpu.memory_space<hbm>> -> memref<1x4x1024xf32, #tpu.memory_space<hbm>>
        tpu.enqueue_dma source(%arg11 : memref<1x4x1024xf32, #tpu.memory_space<vmem>>) target(%dma_start3A_162 : memref<1x4x1024xf32, #tpu.memory_space<hbm>>) target_semaphore(%run_scoped3A : memref<!tpu.dma_semaphore, #tpu.memory_space<semaphore_mem>>)
        %dma_wait3A_163 = arith.constant 0 : i32
        %dma_wait3A_164 = arith.constant 0 : i32
        %dma_wait3A_165 = arith.constant 0 : i32
        %dma_wait3A_166 = tpu.memref_slice %arg5[%dma_wait3A_163, %dma_wait3A_164, %dma_wait3A_165] : memref<8193x4x1024xf32, #tpu.memory_space<hbm>> -> memref<1x4x1024xf32, #tpu.memory_space<hbm>>
        %dma_wait3A_167 = arith.constant 0 : i32
        %dma_wait3A_168 = arith.constant 0 : i32
        %dma_wait3A_169 = arith.constant 0 : i32
        %dma_wait3A_170 = tpu.memref_slice %arg5[%dma_wait3A_167, %dma_wait3A_168, %dma_wait3A_169] : memref<8193x4x1024xf32, #tpu.memory_space<hbm>> -> memref<1x4x1024xf32, #tpu.memory_space<hbm>>
        tpu.wait_dma2 semaphore(%run_scoped3A : memref<!tpu.dma_semaphore, #tpu.memory_space<semaphore_mem>>) src(%arg11 : memref<1x4x1024xf32, #tpu.memory_space<vmem>>) dst(%dma_wait3A_170 : memref<1x4x1024xf32, #tpu.memory_space<hbm>>)
        tpu.yield
      }) : () -> ()
    } else {
    }
    %add3A_5 = arith.constant 0 : i32
    %add3A_6 = arith.addi %mul3A_2, %add3A_5 : i32
    %dma_start3A = arith.constant 0 : i32
    %dma_start3A_7 = arith.constant 0 : i32
    %dma_start3A_8 = arith.constant 0 : i32
    %dma_start3A_9 = arith.constant 0 : i32
    %dma_start3A_10 = tpu.memref_slice %arg6[%dma_start3A_7, %dma_start3A_8, %dma_start3A_9] : memref<4x8x1024xf32, #tpu.memory_space<vmem>> -> memref<1x8x1024xf32, #tpu.memory_space<vmem>>
    %dma_start3A_11 = tpu.memref_squeeze %dma_start3A_10 : memref<1x8x1024xf32, #tpu.memory_space<vmem>> -> memref<8x1024xf32, #tpu.memory_space<vmem>>
    %dma_start3A_12 = arith.constant 0 : i32
    %dma_start3A_13 = tpu.memref_slice %arg2[%dma_start3A, %add3A_6, %dma_start3A_12] : memref<4x8192x1024xf32, #tpu.memory_space<hbm>> -> memref<1x8x1024xf32, #tpu.memory_space<hbm>>
    %dma_start3A_14 = tpu.memref_squeeze %dma_start3A_13 : memref<1x8x1024xf32, #tpu.memory_space<hbm>> -> memref<8x1024xf32, #tpu.memory_space<hbm>>
    %dma_start3A_15 = arith.constant 0 : i32
    %dma_start3A_16 = arith.constant 0 : i32
    %dma_start3A_17 = tpu.memref_slice %arg6[%dma_start3A_7, %dma_start3A_15, %dma_start3A_16] : memref<4x8x1024xf32, #tpu.memory_space<vmem>> -> memref<1x8x1024xf32, #tpu.memory_space<vmem>>
    %dma_start3A_18 = tpu.memref_squeeze %dma_start3A_17 : memref<1x8x1024xf32, #tpu.memory_space<vmem>> -> memref<8x1024xf32, #tpu.memory_space<vmem>>
    %dma_start3A_19 = arith.constant 0 : i32
    %dma_start3A_20 = tpu.memref_slice %arg2[%dma_start3A, %add3A_6, %dma_start3A_19] : memref<4x8192x1024xf32, #tpu.memory_space<hbm>> -> memref<1x8x1024xf32, #tpu.memory_space<hbm>>
    %dma_start3A_21 = tpu.memref_squeeze %dma_start3A_20 : memref<1x8x1024xf32, #tpu.memory_space<hbm>> -> memref<8x1024xf32, #tpu.memory_space<hbm>>
    tpu.enqueue_dma source(%dma_start3A_21 : memref<8x1024xf32, #tpu.memory_space<hbm>>) target(%dma_start3A_18 : memref<8x1024xf32, #tpu.memory_space<vmem>>) target_semaphore(%arg13 : memref<!tpu.dma_semaphore, #tpu.memory_space<semaphore_mem>>)
    %add3A_22 = arith.constant 0 : i32
    %add3A_23 = arith.addi %mul3A_2, %add3A_22 : i32
    %dma_start3A_24 = arith.constant 1 : i32
    %dma_start3A_25 = arith.constant 1 : i32
    %dma_start3A_26 = arith.constant 0 : i32
    %dma_start3A_27 = arith.constant 0 : i32
    %dma_start3A_28 = tpu.memref_slice %arg6[%dma_start3A_25, %dma_start3A_26, %dma_start3A_27] : memref<4x8x1024xf32, #tpu.memory_space<vmem>> -> memref<1x8x1024xf32, #tpu.memory_space<vmem>>
    %dma_start3A_29 = tpu.memref_squeeze %dma_start3A_28 : memref<1x8x1024xf32, #tpu.memory_space<vmem>> -> memref<8x1024xf32, #tpu.memory_space<vmem>>
    %dma_start3A_30 = arith.constant 0 : i32
    %dma_start3A_31 = tpu.memref_slice %arg2[%dma_start3A_24, %add3A_23, %dma_start3A_30] : memref<4x8192x1024xf32, #tpu.memory_space<hbm>> -> memref<1x8x1024xf32, #tpu.memory_space<hbm>>
    %dma_start3A_32 = tpu.memref_squeeze %dma_start3A_31 : memref<1x8x1024xf32, #tpu.memory_space<hbm>> -> memref<8x1024xf32, #tpu.memory_space<hbm>>
    %dma_start3A_33 = arith.constant 0 : i32
    %dma_start3A_34 = arith.constant 0 : i32
    %dma_start3A_35 = tpu.memref_slice %arg6[%dma_start3A_25, %dma_start3A_33, %dma_start3A_34] : memref<4x8x1024xf32, #tpu.memory_space<vmem>> -> memref<1x8x1024xf32, #tpu.memory_space<vmem>>
    %dma_start3A_36 = tpu.memref_squeeze %dma_start3A_35 : memref<1x8x1024xf32, #tpu.memory_space<vmem>> -> memref<8x1024xf32, #tpu.memory_space<vmem>>
    %dma_start3A_37 = arith.constant 0 : i32
    %dma_start3A_38 = tpu.memref_slice %arg2[%dma_start3A_24, %add3A_23, %dma_start3A_37] : memref<4x8192x1024xf32, #tpu.memory_space<hbm>> -> memref<1x8x1024xf32, #tpu.memory_space<hbm>>
    %dma_start3A_39 = tpu.memref_squeeze %dma_start3A_38 : memref<1x8x1024xf32, #tpu.memory_space<hbm>> -> memref<8x1024xf32, #tpu.memory_space<hbm>>
    tpu.enqueue_dma source(%dma_start3A_39 : memref<8x1024xf32, #tpu.memory_space<hbm>>) target(%dma_start3A_36 : memref<8x1024xf32, #tpu.memory_space<vmem>>) target_semaphore(%arg13 : memref<!tpu.dma_semaphore, #tpu.memory_space<semaphore_mem>>)
    %add3A_40 = arith.constant 0 : i32
    %add3A_41 = arith.addi %mul3A_2, %add3A_40 : i32
    %dma_start3A_42 = arith.constant 2 : i32
    %dma_start3A_43 = arith.constant 2 : i32
    %dma_start3A_44 = arith.constant 0 : i32
    %dma_start3A_45 = arith.constant 0 : i32
    %dma_start3A_46 = tpu.memref_slice %arg6[%dma_start3A_43, %dma_start3A_44, %dma_start3A_45] : memref<4x8x1024xf32, #tpu.memory_space<vmem>> -> memref<1x8x1024xf32, #tpu.memory_space<vmem>>
    %dma_start3A_47 = tpu.memref_squeeze %dma_start3A_46 : memref<1x8x1024xf32, #tpu.memory_space<vmem>> -> memref<8x1024xf32, #tpu.memory_space<vmem>>
    %dma_start3A_48 = arith.constant 0 : i32
    %dma_start3A_49 = tpu.memref_slice %arg2[%dma_start3A_42, %add3A_41, %dma_start3A_48] : memref<4x8192x1024xf32, #tpu.memory_space<hbm>> -> memref<1x8x1024xf32, #tpu.memory_space<hbm>>
    %dma_start3A_50 = tpu.memref_squeeze %dma_start3A_49 : memref<1x8x1024xf32, #tpu.memory_space<hbm>> -> memref<8x1024xf32, #tpu.memory_space<hbm>>
    %dma_start3A_51 = arith.constant 0 : i32
    %dma_start3A_52 = arith.constant 0 : i32
    %dma_start3A_53 = tpu.memref_slice %arg6[%dma_start3A_43, %dma_start3A_51, %dma_start3A_52] : memref<4x8x1024xf32, #tpu.memory_space<vmem>> -> memref<1x8x1024xf32, #tpu.memory_space<vmem>>
    %dma_start3A_54 = tpu.memref_squeeze %dma_start3A_53 : memref<1x8x1024xf32, #tpu.memory_space<vmem>> -> memref<8x1024xf32, #tpu.memory_space<vmem>>
    %dma_start3A_55 = arith.constant 0 : i32
    %dma_start3A_56 = tpu.memref_slice %arg2[%dma_start3A_42, %add3A_41, %dma_start3A_55] : memref<4x8192x1024xf32, #tpu.memory_space<hbm>> -> memref<1x8x1024xf32, #tpu.memory_space<hbm>>
    %dma_start3A_57 = tpu.memref_squeeze %dma_start3A_56 : memref<1x8x1024xf32, #tpu.memory_space<hbm>> -> memref<8x1024xf32, #tpu.memory_space<hbm>>
    tpu.enqueue_dma source(%dma_start3A_57 : memref<8x1024xf32, #tpu.memory_space<hbm>>) target(%dma_start3A_54 : memref<8x1024xf32, #tpu.memory_space<vmem>>) target_semaphore(%arg13 : memref<!tpu.dma_semaphore, #tpu.memory_space<semaphore_mem>>)
    %add3A_58 = arith.constant 0 : i32
    %add3A_59 = arith.addi %mul3A_2, %add3A_58 : i32
    %dma_start3A_60 = arith.constant 3 : i32
    %dma_start3A_61 = arith.constant 3 : i32
    %dma_start3A_62 = arith.constant 0 : i32
    %dma_start3A_63 = arith.constant 0 : i32
    %dma_start3A_64 = tpu.memref_slice %arg6[%dma_start3A_61, %dma_start3A_62, %dma_start3A_63] : memref<4x8x1024xf32, #tpu.memory_space<vmem>> -> memref<1x8x1024xf32, #tpu.memory_space<vmem>>
    %dma_start3A_65 = tpu.memref_squeeze %dma_start3A_64 : memref<1x8x1024xf32, #tpu.memory_space<vmem>> -> memref<8x1024xf32, #tpu.memory_space<vmem>>
    %dma_start3A_66 = arith.constant 0 : i32
    %dma_start3A_67 = tpu.memref_slice %arg2[%dma_start3A_60, %add3A_59, %dma_start3A_66] : memref<4x8192x1024xf32, #tpu.memory_space<hbm>> -> memref<1x8x1024xf32, #tpu.memory_space<hbm>>
    %dma_start3A_68 = tpu.memref_squeeze %dma_start3A_67 : memref<1x8x1024xf32, #tpu.memory_space<hbm>> -> memref<8x1024xf32, #tpu.memory_space<hbm>>
    %dma_start3A_69 = arith.constant 0 : i32
    %dma_start3A_70 = arith.constant 0 : i32
    %dma_start3A_71 = tpu.memref_slice %arg6[%dma_start3A_61, %dma_start3A_69, %dma_start3A_70] : memref<4x8x1024xf32, #tpu.memory_space<vmem>> -> memref<1x8x1024xf32, #tpu.memory_space<vmem>>
    %dma_start3A_72 = tpu.memref_squeeze %dma_start3A_71 : memref<1x8x1024xf32, #tpu.memory_space<vmem>> -> memref<8x1024xf32, #tpu.memory_space<vmem>>
    %dma_start3A_73 = arith.constant 0 : i32
    %dma_start3A_74 = tpu.memref_slice %arg2[%dma_start3A_60, %add3A_59, %dma_start3A_73] : memref<4x8192x1024xf32, #tpu.memory_space<hbm>> -> memref<1x8x1024xf32, #tpu.memory_space<hbm>>
    %dma_start3A_75 = tpu.memref_squeeze %dma_start3A_74 : memref<1x8x1024xf32, #tpu.memory_space<hbm>> -> memref<8x1024xf32, #tpu.memory_space<hbm>>
    tpu.enqueue_dma source(%dma_start3A_75 : memref<8x1024xf32, #tpu.memory_space<hbm>>) target(%dma_start3A_72 : memref<8x1024xf32, #tpu.memory_space<vmem>>) target_semaphore(%arg13 : memref<!tpu.dma_semaphore, #tpu.memory_space<semaphore_mem>>)
    %add3A_76 = arith.constant 0 : i32
    %add3A_77 = arith.addi %mul3A_2, %add3A_76 : i32
    %dma_start3A_78 = arith.constant 0 : i32
    %dma_start3A_79 = arith.constant 0 : i32
    %dma_start3A_80 = arith.constant 0 : i32
    %dma_start3A_81 = tpu.memref_slice %arg9[%dma_start3A_78, %dma_start3A_79, %dma_start3A_80] : memref<2x8x1024xf32, #tpu.memory_space<vmem>> -> memref<1x8x1024xf32, #tpu.memory_space<vmem>>
    %dma_start3A_82 = tpu.memref_squeeze %dma_start3A_81 : memref<1x8x1024xf32, #tpu.memory_space<vmem>> -> memref<8x1024xf32, #tpu.memory_space<vmem>>
    %dma_start3A_83 = arith.constant 0 : i32
    %dma_start3A_84 = tpu.memref_slice %arg4[%add3A_77, %dma_start3A_83] : memref<8193x1024xf32, #tpu.memory_space<hbm>> -> memref<8x1024xf32, #tpu.memory_space<hbm>>
    %dma_start3A_85 = arith.constant 0 : i32
    %dma_start3A_86 = arith.constant 0 : i32
    %dma_start3A_87 = tpu.memref_slice %arg9[%dma_start3A_78, %dma_start3A_85, %dma_start3A_86] : memref<2x8x1024xf32, #tpu.memory_space<vmem>> -> memref<1x8x1024xf32, #tpu.memory_space<vmem>>
    %dma_start3A_88 = tpu.memref_squeeze %dma_start3A_87 : memref<1x8x1024xf32, #tpu.memory_space<vmem>> -> memref<8x1024xf32, #tpu.memory_space<vmem>>
    %dma_start3A_89 = arith.constant 0 : i32
    %dma_start3A_90 = tpu.memref_slice %arg4[%add3A_77, %dma_start3A_89] : memref<8193x1024xf32, #tpu.memory_space<hbm>> -> memref<8x1024xf32, #tpu.memory_space<hbm>>
    tpu.enqueue_dma source(%dma_start3A_90 : memref<8x1024xf32, #tpu.memory_space<hbm>>) target(%dma_start3A_88 : memref<8x1024xf32, #tpu.memory_space<vmem>>) target_semaphore(%arg15 : memref<!tpu.dma_semaphore, #tpu.memory_space<semaphore_mem>>)
    %add3A_91 = arith.constant 8 : i32
    %add3A_92 = arith.addi %mul3A_2, %add3A_91 : i32
    %dma_start3A_93 = arith.constant 1 : i32
    %dma_start3A_94 = arith.constant 0 : i32
    %dma_start3A_95 = arith.constant 0 : i32
    %dma_start3A_96 = tpu.memref_slice %arg9[%dma_start3A_93, %dma_start3A_94, %dma_start3A_95] : memref<2x8x1024xf32, #tpu.memory_space<vmem>> -> memref<1x8x1024xf32, #tpu.memory_space<vmem>>
    %dma_start3A_97 = tpu.memref_squeeze %dma_start3A_96 : memref<1x8x1024xf32, #tpu.memory_space<vmem>> -> memref<8x1024xf32, #tpu.memory_space<vmem>>
    %dma_start3A_98 = arith.constant 0 : i32
    %dma_start3A_99 = tpu.memref_slice %arg4[%add3A_92, %dma_start3A_98] : memref<8193x1024xf32, #tpu.memory_space<hbm>> -> memref<8x1024xf32, #tpu.memory_space<hbm>>
    %dma_start3A_100 = arith.constant 0 : i32
    %dma_start3A_101 = arith.constant 0 : i32
    %dma_start3A_102 = tpu.memref_slice %arg9[%dma_start3A_93, %dma_start3A_100, %dma_start3A_101] : memref<2x8x1024xf32, #tpu.memory_space<vmem>> -> memref<1x8x1024xf32, #tpu.memory_space<vmem>>
    %dma_start3A_103 = tpu.memref_squeeze %dma_start3A_102 : memref<1x8x1024xf32, #tpu.memory_space<vmem>> -> memref<8x1024xf32, #tpu.memory_space<vmem>>
    %dma_start3A_104 = arith.constant 0 : i32
    %dma_start3A_105 = tpu.memref_slice %arg4[%add3A_92, %dma_start3A_104] : memref<8193x1024xf32, #tpu.memory_space<hbm>> -> memref<8x1024xf32, #tpu.memory_space<hbm>>
    tpu.enqueue_dma source(%dma_start3A_105 : memref<8x1024xf32, #tpu.memory_space<hbm>>) target(%dma_start3A_103 : memref<8x1024xf32, #tpu.memory_space<vmem>>) target_semaphore(%arg16 : memref<!tpu.dma_semaphore, #tpu.memory_space<semaphore_mem>>)
    %add3A_106 = arith.constant 0 : i32
    %add3A_107 = arith.addi %mul3A_2, %add3A_106 : i32
    %dma_wait3A = arith.constant 0 : i32
    %dma_wait3A_108 = arith.constant 0 : i32
    %dma_wait3A_109 = arith.constant 0 : i32
    %dma_wait3A_110 = tpu.memref_slice %arg9[%dma_wait3A, %dma_wait3A_108, %dma_wait3A_109] : memref<2x8x1024xf32, #tpu.memory_space<vmem>> -> memref<1x8x1024xf32, #tpu.memory_space<vmem>>
    %dma_wait3A_111 = tpu.memref_squeeze %dma_wait3A_110 : memref<1x8x1024xf32, #tpu.memory_space<vmem>> -> memref<8x1024xf32, #tpu.memory_space<vmem>>
    %dma_wait3A_112 = arith.constant 0 : i32
    %dma_wait3A_113 = tpu.memref_slice %arg4[%add3A_107, %dma_wait3A_112] : memref<8193x1024xf32, #tpu.memory_space<hbm>> -> memref<8x1024xf32, #tpu.memory_space<hbm>>
    %dma_wait3A_114 = arith.constant 0 : i32
    %dma_wait3A_115 = arith.constant 0 : i32
    %dma_wait3A_116 = tpu.memref_slice %arg9[%dma_wait3A, %dma_wait3A_114, %dma_wait3A_115] : memref<2x8x1024xf32, #tpu.memory_space<vmem>> -> memref<1x8x1024xf32, #tpu.memory_space<vmem>>
    %dma_wait3A_117 = tpu.memref_squeeze %dma_wait3A_116 : memref<1x8x1024xf32, #tpu.memory_space<vmem>> -> memref<8x1024xf32, #tpu.memory_space<vmem>>
    %dma_wait3A_118 = arith.constant 0 : i32
    %dma_wait3A_119 = tpu.memref_slice %arg4[%add3A_107, %dma_wait3A_118] : memref<8193x1024xf32, #tpu.memory_space<hbm>> -> memref<8x1024xf32, #tpu.memory_space<hbm>>
    tpu.wait_dma2 semaphore(%arg15 : memref<!tpu.dma_semaphore, #tpu.memory_space<semaphore_mem>>) src(%dma_wait3A_119 : memref<8x1024xf32, #tpu.memory_space<hbm>>) dst(%dma_wait3A_117 : memref<8x1024xf32, #tpu.memory_space<vmem>>)
    %scan3A = arith.constant 0 : i32
    %scan3A_120 = arith.constant 0 : i32
    %scan3A_121 = arith.constant 16 : i32
    %scan3A_122 = arith.addi %scan3A_120, %scan3A_121 : i32
    %scan3A_123 = arith.constant 1 : i32
    scf.for %scan3A_153 = %scan3A_120 to %scan3A_122 step %scan3A_123  : i32 {
      %mul3A_154 = arith.constant 2 : i32
      %mul3A_155 = arith.muli %mul3A_154, %scan3A_153 : i32
      %add3A_156 = arith.constant 0 : i32
      %add3A_157 = arith.addi %mul3A_155, %add3A_156 : i32
      %mul3A_158 = arith.constant 8 : i32
      %mul3A_159 = arith.muli %add3A_157, %mul3A_158 : i32
      %add3A_160 = arith.addi %mul3A_2, %mul3A_159 : i32
      %mul3A_161 = arith.constant 8 : i32
      %mul3A_162 = arith.muli %add3A_157, %mul3A_161 : i32
      %add3A_163 = arith.addi %mul3A_2, %mul3A_162 : i32
      %dma_wait3A_164 = arith.constant 0 : i32
      %dma_wait3A_165 = arith.constant 0 : i32
      %dma_wait3A_166 = arith.constant 0 : i32
      %dma_wait3A_167 = arith.constant 0 : i32
      %dma_wait3A_168 = tpu.memref_slice %arg6[%dma_wait3A_165, %dma_wait3A_166, %dma_wait3A_167] : memref<4x8x1024xf32, #tpu.memory_space<vmem>> -> memref<1x8x1024xf32, #tpu.memory_space<vmem>>
      %dma_wait3A_169 = tpu.memref_squeeze %dma_wait3A_168 : memref<1x8x1024xf32, #tpu.memory_space<vmem>> -> memref<8x1024xf32, #tpu.memory_space<vmem>>
      %dma_wait3A_170 = arith.constant 0 : i32
      %dma_wait3A_171 = tpu.memref_slice %arg2[%dma_wait3A_164, %add3A_163, %dma_wait3A_170] : memref<4x8192x1024xf32, #tpu.memory_space<hbm>> -> memref<1x8x1024xf32, #tpu.memory_space<hbm>>
      %dma_wait3A_172 = tpu.memref_squeeze %dma_wait3A_171 : memref<1x8x1024xf32, #tpu.memory_space<hbm>> -> memref<8x1024xf32, #tpu.memory_space<hbm>>
      %dma_wait3A_173 = arith.constant 0 : i32
      %dma_wait3A_174 = arith.constant 0 : i32
      %dma_wait3A_175 = tpu.memref_slice %arg6[%dma_wait3A_165, %dma_wait3A_173, %dma_wait3A_174] : memref<4x8x1024xf32, #tpu.memory_space<vmem>> -> memref<1x8x1024xf32, #tpu.memory_space<vmem>>
      %dma_wait3A_176 = tpu.memref_squeeze %dma_wait3A_175 : memref<1x8x1024xf32, #tpu.memory_space<vmem>> -> memref<8x1024xf32, #tpu.memory_space<vmem>>
      %dma_wait3A_177 = arith.constant 0 : i32
      %dma_wait3A_178 = tpu.memref_slice %arg2[%dma_wait3A_164, %add3A_163, %dma_wait3A_177] : memref<4x8192x1024xf32, #tpu.memory_space<hbm>> -> memref<1x8x1024xf32, #tpu.memory_space<hbm>>
      %dma_wait3A_179 = tpu.memref_squeeze %dma_wait3A_178 : memref<1x8x1024xf32, #tpu.memory_space<hbm>> -> memref<8x1024xf32, #tpu.memory_space<hbm>>
      tpu.wait_dma2 semaphore(%arg13 : memref<!tpu.dma_semaphore, #tpu.memory_space<semaphore_mem>>) src(%dma_wait3A_179 : memref<8x1024xf32, #tpu.memory_space<hbm>>) dst(%dma_wait3A_176 : memref<8x1024xf32, #tpu.memory_space<vmem>>)
      %mul3A_180 = arith.constant 8 : i32
      %mul3A_181 = arith.muli %add3A_157, %mul3A_180 : i32
      %add3A_182 = arith.addi %mul3A_2, %mul3A_181 : i32
      %dma_wait3A_183 = arith.constant 1 : i32
      %dma_wait3A_184 = arith.constant 1 : i32
      %dma_wait3A_185 = arith.constant 0 : i32
      %dma_wait3A_186 = arith.constant 0 : i32
      %dma_wait3A_187 = tpu.memref_slice %arg6[%dma_wait3A_184, %dma_wait3A_185, %dma_wait3A_186] : memref<4x8x1024xf32, #tpu.memory_space<vmem>> -> memref<1x8x1024xf32, #tpu.memory_space<vmem>>
      %dma_wait3A_188 = tpu.memref_squeeze %dma_wait3A_187 : memref<1x8x1024xf32, #tpu.memory_space<vmem>> -> memref<8x1024xf32, #tpu.memory_space<vmem>>
      %dma_wait3A_189 = arith.constant 0 : i32
      %dma_wait3A_190 = tpu.memref_slice %arg2[%dma_wait3A_183, %add3A_182, %dma_wait3A_189] : memref<4x8192x1024xf32, #tpu.memory_space<hbm>> -> memref<1x8x1024xf32, #tpu.memory_space<hbm>>
      %dma_wait3A_191 = tpu.memref_squeeze %dma_wait3A_190 : memref<1x8x1024xf32, #tpu.memory_space<hbm>> -> memref<8x1024xf32, #tpu.memory_space<hbm>>
      %dma_wait3A_192 = arith.constant 0 : i32
      %dma_wait3A_193 = arith.constant 0 : i32
      %dma_wait3A_194 = tpu.memref_slice %arg6[%dma_wait3A_184, %dma_wait3A_192, %dma_wait3A_193] : memref<4x8x1024xf32, #tpu.memory_space<vmem>> -> memref<1x8x1024xf32, #tpu.memory_space<vmem>>
      %dma_wait3A_195 = tpu.memref_squeeze %dma_wait3A_194 : memref<1x8x1024xf32, #tpu.memory_space<vmem>> -> memref<8x1024xf32, #tpu.memory_space<vmem>>
      %dma_wait3A_196 = arith.constant 0 : i32
      %dma_wait3A_197 = tpu.memref_slice %arg2[%dma_wait3A_183, %add3A_182, %dma_wait3A_196] : memref<4x8192x1024xf32, #tpu.memory_space<hbm>> -> memref<1x8x1024xf32, #tpu.memory_space<hbm>>
      %dma_wait3A_198 = tpu.memref_squeeze %dma_wait3A_197 : memref<1x8x1024xf32, #tpu.memory_space<hbm>> -> memref<8x1024xf32, #tpu.memory_space<hbm>>
      tpu.wait_dma2 semaphore(%arg13 : memref<!tpu.dma_semaphore, #tpu.memory_space<semaphore_mem>>) src(%dma_wait3A_198 : memref<8x1024xf32, #tpu.memory_space<hbm>>) dst(%dma_wait3A_195 : memref<8x1024xf32, #tpu.memory_space<vmem>>)
      %mul3A_199 = arith.constant 8 : i32
      %mul3A_200 = arith.muli %add3A_157, %mul3A_199 : i32
      %add3A_201 = arith.addi %mul3A_2, %mul3A_200 : i32
      %dma_wait3A_202 = arith.constant 2 : i32
      %dma_wait3A_203 = arith.constant 2 : i32
      %dma_wait3A_204 = arith.constant 0 : i32
      %dma_wait3A_205 = arith.constant 0 : i32
      %dma_wait3A_206 = tpu.memref_slice %arg6[%dma_wait3A_203, %dma_wait3A_204, %dma_wait3A_205] : memref<4x8x1024xf32, #tpu.memory_space<vmem>> -> memref<1x8x1024xf32, #tpu.memory_space<vmem>>
      %dma_wait3A_207 = tpu.memref_squeeze %dma_wait3A_206 : memref<1x8x1024xf32, #tpu.memory_space<vmem>> -> memref<8x1024xf32, #tpu.memory_space<vmem>>
      %dma_wait3A_208 = arith.constant 0 : i32
      %dma_wait3A_209 = tpu.memref_slice %arg2[%dma_wait3A_202, %add3A_201, %dma_wait3A_208] : memref<4x8192x1024xf32, #tpu.memory_space<hbm>> -> memref<1x8x1024xf32, #tpu.memory_space<hbm>>
      %dma_wait3A_210 = tpu.memref_squeeze %dma_wait3A_209 : memref<1x8x1024xf32, #tpu.memory_space<hbm>> -> memref<8x1024xf32, #tpu.memory_space<hbm>>
      %dma_wait3A_211 = arith.constant 0 : i32
      %dma_wait3A_212 = arith.constant 0 : i32
      %dma_wait3A_213 = tpu.memref_slice %arg6[%dma_wait3A_203, %dma_wait3A_211, %dma_wait3A_212] : memref<4x8x1024xf32, #tpu.memory_space<vmem>> -> memref<1x8x1024xf32, #tpu.memory_space<vmem>>
      %dma_wait3A_214 = tpu.memref_squeeze %dma_wait3A_213 : memref<1x8x1024xf32, #tpu.memory_space<vmem>> -> memref<8x1024xf32, #tpu.memory_space<vmem>>
      %dma_wait3A_215 = arith.constant 0 : i32
      %dma_wait3A_216 = tpu.memref_slice %arg2[%dma_wait3A_202, %add3A_201, %dma_wait3A_215] : memref<4x8192x1024xf32, #tpu.memory_space<hbm>> -> memref<1x8x1024xf32, #tpu.memory_space<hbm>>
      %dma_wait3A_217 = tpu.memref_squeeze %dma_wait3A_216 : memref<1x8x1024xf32, #tpu.memory_space<hbm>> -> memref<8x1024xf32, #tpu.memory_space<hbm>>
      tpu.wait_dma2 semaphore(%arg13 : memref<!tpu.dma_semaphore, #tpu.memory_space<semaphore_mem>>) src(%dma_wait3A_217 : memref<8x1024xf32, #tpu.memory_space<hbm>>) dst(%dma_wait3A_214 : memref<8x1024xf32, #tpu.memory_space<vmem>>)
      %mul3A_218 = arith.constant 8 : i32
      %mul3A_219 = arith.muli %add3A_157, %mul3A_218 : i32
      %add3A_220 = arith.addi %mul3A_2, %mul3A_219 : i32
      %dma_wait3A_221 = arith.constant 3 : i32
      %dma_wait3A_222 = arith.constant 3 : i32
      %dma_wait3A_223 = arith.constant 0 : i32
      %dma_wait3A_224 = arith.constant 0 : i32
      %dma_wait3A_225 = tpu.memref_slice %arg6[%dma_wait3A_222, %dma_wait3A_223, %dma_wait3A_224] : memref<4x8x1024xf32, #tpu.memory_space<vmem>> -> memref<1x8x1024xf32, #tpu.memory_space<vmem>>
      %dma_wait3A_226 = tpu.memref_squeeze %dma_wait3A_225 : memref<1x8x1024xf32, #tpu.memory_space<vmem>> -> memref<8x1024xf32, #tpu.memory_space<vmem>>
      %dma_wait3A_227 = arith.constant 0 : i32
      %dma_wait3A_228 = tpu.memref_slice %arg2[%dma_wait3A_221, %add3A_220, %dma_wait3A_227] : memref<4x8192x1024xf32, #tpu.memory_space<hbm>> -> memref<1x8x1024xf32, #tpu.memory_space<hbm>>
      %dma_wait3A_229 = tpu.memref_squeeze %dma_wait3A_228 : memref<1x8x1024xf32, #tpu.memory_space<hbm>> -> memref<8x1024xf32, #tpu.memory_space<hbm>>
      %dma_wait3A_230 = arith.constant 0 : i32
      %dma_wait3A_231 = arith.constant 0 : i32
      %dma_wait3A_232 = tpu.memref_slice %arg6[%dma_wait3A_222, %dma_wait3A_230, %dma_wait3A_231] : memref<4x8x1024xf32, #tpu.memory_space<vmem>> -> memref<1x8x1024xf32, #tpu.memory_space<vmem>>
      %dma_wait3A_233 = tpu.memref_squeeze %dma_wait3A_232 : memref<1x8x1024xf32, #tpu.memory_space<vmem>> -> memref<8x1024xf32, #tpu.memory_space<vmem>>
      %dma_wait3A_234 = arith.constant 0 : i32
      %dma_wait3A_235 = tpu.memref_slice %arg2[%dma_wait3A_221, %add3A_220, %dma_wait3A_234] : memref<4x8192x1024xf32, #tpu.memory_space<hbm>> -> memref<1x8x1024xf32, #tpu.memory_space<hbm>>
      %dma_wait3A_236 = tpu.memref_squeeze %dma_wait3A_235 : memref<1x8x1024xf32, #tpu.memory_space<hbm>> -> memref<8x1024xf32, #tpu.memory_space<hbm>>
      tpu.wait_dma2 semaphore(%arg13 : memref<!tpu.dma_semaphore, #tpu.memory_space<semaphore_mem>>) src(%dma_wait3A_236 : memref<8x1024xf32, #tpu.memory_space<hbm>>) dst(%dma_wait3A_233 : memref<8x1024xf32, #tpu.memory_space<vmem>>)
      %add3A_237 = arith.constant 1 : i32
      %add3A_238 = arith.addi %add3A_157, %add3A_237 : i32
      %mul3A_239 = arith.constant 8 : i32
      %mul3A_240 = arith.muli %add3A_238, %mul3A_239 : i32
      %add3A_241 = arith.addi %mul3A_2, %mul3A_240 : i32
      %dma_start3A_242 = arith.constant 0 : i32
      %dma_start3A_243 = arith.constant 0 : i32
      %dma_start3A_244 = arith.constant 0 : i32
      %dma_start3A_245 = arith.constant 0 : i32
      %dma_start3A_246 = tpu.memref_slice %arg7[%dma_start3A_243, %dma_start3A_244, %dma_start3A_245] : memref<4x8x1024xf32, #tpu.memory_space<vmem>> -> memref<1x8x1024xf32, #tpu.memory_space<vmem>>
      %dma_start3A_247 = tpu.memref_squeeze %dma_start3A_246 : memref<1x8x1024xf32, #tpu.memory_space<vmem>> -> memref<8x1024xf32, #tpu.memory_space<vmem>>
      %dma_start3A_248 = arith.constant 0 : i32
      %dma_start3A_249 = tpu.memref_slice %arg2[%dma_start3A_242, %add3A_241, %dma_start3A_248] : memref<4x8192x1024xf32, #tpu.memory_space<hbm>> -> memref<1x8x1024xf32, #tpu.memory_space<hbm>>
      %dma_start3A_250 = tpu.memref_squeeze %dma_start3A_249 : memref<1x8x1024xf32, #tpu.memory_space<hbm>> -> memref<8x1024xf32, #tpu.memory_space<hbm>>
      %dma_start3A_251 = arith.constant 0 : i32
      %dma_start3A_252 = arith.constant 0 : i32
      %dma_start3A_253 = tpu.memref_slice %arg7[%dma_start3A_243, %dma_start3A_251, %dma_start3A_252] : memref<4x8x1024xf32, #tpu.memory_space<vmem>> -> memref<1x8x1024xf32, #tpu.memory_space<vmem>>
      %dma_start3A_254 = tpu.memref_squeeze %dma_start3A_253 : memref<1x8x1024xf32, #tpu.memory_space<vmem>> -> memref<8x1024xf32, #tpu.memory_space<vmem>>
      %dma_start3A_255 = arith.constant 0 : i32
      %dma_start3A_256 = tpu.memref_slice %arg2[%dma_start3A_242, %add3A_241, %dma_start3A_255] : memref<4x8192x1024xf32, #tpu.memory_space<hbm>> -> memref<1x8x1024xf32, #tpu.memory_space<hbm>>
      %dma_start3A_257 = tpu.memref_squeeze %dma_start3A_256 : memref<1x8x1024xf32, #tpu.memory_space<hbm>> -> memref<8x1024xf32, #tpu.memory_space<hbm>>
      tpu.enqueue_dma source(%dma_start3A_257 : memref<8x1024xf32, #tpu.memory_space<hbm>>) target(%dma_start3A_254 : memref<8x1024xf32, #tpu.memory_space<vmem>>) target_semaphore(%arg14 : memref<!tpu.dma_semaphore, #tpu.memory_space<semaphore_mem>>)
      %add3A_258 = arith.constant 1 : i32
      %add3A_259 = arith.addi %add3A_157, %add3A_258 : i32
      %mul3A_260 = arith.constant 8 : i32
      %mul3A_261 = arith.muli %add3A_259, %mul3A_260 : i32
      %add3A_262 = arith.addi %mul3A_2, %mul3A_261 : i32
      %dma_start3A_263 = arith.constant 1 : i32
      %dma_start3A_264 = arith.constant 1 : i32
      %dma_start3A_265 = arith.constant 0 : i32
      %dma_start3A_266 = arith.constant 0 : i32
      %dma_start3A_267 = tpu.memref_slice %arg7[%dma_start3A_264, %dma_start3A_265, %dma_start3A_266] : memref<4x8x1024xf32, #tpu.memory_space<vmem>> -> memref<1x8x1024xf32, #tpu.memory_space<vmem>>
      %dma_start3A_268 = tpu.memref_squeeze %dma_start3A_267 : memref<1x8x1024xf32, #tpu.memory_space<vmem>> -> memref<8x1024xf32, #tpu.memory_space<vmem>>
      %dma_start3A_269 = arith.constant 0 : i32
      %dma_start3A_270 = tpu.memref_slice %arg2[%dma_start3A_263, %add3A_262, %dma_start3A_269] : memref<4x8192x1024xf32, #tpu.memory_space<hbm>> -> memref<1x8x1024xf32, #tpu.memory_space<hbm>>
      %dma_start3A_271 = tpu.memref_squeeze %dma_start3A_270 : memref<1x8x1024xf32, #tpu.memory_space<hbm>> -> memref<8x1024xf32, #tpu.memory_space<hbm>>
      %dma_start3A_272 = arith.constant 0 : i32
      %dma_start3A_273 = arith.constant 0 : i32
      %dma_start3A_274 = tpu.memref_slice %arg7[%dma_start3A_264, %dma_start3A_272, %dma_start3A_273] : memref<4x8x1024xf32, #tpu.memory_space<vmem>> -> memref<1x8x1024xf32, #tpu.memory_space<vmem>>
      %dma_start3A_275 = tpu.memref_squeeze %dma_start3A_274 : memref<1x8x1024xf32, #tpu.memory_space<vmem>> -> memref<8x1024xf32, #tpu.memory_space<vmem>>
      %dma_start3A_276 = arith.constant 0 : i32
      %dma_start3A_277 = tpu.memref_slice %arg2[%dma_start3A_263, %add3A_262, %dma_start3A_276] : memref<4x8192x1024xf32, #tpu.memory_space<hbm>> -> memref<1x8x1024xf32, #tpu.memory_space<hbm>>
      %dma_start3A_278 = tpu.memref_squeeze %dma_start3A_277 : memref<1x8x1024xf32, #tpu.memory_space<hbm>> -> memref<8x1024xf32, #tpu.memory_space<hbm>>
      tpu.enqueue_dma source(%dma_start3A_278 : memref<8x1024xf32, #tpu.memory_space<hbm>>) target(%dma_start3A_275 : memref<8x1024xf32, #tpu.memory_space<vmem>>) target_semaphore(%arg14 : memref<!tpu.dma_semaphore, #tpu.memory_space<semaphore_mem>>)
      %add3A_279 = arith.constant 1 : i32
      %add3A_280 = arith.addi %add3A_157, %add3A_279 : i32
      %mul3A_281 = arith.constant 8 : i32
      %mul3A_282 = arith.muli %add3A_280, %mul3A_281 : i32
      %add3A_283 = arith.addi %mul3A_2, %mul3A_282 : i32
      %dma_start3A_284 = arith.constant 2 : i32
      %dma_start3A_285 = arith.constant 2 : i32
      %dma_start3A_286 = arith.constant 0 : i32
      %dma_start3A_287 = arith.constant 0 : i32
      %dma_start3A_288 = tpu.memref_slice %arg7[%dma_start3A_285, %dma_start3A_286, %dma_start3A_287] : memref<4x8x1024xf32, #tpu.memory_space<vmem>> -> memref<1x8x1024xf32, #tpu.memory_space<vmem>>
      %dma_start3A_289 = tpu.memref_squeeze %dma_start3A_288 : memref<1x8x1024xf32, #tpu.memory_space<vmem>> -> memref<8x1024xf32, #tpu.memory_space<vmem>>
      %dma_start3A_290 = arith.constant 0 : i32
      %dma_start3A_291 = tpu.memref_slice %arg2[%dma_start3A_284, %add3A_283, %dma_start3A_290] : memref<4x8192x1024xf32, #tpu.memory_space<hbm>> -> memref<1x8x1024xf32, #tpu.memory_space<hbm>>
      %dma_start3A_292 = tpu.memref_squeeze %dma_start3A_291 : memref<1x8x1024xf32, #tpu.memory_space<hbm>> -> memref<8x1024xf32, #tpu.memory_space<hbm>>
      %dma_start3A_293 = arith.constant 0 : i32
      %dma_start3A_294 = arith.constant 0 : i32
      %dma_start3A_295 = tpu.memref_slice %arg7[%dma_start3A_285, %dma_start3A_293, %dma_start3A_294] : memref<4x8x1024xf32, #tpu.memory_space<vmem>> -> memref<1x8x1024xf32, #tpu.memory_space<vmem>>
      %dma_start3A_296 = tpu.memref_squeeze %dma_start3A_295 : memref<1x8x1024xf32, #tpu.memory_space<vmem>> -> memref<8x1024xf32, #tpu.memory_space<vmem>>
      %dma_start3A_297 = arith.constant 0 : i32
      %dma_start3A_298 = tpu.memref_slice %arg2[%dma_start3A_284, %add3A_283, %dma_start3A_297] : memref<4x8192x1024xf32, #tpu.memory_space<hbm>> -> memref<1x8x1024xf32, #tpu.memory_space<hbm>>
      %dma_start3A_299 = tpu.memref_squeeze %dma_start3A_298 : memref<1x8x1024xf32, #tpu.memory_space<hbm>> -> memref<8x1024xf32, #tpu.memory_space<hbm>>
      tpu.enqueue_dma source(%dma_start3A_299 : memref<8x1024xf32, #tpu.memory_space<hbm>>) target(%dma_start3A_296 : memref<8x1024xf32, #tpu.memory_space<vmem>>) target_semaphore(%arg14 : memref<!tpu.dma_semaphore, #tpu.memory_space<semaphore_mem>>)
      %add3A_300 = arith.constant 1 : i32
      %add3A_301 = arith.addi %add3A_157, %add3A_300 : i32
      %mul3A_302 = arith.constant 8 : i32
      %mul3A_303 = arith.muli %add3A_301, %mul3A_302 : i32
      %add3A_304 = arith.addi %mul3A_2, %mul3A_303 : i32
      %dma_start3A_305 = arith.constant 3 : i32
      %dma_start3A_306 = arith.constant 3 : i32
      %dma_start3A_307 = arith.constant 0 : i32
      %dma_start3A_308 = arith.constant 0 : i32
      %dma_start3A_309 = tpu.memref_slice %arg7[%dma_start3A_306, %dma_start3A_307, %dma_start3A_308] : memref<4x8x1024xf32, #tpu.memory_space<vmem>> -> memref<1x8x1024xf32, #tpu.memory_space<vmem>>
      %dma_start3A_310 = tpu.memref_squeeze %dma_start3A_309 : memref<1x8x1024xf32, #tpu.memory_space<vmem>> -> memref<8x1024xf32, #tpu.memory_space<vmem>>
      %dma_start3A_311 = arith.constant 0 : i32
      %dma_start3A_312 = tpu.memref_slice %arg2[%dma_start3A_305, %add3A_304, %dma_start3A_311] : memref<4x8192x1024xf32, #tpu.memory_space<hbm>> -> memref<1x8x1024xf32, #tpu.memory_space<hbm>>
      %dma_start3A_313 = tpu.memref_squeeze %dma_start3A_312 : memref<1x8x1024xf32, #tpu.memory_space<hbm>> -> memref<8x1024xf32, #tpu.memory_space<hbm>>
      %dma_start3A_314 = arith.constant 0 : i32
      %dma_start3A_315 = arith.constant 0 : i32
      %dma_start3A_316 = tpu.memref_slice %arg7[%dma_start3A_306, %dma_start3A_314, %dma_start3A_315] : memref<4x8x1024xf32, #tpu.memory_space<vmem>> -> memref<1x8x1024xf32, #tpu.memory_space<vmem>>
      %dma_start3A_317 = tpu.memref_squeeze %dma_start3A_316 : memref<1x8x1024xf32, #tpu.memory_space<vmem>> -> memref<8x1024xf32, #tpu.memory_space<vmem>>
      %dma_start3A_318 = arith.constant 0 : i32
      %dma_start3A_319 = tpu.memref_slice %arg2[%dma_start3A_305, %add3A_304, %dma_start3A_318] : memref<4x8192x1024xf32, #tpu.memory_space<hbm>> -> memref<1x8x1024xf32, #tpu.memory_space<hbm>>
      %dma_start3A_320 = tpu.memref_squeeze %dma_start3A_319 : memref<1x8x1024xf32, #tpu.memory_space<hbm>> -> memref<8x1024xf32, #tpu.memory_space<hbm>>
      tpu.enqueue_dma source(%dma_start3A_320 : memref<8x1024xf32, #tpu.memory_space<hbm>>) target(%dma_start3A_317 : memref<8x1024xf32, #tpu.memory_space<vmem>>) target_semaphore(%arg14 : memref<!tpu.dma_semaphore, #tpu.memory_space<semaphore_mem>>)
      %gt3A = arith.constant 0 : i32
      %gt3A_321 = arith.cmpi sgt, %scan3A_153, %gt3A : i32
      %convert_element_type3A_322 = arith.extui %gt3A_321 : i1 to i32
      %cond3A_323 = arith.constant 0 : i32
      %cond3A_324 = arith.cmpi ne, %convert_element_type3A_322, %cond3A_323 : i32
      scf.if %cond3A_324 {
        %dma_wait3A_585 = arith.constant 0 : i32
        %dma_wait3A_586 = arith.constant 0 : i32
        %dma_wait3A_587 = arith.constant 0 : i32
        %dma_wait3A_588 = tpu.memref_slice %arg8[%dma_wait3A_585, %dma_wait3A_586, %dma_wait3A_587] : memref<8x4x1024xf32, #tpu.memory_space<vmem>> -> memref<4x4x1024xf32, #tpu.memory_space<vmem>>
        %dma_wait3A_589 = arith.constant 0 : i32
        %dma_wait3A_590 = arith.constant 0 : i32
        %dma_wait3A_591 = tpu.memref_slice %arg5[%add3A_160, %dma_wait3A_589, %dma_wait3A_590] : memref<8193x4x1024xf32, #tpu.memory_space<hbm>> -> memref<4x4x1024xf32, #tpu.memory_space<hbm>>
        %dma_wait3A_592 = arith.constant 0 : i32
        %dma_wait3A_593 = arith.constant 0 : i32
        %dma_wait3A_594 = tpu.memref_slice %arg5[%add3A_160, %dma_wait3A_592, %dma_wait3A_593] : memref<8193x4x1024xf32, #tpu.memory_space<hbm>> -> memref<4x4x1024xf32, #tpu.memory_space<hbm>>
        %dma_wait3A_595 = arith.constant 0 : i32
        %dma_wait3A_596 = arith.constant 0 : i32
        %dma_wait3A_597 = arith.constant 0 : i32
        %dma_wait3A_598 = tpu.memref_slice %arg8[%dma_wait3A_595, %dma_wait3A_596, %dma_wait3A_597] : memref<8x4x1024xf32, #tpu.memory_space<vmem>> -> memref<4x4x1024xf32, #tpu.memory_space<vmem>>
        tpu.wait_dma2 semaphore(%arg17 : memref<!tpu.dma_semaphore, #tpu.memory_space<semaphore_mem>>) src(%dma_wait3A_598 : memref<4x4x1024xf32, #tpu.memory_space<vmem>>) dst(%dma_wait3A_594 : memref<4x4x1024xf32, #tpu.memory_space<hbm>>)
      } else {
      }
      %parallel_loop3A = arith.constant 0 : i32
      %parallel_loop3A_325 = arith.constant 1024 : i32
      %parallel_loop3A_326 = arith.constant 16 : i32
      scf.for %parallel_loop3A_585 = %parallel_loop3A to %parallel_loop3A_325 step %parallel_loop3A_326  : i32 {
        %parallel_loop3A_586 = arith.constant 0 : i32
        %parallel_loop3A_587 = arith.constant 1 : i32
        %parallel_loop3A_588 = arith.index_cast %parallel_loop3A_586 : i32 to index
        %parallel_loop3A_589 = arith.index_cast %parallel_loop3A_587 : i32 to index
        %parallel_loop3A_590 = arith.index_cast %parallel_loop3A_585 : i32 to index
        %parallel_loop3A_591 = tpu.vector_load %arg9[%parallel_loop3A_588, %parallel_loop3A_589, %parallel_loop3A_590] {strides = array<i32>} : memref<2x8x1024xf32, #tpu.memory_space<vmem>>, vector<1x1x16xf32>,
        %parallel_loop3A_592 = vector.shape_cast %parallel_loop3A_591 : vector<1x1x16xf32> to vector<16xf32>
        %parallel_loop3A_593 = arith.constant 0 : i32
        %parallel_loop3A_594 = arith.constant 0 : i32
        %parallel_loop3A_595 = arith.index_cast %parallel_loop3A_593 : i32 to index
        %parallel_loop3A_596 = arith.index_cast %parallel_loop3A_594 : i32 to index
        %parallel_loop3A_597 = arith.index_cast %parallel_loop3A_585 : i32 to index
        %parallel_loop3A_598 = tpu.vector_load %arg6[%parallel_loop3A_595, %parallel_loop3A_596, %parallel_loop3A_597] {strides = array<i32>} : memref<4x8x1024xf32, #tpu.memory_space<vmem>>, vector<1x1x16xf32>,
        %parallel_loop3A_599 = vector.shape_cast %parallel_loop3A_598 : vector<1x1x16xf32> to vector<16xf32>
        %parallel_loop3A_600 = arith.addf %parallel_loop3A_599, %parallel_loop3A_592 : vector<16xf32>
        %parallel_loop3A_601 = arith.constant 0 : i32
        %parallel_loop3A_602 = arith.constant 0 : i32
        %parallel_loop3A_603 = arith.index_cast %parallel_loop3A_601 : i32 to index
        %parallel_loop3A_604 = arith.index_cast %parallel_loop3A_602 : i32 to index
        %parallel_loop3A_605 = arith.index_cast %parallel_loop3A_585 : i32 to index
        %parallel_loop3A_606 = tpu.vector_load %arg8[%parallel_loop3A_603, %parallel_loop3A_604, %parallel_loop3A_605] {strides = array<i32>} : memref<8x4x1024xf32, #tpu.memory_space<vmem>>, vector<1x1x16xf32>,
        %parallel_loop3A_607 = vector.shape_cast %parallel_loop3A_606 : vector<1x1x16xf32> to vector<16xf32>
        %parallel_loop3A_608 = vector.shape_cast %parallel_loop3A_600 : vector<16xf32> to vector<1x1x16xf32>
        tpu.vector_store %arg8[%parallel_loop3A_603, %parallel_loop3A_604, %parallel_loop3A_605], %parallel_loop3A_608 {strides = array<i32>} : memref<8x4x1024xf32, #tpu.memory_space<vmem>>, vector<1x1x16xf32>,
        %parallel_loop3A_609 = arith.constant 1 : i32
        %parallel_loop3A_610 = arith.constant 0 : i32
        %parallel_loop3A_611 = arith.index_cast %parallel_loop3A_609 : i32 to index
        %parallel_loop3A_612 = arith.index_cast %parallel_loop3A_610 : i32 to index
        %parallel_loop3A_613 = arith.index_cast %parallel_loop3A_585 : i32 to index
        %parallel_loop3A_614 = tpu.vector_load %arg6[%parallel_loop3A_611, %parallel_loop3A_612, %parallel_loop3A_613] {strides = array<i32>} : memref<4x8x1024xf32, #tpu.memory_space<vmem>>, vector<1x1x16xf32>,
        %parallel_loop3A_615 = vector.shape_cast %parallel_loop3A_614 : vector<1x1x16xf32> to vector<16xf32>
        %parallel_loop3A_616 = arith.addf %parallel_loop3A_615, %parallel_loop3A_592 : vector<16xf32>
        %parallel_loop3A_617 = arith.constant 0 : i32
        %parallel_loop3A_618 = arith.constant 1 : i32
        %parallel_loop3A_619 = arith.index_cast %parallel_loop3A_617 : i32 to index
        %parallel_loop3A_620 = arith.index_cast %parallel_loop3A_618 : i32 to index
        %parallel_loop3A_621 = arith.index_cast %parallel_loop3A_585 : i32 to index
        %parallel_loop3A_622 = tpu.vector_load %arg8[%parallel_loop3A_619, %parallel_loop3A_620, %parallel_loop3A_621] {strides = array<i32>} : memref<8x4x1024xf32, #tpu.memory_space<vmem>>, vector<1x1x16xf32>,
        %parallel_loop3A_623 = vector.shape_cast %parallel_loop3A_622 : vector<1x1x16xf32> to vector<16xf32>
        %parallel_loop3A_624 = vector.shape_cast %parallel_loop3A_616 : vector<16xf32> to vector<1x1x16xf32>
        tpu.vector_store %arg8[%parallel_loop3A_619, %parallel_loop3A_620, %parallel_loop3A_621], %parallel_loop3A_624 {strides = array<i32>} : memref<8x4x1024xf32, #tpu.memory_space<vmem>>, vector<1x1x16xf32>,
        %parallel_loop3A_625 = arith.constant 2 : i32
        %parallel_loop3A_626 = arith.constant 0 : i32
        %parallel_loop3A_627 = arith.index_cast %parallel_loop3A_625 : i32 to index
        %parallel_loop3A_628 = arith.index_cast %parallel_loop3A_626 : i32 to index
        %parallel_loop3A_629 = arith.index_cast %parallel_loop3A_585 : i32 to index
        %parallel_loop3A_630 = tpu.vector_load %arg6[%parallel_loop3A_627, %parallel_loop3A_628, %parallel_loop3A_629] {strides = array<i32>} : memref<4x8x1024xf32, #tpu.memory_space<vmem>>, vector<1x1x16xf32>,
        %parallel_loop3A_631 = vector.shape_cast %parallel_loop3A_630 : vector<1x1x16xf32> to vector<16xf32>
        %parallel_loop3A_632 = arith.addf %parallel_loop3A_631, %parallel_loop3A_592 : vector<16xf32>
        %parallel_loop3A_633 = arith.constant 0 : i32
        %parallel_loop3A_634 = arith.constant 2 : i32
        %parallel_loop3A_635 = arith.index_cast %parallel_loop3A_633 : i32 to index
        %parallel_loop3A_636 = arith.index_cast %parallel_loop3A_634 : i32 to index
        %parallel_loop3A_637 = arith.index_cast %parallel_loop3A_585 : i32 to index
        %parallel_loop3A_638 = tpu.vector_load %arg8[%parallel_loop3A_635, %parallel_loop3A_636, %parallel_loop3A_637] {strides = array<i32>} : memref<8x4x1024xf32, #tpu.memory_space<vmem>>, vector<1x1x16xf32>,
        %parallel_loop3A_639 = vector.shape_cast %parallel_loop3A_638 : vector<1x1x16xf32> to vector<16xf32>
        %parallel_loop3A_640 = vector.shape_cast %parallel_loop3A_632 : vector<16xf32> to vector<1x1x16xf32>
        tpu.vector_store %arg8[%parallel_loop3A_635, %parallel_loop3A_636, %parallel_loop3A_637], %parallel_loop3A_640 {strides = array<i32>} : memref<8x4x1024xf32, #tpu.memory_space<vmem>>, vector<1x1x16xf32>,
        %parallel_loop3A_641 = arith.constant 3 : i32
        %parallel_loop3A_642 = arith.constant 0 : i32
        %parallel_loop3A_643 = arith.index_cast %parallel_loop3A_641 : i32 to index
        %parallel_loop3A_644 = arith.index_cast %parallel_loop3A_642 : i32 to index
        %parallel_loop3A_645 = arith.index_cast %parallel_loop3A_585 : i32 to index
        %parallel_loop3A_646 = tpu.vector_load %arg6[%parallel_loop3A_643, %parallel_loop3A_644, %parallel_loop3A_645] {strides = array<i32>} : memref<4x8x1024xf32, #tpu.memory_space<vmem>>, vector<1x1x16xf32>,
        %parallel_loop3A_647 = vector.shape_cast %parallel_loop3A_646 : vector<1x1x16xf32> to vector<16xf32>
        %parallel_loop3A_648 = arith.addf %parallel_loop3A_647, %parallel_loop3A_592 : vector<16xf32>
        %parallel_loop3A_649 = arith.constant 0 : i32
        %parallel_loop3A_650 = arith.constant 3 : i32
        %parallel_loop3A_651 = arith.index_cast %parallel_loop3A_649 : i32 to index
        %parallel_loop3A_652 = arith.index_cast %parallel_loop3A_650 : i32 to index
        %parallel_loop3A_653 = arith.index_cast %parallel_loop3A_585 : i32 to index
        %parallel_loop3A_654 = tpu.vector_load %arg8[%parallel_loop3A_651, %parallel_loop3A_652, %parallel_loop3A_653] {strides = array<i32>} : memref<8x4x1024xf32, #tpu.memory_space<vmem>>, vector<1x1x16xf32>,
        %parallel_loop3A_655 = vector.shape_cast %parallel_loop3A_654 : vector<1x1x16xf32> to vector<16xf32>
        %parallel_loop3A_656 = vector.shape_cast %parallel_loop3A_648 : vector<16xf32> to vector<1x1x16xf32>
        tpu.vector_store %arg8[%parallel_loop3A_651, %parallel_loop3A_652, %parallel_loop3A_653], %parallel_loop3A_656 {strides = array<i32>} : memref<8x4x1024xf32, #tpu.memory_space<vmem>>, vector<1x1x16xf32>,
        %parallel_loop3A_657 = arith.constant 0 : i32
        %parallel_loop3A_658 = arith.constant 2 : i32
        %parallel_loop3A_659 = arith.index_cast %parallel_loop3A_657 : i32 to index
        %parallel_loop3A_660 = arith.index_cast %parallel_loop3A_658 : i32 to index
        %parallel_loop3A_661 = arith.index_cast %parallel_loop3A_585 : i32 to index
        %parallel_loop3A_662 = tpu.vector_load %arg9[%parallel_loop3A_659, %parallel_loop3A_660, %parallel_loop3A_661] {strides = array<i32>} : memref<2x8x1024xf32, #tpu.memory_space<vmem>>, vector<1x1x16xf32>,
        %parallel_loop3A_663 = vector.shape_cast %parallel_loop3A_662 : vector<1x1x16xf32> to vector<16xf32>
        %parallel_loop3A_664 = arith.constant 0 : i32
        %parallel_loop3A_665 = arith.constant 1 : i32
        %parallel_loop3A_666 = arith.index_cast %parallel_loop3A_664 : i32 to index
        %parallel_loop3A_667 = arith.index_cast %parallel_loop3A_665 : i32 to index
        %parallel_loop3A_668 = arith.index_cast %parallel_loop3A_585 : i32 to index
        %parallel_loop3A_669 = tpu.vector_load %arg6[%parallel_loop3A_666, %parallel_loop3A_667, %parallel_loop3A_668] {strides = array<i32>} : memref<4x8x1024xf32, #tpu.memory_space<vmem>>, vector<1x1x16xf32>,
        %parallel_loop3A_670 = vector.shape_cast %parallel_loop3A_669 : vector<1x1x16xf32> to vector<16xf32>
        %parallel_loop3A_671 = arith.addf %parallel_loop3A_670, %parallel_loop3A_663 : vector<16xf32>
        %parallel_loop3A_672 = arith.constant 1 : i32
        %parallel_loop3A_673 = arith.constant 0 : i32
        %parallel_loop3A_674 = arith.index_cast %parallel_loop3A_672 : i32 to index
        %parallel_loop3A_675 = arith.index_cast %parallel_loop3A_673 : i32 to index
        %parallel_loop3A_676 = arith.index_cast %parallel_loop3A_585 : i32 to index
        %parallel_loop3A_677 = tpu.vector_load %arg8[%parallel_loop3A_674, %parallel_loop3A_675, %parallel_loop3A_676] {strides = array<i32>} : memref<8x4x1024xf32, #tpu.memory_space<vmem>>, vector<1x1x16xf32>,
        %parallel_loop3A_678 = vector.shape_cast %parallel_loop3A_677 : vector<1x1x16xf32> to vector<16xf32>
        %parallel_loop3A_679 = vector.shape_cast %parallel_loop3A_671 : vector<16xf32> to vector<1x1x16xf32>
        tpu.vector_store %arg8[%parallel_loop3A_674, %parallel_loop3A_675, %parallel_loop3A_676], %parallel_loop3A_679 {strides = array<i32>} : memref<8x4x1024xf32, #tpu.memory_space<vmem>>, vector<1x1x16xf32>,
        %parallel_loop3A_680 = arith.constant 1 : i32
        %parallel_loop3A_681 = arith.constant 1 : i32
        %parallel_loop3A_682 = arith.index_cast %parallel_loop3A_680 : i32 to index
        %parallel_loop3A_683 = arith.index_cast %parallel_loop3A_681 : i32 to index
        %parallel_loop3A_684 = arith.index_cast %parallel_loop3A_585 : i32 to index
        %parallel_loop3A_685 = tpu.vector_load %arg6[%parallel_loop3A_682, %parallel_loop3A_683, %parallel_loop3A_684] {strides = array<i32>} : memref<4x8x1024xf32, #tpu.memory_space<vmem>>, vector<1x1x16xf32>,
        %parallel_loop3A_686 = vector.shape_cast %parallel_loop3A_685 : vector<1x1x16xf32> to vector<16xf32>
        %parallel_loop3A_687 = arith.addf %parallel_loop3A_686, %parallel_loop3A_663 : vector<16xf32>
        %parallel_loop3A_688 = arith.constant 1 : i32
        %parallel_loop3A_689 = arith.constant 1 : i32
        %parallel_loop3A_690 = arith.index_cast %parallel_loop3A_688 : i32 to index
        %parallel_loop3A_691 = arith.index_cast %parallel_loop3A_689 : i32 to index
        %parallel_loop3A_692 = arith.index_cast %parallel_loop3A_585 : i32 to index
        %parallel_loop3A_693 = tpu.vector_load %arg8[%parallel_loop3A_690, %parallel_loop3A_691, %parallel_loop3A_692] {strides = array<i32>} : memref<8x4x1024xf32, #tpu.memory_space<vmem>>, vector<1x1x16xf32>,
        %parallel_loop3A_694 = vector.shape_cast %parallel_loop3A_693 : vector<1x1x16xf32> to vector<16xf32>
        %parallel_loop3A_695 = vector.shape_cast %parallel_loop3A_687 : vector<16xf32> to vector<1x1x16xf32>
        tpu.vector_store %arg8[%parallel_loop3A_690, %parallel_loop3A_691, %parallel_loop3A_692], %parallel_loop3A_695 {strides = array<i32>} : memref<8x4x1024xf32, #tpu.memory_space<vmem>>, vector<1x1x16xf32>,
        %parallel_loop3A_696 = arith.constant 2 : i32
        %parallel_loop3A_697 = arith.constant 1 : i32
        %parallel_loop3A_698 = arith.index_cast %parallel_loop3A_696 : i32 to index
        %parallel_loop3A_699 = arith.index_cast %parallel_loop3A_697 : i32 to index
        %parallel_loop3A_700 = arith.index_cast %parallel_loop3A_585 : i32 to index
        %parallel_loop3A_701 = tpu.vector_load %arg6[%parallel_loop3A_698, %parallel_loop3A_699, %parallel_loop3A_700] {strides = array<i32>} : memref<4x8x1024xf32, #tpu.memory_space<vmem>>, vector<1x1x16xf32>,
        %parallel_loop3A_702 = vector.shape_cast %parallel_loop3A_701 : vector<1x1x16xf32> to vector<16xf32>
        %parallel_loop3A_703 = arith.addf %parallel_loop3A_702, %parallel_loop3A_663 : vector<16xf32>
        %parallel_loop3A_704 = arith.constant 1 : i32
        %parallel_loop3A_705 = arith.constant 2 : i32
        %parallel_loop3A_706 = arith.index_cast %parallel_loop3A_704 : i32 to index
        %parallel_loop3A_707 = arith.index_cast %parallel_loop3A_705 : i32 to index
        %parallel_loop3A_708 = arith.index_cast %parallel_loop3A_585 : i32 to index
        %parallel_loop3A_709 = tpu.vector_load %arg8[%parallel_loop3A_706, %parallel_loop3A_707, %parallel_loop3A_708] {strides = array<i32>} : memref<8x4x1024xf32, #tpu.memory_space<vmem>>, vector<1x1x16xf32>,
        %parallel_loop3A_710 = vector.shape_cast %parallel_loop3A_709 : vector<1x1x16xf32> to vector<16xf32>
        %parallel_loop3A_711 = vector.shape_cast %parallel_loop3A_703 : vector<16xf32> to vector<1x1x16xf32>
        tpu.vector_store %arg8[%parallel_loop3A_706, %parallel_loop3A_707, %parallel_loop3A_708], %parallel_loop3A_711 {strides = array<i32>} : memref<8x4x1024xf32, #tpu.memory_space<vmem>>, vector<1x1x16xf32>,
        %parallel_loop3A_712 = arith.constant 3 : i32
        %parallel_loop3A_713 = arith.constant 1 : i32
        %parallel_loop3A_714 = arith.index_cast %parallel_loop3A_712 : i32 to index
        %parallel_loop3A_715 = arith.index_cast %parallel_loop3A_713 : i32 to index
        %parallel_loop3A_716 = arith.index_cast %parallel_loop3A_585 : i32 to index
        %parallel_loop3A_717 = tpu.vector_load %arg6[%parallel_loop3A_714, %parallel_loop3A_715, %parallel_loop3A_716] {strides = array<i32>} : memref<4x8x1024xf32, #tpu.memory_space<vmem>>, vector<1x1x16xf32>,
        %parallel_loop3A_718 = vector.shape_cast %parallel_loop3A_717 : vector<1x1x16xf32> to vector<16xf32>
        %parallel_loop3A_719 = arith.addf %parallel_loop3A_718, %parallel_loop3A_663 : vector<16xf32>
        %parallel_loop3A_720 = arith.constant 1 : i32
        %parallel_loop3A_721 = arith.constant 3 : i32
        %parallel_loop3A_722 = arith.index_cast %parallel_loop3A_720 : i32 to index
        %parallel_loop3A_723 = arith.index_cast %parallel_loop3A_721 : i32 to index
        %parallel_loop3A_724 = arith.index_cast %parallel_loop3A_585 : i32 to index
        %parallel_loop3A_725 = tpu.vector_load %arg8[%parallel_loop3A_722, %parallel_loop3A_723, %parallel_loop3A_724] {strides = array<i32>} : memref<8x4x1024xf32, #tpu.memory_space<vmem>>, vector<1x1x16xf32>,
        %parallel_loop3A_726 = vector.shape_cast %parallel_loop3A_725 : vector<1x1x16xf32> to vector<16xf32>
        %parallel_loop3A_727 = vector.shape_cast %parallel_loop3A_719 : vector<16xf32> to vector<1x1x16xf32>
        tpu.vector_store %arg8[%parallel_loop3A_722, %parallel_loop3A_723, %parallel_loop3A_724], %parallel_loop3A_727 {strides = array<i32>} : memref<8x4x1024xf32, #tpu.memory_space<vmem>>, vector<1x1x16xf32>,
        %parallel_loop3A_728 = arith.constant 0 : i32
        %parallel_loop3A_729 = arith.constant 3 : i32
        %parallel_loop3A_730 = arith.index_cast %parallel_loop3A_728 : i32 to index
        %parallel_loop3A_731 = arith.index_cast %parallel_loop3A_729 : i32 to index
        %parallel_loop3A_732 = arith.index_cast %parallel_loop3A_585 : i32 to index
        %parallel_loop3A_733 = tpu.vector_load %arg9[%parallel_loop3A_730, %parallel_loop3A_731, %parallel_loop3A_732] {strides = array<i32>} : memref<2x8x1024xf32, #tpu.memory_space<vmem>>, vector<1x1x16xf32>,
        %parallel_loop3A_734 = vector.shape_cast %parallel_loop3A_733 : vector<1x1x16xf32> to vector<16xf32>
        %parallel_loop3A_735 = arith.constant 0 : i32
        %parallel_loop3A_736 = arith.constant 2 : i32
        %parallel_loop3A_737 = arith.index_cast %parallel_loop3A_735 : i32 to index
        %parallel_loop3A_738 = arith.index_cast %parallel_loop3A_736 : i32 to index
        %parallel_loop3A_739 = arith.index_cast %parallel_loop3A_585 : i32 to index
        %parallel_loop3A_740 = tpu.vector_load %arg6[%parallel_loop3A_737, %parallel_loop3A_738, %parallel_loop3A_739] {strides = array<i32>} : memref<4x8x1024xf32, #tpu.memory_space<vmem>>, vector<1x1x16xf32>,
        %parallel_loop3A_741 = vector.shape_cast %parallel_loop3A_740 : vector<1x1x16xf32> to vector<16xf32>
        %parallel_loop3A_742 = arith.addf %parallel_loop3A_741, %parallel_loop3A_734 : vector<16xf32>
        %parallel_loop3A_743 = arith.constant 2 : i32
        %parallel_loop3A_744 = arith.constant 0 : i32
        %parallel_loop3A_745 = arith.index_cast %parallel_loop3A_743 : i32 to index
        %parallel_loop3A_746 = arith.index_cast %parallel_loop3A_744 : i32 to index
        %parallel_loop3A_747 = arith.index_cast %parallel_loop3A_585 : i32 to index
        %parallel_loop3A_748 = tpu.vector_load %arg8[%parallel_loop3A_745, %parallel_loop3A_746, %parallel_loop3A_747] {strides = array<i32>} : memref<8x4x1024xf32, #tpu.memory_space<vmem>>, vector<1x1x16xf32>,
        %parallel_loop3A_749 = vector.shape_cast %parallel_loop3A_748 : vector<1x1x16xf32> to vector<16xf32>
        %parallel_loop3A_750 = vector.shape_cast %parallel_loop3A_742 : vector<16xf32> to vector<1x1x16xf32>
        tpu.vector_store %arg8[%parallel_loop3A_745, %parallel_loop3A_746, %parallel_loop3A_747], %parallel_loop3A_750 {strides = array<i32>} : memref<8x4x1024xf32, #tpu.memory_space<vmem>>, vector<1x1x16xf32>,
        %parallel_loop3A_751 = arith.constant 1 : i32
        %parallel_loop3A_752 = arith.constant 2 : i32
        %parallel_loop3A_753 = arith.index_cast %parallel_loop3A_751 : i32 to index
        %parallel_loop3A_754 = arith.index_cast %parallel_loop3A_752 : i32 to index
        %parallel_loop3A_755 = arith.index_cast %parallel_loop3A_585 : i32 to index
        %parallel_loop3A_756 = tpu.vector_load %arg6[%parallel_loop3A_753, %parallel_loop3A_754, %parallel_loop3A_755] {strides = array<i32>} : memref<4x8x1024xf32, #tpu.memory_space<vmem>>, vector<1x1x16xf32>,
        %parallel_loop3A_757 = vector.shape_cast %parallel_loop3A_756 : vector<1x1x16xf32> to vector<16xf32>
        %parallel_loop3A_758 = arith.addf %parallel_loop3A_757, %parallel_loop3A_734 : vector<16xf32>
        %parallel_loop3A_759 = arith.constant 2 : i32
        %parallel_loop3A_760 = arith.constant 1 : i32
        %parallel_loop3A_761 = arith.index_cast %parallel_loop3A_759 : i32 to index
        %parallel_loop3A_762 = arith.index_cast %parallel_loop3A_760 : i32 to index
        %parallel_loop3A_763 = arith.index_cast %parallel_loop3A_585 : i32 to index
        %parallel_loop3A_764 = tpu.vector_load %arg8[%parallel_loop3A_761, %parallel_loop3A_762, %parallel_loop3A_763] {strides = array<i32>} : memref<8x4x1024xf32, #tpu.memory_space<vmem>>, vector<1x1x16xf32>,
        %parallel_loop3A_765 = vector.shape_cast %parallel_loop3A_764 : vector<1x1x16xf32> to vector<16xf32>
        %parallel_loop3A_766 = vector.shape_cast %parallel_loop3A_758 : vector<16xf32> to vector<1x1x16xf32>
        tpu.vector_store %arg8[%parallel_loop3A_761, %parallel_loop3A_762, %parallel_loop3A_763], %parallel_loop3A_766 {strides = array<i32>} : memref<8x4x1024xf32, #tpu.memory_space<vmem>>, vector<1x1x16xf32>,
        %parallel_loop3A_767 = arith.constant 2 : i32
        %parallel_loop3A_768 = arith.constant 2 : i32
        %parallel_loop3A_769 = arith.index_cast %parallel_loop3A_767 : i32 to index
        %parallel_loop3A_770 = arith.index_cast %parallel_loop3A_768 : i32 to index
        %parallel_loop3A_771 = arith.index_cast %parallel_loop3A_585 : i32 to index
        %parallel_loop3A_772 = tpu.vector_load %arg6[%parallel_loop3A_769, %parallel_loop3A_770, %parallel_loop3A_771] {strides = array<i32>} : memref<4x8x1024xf32, #tpu.memory_space<vmem>>, vector<1x1x16xf32>,
        %parallel_loop3A_773 = vector.shape_cast %parallel_loop3A_772 : vector<1x1x16xf32> to vector<16xf32>
        %parallel_loop3A_774 = arith.addf %parallel_loop3A_773, %parallel_loop3A_734 : vector<16xf32>
        %parallel_loop3A_775 = arith.constant 2 : i32
        %parallel_loop3A_776 = arith.constant 2 : i32
        %parallel_loop3A_777 = arith.index_cast %parallel_loop3A_775 : i32 to index
        %parallel_loop3A_778 = arith.index_cast %parallel_loop3A_776 : i32 to index
        %parallel_loop3A_779 = arith.index_cast %parallel_loop3A_585 : i32 to index
        %parallel_loop3A_780 = tpu.vector_load %arg8[%parallel_loop3A_777, %parallel_loop3A_778, %parallel_loop3A_779] {strides = array<i32>} : memref<8x4x1024xf32, #tpu.memory_space<vmem>>, vector<1x1x16xf32>,
        %parallel_loop3A_781 = vector.shape_cast %parallel_loop3A_780 : vector<1x1x16xf32> to vector<16xf32>
        %parallel_loop3A_782 = vector.shape_cast %parallel_loop3A_774 : vector<16xf32> to vector<1x1x16xf32>
        tpu.vector_store %arg8[%parallel_loop3A_777, %parallel_loop3A_778, %parallel_loop3A_779], %parallel_loop3A_782 {strides = array<i32>} : memref<8x4x1024xf32, #tpu.memory_space<vmem>>, vector<1x1x16xf32>,
        %parallel_loop3A_783 = arith.constant 3 : i32
        %parallel_loop3A_784 = arith.constant 2 : i32
        %parallel_loop3A_785 = arith.index_cast %parallel_loop3A_783 : i32 to index
        %parallel_loop3A_786 = arith.index_cast %parallel_loop3A_784 : i32 to index
        %parallel_loop3A_787 = arith.index_cast %parallel_loop3A_585 : i32 to index
        %parallel_loop3A_788 = tpu.vector_load %arg6[%parallel_loop3A_785, %parallel_loop3A_786, %parallel_loop3A_787] {strides = array<i32>} : memref<4x8x1024xf32, #tpu.memory_space<vmem>>, vector<1x1x16xf32>,
        %parallel_loop3A_789 = vector.shape_cast %parallel_loop3A_788 : vector<1x1x16xf32> to vector<16xf32>
        %parallel_loop3A_790 = arith.addf %parallel_loop3A_789, %parallel_loop3A_734 : vector<16xf32>
        %parallel_loop3A_791 = arith.constant 2 : i32
        %parallel_loop3A_792 = arith.constant 3 : i32
        %parallel_loop3A_793 = arith.index_cast %parallel_loop3A_791 : i32 to index
        %parallel_loop3A_794 = arith.index_cast %parallel_loop3A_792 : i32 to index
        %parallel_loop3A_795 = arith.index_cast %parallel_loop3A_585 : i32 to index
        %parallel_loop3A_796 = tpu.vector_load %arg8[%parallel_loop3A_793, %parallel_loop3A_794, %parallel_loop3A_795] {strides = array<i32>} : memref<8x4x1024xf32, #tpu.memory_space<vmem>>, vector<1x1x16xf32>,
        %parallel_loop3A_797 = vector.shape_cast %parallel_loop3A_796 : vector<1x1x16xf32> to vector<16xf32>
        %parallel_loop3A_798 = vector.shape_cast %parallel_loop3A_790 : vector<16xf32> to vector<1x1x16xf32>
        tpu.vector_store %arg8[%parallel_loop3A_793, %parallel_loop3A_794, %parallel_loop3A_795], %parallel_loop3A_798 {strides = array<i32>} : memref<8x4x1024xf32, #tpu.memory_space<vmem>>, vector<1x1x16xf32>,
        %parallel_loop3A_799 = arith.constant 0 : i32
        %parallel_loop3A_800 = arith.constant 4 : i32
        %parallel_loop3A_801 = arith.index_cast %parallel_loop3A_799 : i32 to index
        %parallel_loop3A_802 = arith.index_cast %parallel_loop3A_800 : i32 to index
        %parallel_loop3A_803 = arith.index_cast %parallel_loop3A_585 : i32 to index
        %parallel_loop3A_804 = tpu.vector_load %arg9[%parallel_loop3A_801, %parallel_loop3A_802, %parallel_loop3A_803] {strides = array<i32>} : memref<2x8x1024xf32, #tpu.memory_space<vmem>>, vector<1x1x16xf32>,
        %parallel_loop3A_805 = vector.shape_cast %parallel_loop3A_804 : vector<1x1x16xf32> to vector<16xf32>
        %parallel_loop3A_806 = arith.constant 0 : i32
        %parallel_loop3A_807 = arith.constant 3 : i32
        %parallel_loop3A_808 = arith.index_cast %parallel_loop3A_806 : i32 to index
        %parallel_loop3A_809 = arith.index_cast %parallel_loop3A_807 : i32 to index
        %parallel_loop3A_810 = arith.index_cast %parallel_loop3A_585 : i32 to index
        %parallel_loop3A_811 = tpu.vector_load %arg6[%parallel_loop3A_808, %parallel_loop3A_809, %parallel_loop3A_810] {strides = array<i32>} : memref<4x8x1024xf32, #tpu.memory_space<vmem>>, vector<1x1x16xf32>,
        %parallel_loop3A_812 = vector.shape_cast %parallel_loop3A_811 : vector<1x1x16xf32> to vector<16xf32>
        %parallel_loop3A_813 = arith.addf %parallel_loop3A_812, %parallel_loop3A_805 : vector<16xf32>
        %parallel_loop3A_814 = arith.constant 3 : i32
        %parallel_loop3A_815 = arith.constant 0 : i32
        %parallel_loop3A_816 = arith.index_cast %parallel_loop3A_814 : i32 to index
        %parallel_loop3A_817 = arith.index_cast %parallel_loop3A_815 : i32 to index
        %parallel_loop3A_818 = arith.index_cast %parallel_loop3A_585 : i32 to index
        %parallel_loop3A_819 = tpu.vector_load %arg8[%parallel_loop3A_816, %parallel_loop3A_817, %parallel_loop3A_818] {strides = array<i32>} : memref<8x4x1024xf32, #tpu.memory_space<vmem>>, vector<1x1x16xf32>,
        %parallel_loop3A_820 = vector.shape_cast %parallel_loop3A_819 : vector<1x1x16xf32> to vector<16xf32>
        %parallel_loop3A_821 = vector.shape_cast %parallel_loop3A_813 : vector<16xf32> to vector<1x1x16xf32>
        tpu.vector_store %arg8[%parallel_loop3A_816, %parallel_loop3A_817, %parallel_loop3A_818], %parallel_loop3A_821 {strides = array<i32>} : memref<8x4x1024xf32, #tpu.memory_space<vmem>>, vector<1x1x16xf32>,
        %parallel_loop3A_822 = arith.constant 1 : i32
        %parallel_loop3A_823 = arith.constant 3 : i32
        %parallel_loop3A_824 = arith.index_cast %parallel_loop3A_822 : i32 to index
        %parallel_loop3A_825 = arith.index_cast %parallel_loop3A_823 : i32 to index
        %parallel_loop3A_826 = arith.index_cast %parallel_loop3A_585 : i32 to index
        %parallel_loop3A_827 = tpu.vector_load %arg6[%parallel_loop3A_824, %parallel_loop3A_825, %parallel_loop3A_826] {strides = array<i32>} : memref<4x8x1024xf32, #tpu.memory_space<vmem>>, vector<1x1x16xf32>,
        %parallel_loop3A_828 = vector.shape_cast %parallel_loop3A_827 : vector<1x1x16xf32> to vector<16xf32>
        %parallel_loop3A_829 = arith.addf %parallel_loop3A_828, %parallel_loop3A_805 : vector<16xf32>
        %parallel_loop3A_830 = arith.constant 3 : i32
        %parallel_loop3A_831 = arith.constant 1 : i32
        %parallel_loop3A_832 = arith.index_cast %parallel_loop3A_830 : i32 to index
        %parallel_loop3A_833 = arith.index_cast %parallel_loop3A_831 : i32 to index
        %parallel_loop3A_834 = arith.index_cast %parallel_loop3A_585 : i32 to index
        %parallel_loop3A_835 = tpu.vector_load %arg8[%parallel_loop3A_832, %parallel_loop3A_833, %parallel_loop3A_834] {strides = array<i32>} : memref<8x4x1024xf32, #tpu.memory_space<vmem>>, vector<1x1x16xf32>,
        %parallel_loop3A_836 = vector.shape_cast %parallel_loop3A_835 : vector<1x1x16xf32> to vector<16xf32>
        %parallel_loop3A_837 = vector.shape_cast %parallel_loop3A_829 : vector<16xf32> to vector<1x1x16xf32>
        tpu.vector_store %arg8[%parallel_loop3A_832, %parallel_loop3A_833, %parallel_loop3A_834], %parallel_loop3A_837 {strides = array<i32>} : memref<8x4x1024xf32, #tpu.memory_space<vmem>>, vector<1x1x16xf32>,
        %parallel_loop3A_838 = arith.constant 2 : i32
        %parallel_loop3A_839 = arith.constant 3 : i32
        %parallel_loop3A_840 = arith.index_cast %parallel_loop3A_838 : i32 to index
        %parallel_loop3A_841 = arith.index_cast %parallel_loop3A_839 : i32 to index
        %parallel_loop3A_842 = arith.index_cast %parallel_loop3A_585 : i32 to index
        %parallel_loop3A_843 = tpu.vector_load %arg6[%parallel_loop3A_840, %parallel_loop3A_841, %parallel_loop3A_842] {strides = array<i32>} : memref<4x8x1024xf32, #tpu.memory_space<vmem>>, vector<1x1x16xf32>,
        %parallel_loop3A_844 = vector.shape_cast %parallel_loop3A_843 : vector<1x1x16xf32> to vector<16xf32>
        %parallel_loop3A_845 = arith.addf %parallel_loop3A_844, %parallel_loop3A_805 : vector<16xf32>
        %parallel_loop3A_846 = arith.constant 3 : i32
        %parallel_loop3A_847 = arith.constant 2 : i32
        %parallel_loop3A_848 = arith.index_cast %parallel_loop3A_846 : i32 to index
        %parallel_loop3A_849 = arith.index_cast %parallel_loop3A_847 : i32 to index
        %parallel_loop3A_850 = arith.index_cast %parallel_loop3A_585 : i32 to index
        %parallel_loop3A_851 = tpu.vector_load %arg8[%parallel_loop3A_848, %parallel_loop3A_849, %parallel_loop3A_850] {strides = array<i32>} : memref<8x4x1024xf32, #tpu.memory_space<vmem>>, vector<1x1x16xf32>,
        %parallel_loop3A_852 = vector.shape_cast %parallel_loop3A_851 : vector<1x1x16xf32> to vector<16xf32>
        %parallel_loop3A_853 = vector.shape_cast %parallel_loop3A_845 : vector<16xf32> to vector<1x1x16xf32>
        tpu.vector_store %arg8[%parallel_loop3A_848, %parallel_loop3A_849, %parallel_loop3A_850], %parallel_loop3A_853 {strides = array<i32>} : memref<8x4x1024xf32, #tpu.memory_space<vmem>>, vector<1x1x16xf32>,
        %parallel_loop3A_854 = arith.constant 3 : i32
        %parallel_loop3A_855 = arith.constant 3 : i32
        %parallel_loop3A_856 = arith.index_cast %parallel_loop3A_854 : i32 to index
        %parallel_loop3A_857 = arith.index_cast %parallel_loop3A_855 : i32 to index
        %parallel_loop3A_858 = arith.index_cast %parallel_loop3A_585 : i32 to index
        %parallel_loop3A_859 = tpu.vector_load %arg6[%parallel_loop3A_856, %parallel_loop3A_857, %parallel_loop3A_858] {strides = array<i32>} : memref<4x8x1024xf32, #tpu.memory_space<vmem>>, vector<1x1x16xf32>,
        %parallel_loop3A_860 = vector.shape_cast %parallel_loop3A_859 : vector<1x1x16xf32> to vector<16xf32>
        %parallel_loop3A_861 = arith.addf %parallel_loop3A_860, %parallel_loop3A_805 : vector<16xf32>
        %parallel_loop3A_862 = arith.constant 3 : i32
        %parallel_loop3A_863 = arith.constant 3 : i32
        %parallel_loop3A_864 = arith.index_cast %parallel_loop3A_862 : i32 to index
        %parallel_loop3A_865 = arith.index_cast %parallel_loop3A_863 : i32 to index
        %parallel_loop3A_866 = arith.index_cast %parallel_loop3A_585 : i32 to index
        %parallel_loop3A_867 = tpu.vector_load %arg8[%parallel_loop3A_864, %parallel_loop3A_865, %parallel_loop3A_866] {strides = array<i32>} : memref<8x4x1024xf32, #tpu.memory_space<vmem>>, vector<1x1x16xf32>,
        %parallel_loop3A_868 = vector.shape_cast %parallel_loop3A_867 : vector<1x1x16xf32> to vector<16xf32>
        %parallel_loop3A_869 = vector.shape_cast %parallel_loop3A_861 : vector<16xf32> to vector<1x1x16xf32>
        tpu.vector_store %arg8[%parallel_loop3A_864, %parallel_loop3A_865, %parallel_loop3A_866], %parallel_loop3A_869 {strides = array<i32>} : memref<8x4x1024xf32, #tpu.memory_space<vmem>>, vector<1x1x16xf32>,
      } {sc.loop_unroll_factor = 4 : i64, sc.parallel_access}
      %add3A_327 = arith.constant 1 : i32
      %add3A_328 = arith.addi %add3A_160, %add3A_327 : i32
      %dma_start3A_329 = arith.constant 0 : i32
      %dma_start3A_330 = arith.constant 0 : i32
      %dma_start3A_331 = arith.constant 0 : i32
      %dma_start3A_332 = tpu.memref_slice %arg8[%dma_start3A_329, %dma_start3A_330, %dma_start3A_331] : memref<8x4x1024xf32, #tpu.memory_space<vmem>> -> memref<4x4x1024xf32, #tpu.memory_space<vmem>>
      %dma_start3A_333 = arith.constant 0 : i32
      %dma_start3A_334 = arith.constant 0 : i32
      %dma_start3A_335 = tpu.memref_slice %arg5[%add3A_328, %dma_start3A_333, %dma_start3A_334] : memref<8193x4x1024xf32, #tpu.memory_space<hbm>> -> memref<4x4x1024xf32, #tpu.memory_space<hbm>>
      %dma_start3A_336 = arith.constant 0 : i32
      %dma_start3A_337 = arith.constant 0 : i32
      %dma_start3A_338 = tpu.memref_slice %arg5[%add3A_328, %dma_start3A_336, %dma_start3A_337] : memref<8193x4x1024xf32, #tpu.memory_space<hbm>> -> memref<4x4x1024xf32, #tpu.memory_space<hbm>>
      %dma_start3A_339 = arith.constant 0 : i32
      %dma_start3A_340 = arith.constant 0 : i32
      %dma_start3A_341 = arith.constant 0 : i32
      %dma_start3A_342 = tpu.memref_slice %arg8[%dma_start3A_339, %dma_start3A_340, %dma_start3A_341] : memref<8x4x1024xf32, #tpu.memory_space<vmem>> -> memref<4x4x1024xf32, #tpu.memory_space<vmem>>
      tpu.enqueue_dma source(%dma_start3A_342 : memref<4x4x1024xf32, #tpu.memory_space<vmem>>) target(%dma_start3A_338 : memref<4x4x1024xf32, #tpu.memory_space<hbm>>) target_semaphore(%arg17 : memref<!tpu.dma_semaphore, #tpu.memory_space<semaphore_mem>>)
      %gt3A_343 = arith.constant 0 : i32
      %gt3A_344 = arith.cmpi sgt, %scan3A_153, %gt3A_343 : i32
      %convert_element_type3A_345 = arith.extui %gt3A_344 : i1 to i32
      %cond3A_346 = arith.constant 0 : i32
      %cond3A_347 = arith.cmpi ne, %convert_element_type3A_345, %cond3A_346 : i32
      scf.if %cond3A_347 {
        %dma_wait3A_585 = arith.constant 4 : i32
        %dma_wait3A_586 = arith.constant 0 : i32
        %dma_wait3A_587 = arith.constant 0 : i32
        %dma_wait3A_588 = tpu.memref_slice %arg8[%dma_wait3A_585, %dma_wait3A_586, %dma_wait3A_587] : memref<8x4x1024xf32, #tpu.memory_space<vmem>> -> memref<4x4x1024xf32, #tpu.memory_space<vmem>>
        %dma_wait3A_589 = arith.constant 0 : i32
        %dma_wait3A_590 = arith.constant 0 : i32
        %dma_wait3A_591 = tpu.memref_slice %arg5[%add3A_160, %dma_wait3A_589, %dma_wait3A_590] : memref<8193x4x1024xf32, #tpu.memory_space<hbm>> -> memref<4x4x1024xf32, #tpu.memory_space<hbm>>
        %dma_wait3A_592 = arith.constant 0 : i32
        %dma_wait3A_593 = arith.constant 0 : i32
        %dma_wait3A_594 = tpu.memref_slice %arg5[%add3A_160, %dma_wait3A_592, %dma_wait3A_593] : memref<8193x4x1024xf32, #tpu.memory_space<hbm>> -> memref<4x4x1024xf32, #tpu.memory_space<hbm>>
        %dma_wait3A_595 = arith.constant 4 : i32
        %dma_wait3A_596 = arith.constant 0 : i32
        %dma_wait3A_597 = arith.constant 0 : i32
        %dma_wait3A_598 = tpu.memref_slice %arg8[%dma_wait3A_595, %dma_wait3A_596, %dma_wait3A_597] : memref<8x4x1024xf32, #tpu.memory_space<vmem>> -> memref<4x4x1024xf32, #tpu.memory_space<vmem>>
        tpu.wait_dma2 semaphore(%arg18 : memref<!tpu.dma_semaphore, #tpu.memory_space<semaphore_mem>>) src(%dma_wait3A_598 : memref<4x4x1024xf32, #tpu.memory_space<vmem>>) dst(%dma_wait3A_594 : memref<4x4x1024xf32, #tpu.memory_space<hbm>>)
      } else {
      }
      %parallel_loop3A_348 = arith.constant 0 : i32
      %parallel_loop3A_349 = arith.constant 1024 : i32
      %parallel_loop3A_350 = arith.constant 16 : i32
      scf.for %parallel_loop3A_585 = %parallel_loop3A_348 to %parallel_loop3A_349 step %parallel_loop3A_350  : i32 {
        %parallel_loop3A_586 = arith.constant 0 : i32
        %parallel_loop3A_587 = arith.constant 5 : i32
        %parallel_loop3A_588 = arith.index_cast %parallel_loop3A_586 : i32 to index
        %parallel_loop3A_589 = arith.index_cast %parallel_loop3A_587 : i32 to index
        %parallel_loop3A_590 = arith.index_cast %parallel_loop3A_585 : i32 to index
        %parallel_loop3A_591 = tpu.vector_load %arg9[%parallel_loop3A_588, %parallel_loop3A_589, %parallel_loop3A_590] {strides = array<i32>} : memref<2x8x1024xf32, #tpu.memory_space<vmem>>, vector<1x1x16xf32>,
        %parallel_loop3A_592 = vector.shape_cast %parallel_loop3A_591 : vector<1x1x16xf32> to vector<16xf32>
        %parallel_loop3A_593 = arith.constant 0 : i32
        %parallel_loop3A_594 = arith.constant 4 : i32
        %parallel_loop3A_595 = arith.index_cast %parallel_loop3A_593 : i32 to index
        %parallel_loop3A_596 = arith.index_cast %parallel_loop3A_594 : i32 to index
        %parallel_loop3A_597 = arith.index_cast %parallel_loop3A_585 : i32 to index
        %parallel_loop3A_598 = tpu.vector_load %arg6[%parallel_loop3A_595, %parallel_loop3A_596, %parallel_loop3A_597] {strides = array<i32>} : memref<4x8x1024xf32, #tpu.memory_space<vmem>>, vector<1x1x16xf32>,
        %parallel_loop3A_599 = vector.shape_cast %parallel_loop3A_598 : vector<1x1x16xf32> to vector<16xf32>
        %parallel_loop3A_600 = arith.addf %parallel_loop3A_599, %parallel_loop3A_592 : vector<16xf32>
        %parallel_loop3A_601 = arith.constant 4 : i32
        %parallel_loop3A_602 = arith.constant 0 : i32
        %parallel_loop3A_603 = arith.index_cast %parallel_loop3A_601 : i32 to index
        %parallel_loop3A_604 = arith.index_cast %parallel_loop3A_602 : i32 to index
        %parallel_loop3A_605 = arith.index_cast %parallel_loop3A_585 : i32 to index
        %parallel_loop3A_606 = tpu.vector_load %arg8[%parallel_loop3A_603, %parallel_loop3A_604, %parallel_loop3A_605] {strides = array<i32>} : memref<8x4x1024xf32, #tpu.memory_space<vmem>>, vector<1x1x16xf32>,
        %parallel_loop3A_607 = vector.shape_cast %parallel_loop3A_606 : vector<1x1x16xf32> to vector<16xf32>
        %parallel_loop3A_608 = vector.shape_cast %parallel_loop3A_600 : vector<16xf32> to vector<1x1x16xf32>
        tpu.vector_store %arg8[%parallel_loop3A_603, %parallel_loop3A_604, %parallel_loop3A_605], %parallel_loop3A_608 {strides = array<i32>} : memref<8x4x1024xf32, #tpu.memory_space<vmem>>, vector<1x1x16xf32>,
        %parallel_loop3A_609 = arith.constant 1 : i32
        %parallel_loop3A_610 = arith.constant 4 : i32
        %parallel_loop3A_611 = arith.index_cast %parallel_loop3A_609 : i32 to index
        %parallel_loop3A_612 = arith.index_cast %parallel_loop3A_610 : i32 to index
        %parallel_loop3A_613 = arith.index_cast %parallel_loop3A_585 : i32 to index
        %parallel_loop3A_614 = tpu.vector_load %arg6[%parallel_loop3A_611, %parallel_loop3A_612, %parallel_loop3A_613] {strides = array<i32>} : memref<4x8x1024xf32, #tpu.memory_space<vmem>>, vector<1x1x16xf32>,
        %parallel_loop3A_615 = vector.shape_cast %parallel_loop3A_614 : vector<1x1x16xf32> to vector<16xf32>
        %parallel_loop3A_616 = arith.addf %parallel_loop3A_615, %parallel_loop3A_592 : vector<16xf32>
        %parallel_loop3A_617 = arith.constant 4 : i32
        %parallel_loop3A_618 = arith.constant 1 : i32
        %parallel_loop3A_619 = arith.index_cast %parallel_loop3A_617 : i32 to index
        %parallel_loop3A_620 = arith.index_cast %parallel_loop3A_618 : i32 to index
        %parallel_loop3A_621 = arith.index_cast %parallel_loop3A_585 : i32 to index
        %parallel_loop3A_622 = tpu.vector_load %arg8[%parallel_loop3A_619, %parallel_loop3A_620, %parallel_loop3A_621] {strides = array<i32>} : memref<8x4x1024xf32, #tpu.memory_space<vmem>>, vector<1x1x16xf32>,
        %parallel_loop3A_623 = vector.shape_cast %parallel_loop3A_622 : vector<1x1x16xf32> to vector<16xf32>
        %parallel_loop3A_624 = vector.shape_cast %parallel_loop3A_616 : vector<16xf32> to vector<1x1x16xf32>
        tpu.vector_store %arg8[%parallel_loop3A_619, %parallel_loop3A_620, %parallel_loop3A_621], %parallel_loop3A_624 {strides = array<i32>} : memref<8x4x1024xf32, #tpu.memory_space<vmem>>, vector<1x1x16xf32>,
        %parallel_loop3A_625 = arith.constant 2 : i32
        %parallel_loop3A_626 = arith.constant 4 : i32
        %parallel_loop3A_627 = arith.index_cast %parallel_loop3A_625 : i32 to index
        %parallel_loop3A_628 = arith.index_cast %parallel_loop3A_626 : i32 to index
        %parallel_loop3A_629 = arith.index_cast %parallel_loop3A_585 : i32 to index
        %parallel_loop3A_630 = tpu.vector_load %arg6[%parallel_loop3A_627, %parallel_loop3A_628, %parallel_loop3A_629] {strides = array<i32>} : memref<4x8x1024xf32, #tpu.memory_space<vmem>>, vector<1x1x16xf32>,
        %parallel_loop3A_631 = vector.shape_cast %parallel_loop3A_630 : vector<1x1x16xf32> to vector<16xf32>
        %parallel_loop3A_632 = arith.addf %parallel_loop3A_631, %parallel_loop3A_592 : vector<16xf32>
        %parallel_loop3A_633 = arith.constant 4 : i32
        %parallel_loop3A_634 = arith.constant 2 : i32
        %parallel_loop3A_635 = arith.index_cast %parallel_loop3A_633 : i32 to index
        %parallel_loop3A_636 = arith.index_cast %parallel_loop3A_634 : i32 to index
        %parallel_loop3A_637 = arith.index_cast %parallel_loop3A_585 : i32 to index
        %parallel_loop3A_638 = tpu.vector_load %arg8[%parallel_loop3A_635, %parallel_loop3A_636, %parallel_loop3A_637] {strides = array<i32>} : memref<8x4x1024xf32, #tpu.memory_space<vmem>>, vector<1x1x16xf32>,
        %parallel_loop3A_639 = vector.shape_cast %parallel_loop3A_638 : vector<1x1x16xf32> to vector<16xf32>
        %parallel_loop3A_640 = vector.shape_cast %parallel_loop3A_632 : vector<16xf32> to vector<1x1x16xf32>
        tpu.vector_store %arg8[%parallel_loop3A_635, %parallel_loop3A_636, %parallel_loop3A_637], %parallel_loop3A_640 {strides = array<i32>} : memref<8x4x1024xf32, #tpu.memory_space<vmem>>, vector<1x1x16xf32>,
        %parallel_loop3A_641 = arith.constant 3 : i32
        %parallel_loop3A_642 = arith.constant 4 : i32
        %parallel_loop3A_643 = arith.index_cast %parallel_loop3A_641 : i32 to index
        %parallel_loop3A_644 = arith.index_cast %parallel_loop3A_642 : i32 to index
        %parallel_loop3A_645 = arith.index_cast %parallel_loop3A_585 : i32 to index
        %parallel_loop3A_646 = tpu.vector_load %arg6[%parallel_loop3A_643, %parallel_loop3A_644, %parallel_loop3A_645] {strides = array<i32>} : memref<4x8x1024xf32, #tpu.memory_space<vmem>>, vector<1x1x16xf32>,
        %parallel_loop3A_647 = vector.shape_cast %parallel_loop3A_646 : vector<1x1x16xf32> to vector<16xf32>
        %parallel_loop3A_648 = arith.addf %parallel_loop3A_647, %parallel_loop3A_592 : vector<16xf32>
        %parallel_loop3A_649 = arith.constant 4 : i32
        %parallel_loop3A_650 = arith.constant 3 : i32
        %parallel_loop3A_651 = arith.index_cast %parallel_loop3A_649 : i32 to index
        %parallel_loop3A_652 = arith.index_cast %parallel_loop3A_650 : i32 to index
        %parallel_loop3A_653 = arith.index_cast %parallel_loop3A_585 : i32 to index
        %parallel_loop3A_654 = tpu.vector_load %arg8[%parallel_loop3A_651, %parallel_loop3A_652, %parallel_loop3A_653] {strides = array<i32>} : memref<8x4x1024xf32, #tpu.memory_space<vmem>>, vector<1x1x16xf32>,
        %parallel_loop3A_655 = vector.shape_cast %parallel_loop3A_654 : vector<1x1x16xf32> to vector<16xf32>
        %parallel_loop3A_656 = vector.shape_cast %parallel_loop3A_648 : vector<16xf32> to vector<1x1x16xf32>
        tpu.vector_store %arg8[%parallel_loop3A_651, %parallel_loop3A_652, %parallel_loop3A_653], %parallel_loop3A_656 {strides = array<i32>} : memref<8x4x1024xf32, #tpu.memory_space<vmem>>, vector<1x1x16xf32>,
        %parallel_loop3A_657 = arith.constant 0 : i32
        %parallel_loop3A_658 = arith.constant 6 : i32
        %parallel_loop3A_659 = arith.index_cast %parallel_loop3A_657 : i32 to index
        %parallel_loop3A_660 = arith.index_cast %parallel_loop3A_658 : i32 to index
        %parallel_loop3A_661 = arith.index_cast %parallel_loop3A_585 : i32 to index
        %parallel_loop3A_662 = tpu.vector_load %arg9[%parallel_loop3A_659, %parallel_loop3A_660, %parallel_loop3A_661] {strides = array<i32>} : memref<2x8x1024xf32, #tpu.memory_space<vmem>>, vector<1x1x16xf32>,
        %parallel_loop3A_663 = vector.shape_cast %parallel_loop3A_662 : vector<1x1x16xf32> to vector<16xf32>
        %parallel_loop3A_664 = arith.constant 0 : i32
        %parallel_loop3A_665 = arith.constant 5 : i32
        %parallel_loop3A_666 = arith.index_cast %parallel_loop3A_664 : i32 to index
        %parallel_loop3A_667 = arith.index_cast %parallel_loop3A_665 : i32 to index
        %parallel_loop3A_668 = arith.index_cast %parallel_loop3A_585 : i32 to index
        %parallel_loop3A_669 = tpu.vector_load %arg6[%parallel_loop3A_666, %parallel_loop3A_667, %parallel_loop3A_668] {strides = array<i32>} : memref<4x8x1024xf32, #tpu.memory_space<vmem>>, vector<1x1x16xf32>,
        %parallel_loop3A_670 = vector.shape_cast %parallel_loop3A_669 : vector<1x1x16xf32> to vector<16xf32>
        %parallel_loop3A_671 = arith.addf %parallel_loop3A_670, %parallel_loop3A_663 : vector<16xf32>
        %parallel_loop3A_672 = arith.constant 5 : i32
        %parallel_loop3A_673 = arith.constant 0 : i32
        %parallel_loop3A_674 = arith.index_cast %parallel_loop3A_672 : i32 to index
        %parallel_loop3A_675 = arith.index_cast %parallel_loop3A_673 : i32 to index
        %parallel_loop3A_676 = arith.index_cast %parallel_loop3A_585 : i32 to index
        %parallel_loop3A_677 = tpu.vector_load %arg8[%parallel_loop3A_674, %parallel_loop3A_675, %parallel_loop3A_676] {strides = array<i32>} : memref<8x4x1024xf32, #tpu.memory_space<vmem>>, vector<1x1x16xf32>,
        %parallel_loop3A_678 = vector.shape_cast %parallel_loop3A_677 : vector<1x1x16xf32> to vector<16xf32>
        %parallel_loop3A_679 = vector.shape_cast %parallel_loop3A_671 : vector<16xf32> to vector<1x1x16xf32>
        tpu.vector_store %arg8[%parallel_loop3A_674, %parallel_loop3A_675, %parallel_loop3A_676], %parallel_loop3A_679 {strides = array<i32>} : memref<8x4x1024xf32, #tpu.memory_space<vmem>>, vector<1x1x16xf32>,
        %parallel_loop3A_680 = arith.constant 1 : i32
        %parallel_loop3A_681 = arith.constant 5 : i32
        %parallel_loop3A_682 = arith.index_cast %parallel_loop3A_680 : i32 to index
        %parallel_loop3A_683 = arith.index_cast %parallel_loop3A_681 : i32 to index
        %parallel_loop3A_684 = arith.index_cast %parallel_loop3A_585 : i32 to index
        %parallel_loop3A_685 = tpu.vector_load %arg6[%parallel_loop3A_682, %parallel_loop3A_683, %parallel_loop3A_684] {strides = array<i32>} : memref<4x8x1024xf32, #tpu.memory_space<vmem>>, vector<1x1x16xf32>,
        %parallel_loop3A_686 = vector.shape_cast %parallel_loop3A_685 : vector<1x1x16xf32> to vector<16xf32>
        %parallel_loop3A_687 = arith.addf %parallel_loop3A_686, %parallel_loop3A_663 : vector<16xf32>
        %parallel_loop3A_688 = arith.constant 5 : i32
        %parallel_loop3A_689 = arith.constant 1 : i32
        %parallel_loop3A_690 = arith.index_cast %parallel_loop3A_688 : i32 to index
        %parallel_loop3A_691 = arith.index_cast %parallel_loop3A_689 : i32 to index
        %parallel_loop3A_692 = arith.index_cast %parallel_loop3A_585 : i32 to index
        %parallel_loop3A_693 = tpu.vector_load %arg8[%parallel_loop3A_690, %parallel_loop3A_691, %parallel_loop3A_692] {strides = array<i32>} : memref<8x4x1024xf32, #tpu.memory_space<vmem>>, vector<1x1x16xf32>,
        %parallel_loop3A_694 = vector.shape_cast %parallel_loop3A_693 : vector<1x1x16xf32> to vector<16xf32>
        %parallel_loop3A_695 = vector.shape_cast %parallel_loop3A_687 : vector<16xf32> to vector<1x1x16xf32>
        tpu.vector_store %arg8[%parallel_loop3A_690, %parallel_loop3A_691, %parallel_loop3A_692], %parallel_loop3A_695 {strides = array<i32>} : memref<8x4x1024xf32, #tpu.memory_space<vmem>>, vector<1x1x16xf32>,
        %parallel_loop3A_696 = arith.constant 2 : i32
        %parallel_loop3A_697 = arith.constant 5 : i32
        %parallel_loop3A_698 = arith.index_cast %parallel_loop3A_696 : i32 to index
        %parallel_loop3A_699 = arith.index_cast %parallel_loop3A_697 : i32 to index
        %parallel_loop3A_700 = arith.index_cast %parallel_loop3A_585 : i32 to index
        %parallel_loop3A_701 = tpu.vector_load %arg6[%parallel_loop3A_698, %parallel_loop3A_699, %parallel_loop3A_700] {strides = array<i32>} : memref<4x8x1024xf32, #tpu.memory_space<vmem>>, vector<1x1x16xf32>,
        %parallel_loop3A_702 = vector.shape_cast %parallel_loop3A_701 : vector<1x1x16xf32> to vector<16xf32>
        %parallel_loop3A_703 = arith.addf %parallel_loop3A_702, %parallel_loop3A_663 : vector<16xf32>
        %parallel_loop3A_704 = arith.constant 5 : i32
        %parallel_loop3A_705 = arith.constant 2 : i32
        %parallel_loop3A_706 = arith.index_cast %parallel_loop3A_704 : i32 to index
        %parallel_loop3A_707 = arith.index_cast %parallel_loop3A_705 : i32 to index
        %parallel_loop3A_708 = arith.index_cast %parallel_loop3A_585 : i32 to index
        %parallel_loop3A_709 = tpu.vector_load %arg8[%parallel_loop3A_706, %parallel_loop3A_707, %parallel_loop3A_708] {strides = array<i32>} : memref<8x4x1024xf32, #tpu.memory_space<vmem>>, vector<1x1x16xf32>,
        %parallel_loop3A_710 = vector.shape_cast %parallel_loop3A_709 : vector<1x1x16xf32> to vector<16xf32>
        %parallel_loop3A_711 = vector.shape_cast %parallel_loop3A_703 : vector<16xf32> to vector<1x1x16xf32>
        tpu.vector_store %arg8[%parallel_loop3A_706, %parallel_loop3A_707, %parallel_loop3A_708], %parallel_loop3A_711 {strides = array<i32>} : memref<8x4x1024xf32, #tpu.memory_space<vmem>>, vector<1x1x16xf32>,
        %parallel_loop3A_712 = arith.constant 3 : i32
        %parallel_loop3A_713 = arith.constant 5 : i32
        %parallel_loop3A_714 = arith.index_cast %parallel_loop3A_712 : i32 to index
        %parallel_loop3A_715 = arith.index_cast %parallel_loop3A_713 : i32 to index
        %parallel_loop3A_716 = arith.index_cast %parallel_loop3A_585 : i32 to index
        %parallel_loop3A_717 = tpu.vector_load %arg6[%parallel_loop3A_714, %parallel_loop3A_715, %parallel_loop3A_716] {strides = array<i32>} : memref<4x8x1024xf32, #tpu.memory_space<vmem>>, vector<1x1x16xf32>,
        %parallel_loop3A_718 = vector.shape_cast %parallel_loop3A_717 : vector<1x1x16xf32> to vector<16xf32>
        %parallel_loop3A_719 = arith.addf %parallel_loop3A_718, %parallel_loop3A_663 : vector<16xf32>
        %parallel_loop3A_720 = arith.constant 5 : i32
        %parallel_loop3A_721 = arith.constant 3 : i32
        %parallel_loop3A_722 = arith.index_cast %parallel_loop3A_720 : i32 to index
        %parallel_loop3A_723 = arith.index_cast %parallel_loop3A_721 : i32 to index
        %parallel_loop3A_724 = arith.index_cast %parallel_loop3A_585 : i32 to index
        %parallel_loop3A_725 = tpu.vector_load %arg8[%parallel_loop3A_722, %parallel_loop3A_723, %parallel_loop3A_724] {strides = array<i32>} : memref<8x4x1024xf32, #tpu.memory_space<vmem>>, vector<1x1x16xf32>,
        %parallel_loop3A_726 = vector.shape_cast %parallel_loop3A_725 : vector<1x1x16xf32> to vector<16xf32>
        %parallel_loop3A_727 = vector.shape_cast %parallel_loop3A_719 : vector<16xf32> to vector<1x1x16xf32>
        tpu.vector_store %arg8[%parallel_loop3A_722, %parallel_loop3A_723, %parallel_loop3A_724], %parallel_loop3A_727 {strides = array<i32>} : memref<8x4x1024xf32, #tpu.memory_space<vmem>>, vector<1x1x16xf32>,
        %parallel_loop3A_728 = arith.constant 0 : i32
        %parallel_loop3A_729 = arith.constant 7 : i32
        %parallel_loop3A_730 = arith.index_cast %parallel_loop3A_728 : i32 to index
        %parallel_loop3A_731 = arith.index_cast %parallel_loop3A_729 : i32 to index
        %parallel_loop3A_732 = arith.index_cast %parallel_loop3A_585 : i32 to index
        %parallel_loop3A_733 = tpu.vector_load %arg9[%parallel_loop3A_730, %parallel_loop3A_731, %parallel_loop3A_732] {strides = array<i32>} : memref<2x8x1024xf32, #tpu.memory_space<vmem>>, vector<1x1x16xf32>,
        %parallel_loop3A_734 = vector.shape_cast %parallel_loop3A_733 : vector<1x1x16xf32> to vector<16xf32>
        %parallel_loop3A_735 = arith.constant 0 : i32
        %parallel_loop3A_736 = arith.constant 6 : i32
        %parallel_loop3A_737 = arith.index_cast %parallel_loop3A_735 : i32 to index
        %parallel_loop3A_738 = arith.index_cast %parallel_loop3A_736 : i32 to index
        %parallel_loop3A_739 = arith.index_cast %parallel_loop3A_585 : i32 to index
        %parallel_loop3A_740 = tpu.vector_load %arg6[%parallel_loop3A_737, %parallel_loop3A_738, %parallel_loop3A_739] {strides = array<i32>} : memref<4x8x1024xf32, #tpu.memory_space<vmem>>, vector<1x1x16xf32>,
        %parallel_loop3A_741 = vector.shape_cast %parallel_loop3A_740 : vector<1x1x16xf32> to vector<16xf32>
        %parallel_loop3A_742 = arith.addf %parallel_loop3A_741, %parallel_loop3A_734 : vector<16xf32>
        %parallel_loop3A_743 = arith.constant 6 : i32
        %parallel_loop3A_744 = arith.constant 0 : i32
        %parallel_loop3A_745 = arith.index_cast %parallel_loop3A_743 : i32 to index
        %parallel_loop3A_746 = arith.index_cast %parallel_loop3A_744 : i32 to index
        %parallel_loop3A_747 = arith.index_cast %parallel_loop3A_585 : i32 to index
        %parallel_loop3A_748 = tpu.vector_load %arg8[%parallel_loop3A_745, %parallel_loop3A_746, %parallel_loop3A_747] {strides = array<i32>} : memref<8x4x1024xf32, #tpu.memory_space<vmem>>, vector<1x1x16xf32>,
        %parallel_loop3A_749 = vector.shape_cast %parallel_loop3A_748 : vector<1x1x16xf32> to vector<16xf32>
        %parallel_loop3A_750 = vector.shape_cast %parallel_loop3A_742 : vector<16xf32> to vector<1x1x16xf32>
        tpu.vector_store %arg8[%parallel_loop3A_745, %parallel_loop3A_746, %parallel_loop3A_747], %parallel_loop3A_750 {strides = array<i32>} : memref<8x4x1024xf32, #tpu.memory_space<vmem>>, vector<1x1x16xf32>,
        %parallel_loop3A_751 = arith.constant 1 : i32
        %parallel_loop3A_752 = arith.constant 6 : i32
        %parallel_loop3A_753 = arith.index_cast %parallel_loop3A_751 : i32 to index
        %parallel_loop3A_754 = arith.index_cast %parallel_loop3A_752 : i32 to index
        %parallel_loop3A_755 = arith.index_cast %parallel_loop3A_585 : i32 to index
        %parallel_loop3A_756 = tpu.vector_load %arg6[%parallel_loop3A_753, %parallel_loop3A_754, %parallel_loop3A_755] {strides = array<i32>} : memref<4x8x1024xf32, #tpu.memory_space<vmem>>, vector<1x1x16xf32>,
        %parallel_loop3A_757 = vector.shape_cast %parallel_loop3A_756 : vector<1x1x16xf32> to vector<16xf32>
        %parallel_loop3A_758 = arith.addf %parallel_loop3A_757, %parallel_loop3A_734 : vector<16xf32>
        %parallel_loop3A_759 = arith.constant 6 : i32
        %parallel_loop3A_760 = arith.constant 1 : i32
        %parallel_loop3A_761 = arith.index_cast %parallel_loop3A_759 : i32 to index
        %parallel_loop3A_762 = arith.index_cast %parallel_loop3A_760 : i32 to index
        %parallel_loop3A_763 = arith.index_cast %parallel_loop3A_585 : i32 to index
        %parallel_loop3A_764 = tpu.vector_load %arg8[%parallel_loop3A_761, %parallel_loop3A_762, %parallel_loop3A_763] {strides = array<i32>} : memref<8x4x1024xf32, #tpu.memory_space<vmem>>, vector<1x1x16xf32>,
        %parallel_loop3A_765 = vector.shape_cast %parallel_loop3A_764 : vector<1x1x16xf32> to vector<16xf32>
        %parallel_loop3A_766 = vector.shape_cast %parallel_loop3A_758 : vector<16xf32> to vector<1x1x16xf32>
        tpu.vector_store %arg8[%parallel_loop3A_761, %parallel_loop3A_762, %parallel_loop3A_763], %parallel_loop3A_766 {strides = array<i32>} : memref<8x4x1024xf32, #tpu.memory_space<vmem>>, vector<1x1x16xf32>,
        %parallel_loop3A_767 = arith.constant 2 : i32
        %parallel_loop3A_768 = arith.constant 6 : i32
        %parallel_loop3A_769 = arith.index_cast %parallel_loop3A_767 : i32 to index
        %parallel_loop3A_770 = arith.index_cast %parallel_loop3A_768 : i32 to index
        %parallel_loop3A_771 = arith.index_cast %parallel_loop3A_585 : i32 to index
        %parallel_loop3A_772 = tpu.vector_load %arg6[%parallel_loop3A_769, %parallel_loop3A_770, %parallel_loop3A_771] {strides = array<i32>} : memref<4x8x1024xf32, #tpu.memory_space<vmem>>, vector<1x1x16xf32>,
        %parallel_loop3A_773 = vector.shape_cast %parallel_loop3A_772 : vector<1x1x16xf32> to vector<16xf32>
        %parallel_loop3A_774 = arith.addf %parallel_loop3A_773, %parallel_loop3A_734 : vector<16xf32>
        %parallel_loop3A_775 = arith.constant 6 : i32
        %parallel_loop3A_776 = arith.constant 2 : i32
        %parallel_loop3A_777 = arith.index_cast %parallel_loop3A_775 : i32 to index
        %parallel_loop3A_778 = arith.index_cast %parallel_loop3A_776 : i32 to index
        %parallel_loop3A_779 = arith.index_cast %parallel_loop3A_585 : i32 to index
        %parallel_loop3A_780 = tpu.vector_load %arg8[%parallel_loop3A_777, %parallel_loop3A_778, %parallel_loop3A_779] {strides = array<i32>} : memref<8x4x1024xf32, #tpu.memory_space<vmem>>, vector<1x1x16xf32>,
        %parallel_loop3A_781 = vector.shape_cast %parallel_loop3A_780 : vector<1x1x16xf32> to vector<16xf32>
        %parallel_loop3A_782 = vector.shape_cast %parallel_loop3A_774 : vector<16xf32> to vector<1x1x16xf32>
        tpu.vector_store %arg8[%parallel_loop3A_777, %parallel_loop3A_778, %parallel_loop3A_779], %parallel_loop3A_782 {strides = array<i32>} : memref<8x4x1024xf32, #tpu.memory_space<vmem>>, vector<1x1x16xf32>,
        %parallel_loop3A_783 = arith.constant 3 : i32
        %parallel_loop3A_784 = arith.constant 6 : i32
        %parallel_loop3A_785 = arith.index_cast %parallel_loop3A_783 : i32 to index
        %parallel_loop3A_786 = arith.index_cast %parallel_loop3A_784 : i32 to index
        %parallel_loop3A_787 = arith.index_cast %parallel_loop3A_585 : i32 to index
        %parallel_loop3A_788 = tpu.vector_load %arg6[%parallel_loop3A_785, %parallel_loop3A_786, %parallel_loop3A_787] {strides = array<i32>} : memref<4x8x1024xf32, #tpu.memory_space<vmem>>, vector<1x1x16xf32>,
        %parallel_loop3A_789 = vector.shape_cast %parallel_loop3A_788 : vector<1x1x16xf32> to vector<16xf32>
        %parallel_loop3A_790 = arith.addf %parallel_loop3A_789, %parallel_loop3A_734 : vector<16xf32>
        %parallel_loop3A_791 = arith.constant 6 : i32
        %parallel_loop3A_792 = arith.constant 3 : i32
        %parallel_loop3A_793 = arith.index_cast %parallel_loop3A_791 : i32 to index
        %parallel_loop3A_794 = arith.index_cast %parallel_loop3A_792 : i32 to index
        %parallel_loop3A_795 = arith.index_cast %parallel_loop3A_585 : i32 to index
        %parallel_loop3A_796 = tpu.vector_load %arg8[%parallel_loop3A_793, %parallel_loop3A_794, %parallel_loop3A_795] {strides = array<i32>} : memref<8x4x1024xf32, #tpu.memory_space<vmem>>, vector<1x1x16xf32>,
        %parallel_loop3A_797 = vector.shape_cast %parallel_loop3A_796 : vector<1x1x16xf32> to vector<16xf32>
        %parallel_loop3A_798 = vector.shape_cast %parallel_loop3A_790 : vector<16xf32> to vector<1x1x16xf32>
        tpu.vector_store %arg8[%parallel_loop3A_793, %parallel_loop3A_794, %parallel_loop3A_795], %parallel_loop3A_798 {strides = array<i32>} : memref<8x4x1024xf32, #tpu.memory_space<vmem>>, vector<1x1x16xf32>,
      } {sc.loop_unroll_factor = 4 : i64, sc.parallel_access}
      %add3A_351 = arith.constant 2 : i32
      %add3A_352 = arith.addi %add3A_157, %add3A_351 : i32
      %mul3A_353 = arith.constant 8 : i32
      %mul3A_354 = arith.muli %add3A_352, %mul3A_353 : i32
      %add3A_355 = arith.addi %mul3A_2, %mul3A_354 : i32
      %dma_start3A_356 = arith.constant 0 : i32
      %dma_start3A_357 = arith.constant 0 : i32
      %dma_start3A_358 = arith.constant 0 : i32
      %dma_start3A_359 = tpu.memref_slice %arg9[%dma_start3A_356, %dma_start3A_357, %dma_start3A_358] : memref<2x8x1024xf32, #tpu.memory_space<vmem>> -> memref<1x8x1024xf32, #tpu.memory_space<vmem>>
      %dma_start3A_360 = tpu.memref_squeeze %dma_start3A_359 : memref<1x8x1024xf32, #tpu.memory_space<vmem>> -> memref<8x1024xf32, #tpu.memory_space<vmem>>
      %dma_start3A_361 = arith.constant 0 : i32
      %dma_start3A_362 = tpu.memref_slice %arg4[%add3A_355, %dma_start3A_361] : memref<8193x1024xf32, #tpu.memory_space<hbm>> -> memref<8x1024xf32, #tpu.memory_space<hbm>>
      %dma_start3A_363 = arith.constant 0 : i32
      %dma_start3A_364 = arith.constant 0 : i32
      %dma_start3A_365 = tpu.memref_slice %arg9[%dma_start3A_356, %dma_start3A_363, %dma_start3A_364] : memref<2x8x1024xf32, #tpu.memory_space<vmem>> -> memref<1x8x1024xf32, #tpu.memory_space<vmem>>
      %dma_start3A_366 = tpu.memref_squeeze %dma_start3A_365 : memref<1x8x1024xf32, #tpu.memory_space<vmem>> -> memref<8x1024xf32, #tpu.memory_space<vmem>>
      %dma_start3A_367 = arith.constant 0 : i32
      %dma_start3A_368 = tpu.memref_slice %arg4[%add3A_355, %dma_start3A_367] : memref<8193x1024xf32, #tpu.memory_space<hbm>> -> memref<8x1024xf32, #tpu.memory_space<hbm>>
      tpu.enqueue_dma source(%dma_start3A_368 : memref<8x1024xf32, #tpu.memory_space<hbm>>) target(%dma_start3A_366 : memref<8x1024xf32, #tpu.memory_space<vmem>>) target_semaphore(%arg15 : memref<!tpu.dma_semaphore, #tpu.memory_space<semaphore_mem>>)
      %add3A_369 = arith.constant 1 : i32
      %add3A_370 = arith.addi %add3A_157, %add3A_369 : i32
      %mul3A_371 = arith.constant 8 : i32
      %mul3A_372 = arith.muli %add3A_370, %mul3A_371 : i32
      %add3A_373 = arith.addi %mul3A_2, %mul3A_372 : i32
      %dma_wait3A_374 = arith.constant 1 : i32
      %dma_wait3A_375 = arith.constant 0 : i32
      %dma_wait3A_376 = arith.constant 0 : i32
      %dma_wait3A_377 = tpu.memref_slice %arg9[%dma_wait3A_374, %dma_wait3A_375, %dma_wait3A_376] : memref<2x8x1024xf32, #tpu.memory_space<vmem>> -> memref<1x8x1024xf32, #tpu.memory_space<vmem>>
      %dma_wait3A_378 = tpu.memref_squeeze %dma_wait3A_377 : memref<1x8x1024xf32, #tpu.memory_space<vmem>> -> memref<8x1024xf32, #tpu.memory_space<vmem>>
      %dma_wait3A_379 = arith.constant 0 : i32
      %dma_wait3A_380 = tpu.memref_slice %arg4[%add3A_373, %dma_wait3A_379] : memref<8193x1024xf32, #tpu.memory_space<hbm>> -> memref<8x1024xf32, #tpu.memory_space<hbm>>
      %dma_wait3A_381 = arith.constant 0 : i32
      %dma_wait3A_382 = arith.constant 0 : i32
      %dma_wait3A_383 = tpu.memref_slice %arg9[%dma_wait3A_374, %dma_wait3A_381, %dma_wait3A_382] : memref<2x8x1024xf32, #tpu.memory_space<vmem>> -> memref<1x8x1024xf32, #tpu.memory_space<vmem>>
      %dma_wait3A_384 = tpu.memref_squeeze %dma_wait3A_383 : memref<1x8x1024xf32, #tpu.memory_space<vmem>> -> memref<8x1024xf32, #tpu.memory_space<vmem>>
      %dma_wait3A_385 = arith.constant 0 : i32
      %dma_wait3A_386 = tpu.memref_slice %arg4[%add3A_373, %dma_wait3A_385] : memref<8193x1024xf32, #tpu.memory_space<hbm>> -> memref<8x1024xf32, #tpu.memory_space<hbm>>
      tpu.wait_dma2 semaphore(%arg16 : memref<!tpu.dma_semaphore, #tpu.memory_space<semaphore_mem>>) src(%dma_wait3A_386 : memref<8x1024xf32, #tpu.memory_space<hbm>>) dst(%dma_wait3A_384 : memref<8x1024xf32, #tpu.memory_space<vmem>>)
      %parallel_loop3A_387 = arith.constant 0 : i32
      %parallel_loop3A_388 = arith.constant 1024 : i32
      %parallel_loop3A_389 = arith.constant 16 : i32
      scf.for %parallel_loop3A_585 = %parallel_loop3A_387 to %parallel_loop3A_388 step %parallel_loop3A_389  : i32 {
        %parallel_loop3A_586 = arith.constant 1 : i32
        %parallel_loop3A_587 = arith.constant 0 : i32
        %parallel_loop3A_588 = arith.index_cast %parallel_loop3A_586 : i32 to index
        %parallel_loop3A_589 = arith.index_cast %parallel_loop3A_587 : i32 to index
        %parallel_loop3A_590 = arith.index_cast %parallel_loop3A_585 : i32 to index
        %parallel_loop3A_591 = tpu.vector_load %arg9[%parallel_loop3A_588, %parallel_loop3A_589, %parallel_loop3A_590] {strides = array<i32>} : memref<2x8x1024xf32, #tpu.memory_space<vmem>>, vector<1x1x16xf32>,
        %parallel_loop3A_592 = vector.shape_cast %parallel_loop3A_591 : vector<1x1x16xf32> to vector<16xf32>
        %parallel_loop3A_593 = arith.constant 0 : i32
        %parallel_loop3A_594 = arith.constant 7 : i32
        %parallel_loop3A_595 = arith.index_cast %parallel_loop3A_593 : i32 to index
        %parallel_loop3A_596 = arith.index_cast %parallel_loop3A_594 : i32 to index
        %parallel_loop3A_597 = arith.index_cast %parallel_loop3A_585 : i32 to index
        %parallel_loop3A_598 = tpu.vector_load %arg6[%parallel_loop3A_595, %parallel_loop3A_596, %parallel_loop3A_597] {strides = array<i32>} : memref<4x8x1024xf32, #tpu.memory_space<vmem>>, vector<1x1x16xf32>,
        %parallel_loop3A_599 = vector.shape_cast %parallel_loop3A_598 : vector<1x1x16xf32> to vector<16xf32>
        %parallel_loop3A_600 = arith.addf %parallel_loop3A_599, %parallel_loop3A_592 : vector<16xf32>
        %parallel_loop3A_601 = arith.constant 7 : i32
        %parallel_loop3A_602 = arith.constant 0 : i32
        %parallel_loop3A_603 = arith.index_cast %parallel_loop3A_601 : i32 to index
        %parallel_loop3A_604 = arith.index_cast %parallel_loop3A_602 : i32 to index
        %parallel_loop3A_605 = arith.index_cast %parallel_loop3A_585 : i32 to index
        %parallel_loop3A_606 = tpu.vector_load %arg8[%parallel_loop3A_603, %parallel_loop3A_604, %parallel_loop3A_605] {strides = array<i32>} : memref<8x4x1024xf32, #tpu.memory_space<vmem>>, vector<1x1x16xf32>,
        %parallel_loop3A_607 = vector.shape_cast %parallel_loop3A_606 : vector<1x1x16xf32> to vector<16xf32>
        %parallel_loop3A_608 = vector.shape_cast %parallel_loop3A_600 : vector<16xf32> to vector<1x1x16xf32>
        tpu.vector_store %arg8[%parallel_loop3A_603, %parallel_loop3A_604, %parallel_loop3A_605], %parallel_loop3A_608 {strides = array<i32>} : memref<8x4x1024xf32, #tpu.memory_space<vmem>>, vector<1x1x16xf32>,
        %parallel_loop3A_609 = arith.constant 1 : i32
        %parallel_loop3A_610 = arith.constant 7 : i32
        %parallel_loop3A_611 = arith.index_cast %parallel_loop3A_609 : i32 to index
        %parallel_loop3A_612 = arith.index_cast %parallel_loop3A_610 : i32 to index
        %parallel_loop3A_613 = arith.index_cast %parallel_loop3A_585 : i32 to index
        %parallel_loop3A_614 = tpu.vector_load %arg6[%parallel_loop3A_611, %parallel_loop3A_612, %parallel_loop3A_613] {strides = array<i32>} : memref<4x8x1024xf32, #tpu.memory_space<vmem>>, vector<1x1x16xf32>,
        %parallel_loop3A_615 = vector.shape_cast %parallel_loop3A_614 : vector<1x1x16xf32> to vector<16xf32>
        %parallel_loop3A_616 = arith.addf %parallel_loop3A_615, %parallel_loop3A_592 : vector<16xf32>
        %parallel_loop3A_617 = arith.constant 7 : i32
        %parallel_loop3A_618 = arith.constant 1 : i32
        %parallel_loop3A_619 = arith.index_cast %parallel_loop3A_617 : i32 to index
        %parallel_loop3A_620 = arith.index_cast %parallel_loop3A_618 : i32 to index
        %parallel_loop3A_621 = arith.index_cast %parallel_loop3A_585 : i32 to index
        %parallel_loop3A_622 = tpu.vector_load %arg8[%parallel_loop3A_619, %parallel_loop3A_620, %parallel_loop3A_621] {strides = array<i32>} : memref<8x4x1024xf32, #tpu.memory_space<vmem>>, vector<1x1x16xf32>,
        %parallel_loop3A_623 = vector.shape_cast %parallel_loop3A_622 : vector<1x1x16xf32> to vector<16xf32>
        %parallel_loop3A_624 = vector.shape_cast %parallel_loop3A_616 : vector<16xf32> to vector<1x1x16xf32>
        tpu.vector_store %arg8[%parallel_loop3A_619, %parallel_loop3A_620, %parallel_loop3A_621], %parallel_loop3A_624 {strides = array<i32>} : memref<8x4x1024xf32, #tpu.memory_space<vmem>>, vector<1x1x16xf32>,
        %parallel_loop3A_625 = arith.constant 2 : i32
        %parallel_loop3A_626 = arith.constant 7 : i32
        %parallel_loop3A_627 = arith.index_cast %parallel_loop3A_625 : i32 to index
        %parallel_loop3A_628 = arith.index_cast %parallel_loop3A_626 : i32 to index
        %parallel_loop3A_629 = arith.index_cast %parallel_loop3A_585 : i32 to index
        %parallel_loop3A_630 = tpu.vector_load %arg6[%parallel_loop3A_627, %parallel_loop3A_628, %parallel_loop3A_629] {strides = array<i32>} : memref<4x8x1024xf32, #tpu.memory_space<vmem>>, vector<1x1x16xf32>,
        %parallel_loop3A_631 = vector.shape_cast %parallel_loop3A_630 : vector<1x1x16xf32> to vector<16xf32>
        %parallel_loop3A_632 = arith.addf %parallel_loop3A_631, %parallel_loop3A_592 : vector<16xf32>
        %parallel_loop3A_633 = arith.constant 7 : i32
        %parallel_loop3A_634 = arith.constant 2 : i32
        %parallel_loop3A_635 = arith.index_cast %parallel_loop3A_633 : i32 to index
        %parallel_loop3A_636 = arith.index_cast %parallel_loop3A_634 : i32 to index
        %parallel_loop3A_637 = arith.index_cast %parallel_loop3A_585 : i32 to index
        %parallel_loop3A_638 = tpu.vector_load %arg8[%parallel_loop3A_635, %parallel_loop3A_636, %parallel_loop3A_637] {strides = array<i32>} : memref<8x4x1024xf32, #tpu.memory_space<vmem>>, vector<1x1x16xf32>,
        %parallel_loop3A_639 = vector.shape_cast %parallel_loop3A_638 : vector<1x1x16xf32> to vector<16xf32>
        %parallel_loop3A_640 = vector.shape_cast %parallel_loop3A_632 : vector<16xf32> to vector<1x1x16xf32>
        tpu.vector_store %arg8[%parallel_loop3A_635, %parallel_loop3A_636, %parallel_loop3A_637], %parallel_loop3A_640 {strides = array<i32>} : memref<8x4x1024xf32, #tpu.memory_space<vmem>>, vector<1x1x16xf32>,
        %parallel_loop3A_641 = arith.constant 3 : i32
        %parallel_loop3A_642 = arith.constant 7 : i32
        %parallel_loop3A_643 = arith.index_cast %parallel_loop3A_641 : i32 to index
        %parallel_loop3A_644 = arith.index_cast %parallel_loop3A_642 : i32 to index
        %parallel_loop3A_645 = arith.index_cast %parallel_loop3A_585 : i32 to index
        %parallel_loop3A_646 = tpu.vector_load %arg6[%parallel_loop3A_643, %parallel_loop3A_644, %parallel_loop3A_645] {strides = array<i32>} : memref<4x8x1024xf32, #tpu.memory_space<vmem>>, vector<1x1x16xf32>,
        %parallel_loop3A_647 = vector.shape_cast %parallel_loop3A_646 : vector<1x1x16xf32> to vector<16xf32>
        %parallel_loop3A_648 = arith.addf %parallel_loop3A_647, %parallel_loop3A_592 : vector<16xf32>
        %parallel_loop3A_649 = arith.constant 7 : i32
        %parallel_loop3A_650 = arith.constant 3 : i32
        %parallel_loop3A_651 = arith.index_cast %parallel_loop3A_649 : i32 to index
        %parallel_loop3A_652 = arith.index_cast %parallel_loop3A_650 : i32 to index
        %parallel_loop3A_653 = arith.index_cast %parallel_loop3A_585 : i32 to index
        %parallel_loop3A_654 = tpu.vector_load %arg8[%parallel_loop3A_651, %parallel_loop3A_652, %parallel_loop3A_653] {strides = array<i32>} : memref<8x4x1024xf32, #tpu.memory_space<vmem>>, vector<1x1x16xf32>,
        %parallel_loop3A_655 = vector.shape_cast %parallel_loop3A_654 : vector<1x1x16xf32> to vector<16xf32>
        %parallel_loop3A_656 = vector.shape_cast %parallel_loop3A_648 : vector<16xf32> to vector<1x1x16xf32>
        tpu.vector_store %arg8[%parallel_loop3A_651, %parallel_loop3A_652, %parallel_loop3A_653], %parallel_loop3A_656 {strides = array<i32>} : memref<8x4x1024xf32, #tpu.memory_space<vmem>>, vector<1x1x16xf32>,
      } {sc.loop_unroll_factor = 4 : i64, sc.parallel_access}
      %add3A_390 = arith.constant 5 : i32
      %add3A_391 = arith.addi %add3A_160, %add3A_390 : i32
      %dma_start3A_392 = arith.constant 4 : i32
      %dma_start3A_393 = arith.constant 0 : i32
      %dma_start3A_394 = arith.constant 0 : i32
      %dma_start3A_395 = tpu.memref_slice %arg8[%dma_start3A_392, %dma_start3A_393, %dma_start3A_394] : memref<8x4x1024xf32, #tpu.memory_space<vmem>> -> memref<4x4x1024xf32, #tpu.memory_space<vmem>>
      %dma_start3A_396 = arith.constant 0 : i32
      %dma_start3A_397 = arith.constant 0 : i32
      %dma_start3A_398 = tpu.memref_slice %arg5[%add3A_391, %dma_start3A_396, %dma_start3A_397] : memref<8193x4x1024xf32, #tpu.memory_space<hbm>> -> memref<4x4x1024xf32, #tpu.memory_space<hbm>>
      %dma_start3A_399 = arith.constant 0 : i32
      %dma_start3A_400 = arith.constant 0 : i32
      %dma_start3A_401 = tpu.memref_slice %arg5[%add3A_391, %dma_start3A_399, %dma_start3A_400] : memref<8193x4x1024xf32, #tpu.memory_space<hbm>> -> memref<4x4x1024xf32, #tpu.memory_space<hbm>>
      %dma_start3A_402 = arith.constant 4 : i32
      %dma_start3A_403 = arith.constant 0 : i32
      %dma_start3A_404 = arith.constant 0 : i32
      %dma_start3A_405 = tpu.memref_slice %arg8[%dma_start3A_402, %dma_start3A_403, %dma_start3A_404] : memref<8x4x1024xf32, #tpu.memory_space<vmem>> -> memref<4x4x1024xf32, #tpu.memory_space<vmem>>
      tpu.enqueue_dma source(%dma_start3A_405 : memref<4x4x1024xf32, #tpu.memory_space<vmem>>) target(%dma_start3A_401 : memref<4x4x1024xf32, #tpu.memory_space<hbm>>) target_semaphore(%arg18 : memref<!tpu.dma_semaphore, #tpu.memory_space<semaphore_mem>>)
      %mul3A_406 = arith.constant 2 : i32
      %mul3A_407 = arith.muli %mul3A_406, %scan3A_153 : i32
      %add3A_408 = arith.constant 1 : i32
      %add3A_409 = arith.addi %mul3A_407, %add3A_408 : i32
      %mul3A_410 = arith.constant 8 : i32
      %mul3A_411 = arith.muli %add3A_409, %mul3A_410 : i32
      %add3A_412 = arith.addi %mul3A_2, %mul3A_411 : i32
      %mul3A_413 = arith.constant 8 : i32
      %mul3A_414 = arith.muli %add3A_409, %mul3A_413 : i32
      %add3A_415 = arith.addi %mul3A_2, %mul3A_414 : i32
      %dma_wait3A_416 = arith.constant 0 : i32
      %dma_wait3A_417 = arith.constant 0 : i32
      %dma_wait3A_418 = arith.constant 0 : i32
      %dma_wait3A_419 = arith.constant 0 : i32
      %dma_wait3A_420 = tpu.memref_slice %arg7[%dma_wait3A_417, %dma_wait3A_418, %dma_wait3A_419] : memref<4x8x1024xf32, #tpu.memory_space<vmem>> -> memref<1x8x1024xf32, #tpu.memory_space<vmem>>
      %dma_wait3A_421 = tpu.memref_squeeze %dma_wait3A_420 : memref<1x8x1024xf32, #tpu.memory_space<vmem>> -> memref<8x1024xf32, #tpu.memory_space<vmem>>
      %dma_wait3A_422 = arith.constant 0 : i32
      %dma_wait3A_423 = tpu.memref_slice %arg2[%dma_wait3A_416, %add3A_415, %dma_wait3A_422] : memref<4x8192x1024xf32, #tpu.memory_space<hbm>> -> memref<1x8x1024xf32, #tpu.memory_space<hbm>>
      %dma_wait3A_424 = tpu.memref_squeeze %dma_wait3A_423 : memref<1x8x1024xf32, #tpu.memory_space<hbm>> -> memref<8x1024xf32, #tpu.memory_space<hbm>>
      %dma_wait3A_425 = arith.constant 0 : i32
      %dma_wait3A_426 = arith.constant 0 : i32
      %dma_wait3A_427 = tpu.memref_slice %arg7[%dma_wait3A_417, %dma_wait3A_425, %dma_wait3A_426] : memref<4x8x1024xf32, #tpu.memory_space<vmem>> -> memref<1x8x1024xf32, #tpu.memory_space<vmem>>
      %dma_wait3A_428 = tpu.memref_squeeze %dma_wait3A_427 : memref<1x8x1024xf32, #tpu.memory_space<vmem>> -> memref<8x1024xf32, #tpu.memory_space<vmem>>
      %dma_wait3A_429 = arith.constant 0 : i32
      %dma_wait3A_430 = tpu.memref_slice %arg2[%dma_wait3A_416, %add3A_415, %dma_wait3A_429] : memref<4x8192x1024xf32, #tpu.memory_space<hbm>> -> memref<1x8x1024xf32, #tpu.memory_space<hbm>>
      %dma_wait3A_431 = tpu.memref_squeeze %dma_wait3A_430 : memref<1x8x1024xf32, #tpu.memory_space<hbm>> -> memref<8x1024xf32, #tpu.memory_space<hbm>>
      tpu.wait_dma2 semaphore(%arg14 : memref<!tpu.dma_semaphore, #tpu.memory_space<semaphore_mem>>) src(%dma_wait3A_431 : memref<8x1024xf32, #tpu.memory_space<hbm>>) dst(%dma_wait3A_428 : memref<8x1024xf32, #tpu.memory_space<vmem>>)
      %mul3A_432 = arith.constant 8 : i32
      %mul3A_433 = arith.muli %add3A_409, %mul3A_432 : i32
      %add3A_434 = arith.addi %mul3A_2, %mul3A_433 : i32
      %dma_wait3A_435 = arith.constant 1 : i32
      %dma_wait3A_436 = arith.constant 1 : i32
      %dma_wait3A_437 = arith.constant 0 : i32
      %dma_wait3A_438 = arith.constant 0 : i32
      %dma_wait3A_439 = tpu.memref_slice %arg7[%dma_wait3A_436, %dma_wait3A_437, %dma_wait3A_438] : memref<4x8x1024xf32, #tpu.memory_space<vmem>> -> memref<1x8x1024xf32, #tpu.memory_space<vmem>>
      %dma_wait3A_440 = tpu.memref_squeeze %dma_wait3A_439 : memref<1x8x1024xf32, #tpu.memory_space<vmem>> -> memref<8x1024xf32, #tpu.memory_space<vmem>>
      %dma_wait3A_441 = arith.constant 0 : i32
      %dma_wait3A_442 = tpu.memref_slice %arg2[%dma_wait3A_435, %add3A_434, %dma_wait3A_441] : memref<4x8192x1024xf32, #tpu.memory_space<hbm>> -> memref<1x8x1024xf32, #tpu.memory_space<hbm>>
      %dma_wait3A_443 = tpu.memref_squeeze %dma_wait3A_442 : memref<1x8x1024xf32, #tpu.memory_space<hbm>> -> memref<8x1024xf32, #tpu.memory_space<hbm>>
      %dma_wait3A_444 = arith.constant 0 : i32
      %dma_wait3A_445 = arith.constant 0 : i32
      %dma_wait3A_446 = tpu.memref_slice %arg7[%dma_wait3A_436, %dma_wait3A_444, %dma_wait3A_445] : memref<4x8x1024xf32, #tpu.memory_space<vmem>> -> memref<1x8x1024xf32, #tpu.memory_space<vmem>>
      %dma_wait3A_447 = tpu.memref_squeeze %dma_wait3A_446 : memref<1x8x1024xf32, #tpu.memory_space<vmem>> -> memref<8x1024xf32, #tpu.memory_space<vmem>>
      %dma_wait3A_448 = arith.constant 0 : i32
      %dma_wait3A_449 = tpu.memref_slice %arg2[%dma_wait3A_435, %add3A_434, %dma_wait3A_448] : memref<4x8192x1024xf32, #tpu.memory_space<hbm>> -> memref<1x8x1024xf32, #tpu.memory_space<hbm>>
      %dma_wait3A_450 = tpu.memref_squeeze %dma_wait3A_449 : memref<1x8x1024xf32, #tpu.memory_space<hbm>> -> memref<8x1024xf32, #tpu.memory_space<hbm>>
      tpu.wait_dma2 semaphore(%arg14 : memref<!tpu.dma_semaphore, #tpu.memory_space<semaphore_mem>>) src(%dma_wait3A_450 : memref<8x1024xf32, #tpu.memory_space<hbm>>) dst(%dma_wait3A_447 : memref<8x1024xf32, #tpu.memory_space<vmem>>)
      %mul3A_451 = arith.constant 8 : i32
      %mul3A_452 = arith.muli %add3A_409, %mul3A_451 : i32
      %add3A_453 = arith.addi %mul3A_2, %mul3A_452 : i32
      %dma_wait3A_454 = arith.constant 2 : i32
      %dma_wait3A_455 = arith.constant 2 : i32
      %dma_wait3A_456 = arith.constant 0 : i32
      %dma_wait3A_457 = arith.constant 0 : i32
      %dma_wait3A_458 = tpu.memref_slice %arg7[%dma_wait3A_455, %dma_wait3A_456, %dma_wait3A_457] : memref<4x8x1024xf32, #tpu.memory_space<vmem>> -> memref<1x8x1024xf32, #tpu.memory_space<vmem>>
      %dma_wait3A_459 = tpu.memref_squeeze %dma_wait3A_458 : memref<1x8x1024xf32, #tpu.memory_space<vmem>> -> memref<8x1024xf32, #tpu.memory_space<vmem>>
      %dma_wait3A_460 = arith.constant 0 : i32
      %dma_wait3A_461 = tpu.memref_slice %arg2[%dma_wait3A_454, %add3A_453, %dma_wait3A_460] : memref<4x8192x1024xf32, #tpu.memory_space<hbm>> -> memref<1x8x1024xf32, #tpu.memory_space<hbm>>
      %dma_wait3A_462 = tpu.memref_squeeze %dma_wait3A_461 : memref<1x8x1024xf32, #tpu.memory_space<hbm>> -> memref<8x1024xf32, #tpu.memory_space<hbm>>
      %dma_wait3A_463 = arith.constant 0 : i32
      %dma_wait3A_464 = arith.constant 0 : i32
      %dma_wait3A_465 = tpu.memref_slice %arg7[%dma_wait3A_455, %dma_wait3A_463, %dma_wait3A_464] : memref<4x8x1024xf32, #tpu.memory_space<vmem>> -> memref<1x8x1024xf32, #tpu.memory_space<vmem>>
      %dma_wait3A_466 = tpu.memref_squeeze %dma_wait3A_465 : memref<1x8x1024xf32, #tpu.memory_space<vmem>> -> memref<8x1024xf32, #tpu.memory_space<vmem>>
      %dma_wait3A_467 = arith.constant 0 : i32
      %dma_wait3A_468 = tpu.memref_slice %arg2[%dma_wait3A_454, %add3A_453, %dma_wait3A_467] : memref<4x8192x1024xf32, #tpu.memory_space<hbm>> -> memref<1x8x1024xf32, #tpu.memory_space<hbm>>
      %dma_wait3A_469 = tpu.memref_squeeze %dma_wait3A_468 : memref<1x8x1024xf32, #tpu.memory_space<hbm>> -> memref<8x1024xf32, #tpu.memory_space<hbm>>
      tpu.wait_dma2 semaphore(%arg14 : memref<!tpu.dma_semaphore, #tpu.memory_space<semaphore_mem>>) src(%dma_wait3A_469 : memref<8x1024xf32, #tpu.memory_space<hbm>>) dst(%dma_wait3A_466 : memref<8x1024xf32, #tpu.memory_space<vmem>>)
      %mul3A_470 = arith.constant 8 : i32
      %mul3A_471 = arith.muli %add3A_409, %mul3A_470 : i32
      %add3A_472 = arith.addi %mul3A_2, %mul3A_471 : i32
      %dma_wait3A_473 = arith.constant 3 : i32
      %dma_wait3A_474 = arith.constant 3 : i32
      %dma_wait3A_475 = arith.constant 0 : i32
      %dma_wait3A_476 = arith.constant 0 : i32
      %dma_wait3A_477 = tpu.memref_slice %arg7[%dma_wait3A_474, %dma_wait3A_475, %dma_wait3A_476] : memref<4x8x1024xf32, #tpu.memory_space<vmem>> -> memref<1x8x1024xf32, #tpu.memory_space<vmem>>
      %dma_wait3A_478 = tpu.memref_squeeze %dma_wait3A_477 : memref<1x8x1024xf32, #tpu.memory_space<vmem>> -> memref<8x1024xf32, #tpu.memory_space<vmem>>
      %dma_wait3A_479 = arith.constant 0 : i32
      %dma_wait3A_480 = tpu.memref_slice %arg2[%dma_wait3A_473, %add3A_472, %dma_wait3A_479] : memref<4x8192x1024xf32, #tpu.memory_space<hbm>> -> memref<1x8x1024xf32, #tpu.memory_space<hbm>>
      %dma_wait3A_481 = tpu.memref_squeeze %dma_wait3A_480 : memref<1x8x1024xf32, #tpu.memory_space<hbm>> -> memref<8x1024xf32, #tpu.memory_space<hbm>>
      %dma_wait3A_482 = arith.constant 0 : i32
      %dma_wait3A_483 = arith.constant 0 : i32
      %dma_wait3A_484 = tpu.memref_slice %arg7[%dma_wait3A_474, %dma_wait3A_482, %dma_wait3A_483] : memref<4x8x1024xf32, #tpu.memory_space<vmem>> -> memref<1x8x1024xf32, #tpu.memory_space<vmem>>
      %dma_wait3A_485 = tpu.memref_squeeze %dma_wait3A_484 : memref<1x8x1024xf32, #tpu.memory_space<vmem>> -> memref<8x1024xf32, #tpu.memory_space<vmem>>
      %dma_wait3A_486 = arith.constant 0 : i32
      %dma_wait3A_487 = tpu.memref_slice %arg2[%dma_wait3A_473, %add3A_472, %dma_wait3A_486] : memref<4x8192x1024xf32, #tpu.memory_space<hbm>> -> memref<1x8x1024xf32, #tpu.memory_space<hbm>>
      %dma_wait3A_488 = tpu.memref_squeeze %dma_wait3A_487 : memref<1x8x1024xf32, #tpu.memory_space<hbm>> -> memref<8x1024xf32, #tpu.memory_space<hbm>>
      tpu.wait_dma2 semaphore(%arg14 : memref<!tpu.dma_semaphore, #tpu.memory_space<semaphore_mem>>) src(%dma_wait3A_488 : memref<8x1024xf32, #tpu.memory_space<hbm>>) dst(%dma_wait3A_485 : memref<8x1024xf32, #tpu.memory_space<vmem>>)
      %lt3A = arith.constant 15 : i32
      %lt3A_489 = arith.cmpi slt, %scan3A_153, %lt3A : i32
      %convert_element_type3A_490 = arith.extui %lt3A_489 : i1 to i32
      %cond3A_491 = arith.constant 0 : i32
      %cond3A_492 = arith.cmpi ne, %convert_element_type3A_490, %cond3A_491 : i32
      scf.if %cond3A_492 {
        %add3A_585 = arith.constant 1 : i32
        %add3A_586 = arith.addi %add3A_409, %add3A_585 : i32
        %mul3A_587 = arith.constant 8 : i32
        %mul3A_588 = arith.muli %add3A_586, %mul3A_587 : i32
        %add3A_589 = arith.addi %mul3A_2, %mul3A_588 : i32
        %dma_start3A_590 = arith.constant 0 : i32
        %dma_start3A_591 = arith.constant 0 : i32
        %dma_start3A_592 = arith.constant 0 : i32
        %dma_start3A_593 = arith.constant 0 : i32
        %dma_start3A_594 = tpu.memref_slice %arg6[%dma_start3A_591, %dma_start3A_592, %dma_start3A_593] : memref<4x8x1024xf32, #tpu.memory_space<vmem>> -> memref<1x8x1024xf32, #tpu.memory_space<vmem>>
        %dma_start3A_595 = tpu.memref_squeeze %dma_start3A_594 : memref<1x8x1024xf32, #tpu.memory_space<vmem>> -> memref<8x1024xf32, #tpu.memory_space<vmem>>
        %dma_start3A_596 = arith.constant 0 : i32
        %dma_start3A_597 = tpu.memref_slice %arg2[%dma_start3A_590, %add3A_589, %dma_start3A_596] : memref<4x8192x1024xf32, #tpu.memory_space<hbm>> -> memref<1x8x1024xf32, #tpu.memory_space<hbm>>
        %dma_start3A_598 = tpu.memref_squeeze %dma_start3A_597 : memref<1x8x1024xf32, #tpu.memory_space<hbm>> -> memref<8x1024xf32, #tpu.memory_space<hbm>>
        %dma_start3A_599 = arith.constant 0 : i32
        %dma_start3A_600 = arith.constant 0 : i32
        %dma_start3A_601 = tpu.memref_slice %arg6[%dma_start3A_591, %dma_start3A_599, %dma_start3A_600] : memref<4x8x1024xf32, #tpu.memory_space<vmem>> -> memref<1x8x1024xf32, #tpu.memory_space<vmem>>
        %dma_start3A_602 = tpu.memref_squeeze %dma_start3A_601 : memref<1x8x1024xf32, #tpu.memory_space<vmem>> -> memref<8x1024xf32, #tpu.memory_space<vmem>>
        %dma_start3A_603 = arith.constant 0 : i32
        %dma_start3A_604 = tpu.memref_slice %arg2[%dma_start3A_590, %add3A_589, %dma_start3A_603] : memref<4x8192x1024xf32, #tpu.memory_space<hbm>> -> memref<1x8x1024xf32, #tpu.memory_space<hbm>>
        %dma_start3A_605 = tpu.memref_squeeze %dma_start3A_604 : memref<1x8x1024xf32, #tpu.memory_space<hbm>> -> memref<8x1024xf32, #tpu.memory_space<hbm>>
        tpu.enqueue_dma source(%dma_start3A_605 : memref<8x1024xf32, #tpu.memory_space<hbm>>) target(%dma_start3A_602 : memref<8x1024xf32, #tpu.memory_space<vmem>>) target_semaphore(%arg13 : memref<!tpu.dma_semaphore, #tpu.memory_space<semaphore_mem>>)
        %add3A_606 = arith.constant 1 : i32
        %add3A_607 = arith.addi %add3A_409, %add3A_606 : i32
        %mul3A_608 = arith.constant 8 : i32
        %mul3A_609 = arith.muli %add3A_607, %mul3A_608 : i32
        %add3A_610 = arith.addi %mul3A_2, %mul3A_609 : i32
        %dma_start3A_611 = arith.constant 1 : i32
        %dma_start3A_612 = arith.constant 1 : i32
        %dma_start3A_613 = arith.constant 0 : i32
        %dma_start3A_614 = arith.constant 0 : i32
        %dma_start3A_615 = tpu.memref_slice %arg6[%dma_start3A_612, %dma_start3A_613, %dma_start3A_614] : memref<4x8x1024xf32, #tpu.memory_space<vmem>> -> memref<1x8x1024xf32, #tpu.memory_space<vmem>>
        %dma_start3A_616 = tpu.memref_squeeze %dma_start3A_615 : memref<1x8x1024xf32, #tpu.memory_space<vmem>> -> memref<8x1024xf32, #tpu.memory_space<vmem>>
        %dma_start3A_617 = arith.constant 0 : i32
        %dma_start3A_618 = tpu.memref_slice %arg2[%dma_start3A_611, %add3A_610, %dma_start3A_617] : memref<4x8192x1024xf32, #tpu.memory_space<hbm>> -> memref<1x8x1024xf32, #tpu.memory_space<hbm>>
        %dma_start3A_619 = tpu.memref_squeeze %dma_start3A_618 : memref<1x8x1024xf32, #tpu.memory_space<hbm>> -> memref<8x1024xf32, #tpu.memory_space<hbm>>
        %dma_start3A_620 = arith.constant 0 : i32
        %dma_start3A_621 = arith.constant 0 : i32
        %dma_start3A_622 = tpu.memref_slice %arg6[%dma_start3A_612, %dma_start3A_620, %dma_start3A_621] : memref<4x8x1024xf32, #tpu.memory_space<vmem>> -> memref<1x8x1024xf32, #tpu.memory_space<vmem>>
        %dma_start3A_623 = tpu.memref_squeeze %dma_start3A_622 : memref<1x8x1024xf32, #tpu.memory_space<vmem>> -> memref<8x1024xf32, #tpu.memory_space<vmem>>
        %dma_start3A_624 = arith.constant 0 : i32
        %dma_start3A_625 = tpu.memref_slice %arg2[%dma_start3A_611, %add3A_610, %dma_start3A_624] : memref<4x8192x1024xf32, #tpu.memory_space<hbm>> -> memref<1x8x1024xf32, #tpu.memory_space<hbm>>
        %dma_start3A_626 = tpu.memref_squeeze %dma_start3A_625 : memref<1x8x1024xf32, #tpu.memory_space<hbm>> -> memref<8x1024xf32, #tpu.memory_space<hbm>>
        tpu.enqueue_dma source(%dma_start3A_626 : memref<8x1024xf32, #tpu.memory_space<hbm>>) target(%dma_start3A_623 : memref<8x1024xf32, #tpu.memory_space<vmem>>) target_semaphore(%arg13 : memref<!tpu.dma_semaphore, #tpu.memory_space<semaphore_mem>>)
        %add3A_627 = arith.constant 1 : i32
        %add3A_628 = arith.addi %add3A_409, %add3A_627 : i32
        %mul3A_629 = arith.constant 8 : i32
        %mul3A_630 = arith.muli %add3A_628, %mul3A_629 : i32
        %add3A_631 = arith.addi %mul3A_2, %mul3A_630 : i32
        %dma_start3A_632 = arith.constant 2 : i32
        %dma_start3A_633 = arith.constant 2 : i32
        %dma_start3A_634 = arith.constant 0 : i32
        %dma_start3A_635 = arith.constant 0 : i32
        %dma_start3A_636 = tpu.memref_slice %arg6[%dma_start3A_633, %dma_start3A_634, %dma_start3A_635] : memref<4x8x1024xf32, #tpu.memory_space<vmem>> -> memref<1x8x1024xf32, #tpu.memory_space<vmem>>
        %dma_start3A_637 = tpu.memref_squeeze %dma_start3A_636 : memref<1x8x1024xf32, #tpu.memory_space<vmem>> -> memref<8x1024xf32, #tpu.memory_space<vmem>>
        %dma_start3A_638 = arith.constant 0 : i32
        %dma_start3A_639 = tpu.memref_slice %arg2[%dma_start3A_632, %add3A_631, %dma_start3A_638] : memref<4x8192x1024xf32, #tpu.memory_space<hbm>> -> memref<1x8x1024xf32, #tpu.memory_space<hbm>>
        %dma_start3A_640 = tpu.memref_squeeze %dma_start3A_639 : memref<1x8x1024xf32, #tpu.memory_space<hbm>> -> memref<8x1024xf32, #tpu.memory_space<hbm>>
        %dma_start3A_641 = arith.constant 0 : i32
        %dma_start3A_642 = arith.constant 0 : i32
        %dma_start3A_643 = tpu.memref_slice %arg6[%dma_start3A_633, %dma_start3A_641, %dma_start3A_642] : memref<4x8x1024xf32, #tpu.memory_space<vmem>> -> memref<1x8x1024xf32, #tpu.memory_space<vmem>>
        %dma_start3A_644 = tpu.memref_squeeze %dma_start3A_643 : memref<1x8x1024xf32, #tpu.memory_space<vmem>> -> memref<8x1024xf32, #tpu.memory_space<vmem>>
        %dma_start3A_645 = arith.constant 0 : i32
        %dma_start3A_646 = tpu.memref_slice %arg2[%dma_start3A_632, %add3A_631, %dma_start3A_645] : memref<4x8192x1024xf32, #tpu.memory_space<hbm>> -> memref<1x8x1024xf32, #tpu.memory_space<hbm>>
        %dma_start3A_647 = tpu.memref_squeeze %dma_start3A_646 : memref<1x8x1024xf32, #tpu.memory_space<hbm>> -> memref<8x1024xf32, #tpu.memory_space<hbm>>
        tpu.enqueue_dma source(%dma_start3A_647 : memref<8x1024xf32, #tpu.memory_space<hbm>>) target(%dma_start3A_644 : memref<8x1024xf32, #tpu.memory_space<vmem>>) target_semaphore(%arg13 : memref<!tpu.dma_semaphore, #tpu.memory_space<semaphore_mem>>)
        %add3A_648 = arith.constant 1 : i32
        %add3A_649 = arith.addi %add3A_409, %add3A_648 : i32
        %mul3A_650 = arith.constant 8 : i32
        %mul3A_651 = arith.muli %add3A_649, %mul3A_650 : i32
        %add3A_652 = arith.addi %mul3A_2, %mul3A_651 : i32
        %dma_start3A_653 = arith.constant 3 : i32
        %dma_start3A_654 = arith.constant 3 : i32
        %dma_start3A_655 = arith.constant 0 : i32
        %dma_start3A_656 = arith.constant 0 : i32
        %dma_start3A_657 = tpu.memref_slice %arg6[%dma_start3A_654, %dma_start3A_655, %dma_start3A_656] : memref<4x8x1024xf32, #tpu.memory_space<vmem>> -> memref<1x8x1024xf32, #tpu.memory_space<vmem>>
        %dma_start3A_658 = tpu.memref_squeeze %dma_start3A_657 : memref<1x8x1024xf32, #tpu.memory_space<vmem>> -> memref<8x1024xf32, #tpu.memory_space<vmem>>
        %dma_start3A_659 = arith.constant 0 : i32
        %dma_start3A_660 = tpu.memref_slice %arg2[%dma_start3A_653, %add3A_652, %dma_start3A_659] : memref<4x8192x1024xf32, #tpu.memory_space<hbm>> -> memref<1x8x1024xf32, #tpu.memory_space<hbm>>
        %dma_start3A_661 = tpu.memref_squeeze %dma_start3A_660 : memref<1x8x1024xf32, #tpu.memory_space<hbm>> -> memref<8x1024xf32, #tpu.memory_space<hbm>>
        %dma_start3A_662 = arith.constant 0 : i32
        %dma_start3A_663 = arith.constant 0 : i32
        %dma_start3A_664 = tpu.memref_slice %arg6[%dma_start3A_654, %dma_start3A_662, %dma_start3A_663] : memref<4x8x1024xf32, #tpu.memory_space<vmem>> -> memref<1x8x1024xf32, #tpu.memory_space<vmem>>
        %dma_start3A_665 = tpu.memref_squeeze %dma_start3A_664 : memref<1x8x1024xf32, #tpu.memory_space<vmem>> -> memref<8x1024xf32, #tpu.memory_space<vmem>>
        %dma_start3A_666 = arith.constant 0 : i32
        %dma_start3A_667 = tpu.memref_slice %arg2[%dma_start3A_653, %add3A_652, %dma_start3A_666] : memref<4x8192x1024xf32, #tpu.memory_space<hbm>> -> memref<1x8x1024xf32, #tpu.memory_space<hbm>>
        %dma_start3A_668 = tpu.memref_squeeze %dma_start3A_667 : memref<1x8x1024xf32, #tpu.memory_space<hbm>> -> memref<8x1024xf32, #tpu.memory_space<hbm>>
        tpu.enqueue_dma source(%dma_start3A_668 : memref<8x1024xf32, #tpu.memory_space<hbm>>) target(%dma_start3A_665 : memref<8x1024xf32, #tpu.memory_space<vmem>>) target_semaphore(%arg13 : memref<!tpu.dma_semaphore, #tpu.memory_space<semaphore_mem>>)
      } else {
      }
      %dma_wait3A_493 = arith.constant 0 : i32
      %dma_wait3A_494 = arith.constant 0 : i32
      %dma_wait3A_495 = arith.constant 0 : i32
      %dma_wait3A_496 = tpu.memref_slice %arg8[%dma_wait3A_493, %dma_wait3A_494, %dma_wait3A_495] : memref<8x4x1024xf32, #tpu.memory_space<vmem>> -> memref<4x4x1024xf32, #tpu.memory_space<vmem>>
      %dma_wait3A_497 = arith.constant 0 : i32
      %dma_wait3A_498 = arith.constant 0 : i32
      %dma_wait3A_499 = tpu.memref_slice %arg5[%add3A_412, %dma_wait3A_497, %dma_wait3A_498] : memref<8193x4x1024xf32, #tpu.memory_space<hbm>> -> memref<4x4x1024xf32, #tpu.memory_space<hbm>>
      %dma_wait3A_500 = arith.constant 0 : i32
      %dma_wait3A_501 = arith.constant 0 : i32
      %dma_wait3A_502 = tpu.memref_slice %arg5[%add3A_412, %dma_wait3A_500, %dma_wait3A_501] : memref<8193x4x1024xf32, #tpu.memory_space<hbm>> -> memref<4x4x1024xf32, #tpu.memory_space<hbm>>
      %dma_wait3A_503 = arith.constant 0 : i32
      %dma_wait3A_504 = arith.constant 0 : i32
      %dma_wait3A_505 = arith.constant 0 : i32
      %dma_wait3A_506 = tpu.memref_slice %arg8[%dma_wait3A_503, %dma_wait3A_504, %dma_wait3A_505] : memref<8x4x1024xf32, #tpu.memory_space<vmem>> -> memref<4x4x1024xf32, #tpu.memory_space<vmem>>
      tpu.wait_dma2 semaphore(%arg17 : memref<!tpu.dma_semaphore, #tpu.memory_space<semaphore_mem>>) src(%dma_wait3A_506 : memref<4x4x1024xf32, #tpu.memory_space<vmem>>) dst(%dma_wait3A_502 : memref<4x4x1024xf32, #tpu.memory_space<hbm>>)
      %parallel_loop3A_507 = arith.constant 0 : i32
      %parallel_loop3A_508 = arith.constant 1024 : i32
      %parallel_loop3A_509 = arith.constant 16 : i32
      scf.for %parallel_loop3A_585 = %parallel_loop3A_507 to %parallel_loop3A_508 step %parallel_loop3A_509  : i32 {
        %parallel_loop3A_586 = arith.constant 1 : i32
        %parallel_loop3A_587 = arith.constant 1 : i32
        %parallel_loop3A_588 = arith.index_cast %parallel_loop3A_586 : i32 to index
        %parallel_loop3A_589 = arith.index_cast %parallel_loop3A_587 : i32 to index
        %parallel_loop3A_590 = arith.index_cast %parallel_loop3A_585 : i32 to index
        %parallel_loop3A_591 = tpu.vector_load %arg9[%parallel_loop3A_588, %parallel_loop3A_589, %parallel_loop3A_590] {strides = array<i32>} : memref<2x8x1024xf32, #tpu.memory_space<vmem>>, vector<1x1x16xf32>,
        %parallel_loop3A_592 = vector.shape_cast %parallel_loop3A_591 : vector<1x1x16xf32> to vector<16xf32>
        %parallel_loop3A_593 = arith.constant 0 : i32
        %parallel_loop3A_594 = arith.constant 0 : i32
        %parallel_loop3A_595 = arith.index_cast %parallel_loop3A_593 : i32 to index
        %parallel_loop3A_596 = arith.index_cast %parallel_loop3A_594 : i32 to index
        %parallel_loop3A_597 = arith.index_cast %parallel_loop3A_585 : i32 to index
        %parallel_loop3A_598 = tpu.vector_load %arg7[%parallel_loop3A_595, %parallel_loop3A_596, %parallel_loop3A_597] {strides = array<i32>} : memref<4x8x1024xf32, #tpu.memory_space<vmem>>, vector<1x1x16xf32>,
        %parallel_loop3A_599 = vector.shape_cast %parallel_loop3A_598 : vector<1x1x16xf32> to vector<16xf32>
        %parallel_loop3A_600 = arith.addf %parallel_loop3A_599, %parallel_loop3A_592 : vector<16xf32>
        %parallel_loop3A_601 = arith.constant 0 : i32
        %parallel_loop3A_602 = arith.constant 0 : i32
        %parallel_loop3A_603 = arith.index_cast %parallel_loop3A_601 : i32 to index
        %parallel_loop3A_604 = arith.index_cast %parallel_loop3A_602 : i32 to index
        %parallel_loop3A_605 = arith.index_cast %parallel_loop3A_585 : i32 to index
        %parallel_loop3A_606 = tpu.vector_load %arg8[%parallel_loop3A_603, %parallel_loop3A_604, %parallel_loop3A_605] {strides = array<i32>} : memref<8x4x1024xf32, #tpu.memory_space<vmem>>, vector<1x1x16xf32>,
        %parallel_loop3A_607 = vector.shape_cast %parallel_loop3A_606 : vector<1x1x16xf32> to vector<16xf32>
        %parallel_loop3A_608 = vector.shape_cast %parallel_loop3A_600 : vector<16xf32> to vector<1x1x16xf32>
        tpu.vector_store %arg8[%parallel_loop3A_603, %parallel_loop3A_604, %parallel_loop3A_605], %parallel_loop3A_608 {strides = array<i32>} : memref<8x4x1024xf32, #tpu.memory_space<vmem>>, vector<1x1x16xf32>,
        %parallel_loop3A_609 = arith.constant 1 : i32
        %parallel_loop3A_610 = arith.constant 0 : i32
        %parallel_loop3A_611 = arith.index_cast %parallel_loop3A_609 : i32 to index
        %parallel_loop3A_612 = arith.index_cast %parallel_loop3A_610 : i32 to index
        %parallel_loop3A_613 = arith.index_cast %parallel_loop3A_585 : i32 to index
        %parallel_loop3A_614 = tpu.vector_load %arg7[%parallel_loop3A_611, %parallel_loop3A_612, %parallel_loop3A_613] {strides = array<i32>} : memref<4x8x1024xf32, #tpu.memory_space<vmem>>, vector<1x1x16xf32>,
        %parallel_loop3A_615 = vector.shape_cast %parallel_loop3A_614 : vector<1x1x16xf32> to vector<16xf32>
        %parallel_loop3A_616 = arith.addf %parallel_loop3A_615, %parallel_loop3A_592 : vector<16xf32>
        %parallel_loop3A_617 = arith.constant 0 : i32
        %parallel_loop3A_618 = arith.constant 1 : i32
        %parallel_loop3A_619 = arith.index_cast %parallel_loop3A_617 : i32 to index
        %parallel_loop3A_620 = arith.index_cast %parallel_loop3A_618 : i32 to index
        %parallel_loop3A_621 = arith.index_cast %parallel_loop3A_585 : i32 to index
        %parallel_loop3A_622 = tpu.vector_load %arg8[%parallel_loop3A_619, %parallel_loop3A_620, %parallel_loop3A_621] {strides = array<i32>} : memref<8x4x1024xf32, #tpu.memory_space<vmem>>, vector<1x1x16xf32>,
        %parallel_loop3A_623 = vector.shape_cast %parallel_loop3A_622 : vector<1x1x16xf32> to vector<16xf32>
        %parallel_loop3A_624 = vector.shape_cast %parallel_loop3A_616 : vector<16xf32> to vector<1x1x16xf32>
        tpu.vector_store %arg8[%parallel_loop3A_619, %parallel_loop3A_620, %parallel_loop3A_621], %parallel_loop3A_624 {strides = array<i32>} : memref<8x4x1024xf32, #tpu.memory_space<vmem>>, vector<1x1x16xf32>,
        %parallel_loop3A_625 = arith.constant 2 : i32
        %parallel_loop3A_626 = arith.constant 0 : i32
        %parallel_loop3A_627 = arith.index_cast %parallel_loop3A_625 : i32 to index
        %parallel_loop3A_628 = arith.index_cast %parallel_loop3A_626 : i32 to index
        %parallel_loop3A_629 = arith.index_cast %parallel_loop3A_585 : i32 to index
        %parallel_loop3A_630 = tpu.vector_load %arg7[%parallel_loop3A_627, %parallel_loop3A_628, %parallel_loop3A_629] {strides = array<i32>} : memref<4x8x1024xf32, #tpu.memory_space<vmem>>, vector<1x1x16xf32>,
        %parallel_loop3A_631 = vector.shape_cast %parallel_loop3A_630 : vector<1x1x16xf32> to vector<16xf32>
        %parallel_loop3A_632 = arith.addf %parallel_loop3A_631, %parallel_loop3A_592 : vector<16xf32>
        %parallel_loop3A_633 = arith.constant 0 : i32
        %parallel_loop3A_634 = arith.constant 2 : i32
        %parallel_loop3A_635 = arith.index_cast %parallel_loop3A_633 : i32 to index
        %parallel_loop3A_636 = arith.index_cast %parallel_loop3A_634 : i32 to index
        %parallel_loop3A_637 = arith.index_cast %parallel_loop3A_585 : i32 to index
        %parallel_loop3A_638 = tpu.vector_load %arg8[%parallel_loop3A_635, %parallel_loop3A_636, %parallel_loop3A_637] {strides = array<i32>} : memref<8x4x1024xf32, #tpu.memory_space<vmem>>, vector<1x1x16xf32>,
        %parallel_loop3A_639 = vector.shape_cast %parallel_loop3A_638 : vector<1x1x16xf32> to vector<16xf32>
        %parallel_loop3A_640 = vector.shape_cast %parallel_loop3A_632 : vector<16xf32> to vector<1x1x16xf32>
        tpu.vector_store %arg8[%parallel_loop3A_635, %parallel_loop3A_636, %parallel_loop3A_637], %parallel_loop3A_640 {strides = array<i32>} : memref<8x4x1024xf32, #tpu.memory_space<vmem>>, vector<1x1x16xf32>,
        %parallel_loop3A_641 = arith.constant 3 : i32
        %parallel_loop3A_642 = arith.constant 0 : i32
        %parallel_loop3A_643 = arith.index_cast %parallel_loop3A_641 : i32 to index
        %parallel_loop3A_644 = arith.index_cast %parallel_loop3A_642 : i32 to index
        %parallel_loop3A_645 = arith.index_cast %parallel_loop3A_585 : i32 to index
        %parallel_loop3A_646 = tpu.vector_load %arg7[%parallel_loop3A_643, %parallel_loop3A_644, %parallel_loop3A_645] {strides = array<i32>} : memref<4x8x1024xf32, #tpu.memory_space<vmem>>, vector<1x1x16xf32>,
        %parallel_loop3A_647 = vector.shape_cast %parallel_loop3A_646 : vector<1x1x16xf32> to vector<16xf32>
        %parallel_loop3A_648 = arith.addf %parallel_loop3A_647, %parallel_loop3A_592 : vector<16xf32>
        %parallel_loop3A_649 = arith.constant 0 : i32
        %parallel_loop3A_650 = arith.constant 3 : i32
        %parallel_loop3A_651 = arith.index_cast %parallel_loop3A_649 : i32 to index
        %parallel_loop3A_652 = arith.index_cast %parallel_loop3A_650 : i32 to index
        %parallel_loop3A_653 = arith.index_cast %parallel_loop3A_585 : i32 to index
        %parallel_loop3A_654 = tpu.vector_load %arg8[%parallel_loop3A_651, %parallel_loop3A_652, %parallel_loop3A_653] {strides = array<i32>} : memref<8x4x1024xf32, #tpu.memory_space<vmem>>, vector<1x1x16xf32>,
        %parallel_loop3A_655 = vector.shape_cast %parallel_loop3A_654 : vector<1x1x16xf32> to vector<16xf32>
        %parallel_loop3A_656 = vector.shape_cast %parallel_loop3A_648 : vector<16xf32> to vector<1x1x16xf32>
        tpu.vector_store %arg8[%parallel_loop3A_651, %parallel_loop3A_652, %parallel_loop3A_653], %parallel_loop3A_656 {strides = array<i32>} : memref<8x4x1024xf32, #tpu.memory_space<vmem>>, vector<1x1x16xf32>,
        %parallel_loop3A_657 = arith.constant 1 : i32
        %parallel_loop3A_658 = arith.constant 2 : i32
        %parallel_loop3A_659 = arith.index_cast %parallel_loop3A_657 : i32 to index
        %parallel_loop3A_660 = arith.index_cast %parallel_loop3A_658 : i32 to index
        %parallel_loop3A_661 = arith.index_cast %parallel_loop3A_585 : i32 to index
        %parallel_loop3A_662 = tpu.vector_load %arg9[%parallel_loop3A_659, %parallel_loop3A_660, %parallel_loop3A_661] {strides = array<i32>} : memref<2x8x1024xf32, #tpu.memory_space<vmem>>, vector<1x1x16xf32>,
        %parallel_loop3A_663 = vector.shape_cast %parallel_loop3A_662 : vector<1x1x16xf32> to vector<16xf32>
        %parallel_loop3A_664 = arith.constant 0 : i32
        %parallel_loop3A_665 = arith.constant 1 : i32
        %parallel_loop3A_666 = arith.index_cast %parallel_loop3A_664 : i32 to index
        %parallel_loop3A_667 = arith.index_cast %parallel_loop3A_665 : i32 to index
        %parallel_loop3A_668 = arith.index_cast %parallel_loop3A_585 : i32 to index
        %parallel_loop3A_669 = tpu.vector_load %arg7[%parallel_loop3A_666, %parallel_loop3A_667, %parallel_loop3A_668] {strides = array<i32>} : memref<4x8x1024xf32, #tpu.memory_space<vmem>>, vector<1x1x16xf32>,
        %parallel_loop3A_670 = vector.shape_cast %parallel_loop3A_669 : vector<1x1x16xf32> to vector<16xf32>
        %parallel_loop3A_671 = arith.addf %parallel_loop3A_670, %parallel_loop3A_663 : vector<16xf32>
        %parallel_loop3A_672 = arith.constant 1 : i32
        %parallel_loop3A_673 = arith.constant 0 : i32
        %parallel_loop3A_674 = arith.index_cast %parallel_loop3A_672 : i32 to index
        %parallel_loop3A_675 = arith.index_cast %parallel_loop3A_673 : i32 to index
        %parallel_loop3A_676 = arith.index_cast %parallel_loop3A_585 : i32 to index
        %parallel_loop3A_677 = tpu.vector_load %arg8[%parallel_loop3A_674, %parallel_loop3A_675, %parallel_loop3A_676] {strides = array<i32>} : memref<8x4x1024xf32, #tpu.memory_space<vmem>>, vector<1x1x16xf32>,
        %parallel_loop3A_678 = vector.shape_cast %parallel_loop3A_677 : vector<1x1x16xf32> to vector<16xf32>
        %parallel_loop3A_679 = vector.shape_cast %parallel_loop3A_671 : vector<16xf32> to vector<1x1x16xf32>
        tpu.vector_store %arg8[%parallel_loop3A_674, %parallel_loop3A_675, %parallel_loop3A_676], %parallel_loop3A_679 {strides = array<i32>} : memref<8x4x1024xf32, #tpu.memory_space<vmem>>, vector<1x1x16xf32>,
        %parallel_loop3A_680 = arith.constant 1 : i32
        %parallel_loop3A_681 = arith.constant 1 : i32
        %parallel_loop3A_682 = arith.index_cast %parallel_loop3A_680 : i32 to index
        %parallel_loop3A_683 = arith.index_cast %parallel_loop3A_681 : i32 to index
        %parallel_loop3A_684 = arith.index_cast %parallel_loop3A_585 : i32 to index
        %parallel_loop3A_685 = tpu.vector_load %arg7[%parallel_loop3A_682, %parallel_loop3A_683, %parallel_loop3A_684] {strides = array<i32>} : memref<4x8x1024xf32, #tpu.memory_space<vmem>>, vector<1x1x16xf32>,
        %parallel_loop3A_686 = vector.shape_cast %parallel_loop3A_685 : vector<1x1x16xf32> to vector<16xf32>
        %parallel_loop3A_687 = arith.addf %parallel_loop3A_686, %parallel_loop3A_663 : vector<16xf32>
        %parallel_loop3A_688 = arith.constant 1 : i32
        %parallel_loop3A_689 = arith.constant 1 : i32
        %parallel_loop3A_690 = arith.index_cast %parallel_loop3A_688 : i32 to index
        %parallel_loop3A_691 = arith.index_cast %parallel_loop3A_689 : i32 to index
        %parallel_loop3A_692 = arith.index_cast %parallel_loop3A_585 : i32 to index
        %parallel_loop3A_693 = tpu.vector_load %arg8[%parallel_loop3A_690, %parallel_loop3A_691, %parallel_loop3A_692] {strides = array<i32>} : memref<8x4x1024xf32, #tpu.memory_space<vmem>>, vector<1x1x16xf32>,
        %parallel_loop3A_694 = vector.shape_cast %parallel_loop3A_693 : vector<1x1x16xf32> to vector<16xf32>
        %parallel_loop3A_695 = vector.shape_cast %parallel_loop3A_687 : vector<16xf32> to vector<1x1x16xf32>
        tpu.vector_store %arg8[%parallel_loop3A_690, %parallel_loop3A_691, %parallel_loop3A_692], %parallel_loop3A_695 {strides = array<i32>} : memref<8x4x1024xf32, #tpu.memory_space<vmem>>, vector<1x1x16xf32>,
        %parallel_loop3A_696 = arith.constant 2 : i32
        %parallel_loop3A_697 = arith.constant 1 : i32
        %parallel_loop3A_698 = arith.index_cast %parallel_loop3A_696 : i32 to index
        %parallel_loop3A_699 = arith.index_cast %parallel_loop3A_697 : i32 to index
        %parallel_loop3A_700 = arith.index_cast %parallel_loop3A_585 : i32 to index
        %parallel_loop3A_701 = tpu.vector_load %arg7[%parallel_loop3A_698, %parallel_loop3A_699, %parallel_loop3A_700] {strides = array<i32>} : memref<4x8x1024xf32, #tpu.memory_space<vmem>>, vector<1x1x16xf32>,
        %parallel_loop3A_702 = vector.shape_cast %parallel_loop3A_701 : vector<1x1x16xf32> to vector<16xf32>
        %parallel_loop3A_703 = arith.addf %parallel_loop3A_702, %parallel_loop3A_663 : vector<16xf32>
        %parallel_loop3A_704 = arith.constant 1 : i32
        %parallel_loop3A_705 = arith.constant 2 : i32
        %parallel_loop3A_706 = arith.index_cast %parallel_loop3A_704 : i32 to index
        %parallel_loop3A_707 = arith.index_cast %parallel_loop3A_705 : i32 to index
        %parallel_loop3A_708 = arith.index_cast %parallel_loop3A_585 : i32 to index
        %parallel_loop3A_709 = tpu.vector_load %arg8[%parallel_loop3A_706, %parallel_loop3A_707, %parallel_loop3A_708] {strides = array<i32>} : memref<8x4x1024xf32, #tpu.memory_space<vmem>>, vector<1x1x16xf32>,
        %parallel_loop3A_710 = vector.shape_cast %parallel_loop3A_709 : vector<1x1x16xf32> to vector<16xf32>
        %parallel_loop3A_711 = vector.shape_cast %parallel_loop3A_703 : vector<16xf32> to vector<1x1x16xf32>
        tpu.vector_store %arg8[%parallel_loop3A_706, %parallel_loop3A_707, %parallel_loop3A_708], %parallel_loop3A_711 {strides = array<i32>} : memref<8x4x1024xf32, #tpu.memory_space<vmem>>, vector<1x1x16xf32>,
        %parallel_loop3A_712 = arith.constant 3 : i32
        %parallel_loop3A_713 = arith.constant 1 : i32
        %parallel_loop3A_714 = arith.index_cast %parallel_loop3A_712 : i32 to index
        %parallel_loop3A_715 = arith.index_cast %parallel_loop3A_713 : i32 to index
        %parallel_loop3A_716 = arith.index_cast %parallel_loop3A_585 : i32 to index
        %parallel_loop3A_717 = tpu.vector_load %arg7[%parallel_loop3A_714, %parallel_loop3A_715, %parallel_loop3A_716] {strides = array<i32>} : memref<4x8x1024xf32, #tpu.memory_space<vmem>>, vector<1x1x16xf32>,
        %parallel_loop3A_718 = vector.shape_cast %parallel_loop3A_717 : vector<1x1x16xf32> to vector<16xf32>
        %parallel_loop3A_719 = arith.addf %parallel_loop3A_718, %parallel_loop3A_663 : vector<16xf32>
        %parallel_loop3A_720 = arith.constant 1 : i32
        %parallel_loop3A_721 = arith.constant 3 : i32
        %parallel_loop3A_722 = arith.index_cast %parallel_loop3A_720 : i32 to index
        %parallel_loop3A_723 = arith.index_cast %parallel_loop3A_721 : i32 to index
        %parallel_loop3A_724 = arith.index_cast %parallel_loop3A_585 : i32 to index
        %parallel_loop3A_725 = tpu.vector_load %arg8[%parallel_loop3A_722, %parallel_loop3A_723, %parallel_loop3A_724] {strides = array<i32>} : memref<8x4x1024xf32, #tpu.memory_space<vmem>>, vector<1x1x16xf32>,
        %parallel_loop3A_726 = vector.shape_cast %parallel_loop3A_725 : vector<1x1x16xf32> to vector<16xf32>
        %parallel_loop3A_727 = vector.shape_cast %parallel_loop3A_719 : vector<16xf32> to vector<1x1x16xf32>
        tpu.vector_store %arg8[%parallel_loop3A_722, %parallel_loop3A_723, %parallel_loop3A_724], %parallel_loop3A_727 {strides = array<i32>} : memref<8x4x1024xf32, #tpu.memory_space<vmem>>, vector<1x1x16xf32>,
        %parallel_loop3A_728 = arith.constant 1 : i32
        %parallel_loop3A_729 = arith.constant 3 : i32
        %parallel_loop3A_730 = arith.index_cast %parallel_loop3A_728 : i32 to index
        %parallel_loop3A_731 = arith.index_cast %parallel_loop3A_729 : i32 to index
        %parallel_loop3A_732 = arith.index_cast %parallel_loop3A_585 : i32 to index
        %parallel_loop3A_733 = tpu.vector_load %arg9[%parallel_loop3A_730, %parallel_loop3A_731, %parallel_loop3A_732] {strides = array<i32>} : memref<2x8x1024xf32, #tpu.memory_space<vmem>>, vector<1x1x16xf32>,
        %parallel_loop3A_734 = vector.shape_cast %parallel_loop3A_733 : vector<1x1x16xf32> to vector<16xf32>
        %parallel_loop3A_735 = arith.constant 0 : i32
        %parallel_loop3A_736 = arith.constant 2 : i32
        %parallel_loop3A_737 = arith.index_cast %parallel_loop3A_735 : i32 to index
        %parallel_loop3A_738 = arith.index_cast %parallel_loop3A_736 : i32 to index
        %parallel_loop3A_739 = arith.index_cast %parallel_loop3A_585 : i32 to index
        %parallel_loop3A_740 = tpu.vector_load %arg7[%parallel_loop3A_737, %parallel_loop3A_738, %parallel_loop3A_739] {strides = array<i32>} : memref<4x8x1024xf32, #tpu.memory_space<vmem>>, vector<1x1x16xf32>,
        %parallel_loop3A_741 = vector.shape_cast %parallel_loop3A_740 : vector<1x1x16xf32> to vector<16xf32>
        %parallel_loop3A_742 = arith.addf %parallel_loop3A_741, %parallel_loop3A_734 : vector<16xf32>
        %parallel_loop3A_743 = arith.constant 2 : i32
        %parallel_loop3A_744 = arith.constant 0 : i32
        %parallel_loop3A_745 = arith.index_cast %parallel_loop3A_743 : i32 to index
        %parallel_loop3A_746 = arith.index_cast %parallel_loop3A_744 : i32 to index
        %parallel_loop3A_747 = arith.index_cast %parallel_loop3A_585 : i32 to index
        %parallel_loop3A_748 = tpu.vector_load %arg8[%parallel_loop3A_745, %parallel_loop3A_746, %parallel_loop3A_747] {strides = array<i32>} : memref<8x4x1024xf32, #tpu.memory_space<vmem>>, vector<1x1x16xf32>,
        %parallel_loop3A_749 = vector.shape_cast %parallel_loop3A_748 : vector<1x1x16xf32> to vector<16xf32>
        %parallel_loop3A_750 = vector.shape_cast %parallel_loop3A_742 : vector<16xf32> to vector<1x1x16xf32>
        tpu.vector_store %arg8[%parallel_loop3A_745, %parallel_loop3A_746, %parallel_loop3A_747], %parallel_loop3A_750 {strides = array<i32>} : memref<8x4x1024xf32, #tpu.memory_space<vmem>>, vector<1x1x16xf32>,
        %parallel_loop3A_751 = arith.constant 1 : i32
        %parallel_loop3A_752 = arith.constant 2 : i32
        %parallel_loop3A_753 = arith.index_cast %parallel_loop3A_751 : i32 to index
        %parallel_loop3A_754 = arith.index_cast %parallel_loop3A_752 : i32 to index
        %parallel_loop3A_755 = arith.index_cast %parallel_loop3A_585 : i32 to index
        %parallel_loop3A_756 = tpu.vector_load %arg7[%parallel_loop3A_753, %parallel_loop3A_754, %parallel_loop3A_755] {strides = array<i32>} : memref<4x8x1024xf32, #tpu.memory_space<vmem>>, vector<1x1x16xf32>,
        %parallel_loop3A_757 = vector.shape_cast %parallel_loop3A_756 : vector<1x1x16xf32> to vector<16xf32>
        %parallel_loop3A_758 = arith.addf %parallel_loop3A_757, %parallel_loop3A_734 : vector<16xf32>
        %parallel_loop3A_759 = arith.constant 2 : i32
        %parallel_loop3A_760 = arith.constant 1 : i32
        %parallel_loop3A_761 = arith.index_cast %parallel_loop3A_759 : i32 to index
        %parallel_loop3A_762 = arith.index_cast %parallel_loop3A_760 : i32 to index
        %parallel_loop3A_763 = arith.index_cast %parallel_loop3A_585 : i32 to index
        %parallel_loop3A_764 = tpu.vector_load %arg8[%parallel_loop3A_761, %parallel_loop3A_762, %parallel_loop3A_763] {strides = array<i32>} : memref<8x4x1024xf32, #tpu.memory_space<vmem>>, vector<1x1x16xf32>,
        %parallel_loop3A_765 = vector.shape_cast %parallel_loop3A_764 : vector<1x1x16xf32> to vector<16xf32>
        %parallel_loop3A_766 = vector.shape_cast %parallel_loop3A_758 : vector<16xf32> to vector<1x1x16xf32>
        tpu.vector_store %arg8[%parallel_loop3A_761, %parallel_loop3A_762, %parallel_loop3A_763], %parallel_loop3A_766 {strides = array<i32>} : memref<8x4x1024xf32, #tpu.memory_space<vmem>>, vector<1x1x16xf32>,
        %parallel_loop3A_767 = arith.constant 2 : i32
        %parallel_loop3A_768 = arith.constant 2 : i32
        %parallel_loop3A_769 = arith.index_cast %parallel_loop3A_767 : i32 to index
        %parallel_loop3A_770 = arith.index_cast %parallel_loop3A_768 : i32 to index
        %parallel_loop3A_771 = arith.index_cast %parallel_loop3A_585 : i32 to index
        %parallel_loop3A_772 = tpu.vector_load %arg7[%parallel_loop3A_769, %parallel_loop3A_770, %parallel_loop3A_771] {strides = array<i32>} : memref<4x8x1024xf32, #tpu.memory_space<vmem>>, vector<1x1x16xf32>,
        %parallel_loop3A_773 = vector.shape_cast %parallel_loop3A_772 : vector<1x1x16xf32> to vector<16xf32>
        %parallel_loop3A_774 = arith.addf %parallel_loop3A_773, %parallel_loop3A_734 : vector<16xf32>
        %parallel_loop3A_775 = arith.constant 2 : i32
        %parallel_loop3A_776 = arith.constant 2 : i32
        %parallel_loop3A_777 = arith.index_cast %parallel_loop3A_775 : i32 to index
        %parallel_loop3A_778 = arith.index_cast %parallel_loop3A_776 : i32 to index
        %parallel_loop3A_779 = arith.index_cast %parallel_loop3A_585 : i32 to index
        %parallel_loop3A_780 = tpu.vector_load %arg8[%parallel_loop3A_777, %parallel_loop3A_778, %parallel_loop3A_779] {strides = array<i32>} : memref<8x4x1024xf32, #tpu.memory_space<vmem>>, vector<1x1x16xf32>,
        %parallel_loop3A_781 = vector.shape_cast %parallel_loop3A_780 : vector<1x1x16xf32> to vector<16xf32>
        %parallel_loop3A_782 = vector.shape_cast %parallel_loop3A_774 : vector<16xf32> to vector<1x1x16xf32>
        tpu.vector_store %arg8[%parallel_loop3A_777, %parallel_loop3A_778, %parallel_loop3A_779], %parallel_loop3A_782 {strides = array<i32>} : memref<8x4x1024xf32, #tpu.memory_space<vmem>>, vector<1x1x16xf32>,
        %parallel_loop3A_783 = arith.constant 3 : i32
        %parallel_loop3A_784 = arith.constant 2 : i32
        %parallel_loop3A_785 = arith.index_cast %parallel_loop3A_783 : i32 to index
        %parallel_loop3A_786 = arith.index_cast %parallel_loop3A_784 : i32 to index
        %parallel_loop3A_787 = arith.index_cast %parallel_loop3A_585 : i32 to index
        %parallel_loop3A_788 = tpu.vector_load %arg7[%parallel_loop3A_785, %parallel_loop3A_786, %parallel_loop3A_787] {strides = array<i32>} : memref<4x8x1024xf32, #tpu.memory_space<vmem>>, vector<1x1x16xf32>,
        %parallel_loop3A_789 = vector.shape_cast %parallel_loop3A_788 : vector<1x1x16xf32> to vector<16xf32>
        %parallel_loop3A_790 = arith.addf %parallel_loop3A_789, %parallel_loop3A_734 : vector<16xf32>
        %parallel_loop3A_791 = arith.constant 2 : i32
        %parallel_loop3A_792 = arith.constant 3 : i32
        %parallel_loop3A_793 = arith.index_cast %parallel_loop3A_791 : i32 to index
        %parallel_loop3A_794 = arith.index_cast %parallel_loop3A_792 : i32 to index
        %parallel_loop3A_795 = arith.index_cast %parallel_loop3A_585 : i32 to index
        %parallel_loop3A_796 = tpu.vector_load %arg8[%parallel_loop3A_793, %parallel_loop3A_794, %parallel_loop3A_795] {strides = array<i32>} : memref<8x4x1024xf32, #tpu.memory_space<vmem>>, vector<1x1x16xf32>,
        %parallel_loop3A_797 = vector.shape_cast %parallel_loop3A_796 : vector<1x1x16xf32> to vector<16xf32>
        %parallel_loop3A_798 = vector.shape_cast %parallel_loop3A_790 : vector<16xf32> to vector<1x1x16xf32>
        tpu.vector_store %arg8[%parallel_loop3A_793, %parallel_loop3A_794, %parallel_loop3A_795], %parallel_loop3A_798 {strides = array<i32>} : memref<8x4x1024xf32, #tpu.memory_space<vmem>>, vector<1x1x16xf32>,
        %parallel_loop3A_799 = arith.constant 1 : i32
        %parallel_loop3A_800 = arith.constant 4 : i32
        %parallel_loop3A_801 = arith.index_cast %parallel_loop3A_799 : i32 to index
        %parallel_loop3A_802 = arith.index_cast %parallel_loop3A_800 : i32 to index
        %parallel_loop3A_803 = arith.index_cast %parallel_loop3A_585 : i32 to index
        %parallel_loop3A_804 = tpu.vector_load %arg9[%parallel_loop3A_801, %parallel_loop3A_802, %parallel_loop3A_803] {strides = array<i32>} : memref<2x8x1024xf32, #tpu.memory_space<vmem>>, vector<1x1x16xf32>,
        %parallel_loop3A_805 = vector.shape_cast %parallel_loop3A_804 : vector<1x1x16xf32> to vector<16xf32>
        %parallel_loop3A_806 = arith.constant 0 : i32
        %parallel_loop3A_807 = arith.constant 3 : i32
        %parallel_loop3A_808 = arith.index_cast %parallel_loop3A_806 : i32 to index
        %parallel_loop3A_809 = arith.index_cast %parallel_loop3A_807 : i32 to index
        %parallel_loop3A_810 = arith.index_cast %parallel_loop3A_585 : i32 to index
        %parallel_loop3A_811 = tpu.vector_load %arg7[%parallel_loop3A_808, %parallel_loop3A_809, %parallel_loop3A_810] {strides = array<i32>} : memref<4x8x1024xf32, #tpu.memory_space<vmem>>, vector<1x1x16xf32>,
        %parallel_loop3A_812 = vector.shape_cast %parallel_loop3A_811 : vector<1x1x16xf32> to vector<16xf32>
        %parallel_loop3A_813 = arith.addf %parallel_loop3A_812, %parallel_loop3A_805 : vector<16xf32>
        %parallel_loop3A_814 = arith.constant 3 : i32
        %parallel_loop3A_815 = arith.constant 0 : i32
        %parallel_loop3A_816 = arith.index_cast %parallel_loop3A_814 : i32 to index
        %parallel_loop3A_817 = arith.index_cast %parallel_loop3A_815 : i32 to index
        %parallel_loop3A_818 = arith.index_cast %parallel_loop3A_585 : i32 to index
        %parallel_loop3A_819 = tpu.vector_load %arg8[%parallel_loop3A_816, %parallel_loop3A_817, %parallel_loop3A_818] {strides = array<i32>} : memref<8x4x1024xf32, #tpu.memory_space<vmem>>, vector<1x1x16xf32>,
        %parallel_loop3A_820 = vector.shape_cast %parallel_loop3A_819 : vector<1x1x16xf32> to vector<16xf32>
        %parallel_loop3A_821 = vector.shape_cast %parallel_loop3A_813 : vector<16xf32> to vector<1x1x16xf32>
        tpu.vector_store %arg8[%parallel_loop3A_816, %parallel_loop3A_817, %parallel_loop3A_818], %parallel_loop3A_821 {strides = array<i32>} : memref<8x4x1024xf32, #tpu.memory_space<vmem>>, vector<1x1x16xf32>,
        %parallel_loop3A_822 = arith.constant 1 : i32
        %parallel_loop3A_823 = arith.constant 3 : i32
        %parallel_loop3A_824 = arith.index_cast %parallel_loop3A_822 : i32 to index
        %parallel_loop3A_825 = arith.index_cast %parallel_loop3A_823 : i32 to index
        %parallel_loop3A_826 = arith.index_cast %parallel_loop3A_585 : i32 to index
        %parallel_loop3A_827 = tpu.vector_load %arg7[%parallel_loop3A_824, %parallel_loop3A_825, %parallel_loop3A_826] {strides = array<i32>} : memref<4x8x1024xf32, #tpu.memory_space<vmem>>, vector<1x1x16xf32>,
        %parallel_loop3A_828 = vector.shape_cast %parallel_loop3A_827 : vector<1x1x16xf32> to vector<16xf32>
        %parallel_loop3A_829 = arith.addf %parallel_loop3A_828, %parallel_loop3A_805 : vector<16xf32>
        %parallel_loop3A_830 = arith.constant 3 : i32
        %parallel_loop3A_831 = arith.constant 1 : i32
        %parallel_loop3A_832 = arith.index_cast %parallel_loop3A_830 : i32 to index
        %parallel_loop3A_833 = arith.index_cast %parallel_loop3A_831 : i32 to index
        %parallel_loop3A_834 = arith.index_cast %parallel_loop3A_585 : i32 to index
        %parallel_loop3A_835 = tpu.vector_load %arg8[%parallel_loop3A_832, %parallel_loop3A_833, %parallel_loop3A_834] {strides = array<i32>} : memref<8x4x1024xf32, #tpu.memory_space<vmem>>, vector<1x1x16xf32>,
        %parallel_loop3A_836 = vector.shape_cast %parallel_loop3A_835 : vector<1x1x16xf32> to vector<16xf32>
        %parallel_loop3A_837 = vector.shape_cast %parallel_loop3A_829 : vector<16xf32> to vector<1x1x16xf32>
        tpu.vector_store %arg8[%parallel_loop3A_832, %parallel_loop3A_833, %parallel_loop3A_834], %parallel_loop3A_837 {strides = array<i32>} : memref<8x4x1024xf32, #tpu.memory_space<vmem>>, vector<1x1x16xf32>,
        %parallel_loop3A_838 = arith.constant 2 : i32
        %parallel_loop3A_839 = arith.constant 3 : i32
        %parallel_loop3A_840 = arith.index_cast %parallel_loop3A_838 : i32 to index
        %parallel_loop3A_841 = arith.index_cast %parallel_loop3A_839 : i32 to index
        %parallel_loop3A_842 = arith.index_cast %parallel_loop3A_585 : i32 to index
        %parallel_loop3A_843 = tpu.vector_load %arg7[%parallel_loop3A_840, %parallel_loop3A_841, %parallel_loop3A_842] {strides = array<i32>} : memref<4x8x1024xf32, #tpu.memory_space<vmem>>, vector<1x1x16xf32>,
        %parallel_loop3A_844 = vector.shape_cast %parallel_loop3A_843 : vector<1x1x16xf32> to vector<16xf32>
        %parallel_loop3A_845 = arith.addf %parallel_loop3A_844, %parallel_loop3A_805 : vector<16xf32>
        %parallel_loop3A_846 = arith.constant 3 : i32
        %parallel_loop3A_847 = arith.constant 2 : i32
        %parallel_loop3A_848 = arith.index_cast %parallel_loop3A_846 : i32 to index
        %parallel_loop3A_849 = arith.index_cast %parallel_loop3A_847 : i32 to index
        %parallel_loop3A_850 = arith.index_cast %parallel_loop3A_585 : i32 to index
        %parallel_loop3A_851 = tpu.vector_load %arg8[%parallel_loop3A_848, %parallel_loop3A_849, %parallel_loop3A_850] {strides = array<i32>} : memref<8x4x1024xf32, #tpu.memory_space<vmem>>, vector<1x1x16xf32>,
        %parallel_loop3A_852 = vector.shape_cast %parallel_loop3A_851 : vector<1x1x16xf32> to vector<16xf32>
        %parallel_loop3A_853 = vector.shape_cast %parallel_loop3A_845 : vector<16xf32> to vector<1x1x16xf32>
        tpu.vector_store %arg8[%parallel_loop3A_848, %parallel_loop3A_849, %parallel_loop3A_850], %parallel_loop3A_853 {strides = array<i32>} : memref<8x4x1024xf32, #tpu.memory_space<vmem>>, vector<1x1x16xf32>,
        %parallel_loop3A_854 = arith.constant 3 : i32
        %parallel_loop3A_855 = arith.constant 3 : i32
        %parallel_loop3A_856 = arith.index_cast %parallel_loop3A_854 : i32 to index
        %parallel_loop3A_857 = arith.index_cast %parallel_loop3A_855 : i32 to index
        %parallel_loop3A_858 = arith.index_cast %parallel_loop3A_585 : i32 to index
        %parallel_loop3A_859 = tpu.vector_load %arg7[%parallel_loop3A_856, %parallel_loop3A_857, %parallel_loop3A_858] {strides = array<i32>} : memref<4x8x1024xf32, #tpu.memory_space<vmem>>, vector<1x1x16xf32>,
        %parallel_loop3A_860 = vector.shape_cast %parallel_loop3A_859 : vector<1x1x16xf32> to vector<16xf32>
        %parallel_loop3A_861 = arith.addf %parallel_loop3A_860, %parallel_loop3A_805 : vector<16xf32>
        %parallel_loop3A_862 = arith.constant 3 : i32
        %parallel_loop3A_863 = arith.constant 3 : i32
        %parallel_loop3A_864 = arith.index_cast %parallel_loop3A_862 : i32 to index
        %parallel_loop3A_865 = arith.index_cast %parallel_loop3A_863 : i32 to index
        %parallel_loop3A_866 = arith.index_cast %parallel_loop3A_585 : i32 to index
        %parallel_loop3A_867 = tpu.vector_load %arg8[%parallel_loop3A_864, %parallel_loop3A_865, %parallel_loop3A_866] {strides = array<i32>} : memref<8x4x1024xf32, #tpu.memory_space<vmem>>, vector<1x1x16xf32>,
        %parallel_loop3A_868 = vector.shape_cast %parallel_loop3A_867 : vector<1x1x16xf32> to vector<16xf32>
        %parallel_loop3A_869 = vector.shape_cast %parallel_loop3A_861 : vector<16xf32> to vector<1x1x16xf32>
        tpu.vector_store %arg8[%parallel_loop3A_864, %parallel_loop3A_865, %parallel_loop3A_866], %parallel_loop3A_869 {strides = array<i32>} : memref<8x4x1024xf32, #tpu.memory_space<vmem>>, vector<1x1x16xf32>,
      } {sc.loop_unroll_factor = 4 : i64, sc.parallel_access}
      %add3A_510 = arith.constant 1 : i32
      %add3A_511 = arith.addi %add3A_412, %add3A_510 : i32
      %dma_start3A_512 = arith.constant 0 : i32
      %dma_start3A_513 = arith.constant 0 : i32
      %dma_start3A_514 = arith.constant 0 : i32
      %dma_start3A_515 = tpu.memref_slice %arg8[%dma_start3A_512, %dma_start3A_513, %dma_start3A_514] : memref<8x4x1024xf32, #tpu.memory_space<vmem>> -> memref<4x4x1024xf32, #tpu.memory_space<vmem>>
      %dma_start3A_516 = arith.constant 0 : i32
      %dma_start3A_517 = arith.constant 0 : i32
      %dma_start3A_518 = tpu.memref_slice %arg5[%add3A_511, %dma_start3A_516, %dma_start3A_517] : memref<8193x4x1024xf32, #tpu.memory_space<hbm>> -> memref<4x4x1024xf32, #tpu.memory_space<hbm>>
      %dma_start3A_519 = arith.constant 0 : i32
      %dma_start3A_520 = arith.constant 0 : i32
      %dma_start3A_521 = tpu.memref_slice %arg5[%add3A_511, %dma_start3A_519, %dma_start3A_520] : memref<8193x4x1024xf32, #tpu.memory_space<hbm>> -> memref<4x4x1024xf32, #tpu.memory_space<hbm>>
      %dma_start3A_522 = arith.constant 0 : i32
      %dma_start3A_523 = arith.constant 0 : i32
      %dma_start3A_524 = arith.constant 0 : i32
      %dma_start3A_525 = tpu.memref_slice %arg8[%dma_start3A_522, %dma_start3A_523, %dma_start3A_524] : memref<8x4x1024xf32, #tpu.memory_space<vmem>> -> memref<4x4x1024xf32, #tpu.memory_space<vmem>>
      tpu.enqueue_dma source(%dma_start3A_525 : memref<4x4x1024xf32, #tpu.memory_space<vmem>>) target(%dma_start3A_521 : memref<4x4x1024xf32, #tpu.memory_space<hbm>>) target_semaphore(%arg17 : memref<!tpu.dma_semaphore, #tpu.memory_space<semaphore_mem>>)
      %dma_wait3A_526 = arith.constant 4 : i32
      %dma_wait3A_527 = arith.constant 0 : i32
      %dma_wait3A_528 = arith.constant 0 : i32
      %dma_wait3A_529 = tpu.memref_slice %arg8[%dma_wait3A_526, %dma_wait3A_527, %dma_wait3A_528] : memref<8x4x1024xf32, #tpu.memory_space<vmem>> -> memref<4x4x1024xf32, #tpu.memory_space<vmem>>
      %dma_wait3A_530 = arith.constant 0 : i32
      %dma_wait3A_531 = arith.constant 0 : i32
      %dma_wait3A_532 = tpu.memref_slice %arg5[%add3A_412, %dma_wait3A_530, %dma_wait3A_531] : memref<8193x4x1024xf32, #tpu.memory_space<hbm>> -> memref<4x4x1024xf32, #tpu.memory_space<hbm>>
      %dma_wait3A_533 = arith.constant 0 : i32
      %dma_wait3A_534 = arith.constant 0 : i32
      %dma_wait3A_535 = tpu.memref_slice %arg5[%add3A_412, %dma_wait3A_533, %dma_wait3A_534] : memref<8193x4x1024xf32, #tpu.memory_space<hbm>> -> memref<4x4x1024xf32, #tpu.memory_space<hbm>>
      %dma_wait3A_536 = arith.constant 4 : i32
      %dma_wait3A_537 = arith.constant 0 : i32
      %dma_wait3A_538 = arith.constant 0 : i32
      %dma_wait3A_539 = tpu.memref_slice %arg8[%dma_wait3A_536, %dma_wait3A_537, %dma_wait3A_538] : memref<8x4x1024xf32, #tpu.memory_space<vmem>> -> memref<4x4x1024xf32, #tpu.memory_space<vmem>>
      tpu.wait_dma2 semaphore(%arg18 : memref<!tpu.dma_semaphore, #tpu.memory_space<semaphore_mem>>) src(%dma_wait3A_539 : memref<4x4x1024xf32, #tpu.memory_space<vmem>>) dst(%dma_wait3A_535 : memref<4x4x1024xf32, #tpu.memory_space<hbm>>)
      %parallel_loop3A_540 = arith.constant 0 : i32
      %parallel_loop3A_541 = arith.constant 1024 : i32
      %parallel_loop3A_542 = arith.constant 16 : i32
      scf.for %parallel_loop3A_585 = %parallel_loop3A_540 to %parallel_loop3A_541 step %parallel_loop3A_542  : i32 {
        %parallel_loop3A_586 = arith.constant 1 : i32
        %parallel_loop3A_587 = arith.constant 5 : i32
        %parallel_loop3A_588 = arith.index_cast %parallel_loop3A_586 : i32 to index
        %parallel_loop3A_589 = arith.index_cast %parallel_loop3A_587 : i32 to index
        %parallel_loop3A_590 = arith.index_cast %parallel_loop3A_585 : i32 to index
        %parallel_loop3A_591 = tpu.vector_load %arg9[%parallel_loop3A_588, %parallel_loop3A_589, %parallel_loop3A_590] {strides = array<i32>} : memref<2x8x1024xf32, #tpu.memory_space<vmem>>, vector<1x1x16xf32>,
        %parallel_loop3A_592 = vector.shape_cast %parallel_loop3A_591 : vector<1x1x16xf32> to vector<16xf32>
        %parallel_loop3A_593 = arith.constant 0 : i32
        %parallel_loop3A_594 = arith.constant 4 : i32
        %parallel_loop3A_595 = arith.index_cast %parallel_loop3A_593 : i32 to index
        %parallel_loop3A_596 = arith.index_cast %parallel_loop3A_594 : i32 to index
        %parallel_loop3A_597 = arith.index_cast %parallel_loop3A_585 : i32 to index
        %parallel_loop3A_598 = tpu.vector_load %arg7[%parallel_loop3A_595, %parallel_loop3A_596, %parallel_loop3A_597] {strides = array<i32>} : memref<4x8x1024xf32, #tpu.memory_space<vmem>>, vector<1x1x16xf32>,
        %parallel_loop3A_599 = vector.shape_cast %parallel_loop3A_598 : vector<1x1x16xf32> to vector<16xf32>
        %parallel_loop3A_600 = arith.addf %parallel_loop3A_599, %parallel_loop3A_592 : vector<16xf32>
        %parallel_loop3A_601 = arith.constant 4 : i32
        %parallel_loop3A_602 = arith.constant 0 : i32
        %parallel_loop3A_603 = arith.index_cast %parallel_loop3A_601 : i32 to index
        %parallel_loop3A_604 = arith.index_cast %parallel_loop3A_602 : i32 to index
        %parallel_loop3A_605 = arith.index_cast %parallel_loop3A_585 : i32 to index
        %parallel_loop3A_606 = tpu.vector_load %arg8[%parallel_loop3A_603, %parallel_loop3A_604, %parallel_loop3A_605] {strides = array<i32>} : memref<8x4x1024xf32, #tpu.memory_space<vmem>>, vector<1x1x16xf32>,
        %parallel_loop3A_607 = vector.shape_cast %parallel_loop3A_606 : vector<1x1x16xf32> to vector<16xf32>
        %parallel_loop3A_608 = vector.shape_cast %parallel_loop3A_600 : vector<16xf32> to vector<1x1x16xf32>
        tpu.vector_store %arg8[%parallel_loop3A_603, %parallel_loop3A_604, %parallel_loop3A_605], %parallel_loop3A_608 {strides = array<i32>} : memref<8x4x1024xf32, #tpu.memory_space<vmem>>, vector<1x1x16xf32>,
        %parallel_loop3A_609 = arith.constant 1 : i32
        %parallel_loop3A_610 = arith.constant 4 : i32
        %parallel_loop3A_611 = arith.index_cast %parallel_loop3A_609 : i32 to index
        %parallel_loop3A_612 = arith.index_cast %parallel_loop3A_610 : i32 to index
        %parallel_loop3A_613 = arith.index_cast %parallel_loop3A_585 : i32 to index
        %parallel_loop3A_614 = tpu.vector_load %arg7[%parallel_loop3A_611, %parallel_loop3A_612, %parallel_loop3A_613] {strides = array<i32>} : memref<4x8x1024xf32, #tpu.memory_space<vmem>>, vector<1x1x16xf32>,
        %parallel_loop3A_615 = vector.shape_cast %parallel_loop3A_614 : vector<1x1x16xf32> to vector<16xf32>
        %parallel_loop3A_616 = arith.addf %parallel_loop3A_615, %parallel_loop3A_592 : vector<16xf32>
        %parallel_loop3A_617 = arith.constant 4 : i32
        %parallel_loop3A_618 = arith.constant 1 : i32
        %parallel_loop3A_619 = arith.index_cast %parallel_loop3A_617 : i32 to index
        %parallel_loop3A_620 = arith.index_cast %parallel_loop3A_618 : i32 to index
        %parallel_loop3A_621 = arith.index_cast %parallel_loop3A_585 : i32 to index
        %parallel_loop3A_622 = tpu.vector_load %arg8[%parallel_loop3A_619, %parallel_loop3A_620, %parallel_loop3A_621] {strides = array<i32>} : memref<8x4x1024xf32, #tpu.memory_space<vmem>>, vector<1x1x16xf32>,
        %parallel_loop3A_623 = vector.shape_cast %parallel_loop3A_622 : vector<1x1x16xf32> to vector<16xf32>
        %parallel_loop3A_624 = vector.shape_cast %parallel_loop3A_616 : vector<16xf32> to vector<1x1x16xf32>
        tpu.vector_store %arg8[%parallel_loop3A_619, %parallel_loop3A_620, %parallel_loop3A_621], %parallel_loop3A_624 {strides = array<i32>} : memref<8x4x1024xf32, #tpu.memory_space<vmem>>, vector<1x1x16xf32>,
        %parallel_loop3A_625 = arith.constant 2 : i32
        %parallel_loop3A_626 = arith.constant 4 : i32
        %parallel_loop3A_627 = arith.index_cast %parallel_loop3A_625 : i32 to index
        %parallel_loop3A_628 = arith.index_cast %parallel_loop3A_626 : i32 to index
        %parallel_loop3A_629 = arith.index_cast %parallel_loop3A_585 : i32 to index
        %parallel_loop3A_630 = tpu.vector_load %arg7[%parallel_loop3A_627, %parallel_loop3A_628, %parallel_loop3A_629] {strides = array<i32>} : memref<4x8x1024xf32, #tpu.memory_space<vmem>>, vector<1x1x16xf32>,
        %parallel_loop3A_631 = vector.shape_cast %parallel_loop3A_630 : vector<1x1x16xf32> to vector<16xf32>
        %parallel_loop3A_632 = arith.addf %parallel_loop3A_631, %parallel_loop3A_592 : vector<16xf32>
        %parallel_loop3A_633 = arith.constant 4 : i32
        %parallel_loop3A_634 = arith.constant 2 : i32
        %parallel_loop3A_635 = arith.index_cast %parallel_loop3A_633 : i32 to index
        %parallel_loop3A_636 = arith.index_cast %parallel_loop3A_634 : i32 to index
        %parallel_loop3A_637 = arith.index_cast %parallel_loop3A_585 : i32 to index
        %parallel_loop3A_638 = tpu.vector_load %arg8[%parallel_loop3A_635, %parallel_loop3A_636, %parallel_loop3A_637] {strides = array<i32>} : memref<8x4x1024xf32, #tpu.memory_space<vmem>>, vector<1x1x16xf32>,
        %parallel_loop3A_639 = vector.shape_cast %parallel_loop3A_638 : vector<1x1x16xf32> to vector<16xf32>
        %parallel_loop3A_640 = vector.shape_cast %parallel_loop3A_632 : vector<16xf32> to vector<1x1x16xf32>
        tpu.vector_store %arg8[%parallel_loop3A_635, %parallel_loop3A_636, %parallel_loop3A_637], %parallel_loop3A_640 {strides = array<i32>} : memref<8x4x1024xf32, #tpu.memory_space<vmem>>, vector<1x1x16xf32>,
        %parallel_loop3A_641 = arith.constant 3 : i32
        %parallel_loop3A_642 = arith.constant 4 : i32
        %parallel_loop3A_643 = arith.index_cast %parallel_loop3A_641 : i32 to index
        %parallel_loop3A_644 = arith.index_cast %parallel_loop3A_642 : i32 to index
        %parallel_loop3A_645 = arith.index_cast %parallel_loop3A_585 : i32 to index
        %parallel_loop3A_646 = tpu.vector_load %arg7[%parallel_loop3A_643, %parallel_loop3A_644, %parallel_loop3A_645] {strides = array<i32>} : memref<4x8x1024xf32, #tpu.memory_space<vmem>>, vector<1x1x16xf32>,
        %parallel_loop3A_647 = vector.shape_cast %parallel_loop3A_646 : vector<1x1x16xf32> to vector<16xf32>
        %parallel_loop3A_648 = arith.addf %parallel_loop3A_647, %parallel_loop3A_592 : vector<16xf32>
        %parallel_loop3A_649 = arith.constant 4 : i32
        %parallel_loop3A_650 = arith.constant 3 : i32
        %parallel_loop3A_651 = arith.index_cast %parallel_loop3A_649 : i32 to index
        %parallel_loop3A_652 = arith.index_cast %parallel_loop3A_650 : i32 to index
        %parallel_loop3A_653 = arith.index_cast %parallel_loop3A_585 : i32 to index
        %parallel_loop3A_654 = tpu.vector_load %arg8[%parallel_loop3A_651, %parallel_loop3A_652, %parallel_loop3A_653] {strides = array<i32>} : memref<8x4x1024xf32, #tpu.memory_space<vmem>>, vector<1x1x16xf32>,
        %parallel_loop3A_655 = vector.shape_cast %parallel_loop3A_654 : vector<1x1x16xf32> to vector<16xf32>
        %parallel_loop3A_656 = vector.shape_cast %parallel_loop3A_648 : vector<16xf32> to vector<1x1x16xf32>
        tpu.vector_store %arg8[%parallel_loop3A_651, %parallel_loop3A_652, %parallel_loop3A_653], %parallel_loop3A_656 {strides = array<i32>} : memref<8x4x1024xf32, #tpu.memory_space<vmem>>, vector<1x1x16xf32>,
        %parallel_loop3A_657 = arith.constant 1 : i32
        %parallel_loop3A_658 = arith.constant 6 : i32
        %parallel_loop3A_659 = arith.index_cast %parallel_loop3A_657 : i32 to index
        %parallel_loop3A_660 = arith.index_cast %parallel_loop3A_658 : i32 to index
        %parallel_loop3A_661 = arith.index_cast %parallel_loop3A_585 : i32 to index
        %parallel_loop3A_662 = tpu.vector_load %arg9[%parallel_loop3A_659, %parallel_loop3A_660, %parallel_loop3A_661] {strides = array<i32>} : memref<2x8x1024xf32, #tpu.memory_space<vmem>>, vector<1x1x16xf32>,
        %parallel_loop3A_663 = vector.shape_cast %parallel_loop3A_662 : vector<1x1x16xf32> to vector<16xf32>
        %parallel_loop3A_664 = arith.constant 0 : i32
        %parallel_loop3A_665 = arith.constant 5 : i32
        %parallel_loop3A_666 = arith.index_cast %parallel_loop3A_664 : i32 to index
        %parallel_loop3A_667 = arith.index_cast %parallel_loop3A_665 : i32 to index
        %parallel_loop3A_668 = arith.index_cast %parallel_loop3A_585 : i32 to index
        %parallel_loop3A_669 = tpu.vector_load %arg7[%parallel_loop3A_666, %parallel_loop3A_667, %parallel_loop3A_668] {strides = array<i32>} : memref<4x8x1024xf32, #tpu.memory_space<vmem>>, vector<1x1x16xf32>,
        %parallel_loop3A_670 = vector.shape_cast %parallel_loop3A_669 : vector<1x1x16xf32> to vector<16xf32>
        %parallel_loop3A_671 = arith.addf %parallel_loop3A_670, %parallel_loop3A_663 : vector<16xf32>
        %parallel_loop3A_672 = arith.constant 5 : i32
        %parallel_loop3A_673 = arith.constant 0 : i32
        %parallel_loop3A_674 = arith.index_cast %parallel_loop3A_672 : i32 to index
        %parallel_loop3A_675 = arith.index_cast %parallel_loop3A_673 : i32 to index
        %parallel_loop3A_676 = arith.index_cast %parallel_loop3A_585 : i32 to index
        %parallel_loop3A_677 = tpu.vector_load %arg8[%parallel_loop3A_674, %parallel_loop3A_675, %parallel_loop3A_676] {strides = array<i32>} : memref<8x4x1024xf32, #tpu.memory_space<vmem>>, vector<1x1x16xf32>,
        %parallel_loop3A_678 = vector.shape_cast %parallel_loop3A_677 : vector<1x1x16xf32> to vector<16xf32>
        %parallel_loop3A_679 = vector.shape_cast %parallel_loop3A_671 : vector<16xf32> to vector<1x1x16xf32>
        tpu.vector_store %arg8[%parallel_loop3A_674, %parallel_loop3A_675, %parallel_loop3A_676], %parallel_loop3A_679 {strides = array<i32>} : memref<8x4x1024xf32, #tpu.memory_space<vmem>>, vector<1x1x16xf32>,
        %parallel_loop3A_680 = arith.constant 1 : i32
        %parallel_loop3A_681 = arith.constant 5 : i32
        %parallel_loop3A_682 = arith.index_cast %parallel_loop3A_680 : i32 to index
        %parallel_loop3A_683 = arith.index_cast %parallel_loop3A_681 : i32 to index
        %parallel_loop3A_684 = arith.index_cast %parallel_loop3A_585 : i32 to index
        %parallel_loop3A_685 = tpu.vector_load %arg7[%parallel_loop3A_682, %parallel_loop3A_683, %parallel_loop3A_684] {strides = array<i32>} : memref<4x8x1024xf32, #tpu.memory_space<vmem>>, vector<1x1x16xf32>,
        %parallel_loop3A_686 = vector.shape_cast %parallel_loop3A_685 : vector<1x1x16xf32> to vector<16xf32>
        %parallel_loop3A_687 = arith.addf %parallel_loop3A_686, %parallel_loop3A_663 : vector<16xf32>
        %parallel_loop3A_688 = arith.constant 5 : i32
        %parallel_loop3A_689 = arith.constant 1 : i32
        %parallel_loop3A_690 = arith.index_cast %parallel_loop3A_688 : i32 to index
        %parallel_loop3A_691 = arith.index_cast %parallel_loop3A_689 : i32 to index
        %parallel_loop3A_692 = arith.index_cast %parallel_loop3A_585 : i32 to index
        %parallel_loop3A_693 = tpu.vector_load %arg8[%parallel_loop3A_690, %parallel_loop3A_691, %parallel_loop3A_692] {strides = array<i32>} : memref<8x4x1024xf32, #tpu.memory_space<vmem>>, vector<1x1x16xf32>,
        %parallel_loop3A_694 = vector.shape_cast %parallel_loop3A_693 : vector<1x1x16xf32> to vector<16xf32>
        %parallel_loop3A_695 = vector.shape_cast %parallel_loop3A_687 : vector<16xf32> to vector<1x1x16xf32>
        tpu.vector_store %arg8[%parallel_loop3A_690, %parallel_loop3A_691, %parallel_loop3A_692], %parallel_loop3A_695 {strides = array<i32>} : memref<8x4x1024xf32, #tpu.memory_space<vmem>>, vector<1x1x16xf32>,
        %parallel_loop3A_696 = arith.constant 2 : i32
        %parallel_loop3A_697 = arith.constant 5 : i32
        %parallel_loop3A_698 = arith.index_cast %parallel_loop3A_696 : i32 to index
        %parallel_loop3A_699 = arith.index_cast %parallel_loop3A_697 : i32 to index
        %parallel_loop3A_700 = arith.index_cast %parallel_loop3A_585 : i32 to index
        %parallel_loop3A_701 = tpu.vector_load %arg7[%parallel_loop3A_698, %parallel_loop3A_699, %parallel_loop3A_700] {strides = array<i32>} : memref<4x8x1024xf32, #tpu.memory_space<vmem>>, vector<1x1x16xf32>,
        %parallel_loop3A_702 = vector.shape_cast %parallel_loop3A_701 : vector<1x1x16xf32> to vector<16xf32>
        %parallel_loop3A_703 = arith.addf %parallel_loop3A_702, %parallel_loop3A_663 : vector<16xf32>
        %parallel_loop3A_704 = arith.constant 5 : i32
        %parallel_loop3A_705 = arith.constant 2 : i32
        %parallel_loop3A_706 = arith.index_cast %parallel_loop3A_704 : i32 to index
        %parallel_loop3A_707 = arith.index_cast %parallel_loop3A_705 : i32 to index
        %parallel_loop3A_708 = arith.index_cast %parallel_loop3A_585 : i32 to index
        %parallel_loop3A_709 = tpu.vector_load %arg8[%parallel_loop3A_706, %parallel_loop3A_707, %parallel_loop3A_708] {strides = array<i32>} : memref<8x4x1024xf32, #tpu.memory_space<vmem>>, vector<1x1x16xf32>,
        %parallel_loop3A_710 = vector.shape_cast %parallel_loop3A_709 : vector<1x1x16xf32> to vector<16xf32>
        %parallel_loop3A_711 = vector.shape_cast %parallel_loop3A_703 : vector<16xf32> to vector<1x1x16xf32>
        tpu.vector_store %arg8[%parallel_loop3A_706, %parallel_loop3A_707, %parallel_loop3A_708], %parallel_loop3A_711 {strides = array<i32>} : memref<8x4x1024xf32, #tpu.memory_space<vmem>>, vector<1x1x16xf32>,
        %parallel_loop3A_712 = arith.constant 3 : i32
        %parallel_loop3A_713 = arith.constant 5 : i32
        %parallel_loop3A_714 = arith.index_cast %parallel_loop3A_712 : i32 to index
        %parallel_loop3A_715 = arith.index_cast %parallel_loop3A_713 : i32 to index
        %parallel_loop3A_716 = arith.index_cast %parallel_loop3A_585 : i32 to index
        %parallel_loop3A_717 = tpu.vector_load %arg7[%parallel_loop3A_714, %parallel_loop3A_715, %parallel_loop3A_716] {strides = array<i32>} : memref<4x8x1024xf32, #tpu.memory_space<vmem>>, vector<1x1x16xf32>,
        %parallel_loop3A_718 = vector.shape_cast %parallel_loop3A_717 : vector<1x1x16xf32> to vector<16xf32>
        %parallel_loop3A_719 = arith.addf %parallel_loop3A_718, %parallel_loop3A_663 : vector<16xf32>
        %parallel_loop3A_720 = arith.constant 5 : i32
        %parallel_loop3A_721 = arith.constant 3 : i32
        %parallel_loop3A_722 = arith.index_cast %parallel_loop3A_720 : i32 to index
        %parallel_loop3A_723 = arith.index_cast %parallel_loop3A_721 : i32 to index
        %parallel_loop3A_724 = arith.index_cast %parallel_loop3A_585 : i32 to index
        %parallel_loop3A_725 = tpu.vector_load %arg8[%parallel_loop3A_722, %parallel_loop3A_723, %parallel_loop3A_724] {strides = array<i32>} : memref<8x4x1024xf32, #tpu.memory_space<vmem>>, vector<1x1x16xf32>,
        %parallel_loop3A_726 = vector.shape_cast %parallel_loop3A_725 : vector<1x1x16xf32> to vector<16xf32>
        %parallel_loop3A_727 = vector.shape_cast %parallel_loop3A_719 : vector<16xf32> to vector<1x1x16xf32>
        tpu.vector_store %arg8[%parallel_loop3A_722, %parallel_loop3A_723, %parallel_loop3A_724], %parallel_loop3A_727 {strides = array<i32>} : memref<8x4x1024xf32, #tpu.memory_space<vmem>>, vector<1x1x16xf32>,
        %parallel_loop3A_728 = arith.constant 1 : i32
        %parallel_loop3A_729 = arith.constant 7 : i32
        %parallel_loop3A_730 = arith.index_cast %parallel_loop3A_728 : i32 to index
        %parallel_loop3A_731 = arith.index_cast %parallel_loop3A_729 : i32 to index
        %parallel_loop3A_732 = arith.index_cast %parallel_loop3A_585 : i32 to index
        %parallel_loop3A_733 = tpu.vector_load %arg9[%parallel_loop3A_730, %parallel_loop3A_731, %parallel_loop3A_732] {strides = array<i32>} : memref<2x8x1024xf32, #tpu.memory_space<vmem>>, vector<1x1x16xf32>,
        %parallel_loop3A_734 = vector.shape_cast %parallel_loop3A_733 : vector<1x1x16xf32> to vector<16xf32>
        %parallel_loop3A_735 = arith.constant 0 : i32
        %parallel_loop3A_736 = arith.constant 6 : i32
        %parallel_loop3A_737 = arith.index_cast %parallel_loop3A_735 : i32 to index
        %parallel_loop3A_738 = arith.index_cast %parallel_loop3A_736 : i32 to index
        %parallel_loop3A_739 = arith.index_cast %parallel_loop3A_585 : i32 to index
        %parallel_loop3A_740 = tpu.vector_load %arg7[%parallel_loop3A_737, %parallel_loop3A_738, %parallel_loop3A_739] {strides = array<i32>} : memref<4x8x1024xf32, #tpu.memory_space<vmem>>, vector<1x1x16xf32>,
        %parallel_loop3A_741 = vector.shape_cast %parallel_loop3A_740 : vector<1x1x16xf32> to vector<16xf32>
        %parallel_loop3A_742 = arith.addf %parallel_loop3A_741, %parallel_loop3A_734 : vector<16xf32>
        %parallel_loop3A_743 = arith.constant 6 : i32
        %parallel_loop3A_744 = arith.constant 0 : i32
        %parallel_loop3A_745 = arith.index_cast %parallel_loop3A_743 : i32 to index
        %parallel_loop3A_746 = arith.index_cast %parallel_loop3A_744 : i32 to index
        %parallel_loop3A_747 = arith.index_cast %parallel_loop3A_585 : i32 to index
        %parallel_loop3A_748 = tpu.vector_load %arg8[%parallel_loop3A_745, %parallel_loop3A_746, %parallel_loop3A_747] {strides = array<i32>} : memref<8x4x1024xf32, #tpu.memory_space<vmem>>, vector<1x1x16xf32>,
        %parallel_loop3A_749 = vector.shape_cast %parallel_loop3A_748 : vector<1x1x16xf32> to vector<16xf32>
        %parallel_loop3A_750 = vector.shape_cast %parallel_loop3A_742 : vector<16xf32> to vector<1x1x16xf32>
        tpu.vector_store %arg8[%parallel_loop3A_745, %parallel_loop3A_746, %parallel_loop3A_747], %parallel_loop3A_750 {strides = array<i32>} : memref<8x4x1024xf32, #tpu.memory_space<vmem>>, vector<1x1x16xf32>,
        %parallel_loop3A_751 = arith.constant 1 : i32
        %parallel_loop3A_752 = arith.constant 6 : i32
        %parallel_loop3A_753 = arith.index_cast %parallel_loop3A_751 : i32 to index
        %parallel_loop3A_754 = arith.index_cast %parallel_loop3A_752 : i32 to index
        %parallel_loop3A_755 = arith.index_cast %parallel_loop3A_585 : i32 to index
        %parallel_loop3A_756 = tpu.vector_load %arg7[%parallel_loop3A_753, %parallel_loop3A_754, %parallel_loop3A_755] {strides = array<i32>} : memref<4x8x1024xf32, #tpu.memory_space<vmem>>, vector<1x1x16xf32>,
        %parallel_loop3A_757 = vector.shape_cast %parallel_loop3A_756 : vector<1x1x16xf32> to vector<16xf32>
        %parallel_loop3A_758 = arith.addf %parallel_loop3A_757, %parallel_loop3A_734 : vector<16xf32>
        %parallel_loop3A_759 = arith.constant 6 : i32
        %parallel_loop3A_760 = arith.constant 1 : i32
        %parallel_loop3A_761 = arith.index_cast %parallel_loop3A_759 : i32 to index
        %parallel_loop3A_762 = arith.index_cast %parallel_loop3A_760 : i32 to index
        %parallel_loop3A_763 = arith.index_cast %parallel_loop3A_585 : i32 to index
        %parallel_loop3A_764 = tpu.vector_load %arg8[%parallel_loop3A_761, %parallel_loop3A_762, %parallel_loop3A_763] {strides = array<i32>} : memref<8x4x1024xf32, #tpu.memory_space<vmem>>, vector<1x1x16xf32>,
        %parallel_loop3A_765 = vector.shape_cast %parallel_loop3A_764 : vector<1x1x16xf32> to vector<16xf32>
        %parallel_loop3A_766 = vector.shape_cast %parallel_loop3A_758 : vector<16xf32> to vector<1x1x16xf32>
        tpu.vector_store %arg8[%parallel_loop3A_761, %parallel_loop3A_762, %parallel_loop3A_763], %parallel_loop3A_766 {strides = array<i32>} : memref<8x4x1024xf32, #tpu.memory_space<vmem>>, vector<1x1x16xf32>,
        %parallel_loop3A_767 = arith.constant 2 : i32
        %parallel_loop3A_768 = arith.constant 6 : i32
        %parallel_loop3A_769 = arith.index_cast %parallel_loop3A_767 : i32 to index
        %parallel_loop3A_770 = arith.index_cast %parallel_loop3A_768 : i32 to index
        %parallel_loop3A_771 = arith.index_cast %parallel_loop3A_585 : i32 to index
        %parallel_loop3A_772 = tpu.vector_load %arg7[%parallel_loop3A_769, %parallel_loop3A_770, %parallel_loop3A_771] {strides = array<i32>} : memref<4x8x1024xf32, #tpu.memory_space<vmem>>, vector<1x1x16xf32>,
        %parallel_loop3A_773 = vector.shape_cast %parallel_loop3A_772 : vector<1x1x16xf32> to vector<16xf32>
        %parallel_loop3A_774 = arith.addf %parallel_loop3A_773, %parallel_loop3A_734 : vector<16xf32>
        %parallel_loop3A_775 = arith.constant 6 : i32
        %parallel_loop3A_776 = arith.constant 2 : i32
        %parallel_loop3A_777 = arith.index_cast %parallel_loop3A_775 : i32 to index
        %parallel_loop3A_778 = arith.index_cast %parallel_loop3A_776 : i32 to index
        %parallel_loop3A_779 = arith.index_cast %parallel_loop3A_585 : i32 to index
        %parallel_loop3A_780 = tpu.vector_load %arg8[%parallel_loop3A_777, %parallel_loop3A_778, %parallel_loop3A_779] {strides = array<i32>} : memref<8x4x1024xf32, #tpu.memory_space<vmem>>, vector<1x1x16xf32>,
        %parallel_loop3A_781 = vector.shape_cast %parallel_loop3A_780 : vector<1x1x16xf32> to vector<16xf32>
        %parallel_loop3A_782 = vector.shape_cast %parallel_loop3A_774 : vector<16xf32> to vector<1x1x16xf32>
        tpu.vector_store %arg8[%parallel_loop3A_777, %parallel_loop3A_778, %parallel_loop3A_779], %parallel_loop3A_782 {strides = array<i32>} : memref<8x4x1024xf32, #tpu.memory_space<vmem>>, vector<1x1x16xf32>,
        %parallel_loop3A_783 = arith.constant 3 : i32
        %parallel_loop3A_784 = arith.constant 6 : i32
        %parallel_loop3A_785 = arith.index_cast %parallel_loop3A_783 : i32 to index
        %parallel_loop3A_786 = arith.index_cast %parallel_loop3A_784 : i32 to index
        %parallel_loop3A_787 = arith.index_cast %parallel_loop3A_585 : i32 to index
        %parallel_loop3A_788 = tpu.vector_load %arg7[%parallel_loop3A_785, %parallel_loop3A_786, %parallel_loop3A_787] {strides = array<i32>} : memref<4x8x1024xf32, #tpu.memory_space<vmem>>, vector<1x1x16xf32>,
        %parallel_loop3A_789 = vector.shape_cast %parallel_loop3A_788 : vector<1x1x16xf32> to vector<16xf32>
        %parallel_loop3A_790 = arith.addf %parallel_loop3A_789, %parallel_loop3A_734 : vector<16xf32>
        %parallel_loop3A_791 = arith.constant 6 : i32
        %parallel_loop3A_792 = arith.constant 3 : i32
        %parallel_loop3A_793 = arith.index_cast %parallel_loop3A_791 : i32 to index
        %parallel_loop3A_794 = arith.index_cast %parallel_loop3A_792 : i32 to index
        %parallel_loop3A_795 = arith.index_cast %parallel_loop3A_585 : i32 to index
        %parallel_loop3A_796 = tpu.vector_load %arg8[%parallel_loop3A_793, %parallel_loop3A_794, %parallel_loop3A_795] {strides = array<i32>} : memref<8x4x1024xf32, #tpu.memory_space<vmem>>, vector<1x1x16xf32>,
        %parallel_loop3A_797 = vector.shape_cast %parallel_loop3A_796 : vector<1x1x16xf32> to vector<16xf32>
        %parallel_loop3A_798 = vector.shape_cast %parallel_loop3A_790 : vector<16xf32> to vector<1x1x16xf32>
        tpu.vector_store %arg8[%parallel_loop3A_793, %parallel_loop3A_794, %parallel_loop3A_795], %parallel_loop3A_798 {strides = array<i32>} : memref<8x4x1024xf32, #tpu.memory_space<vmem>>, vector<1x1x16xf32>,
      } {sc.loop_unroll_factor = 4 : i64, sc.parallel_access}
      %lt3A_543 = arith.constant 15 : i32
      %lt3A_544 = arith.cmpi slt, %scan3A_153, %lt3A_543 : i32
      %convert_element_type3A_545 = arith.extui %lt3A_544 : i1 to i32
      %cond3A_546 = arith.constant 0 : i32
      %cond3A_547 = arith.cmpi ne, %convert_element_type3A_545, %cond3A_546 : i32
      scf.if %cond3A_547 {
        %add3A_585 = arith.constant 2 : i32
        %add3A_586 = arith.addi %add3A_409, %add3A_585 : i32
        %mul3A_587 = arith.constant 8 : i32
        %mul3A_588 = arith.muli %add3A_586, %mul3A_587 : i32
        %add3A_589 = arith.addi %mul3A_2, %mul3A_588 : i32
        %dma_start3A_590 = arith.constant 1 : i32
        %dma_start3A_591 = arith.constant 0 : i32
        %dma_start3A_592 = arith.constant 0 : i32
        %dma_start3A_593 = tpu.memref_slice %arg9[%dma_start3A_590, %dma_start3A_591, %dma_start3A_592] : memref<2x8x1024xf32, #tpu.memory_space<vmem>> -> memref<1x8x1024xf32, #tpu.memory_space<vmem>>
        %dma_start3A_594 = tpu.memref_squeeze %dma_start3A_593 : memref<1x8x1024xf32, #tpu.memory_space<vmem>> -> memref<8x1024xf32, #tpu.memory_space<vmem>>
        %dma_start3A_595 = arith.constant 0 : i32
        %dma_start3A_596 = tpu.memref_slice %arg4[%add3A_589, %dma_start3A_595] : memref<8193x1024xf32, #tpu.memory_space<hbm>> -> memref<8x1024xf32, #tpu.memory_space<hbm>>
        %dma_start3A_597 = arith.constant 0 : i32
        %dma_start3A_598 = arith.constant 0 : i32
        %dma_start3A_599 = tpu.memref_slice %arg9[%dma_start3A_590, %dma_start3A_597, %dma_start3A_598] : memref<2x8x1024xf32, #tpu.memory_space<vmem>> -> memref<1x8x1024xf32, #tpu.memory_space<vmem>>
        %dma_start3A_600 = tpu.memref_squeeze %dma_start3A_599 : memref<1x8x1024xf32, #tpu.memory_space<vmem>> -> memref<8x1024xf32, #tpu.memory_space<vmem>>
        %dma_start3A_601 = arith.constant 0 : i32
        %dma_start3A_602 = tpu.memref_slice %arg4[%add3A_589, %dma_start3A_601] : memref<8193x1024xf32, #tpu.memory_space<hbm>> -> memref<8x1024xf32, #tpu.memory_space<hbm>>
        tpu.enqueue_dma source(%dma_start3A_602 : memref<8x1024xf32, #tpu.memory_space<hbm>>) target(%dma_start3A_600 : memref<8x1024xf32, #tpu.memory_space<vmem>>) target_semaphore(%arg16 : memref<!tpu.dma_semaphore, #tpu.memory_space<semaphore_mem>>)
      } else {
      }
      %add3A_548 = arith.constant 1 : i32
      %add3A_549 = arith.addi %add3A_409, %add3A_548 : i32
      %mul3A_550 = arith.constant 8 : i32
      %mul3A_551 = arith.muli %add3A_549, %mul3A_550 : i32
      %add3A_552 = arith.addi %mul3A_2, %mul3A_551 : i32
      %dma_wait3A_553 = arith.constant 0 : i32
      %dma_wait3A_554 = arith.constant 0 : i32
      %dma_wait3A_555 = arith.constant 0 : i32
      %dma_wait3A_556 = tpu.memref_slice %arg9[%dma_wait3A_553, %dma_wait3A_554, %dma_wait3A_555] : memref<2x8x1024xf32, #tpu.memory_space<vmem>> -> memref<1x8x1024xf32, #tpu.memory_space<vmem>>
      %dma_wait3A_557 = tpu.memref_squeeze %dma_wait3A_556 : memref<1x8x1024xf32, #tpu.memory_space<vmem>> -> memref<8x1024xf32, #tpu.memory_space<vmem>>
      %dma_wait3A_558 = arith.constant 0 : i32
      %dma_wait3A_559 = tpu.memref_slice %arg4[%add3A_552, %dma_wait3A_558] : memref<8193x1024xf32, #tpu.memory_space<hbm>> -> memref<8x1024xf32, #tpu.memory_space<hbm>>
      %dma_wait3A_560 = arith.constant 0 : i32
      %dma_wait3A_561 = arith.constant 0 : i32
      %dma_wait3A_562 = tpu.memref_slice %arg9[%dma_wait3A_553, %dma_wait3A_560, %dma_wait3A_561] : memref<2x8x1024xf32, #tpu.memory_space<vmem>> -> memref<1x8x1024xf32, #tpu.memory_space<vmem>>
      %dma_wait3A_563 = tpu.memref_squeeze %dma_wait3A_562 : memref<1x8x1024xf32, #tpu.memory_space<vmem>> -> memref<8x1024xf32, #tpu.memory_space<vmem>>
      %dma_wait3A_564 = arith.constant 0 : i32
      %dma_wait3A_565 = tpu.memref_slice %arg4[%add3A_552, %dma_wait3A_564] : memref<8193x1024xf32, #tpu.memory_space<hbm>> -> memref<8x1024xf32, #tpu.memory_space<hbm>>
      tpu.wait_dma2 semaphore(%arg15 : memref<!tpu.dma_semaphore, #tpu.memory_space<semaphore_mem>>) src(%dma_wait3A_565 : memref<8x1024xf32, #tpu.memory_space<hbm>>) dst(%dma_wait3A_563 : memref<8x1024xf32, #tpu.memory_space<vmem>>)
      %parallel_loop3A_566 = arith.constant 0 : i32
      %parallel_loop3A_567 = arith.constant 1024 : i32
      %parallel_loop3A_568 = arith.constant 16 : i32
      scf.for %parallel_loop3A_585 = %parallel_loop3A_566 to %parallel_loop3A_567 step %parallel_loop3A_568  : i32 {
        %parallel_loop3A_586 = arith.constant 0 : i32
        %parallel_loop3A_587 = arith.constant 0 : i32
        %parallel_loop3A_588 = arith.index_cast %parallel_loop3A_586 : i32 to index
        %parallel_loop3A_589 = arith.index_cast %parallel_loop3A_587 : i32 to index
        %parallel_loop3A_590 = arith.index_cast %parallel_loop3A_585 : i32 to index
        %parallel_loop3A_591 = tpu.vector_load %arg9[%parallel_loop3A_588, %parallel_loop3A_589, %parallel_loop3A_590] {strides = array<i32>} : memref<2x8x1024xf32, #tpu.memory_space<vmem>>, vector<1x1x16xf32>,
        %parallel_loop3A_592 = vector.shape_cast %parallel_loop3A_591 : vector<1x1x16xf32> to vector<16xf32>
        %parallel_loop3A_593 = arith.constant 0 : i32
        %parallel_loop3A_594 = arith.constant 7 : i32
        %parallel_loop3A_595 = arith.index_cast %parallel_loop3A_593 : i32 to index
        %parallel_loop3A_596 = arith.index_cast %parallel_loop3A_594 : i32 to index
        %parallel_loop3A_597 = arith.index_cast %parallel_loop3A_585 : i32 to index
        %parallel_loop3A_598 = tpu.vector_load %arg7[%parallel_loop3A_595, %parallel_loop3A_596, %parallel_loop3A_597] {strides = array<i32>} : memref<4x8x1024xf32, #tpu.memory_space<vmem>>, vector<1x1x16xf32>,
        %parallel_loop3A_599 = vector.shape_cast %parallel_loop3A_598 : vector<1x1x16xf32> to vector<16xf32>
        %parallel_loop3A_600 = arith.addf %parallel_loop3A_599, %parallel_loop3A_592 : vector<16xf32>
        %parallel_loop3A_601 = arith.constant 7 : i32
        %parallel_loop3A_602 = arith.constant 0 : i32
        %parallel_loop3A_603 = arith.index_cast %parallel_loop3A_601 : i32 to index
        %parallel_loop3A_604 = arith.index_cast %parallel_loop3A_602 : i32 to index
        %parallel_loop3A_605 = arith.index_cast %parallel_loop3A_585 : i32 to index
        %parallel_loop3A_606 = tpu.vector_load %arg8[%parallel_loop3A_603, %parallel_loop3A_604, %parallel_loop3A_605] {strides = array<i32>} : memref<8x4x1024xf32, #tpu.memory_space<vmem>>, vector<1x1x16xf32>,
        %parallel_loop3A_607 = vector.shape_cast %parallel_loop3A_606 : vector<1x1x16xf32> to vector<16xf32>
        %parallel_loop3A_608 = vector.shape_cast %parallel_loop3A_600 : vector<16xf32> to vector<1x1x16xf32>
        tpu.vector_store %arg8[%parallel_loop3A_603, %parallel_loop3A_604, %parallel_loop3A_605], %parallel_loop3A_608 {strides = array<i32>} : memref<8x4x1024xf32, #tpu.memory_space<vmem>>, vector<1x1x16xf32>,
        %parallel_loop3A_609 = arith.constant 1 : i32
        %parallel_loop3A_610 = arith.constant 7 : i32
        %parallel_loop3A_611 = arith.index_cast %parallel_loop3A_609 : i32 to index
        %parallel_loop3A_612 = arith.index_cast %parallel_loop3A_610 : i32 to index
        %parallel_loop3A_613 = arith.index_cast %parallel_loop3A_585 : i32 to index
        %parallel_loop3A_614 = tpu.vector_load %arg7[%parallel_loop3A_611, %parallel_loop3A_612, %parallel_loop3A_613] {strides = array<i32>} : memref<4x8x1024xf32, #tpu.memory_space<vmem>>, vector<1x1x16xf32>,
        %parallel_loop3A_615 = vector.shape_cast %parallel_loop3A_614 : vector<1x1x16xf32> to vector<16xf32>
        %parallel_loop3A_616 = arith.addf %parallel_loop3A_615, %parallel_loop3A_592 : vector<16xf32>
        %parallel_loop3A_617 = arith.constant 7 : i32
        %parallel_loop3A_618 = arith.constant 1 : i32
        %parallel_loop3A_619 = arith.index_cast %parallel_loop3A_617 : i32 to index
        %parallel_loop3A_620 = arith.index_cast %parallel_loop3A_618 : i32 to index
        %parallel_loop3A_621 = arith.index_cast %parallel_loop3A_585 : i32 to index
        %parallel_loop3A_622 = tpu.vector_load %arg8[%parallel_loop3A_619, %parallel_loop3A_620, %parallel_loop3A_621] {strides = array<i32>} : memref<8x4x1024xf32, #tpu.memory_space<vmem>>, vector<1x1x16xf32>,
        %parallel_loop3A_623 = vector.shape_cast %parallel_loop3A_622 : vector<1x1x16xf32> to vector<16xf32>
        %parallel_loop3A_624 = vector.shape_cast %parallel_loop3A_616 : vector<16xf32> to vector<1x1x16xf32>
        tpu.vector_store %arg8[%parallel_loop3A_619, %parallel_loop3A_620, %parallel_loop3A_621], %parallel_loop3A_624 {strides = array<i32>} : memref<8x4x1024xf32, #tpu.memory_space<vmem>>, vector<1x1x16xf32>,
        %parallel_loop3A_625 = arith.constant 2 : i32
        %parallel_loop3A_626 = arith.constant 7 : i32
        %parallel_loop3A_627 = arith.index_cast %parallel_loop3A_625 : i32 to index
        %parallel_loop3A_628 = arith.index_cast %parallel_loop3A_626 : i32 to index
        %parallel_loop3A_629 = arith.index_cast %parallel_loop3A_585 : i32 to index
        %parallel_loop3A_630 = tpu.vector_load %arg7[%parallel_loop3A_627, %parallel_loop3A_628, %parallel_loop3A_629] {strides = array<i32>} : memref<4x8x1024xf32, #tpu.memory_space<vmem>>, vector<1x1x16xf32>,
        %parallel_loop3A_631 = vector.shape_cast %parallel_loop3A_630 : vector<1x1x16xf32> to vector<16xf32>
        %parallel_loop3A_632 = arith.addf %parallel_loop3A_631, %parallel_loop3A_592 : vector<16xf32>
        %parallel_loop3A_633 = arith.constant 7 : i32
        %parallel_loop3A_634 = arith.constant 2 : i32
        %parallel_loop3A_635 = arith.index_cast %parallel_loop3A_633 : i32 to index
        %parallel_loop3A_636 = arith.index_cast %parallel_loop3A_634 : i32 to index
        %parallel_loop3A_637 = arith.index_cast %parallel_loop3A_585 : i32 to index
        %parallel_loop3A_638 = tpu.vector_load %arg8[%parallel_loop3A_635, %parallel_loop3A_636, %parallel_loop3A_637] {strides = array<i32>} : memref<8x4x1024xf32, #tpu.memory_space<vmem>>, vector<1x1x16xf32>,
        %parallel_loop3A_639 = vector.shape_cast %parallel_loop3A_638 : vector<1x1x16xf32> to vector<16xf32>
        %parallel_loop3A_640 = vector.shape_cast %parallel_loop3A_632 : vector<16xf32> to vector<1x1x16xf32>
        tpu.vector_store %arg8[%parallel_loop3A_635, %parallel_loop3A_636, %parallel_loop3A_637], %parallel_loop3A_640 {strides = array<i32>} : memref<8x4x1024xf32, #tpu.memory_space<vmem>>, vector<1x1x16xf32>,
        %parallel_loop3A_641 = arith.constant 3 : i32
        %parallel_loop3A_642 = arith.constant 7 : i32
        %parallel_loop3A_643 = arith.index_cast %parallel_loop3A_641 : i32 to index
        %parallel_loop3A_644 = arith.index_cast %parallel_loop3A_642 : i32 to index
        %parallel_loop3A_645 = arith.index_cast %parallel_loop3A_585 : i32 to index
        %parallel_loop3A_646 = tpu.vector_load %arg7[%parallel_loop3A_643, %parallel_loop3A_644, %parallel_loop3A_645] {strides = array<i32>} : memref<4x8x1024xf32, #tpu.memory_space<vmem>>, vector<1x1x16xf32>,
        %parallel_loop3A_647 = vector.shape_cast %parallel_loop3A_646 : vector<1x1x16xf32> to vector<16xf32>
        %parallel_loop3A_648 = arith.addf %parallel_loop3A_647, %parallel_loop3A_592 : vector<16xf32>
        %parallel_loop3A_649 = arith.constant 7 : i32
        %parallel_loop3A_650 = arith.constant 3 : i32
        %parallel_loop3A_651 = arith.index_cast %parallel_loop3A_649 : i32 to index
        %parallel_loop3A_652 = arith.index_cast %parallel_loop3A_650 : i32 to index
        %parallel_loop3A_653 = arith.index_cast %parallel_loop3A_585 : i32 to index
        %parallel_loop3A_654 = tpu.vector_load %arg8[%parallel_loop3A_651, %parallel_loop3A_652, %parallel_loop3A_653] {strides = array<i32>} : memref<8x4x1024xf32, #tpu.memory_space<vmem>>, vector<1x1x16xf32>,
        %parallel_loop3A_655 = vector.shape_cast %parallel_loop3A_654 : vector<1x1x16xf32> to vector<16xf32>
        %parallel_loop3A_656 = vector.shape_cast %parallel_loop3A_648 : vector<16xf32> to vector<1x1x16xf32>
        tpu.vector_store %arg8[%parallel_loop3A_651, %parallel_loop3A_652, %parallel_loop3A_653], %parallel_loop3A_656 {strides = array<i32>} : memref<8x4x1024xf32, #tpu.memory_space<vmem>>, vector<1x1x16xf32>,
      } {sc.loop_unroll_factor = 4 : i64, sc.parallel_access}
      %add3A_569 = arith.constant 5 : i32
      %add3A_570 = arith.addi %add3A_412, %add3A_569 : i32
      %dma_start3A_571 = arith.constant 4 : i32
      %dma_start3A_572 = arith.constant 0 : i32
      %dma_start3A_573 = arith.constant 0 : i32
      %dma_start3A_574 = tpu.memref_slice %arg8[%dma_start3A_571, %dma_start3A_572, %dma_start3A_573] : memref<8x4x1024xf32, #tpu.memory_space<vmem>> -> memref<4x4x1024xf32, #tpu.memory_space<vmem>>
      %dma_start3A_575 = arith.constant 0 : i32
      %dma_start3A_576 = arith.constant 0 : i32
      %dma_start3A_577 = tpu.memref_slice %arg5[%add3A_570, %dma_start3A_575, %dma_start3A_576] : memref<8193x4x1024xf32, #tpu.memory_space<hbm>> -> memref<4x4x1024xf32, #tpu.memory_space<hbm>>
      %dma_start3A_578 = arith.constant 0 : i32
      %dma_start3A_579 = arith.constant 0 : i32
      %dma_start3A_580 = tpu.memref_slice %arg5[%add3A_570, %dma_start3A_578, %dma_start3A_579] : memref<8193x4x1024xf32, #tpu.memory_space<hbm>> -> memref<4x4x1024xf32, #tpu.memory_space<hbm>>
      %dma_start3A_581 = arith.constant 4 : i32
      %dma_start3A_582 = arith.constant 0 : i32
      %dma_start3A_583 = arith.constant 0 : i32
      %dma_start3A_584 = tpu.memref_slice %arg8[%dma_start3A_581, %dma_start3A_582, %dma_start3A_583] : memref<8x4x1024xf32, #tpu.memory_space<vmem>> -> memref<4x4x1024xf32, #tpu.memory_space<vmem>>
      tpu.enqueue_dma source(%dma_start3A_584 : memref<4x4x1024xf32, #tpu.memory_space<vmem>>) target(%dma_start3A_580 : memref<4x4x1024xf32, #tpu.memory_space<hbm>>) target_semaphore(%arg18 : memref<!tpu.dma_semaphore, #tpu.memory_space<semaphore_mem>>)
    }
    %scan3A_124 = arith.constant 16 : i32
    %dma_wait3A_125 = arith.constant 0 : i32
    %dma_wait3A_126 = arith.constant 0 : i32
    %dma_wait3A_127 = arith.constant 0 : i32
    %dma_wait3A_128 = tpu.memref_slice %arg8[%dma_wait3A_125, %dma_wait3A_126, %dma_wait3A_127] : memref<8x4x1024xf32, #tpu.memory_space<vmem>> -> memref<4x4x1024xf32, #tpu.memory_space<vmem>>
    %dma_wait3A_129 = arith.constant 0 : i32
    %dma_wait3A_130 = arith.constant 0 : i32
    %dma_wait3A_131 = tpu.memref_slice %arg5[%mul3A_2, %dma_wait3A_129, %dma_wait3A_130] : memref<8193x4x1024xf32, #tpu.memory_space<hbm>> -> memref<4x4x1024xf32, #tpu.memory_space<hbm>>
    %dma_wait3A_132 = arith.constant 0 : i32
    %dma_wait3A_133 = arith.constant 0 : i32
    %dma_wait3A_134 = tpu.memref_slice %arg5[%mul3A_2, %dma_wait3A_132, %dma_wait3A_133] : memref<8193x4x1024xf32, #tpu.memory_space<hbm>> -> memref<4x4x1024xf32, #tpu.memory_space<hbm>>
    %dma_wait3A_135 = arith.constant 0 : i32
    %dma_wait3A_136 = arith.constant 0 : i32
    %dma_wait3A_137 = arith.constant 0 : i32
    %dma_wait3A_138 = tpu.memref_slice %arg8[%dma_wait3A_135, %dma_wait3A_136, %dma_wait3A_137] : memref<8x4x1024xf32, #tpu.memory_space<vmem>> -> memref<4x4x1024xf32, #tpu.memory_space<vmem>>
    tpu.wait_dma2 semaphore(%arg17 : memref<!tpu.dma_semaphore, #tpu.memory_space<semaphore_mem>>) src(%dma_wait3A_138 : memref<4x4x1024xf32, #tpu.memory_space<vmem>>) dst(%dma_wait3A_134 : memref<4x4x1024xf32, #tpu.memory_space<hbm>>)
    %dma_wait3A_139 = arith.constant 4 : i32
    %dma_wait3A_140 = arith.constant 0 : i32
    %dma_wait3A_141 = arith.constant 0 : i32
    %dma_wait3A_142 = tpu.memref_slice %arg8[%dma_wait3A_139, %dma_wait3A_140, %dma_wait3A_141] : memref<8x4x1024xf32, #tpu.memory_space<vmem>> -> memref<4x4x1024xf32, #tpu.memory_space<vmem>>
    %dma_wait3A_143 = arith.constant 0 : i32
    %dma_wait3A_144 = arith.constant 0 : i32
    %dma_wait3A_145 = tpu.memref_slice %arg5[%mul3A_2, %dma_wait3A_143, %dma_wait3A_144] : memref<8193x4x1024xf32, #tpu.memory_space<hbm>> -> memref<4x4x1024xf32, #tpu.memory_space<hbm>>
    %dma_wait3A_146 = arith.constant 0 : i32
    %dma_wait3A_147 = arith.constant 0 : i32
    %dma_wait3A_148 = tpu.memref_slice %arg5[%mul3A_2, %dma_wait3A_146, %dma_wait3A_147] : memref<8193x4x1024xf32, #tpu.memory_space<hbm>> -> memref<4x4x1024xf32, #tpu.memory_space<hbm>>
    %dma_wait3A_149 = arith.constant 4 : i32
    %dma_wait3A_150 = arith.constant 0 : i32
    %dma_wait3A_151 = arith.constant 0 : i32
    %dma_wait3A_152 = tpu.memref_slice %arg8[%dma_wait3A_149, %dma_wait3A_150, %dma_wait3A_151] : memref<8x4x1024xf32, #tpu.memory_space<vmem>> -> memref<4x4x1024xf32, #tpu.memory_space<vmem>>
    tpu.wait_dma2 semaphore(%arg18 : memref<!tpu.dma_semaphore, #tpu.memory_space<semaphore_mem>>) src(%dma_wait3A_152 : memref<4x4x1024xf32, #tpu.memory_space<vmem>>) dst(%dma_wait3A_148 : memref<4x4x1024xf32, #tpu.memory_space<hbm>>)
    return
  }
}

</mosaic_0001>

<sc_bundles>
// kernel: kernel.3.cloned.1.call-start
scs
__scs_entry_jumppad:
0x0: {  	(pc) =	sbr.rel $0x88, $3  }
0x1: {  	(tag) =	ssettag $0x0;
	lr =	simm.s32 $0x1  }
0x2: {  	[smem:$0x3F9E] =	sst lr;
	_ =	strace $0xD0000000  }
0x3: {  	_ = 	snop  }
0x4: {  	_ = 	snop  }
0x5: {  	_ = 	snop  }
0x6: {  	_ = 	snop  }
0x7: {  	_ = 	snop  }
__scs_overlays_trampoline_lowered:
0x8: {  	[smem:$0x3FAD] =	sst s0  }
0x9: {  	[smem:$0x3FAE] =	sst s1  }
0xa: {  	[smem:$0x3FAF] =	sst s2  }
0xb: {  	[smem:$0x3FB0] =	sst s3  }
0xc: {  	[smem:$0x3FB1] =	sst s4  }
0xd: {  	[smem:$0x3FB2] =	sst s5  }
0xe: {  	[smem:$0x3FB3] =	sst s6  }
0xf: {  	[smem:$0x3FB4] =	sst s7  }
0x10: {  	[smem:$0x3FB5] =	sst s8  }
0x11: {  	[smem:$0x3FB6] =	sst s9;
	s0 =	simm.s32 @!p0 $0x0  }
0x12: {  	s1 =	sld [smem:$0x3F9C];
	s0 =	simm.s32 @p0 $0x1  }
0x13: {  	[smem:$0x3FB7] =	sst s0;
	s0 =	simm.s32 @!p1 $0x0  }
0x14: {  	s2 =	sld [smem:$0x3F9B];
	s0 =	simm.s32 @p1 $0x1  }
0x15: {  	[smem:$0x3FB8] =	sst s0;
	s0 =	simm.s32 @!p2 $0x0  }
0x16: {  	s3 =	sld [smem:$0x3FDB];
	s0 =	simm.s32 @p2 $0x1  }
0x17: {  	s4 =	simm.s32 $0x1BF5;
	[smem:$0x3FBA] =	sst s0  }
0x18: {  	s0 =	sld [smem:$0x3F9D];
	_ =	swait.ge [sflag:s4], $0x0  }
0x19: {  	s7 =	sld [smem:$0x3F9E]  }
0x1a: {  	s8 =	sadd.s32 $0xFFFFE003, lr  }
0x1b: {  	s9 =	sadd.s32 $0xFFFFFEF7, lr;
	s5 =	simm.s32 $0xFFFFFFFF;
	p2 =	slt.u32 s8, $0xFFFFF086  }
0x1c: {  	p1 =	slt.u32 s9, $0xF7A;
	s5 =	simm.s32 @!p2 $0x0  }
0x1d: {  	s5 =	simm.s32 @p1 $0x1;
	p0 =	seq.s32 s7, s2  }
0x1e: {  	s7 =	smul.u32 @!p0 $0xF7A, s2;
	p2 =	seq.s32 @!p0 s5, $0x0  }
0x1f: {  	s9 =	smul.u32 $0xF7A, s1;
	s8 =	simm.s32 @!p0 $0x1BF5;
	p2 =	por !p2, p0  }
0x20: {  	[sflag:s8] =	ssyncset.s32 @!p0 $0xFFFFF086;
	s6 =	sadd.s32 @!p0 s3, s7;
	s7 =	simm.s32 @!p0 $0x108  }
0x21: {  	s3 =	sadd.s32 s3, s9;
	s6 =	sadd.s32 @!p0 $0x88, s6;
	s7 =	simm.s32 @p2 $0x1082  }
0x22: {  	[simem:s7], [sflag:s8] =	dma.local @!p0 [hbm:s6], $0xF7A  }
0x23: {  	s9 =	sor.u32 $0xD0000000, s2;
	s6 =	simm.s32 $0x108;
	_ =	swait.ge @!p0 [sflag:s8], $0x0  }
0x24: {  	s3 =	sadd.s32 $0x88, s3;
	s6 =	simm.s32 @!p1 $0x1082;
	[sflag:s4] =	ssyncset.s32 $0xFFFFF086  }
0x25: {  	[simem:s6], [sflag:s4] =	dma.local [hbm:s3], $0xF7A  }
0x26: {  	[smem:$0x3F9E] =	sst s1;
	(tag) =	ssettag s2;
	_ =	strace s9  }
0x27: {  	s1 =	sld [smem:$0x3FAE]  }
0x28: {  	s2 =	sld [smem:$0x3FAF]  }
0x29: {  	s4 =	sld [smem:$0x3FB1]  }
0x2a: {  	p0 =	seq.s32 s5, $0x0;
	s5 =	sld [smem:$0x3FB2]  }
0x2b: {  	s6 =	sld [smem:$0x3FB3]  }
0x2c: {  	s7 =	sld [smem:$0x3FB4]  }
0x2d: {  	s3 =	simm.s32 $0x108;
	s8 =	sld [smem:$0x3FB5]  }
0x2e: {  	s3 =	simm.s32 @!p0 $0x1082;
	s9 =	sld [smem:$0x3FB6]  }
0x2f: {  	lr =	sadd.s32 s0, s3;
	s0 =	sld [smem:$0x3FAD]  }
0x30: {  	s3 =	sld [smem:$0x3FB0]  }
0x31: {  	[smem:$0x3FB9] =	sst s10  }
0x32: {  	s10 =	sld [smem:$0x3FB7];
	_ =	sdelay $0x3  }
0x33: {  	p0 =	seq.s32 s10, $0x1;
	s10 =	sld [smem:$0x3FB9];
	_ =	sdelay $0x3  }
0x34: {  	[smem:$0x3FB9] =	sst s10  }
0x35: {  	s10 =	sld [smem:$0x3FB8];
	_ =	sdelay $0x3  }
0x36: {  	p1 =	seq.s32 s10, $0x1;
	s10 =	sld [smem:$0x3FB9];
	_ =	sdelay $0x3  }
0x37: {  	[smem:$0x3FB9] =	sst s10  }
0x38: {  	s10 =	sld [smem:$0x3FBA]  }
0x39: {  	_ = 	snop;
	(pc) =	sbr.ind lr, $3  }
0x3a: {  	_ = 	snop  }
0x3b: {  	_ = 	snop  }
0x3c: {  	p2 =	seq.s32 s10, $0x1;
	s10 =	sld [smem:$0x3FB9]  }
0x3d: {  	_ =	shalt  }
0x3e: {  	_ =	shalt  }
0x3f: {  	_ =	shalt  }
0x40: {  	_ =	shalt  }
0x41: {  	_ =	shalt  }
0x42: {  	_ =	shalt  }
0x43: {  	_ =	shalt  }
0x44: {  	_ =	shalt  }
0x45: {  	_ =	shalt  }
0x46: {  	_ =	shalt  }
0x47: {  	_ =	shalt  }
0x48: {  	_ =	shalt  }
0x49: {  	_ =	shalt  }
0x4a: {  	_ =	shalt  }
0x4b: {  	_ =	shalt  }
0x4c: {  	_ =	shalt  }
0x4d: {  	_ =	shalt  }
0x4e: {  	_ =	shalt  }
0x4f: {  	_ =	shalt  }
0x50: {  	_ =	shalt  }
0x51: {  	_ =	shalt  }
0x52: {  	_ =	shalt  }
0x53: {  	_ =	shalt  }
0x54: {  	_ =	shalt  }
0x55: {  	_ =	shalt  }
0x56: {  	_ =	shalt  }
0x57: {  	_ =	shalt  }
0x58: {  	_ =	shalt  }
0x59: {  	_ =	shalt  }
0x5a: {  	_ =	shalt  }
0x5b: {  	_ =	shalt  }
0x5c: {  	_ =	shalt  }
0x5d: {  	_ =	shalt  }
0x5e: {  	_ =	shalt  }
0x5f: {  	_ =	shalt  }
0x60: {  	_ =	shalt  }
0x61: {  	_ =	shalt  }
0x62: {  	_ =	shalt  }
0x63: {  	_ =	shalt  }
0x64: {  	_ =	shalt  }
0x65: {  	_ =	shalt  }
0x66: {  	_ =	shalt  }
0x67: {  	_ =	shalt  }
0x68: {  	_ =	shalt  }
0x69: {  	_ =	shalt  }
0x6a: {  	_ =	shalt  }
0x6b: {  	_ =	shalt  }
0x6c: {  	_ =	shalt  }
0x6d: {  	_ =	shalt  }
0x6e: {  	_ =	shalt  }
0x6f: {  	_ =	shalt  }
0x70: {  	_ =	shalt  }
0x71: {  	_ =	shalt  }
0x72: {  	_ =	shalt  }
0x73: {  	_ =	shalt  }
0x74: {  	_ =	shalt  }
0x75: {  	_ =	shalt  }
0x76: {  	_ =	shalt  }
0x77: {  	_ =	shalt  }
0x78: {  	_ =	shalt  }
0x79: {  	_ =	shalt  }
0x7a: {  	_ =	shalt  }
0x7b: {  	_ =	shalt  }
0x7c: {  	_ =	shalt  }
0x7d: {  	_ =	shalt  }
0x7e: {  	_ =	shalt  }
0x7f: {  	_ =	shalt  }
0x80: {  	_ =	shalt  }
0x81: {  	_ =	shalt  }
0x82: {  	_ =	shalt  }
0x83: {  	_ =	shalt  }
0x84: {  	_ =	shalt  }
0x85: {  	_ =	shalt  }
0x86: {  	_ =	shalt  }
0x87: {  	_ =	shalt  }
.Lfunc_end0:
.L_simem_size_0:
called_computation_lowered:
.L_overlay_start_0:
0x88: {  	s2 =	sld [smem:$0x3FD9]  }
0x89: {  	s3 =	sld [smem:$0x3FFE];
	_ =	sdelay $0x1  }
0x8a: {  	s1 =	srdreg.scid  }
0x8b: {  	s0 =	sand.u32 $0x1, s1  }
0x8c: {  	s18 =	sshll.u32 s0, $0xA;
	s2 =	sadd.s32 s3, s2  }
0x8d: {  	s2 =	sadd.s32 s2, s18  }
0x8e: {  	[smem:$0x3FC5] =	sst s2  }
0x8f: {  	_ = 	snop  }
0x90: {  	s2 =	sld [smem:$0x3FC9]  }
0x91: {  	s19 =	sld [smem:$0x3FC8]  }
0x92: {  	s4 =	sld [smem:$0x3FC7]  }
0x93: {  	s5 =	sld [smem:$0x3FD0];
	(tm) =	ssettm $0x1  }
0x94: {  	s6 =	sld [smem:$0x3FFB];
	_ =	sdelay $0x3  }
0x95: {  	_ =	strace s6  }
0x96: {  	s6 =	sld [smem:$0x3FFC];
	_ =	sdelay $0x3  }
0x97: {  	_ =	strace s6  }
0x98: {  	s6 =	sld [smem:$0x3FFD];
	_ =	sdelay $0x3  }
0x99: {  	_ =	strace s6  }
0x9a: {  	_ =	strace $0x8FFFFFFF  }
0x9b: {  	s20 =	sld [smem:$0x3FDB];
	_ =	sdelay $0x1  }
0x9c: {  	s7 =	simm.s32 $_scs_section_size  }
0x9d: {  	s8 =	simm.s32 $_size__tile_overlayer_lowered;
	s9 =	simm.s32 $_tile_overlayer_lowered  }
0x9e: {  	s23 =	simm.s32 $0x1BFF;
	s22 =	sshll.u32 s9, $0x1;
	s6 =	sadd.s32 s7, s20  }
0x9f: {  	s10 =	simm.s32 $0x0;
	s21 =	sshll.u32 s8, $0x1;
	s8 =	sadd.s32 s22, s6  }
0xa0: {  	[timem:s10], [sflag:s23] =	dma.local [hbm:s8], s21  }
0xa1: {  	_ =	swait.ge [sflag:s23], s21  }
0xa2: {  	s7 =	ssub.s32 $0x0, s21;
	[sflag:s23] =	ssyncset.done $0x0  }
0xa3: {  	[sflag:s23] =	ssyncadd.s32 s7;
	_ =	sdelay $0x1  }
0xa4: {  	s24 =	simm.s32 $0x1B8B  }
0xa5: {  	_ =	swait.ge [sflag:s24], $0x1  }
0xa6: {  	[sflag:s24] =	ssyncset.done $0x0  }
0xa7: {  	s25 =	simm.s32 $0x1B8E;
	[sflag:s24] =	ssyncadd.s32 $0xFFFFFFFF  }
0xa8: {  	s26 =	simm.s32 $execute0_lowered;
	[smem:$0x3FD2] =	sst s25  }
0xa9: {  	s7 =	sshll.u32 s26, $0x1;
	_ =	strace $0x80000046;
	[dreg:$0x1] =	wrdreg $0xFFFFFFFF  }
0xaa: {  	s28 =	simm.s32 $_size_execute0_lowered;
	s6 =	sadd.s32 s6, s7;
	[dreg:$0x0] =	wrdreg $0x0  }
0xab: {  	s7 =	sshll.u32 s28, $0x1;
	[dreg:$0x2] =	wrdreg s6  }
0xac: {  	[dreg:$0x3] =	wrdreg s7  }
0xad: {  	[dreg:$0x4] =	wrdreg $0xC0  }
0xae: {  	_ =	task [dreg:s10], $0x5FFFF  }
0xaf: {  	[dreg:$0x1] =	wrdreg $0xFFFFFFFF  }
0xb0: {  	[dreg:$0x0] =	wrdreg $0x60  }
0xb1: {  	[dreg:$0x2] =	wrdreg s2  }
0xb2: {  	[dreg:$0x3] =	wrdreg s19  }
0xb3: {  	[dreg:$0x4] =	wrdreg s4  }
0xb4: {  	[dreg:$0x5] =	wrdreg s5  }
0xb5: {  	[dreg:$0x6] =	wrdreg $0x9  }
0xb6: {  	_ =	task.clear_ibuf [dreg:s10], $0x7FFFF;
	_ =	strace $0x90000046  }
0xb7: {  	s29 =	simm.s32 $0x9;
	_ =	strace $0x80000048  }
0xb8: {  	_ =	swait.ge [sflag:s29], $0x1  }
0xb9: {  	[sflag:s29] =	ssyncadd.s32 $0xFFFFFFFF  }
0xba: {  	_ =	strace $0x90000048  }
0xbb: {  	_ =	sfence  }
0xbc: {  	s30 =	sld [smem:$0x0];
	_ =	sdelay $0x2  }
0xbd: {  	s31 =	sshll.u32 s1, $0xD;
	s1 =	sshrl.u32 s1, $0x2  }
0xbe: {  	s3 =	sand.u32 $0x4000, s31;
	s1 =	sadd.s32 s1, s30  }
0xbf: {  	s0 =	sor.u32 s3, s0;
	s1 =	sshll.u32 s1, $0x11  }
0xc0: {  	s0 =	sor.u32 s1, s0  }
0xc1: {  	s0 =	sadd.s32 $0x8F2B, s0  }
0xc2: {  	[sflag:s0] =	ssyncadd.remote.s32 $0x1  }
0xc3: {  	_ =	sfence.sel $0xFFFF  }
0xc4: {  	[dreg:$0x0] =	wrdreg $0xFFFFFFFF;
	(pc) =	sbr.abs _section_cstart, $3  }
0xc5: {  	[dreg:$0x1] =	wrdreg $0xFFFFFFFF  }
0xc6: {  	_ =	task.clear_ibuf [dreg:s10], $0x2FFFF;
	_ =	strace $0x9FFFFFFF  }
0xc7: {  	(tm) =	ssettm $0x7FFFFFFF  }
tec
execute0_lowered:
.L_overlay_start_1:
0x0: {  	(tag) =	ssettag $0x1  }
0x1: {  	s4 =	rddreg [dreg:$0x0]  }
0x2: {  	s5 =	rddreg [dreg:$0x2]  }
0x3: {  	s6 =	rddreg [dreg:$0x3]  }
0x4: {  	s0 =	srdreg.scid;
	s1 =	stileid.u32;
	s7 =	simm.s32 $0x0  }
0x5: {  	s0 =	sand.u32 $0x1, s0;
	s1 =	sshll.u32 s1, $0x1;
	[smem:$0x7FF] =	sst s7  }
0x6: {  	s26 =	sadd.s32 $0x200, s6;
	s29 =	sadd.s32 $0xA00, s6;
	s2 =	ssub.s32 $0x2, s0  }
0x7: {  	s0 =	sor.u32 s0, s1;
	_ =	strace $0x80000047;
	[smem:$0x7F7] =	sst s26  }
0x8: {  	[smem:$0x7F9] =	sst s29;
	s3 =	sshll.u32 s0, $0xF;
	s8 =	sshll.u32 s0, $0x8  }
0x9: {  	s23 =	sadd.s32 s4, s3;
	[smem:$0x7FC] =	sst s8  }
0xa: {  	s4 =	sadd.s32 $0x300000, s4;
	[smem:$0x7F1] =	sst s23  }
0xb: {  	s25 =	sadd.s32 s5, s3;
	[smem:$0x7F3] =	sst s4  }
0xc: {  	s28 =	sor.u32 $0x10, s8;
	[smem:$0x7F5] =	sst s25  }
0xd: {  	s30 =	sor.u32 $0x18, s8;
	[smem:$0x7F8] =	sst s28  }
0xe: {  	s31 =	sor.u32 $0x8, s8;
	[smem:$0x7FA] =	sst s30  }
0xf: {  	s22 =	sshrl.u32 s2, $0x1;
	s9 =	sadd.s32 $0x100000, s23;
	[smem:$0x7FD] =	sst s31  }
0x10: {  	s1 =	ssub.s32 s2, s22;
	s2 =	sadd.s32 $0x200000, s23;
	[smem:$0x7F0] =	sst s9  }
0x11: {  	s24 =	sadd.s32 s3, s4;
	[smem:$0x7F2] =	sst s2  }
0x12: {  	s1 =	smax.u32 s1, $0x1;
	[smem:$0x7F4] =	sst s24  }
0x13: {  	s2 =	sadd.s32 $0x400, s25;
	[smem:$0x7FB] =	sst s1  }
0x14: {  	p0 =	sne.s32 s0, $0x0;
	[smem:$0x7F6] =	sst s2;
	s2 =	simm.s32 $0x0  }
.LBB2_1:
.Ltmp0:
0x15: {  	(pc) =	sbr.rel @p0 .LBB2_5-.Ltmp0, $2  }
0x16: {  	_ =	sdelay $0x2  }
0x17: {  	[smem:$0x7EF] =	sst s2  }
0x18: {  	s0 =	rddreg [dreg:$0x2];
	s1 =	simm.s32 $0x1C000;
	s29 =	simm.s32 $0x7  }
0x19: {  	[tilespmem:s1], [sflag:$0x7] =	stream.linear.gather [hbm4b:s0+s7], $0x2000, $0x38;
	[tilespmem:$0x1F400] =	vst v63  }
0x1a: {  	_ =	swait.ge [sflag:s29], $0x2000  }
0x1b: {  	[sflag:s29] =	ssyncset.done $0x0  }
0x1c: {  	[sflag:s29] =	ssyncadd.s32 $0xFFFFE000  }
0x1d: {  	s2 =	simm.s32 $0x1F000;
	s30 =	rddreg [dreg:$0x1]  }
0x1e: {  	[tilespmem:s2], [sflag:$0x7] =	stream.linear.gather [hbm4b:s30+s7], $0x400, $0x38;
	[tilespmem:$0x1F400] =	vst v63  }
0x1f: {  	_ =	swait.ge [sflag:s29], $0x400  }
0x20: {  	[sflag:s29] =	ssyncset.done $0x0  }
0x21: {  	s31 =	simm.s32 $0x1F040;
	[sflag:s29] =	ssyncadd.s32 $0xFFFFFC00  }
0x22: {  	s1 =	simm.s32 $0x1C040;
	v0 =	vld [tilespmem:s31+$0x30]  }
0x23: {  	v1 =	vld [tilespmem:s1+$0x30];
	_ =	sdelay $0x1  }
0x24: {  	v2 =	vld [tilespmem:s31+$0xFFFFFFD0]  }
0x25: {  	v3 =	vld [tilespmem:s1+$0xFFFFFFD0];
	_ =	sdelay $0x1  }
0x26: {  	v0 =	vadd.f32 v1, v0  }
0x27: {  	s0 =	simm.s32 $0x1E100;
	v4 =	vld [tilespmem:s1+$0xFFFFFFE0]  }
0x28: {  	v1 =	vld [tilespmem:s31+$0xFFFFFFE0];
	[tilespmem:s0+$0xF0] =	vst v0  }
0x29: {  	v2 =	vadd.f32 v3, v2;
	[tilespmem:s0+$0xFFFFFF70] =	vst v0  }
0x2a: {  	[tilespmem:s0+$0xFFFFFFF0] =	vst v0  }
0x2b: {  	v5 =	vld [tilespmem:s1+$0xFFFFFFF0];
	[tilespmem:s0+$0xFFFFFF10] =	vst v2  }
0x2c: {  	v3 =	vld [tilespmem:s31+$0xFFFFFFF0];
	[tilespmem:s0+$0xFFFFFF90] =	vst v2  }
0x2d: {  	[tilespmem:s0+$0x10] =	vst v2;
	v1 =	vadd.f32 v4, v1  }
0x2e: {  	v60 =	vld [tilespmem:s1+$0xFFFFFFC0];
	[tilespmem:s0+$0x90] =	vst v2  }
0x2f: {  	v2 =	vld [tilespmem:s31+$0xFFFFFFC0];
	[tilespmem:s0+$0xFFFFFF20] =	vst v1  }
0x30: {  	[tilespmem:s0+$0xFFFFFFA0] =	vst v1  }
0x31: {  	v3 =	vadd.f32 v5, v3;
	[tilespmem:s0+$0x20] =	vst v1  }
0x32: {  	v61 =	vld [tilespmem:s1+$0x0];
	[tilespmem:s0+$0xA0] =	vst v1  }
0x33: {  	v62 =	vld [tilespmem:s31+$0x10];
	[tilespmem:s0+$0xFFFFFF30] =	vst v3  }
0x34: {  	v6 =	vld [tilespmem:s1+$0x10];
	v2 =	vadd.f32 v60, v2;
	[tilespmem:s0+$0xFFFFFFB0] =	vst v3  }
0x35: {  	v1 =	vld [tilespmem:s31+$0x0];
	[tilespmem:s0+$0x30] =	vst v3  }
0x36: {  	[tilespmem:s0+$0xFFFFFF00] =	vst v2  }
0x37: {  	[tilespmem:s0+$0xFFFFFF80] =	vst v2  }
0x38: {  	[tilespmem:s0+$0x0] =	vst v2  }
0x39: {  	v7 =	vld [tilespmem:s31+$0x20];
	[tilespmem:s0+$0x80] =	vst v2;
	v2 =	vadd.f32 v6, v62  }
0x3a: {  	v63 =	vld [tilespmem:s1+$0x20];
	[tilespmem:s0+$0xB0] =	vst v3;
	v1 =	vadd.f32 v61, v1  }
0x3b: {  	[tilespmem:s0+$0xFFFFFF50] =	vst v2  }
0x3c: {  	[tilespmem:s0+$0xFFFFFF40] =	vst v1  }
0x3d: {  	[tilespmem:s0+$0xFFFFFFC0] =	vst v1  }
0x3e: {  	[tilespmem:s0+$0x40] =	vst v1  }
0x3f: {  	s3 =	simm.s32 $0x1F0C0;
	s2 =	simm.s32 $0x0;
	[tilespmem:s0+$0xC0] =	vst v1;
	v1 =	vadd.f32 v63, v7  }
.LBB2_3:
0x40: {  	v3 =	vld [tilespmem:s3+$0x30];
	[tilespmem:s0+$0xFFFFFFD0] =	vst v2;
	s1 =	sadd.s32 $0x400, s1  }
0x41: {  	s2 =	sadd.s32 $0x80, s2;
	v4 =	vld [tilespmem:s1+$0x30];
	[tilespmem:s0+$0x50] =	vst v2  }
0x42: {  	p1 =	slt.u32 s2, $0x380;
	v5 =	vld [tilespmem:s1+$0xFFFFFFC0];
	[tilespmem:s0+$0xD0] =	vst v2  }
0x43: {  	v2 =	vld [tilespmem:s3+$0xFFFFFFD0];
	[tilespmem:s0+$0xFFFFFF60] =	vst v1  }
0x44: {  	v6 =	vld [tilespmem:s1+$0xFFFFFFD0];
	[tilespmem:s0+$0xFFFFFFE0] =	vst v1  }
0x45: {  	v7 =	vld [tilespmem:s3+$0xFFFFFFE0];
	[tilespmem:s0+$0x60] =	vst v1  }
0x46: {  	v8 =	vld [tilespmem:s1+$0xFFFFFFE0];
	v3 =	vadd.f32 v4, v3;
	[tilespmem:s0+$0xE0] =	vst v1  }
0x47: {  	v1 =	vld [tilespmem:s3+$0xFFFFFFF0];
	[tilespmem:s0+$0x70] =	vst v0;
	s0 =	sadd.s32 $0x200, s0  }
0x48: {  	v4 =	vld [tilespmem:s1+$0xFFFFFFF0];
	[tilespmem:s0+$0xF0] =	vst v3;
	v0 =	vmov v3  }
0x49: {  	v2 =	vadd.f32 v6, v2;
	v3 =	vld [tilespmem:s3+$0x0];
	[tilespmem:s0+$0xFFFFFF70] =	vst v0  }
0x4a: {  	v6 =	vld [tilespmem:s1+$0x0];
	[tilespmem:s0+$0xFFFFFFF0] =	vst v0  }
0x4b: {  	[tilespmem:s0+$0xFFFFFF10] =	vst v2;
	v7 =	vadd.f32 v8, v7;
	v8 =	vld [tilespmem:s3+$0x10]  }
0x4c: {  	[tilespmem:s0+$0xFFFFFF90] =	vst v2;
	v9 =	vld [tilespmem:s1+$0x10]  }
0x4d: {  	[tilespmem:s0+$0x10] =	vst v2;
	v4 =	vadd.f32 v4, v1;
	v1 =	vld [tilespmem:s3+$0x20]  }
0x4e: {  	[tilespmem:s0+$0x90] =	vst v2;
	v10 =	vld [tilespmem:s1+$0x20]  }
0x4f: {  	v11 =	vld [tilespmem:s3+$0xFFFFFFC0];
	[tilespmem:s0+$0xFFFFFF20] =	vst v7;
	v3 =	vadd.f32 v6, v3  }
0x50: {  	[tilespmem:s0+$0xFFFFFFA0] =	vst v7  }
0x51: {  	[tilespmem:s0+$0x20] =	vst v7;
	v2 =	vadd.f32 v9, v8  }
0x52: {  	[tilespmem:s0+$0xA0] =	vst v7  }
0x53: {  	[tilespmem:s0+$0xFFFFFF30] =	vst v4;
	v1 =	vadd.f32 v10, v1  }
0x54: {  	v5 =	vadd.f32 v5, v11;
	[tilespmem:s0+$0xFFFFFFB0] =	vst v4  }
0x55: {  	[tilespmem:s0+$0x30] =	vst v4  }
0x56: {  	[tilespmem:s0+$0xFFFFFF00] =	vst v5  }
0x57: {  	[tilespmem:s0+$0xFFFFFF80] =	vst v5  }
0x58: {  	[tilespmem:s0+$0x0] =	vst v5  }
0x59: {  	[tilespmem:s0+$0x80] =	vst v5  }
0x5a: {  	[tilespmem:s0+$0xB0] =	vst v4  }
.Ltmp1:
0x5b: {  	[tilespmem:s0+$0xFFFFFF40] =	vst v3;
	(pc) =	sbr.rel @p1 .LBB2_3-.Ltmp1, $4  }
0x5c: {  	[tilespmem:s0+$0xFFFFFFC0] =	vst v3  }
0x5d: {  	[tilespmem:s0+$0x40] =	vst v3  }
0x5e: {  	[tilespmem:s0+$0xC0] =	vst v3  }
0x5f: {  	s3 =	sadd.s32 $0x80, s3;
	[tilespmem:s0+$0xFFFFFF50] =	vst v2  }
0x60: {  	[tilespmem:s0+$0xFFFFFFD0] =	vst v2  }
0x61: {  	[tilespmem:s0+$0x50] =	vst v2  }
0x62: {  	[tilespmem:s0+$0xD0] =	vst v2  }
0x63: {  	[tilespmem:s0+$0xFFFFFF60] =	vst v1  }
0x64: {  	[tilespmem:s0+$0xFFFFFFE0] =	vst v1  }
0x65: {  	[tilespmem:s0+$0x60] =	vst v1  }
0x66: {  	[tilespmem:s0+$0xE0] =	vst v1  }
0x67: {  	[tilespmem:s0+$0x70] =	vst v0;
	s30 =	rddreg [dreg:$0x3];
	s1 =	simm.s32 $0x1E000;
	s31 =	simm.s32 $0x7  }
0x68: {  	[hbm4b:s30+s7] =	stream.linear.scatter [tilespmem:s1], [sflag:$0x7], $0x1000, $0x38;
	[tilespmem:$0x1F400] =	vst v63  }
0x69: {  	_ =	swait.ge [sflag:s31], $0x1000  }
0x6a: {  	[sflag:s31] =	ssyncset.done $0x0  }
0x6b: {  	[sflag:s31] =	ssyncadd.s32 $0xFFFFF000  }
.LBB2_5:
0x6c: {  	s0 =	sld [smem:$0x7F1];
	_ =	sdelay $0x1  }
0x6d: {  	s4 =	simm.s32 $0x0;
	s21 =	sld [smem:$0x7F0]  }
0x6e: {  	[tilespmem:s4], [sflag:$0x1] =	stream.linear.gather [hbm4b:s0+s4], $0x2000, $0x38;
	[tilespmem:$0x1F400] =	vst v63  }
0x6f: {  	s1 =	simm.s32 $0x2000;
	s22 =	sld [smem:$0x7F2]  }
0x70: {  	[tilespmem:s1], [sflag:$0x1] =	stream.linear.gather [hbm4b:s21+s4], $0x2000, $0x38;
	[tilespmem:$0x1F400] =	vst v63  }
0x71: {  	s23 =	simm.s32 $0x4000;
	s24 =	sld [smem:$0x7F4]  }
0x72: {  	[tilespmem:s23], [sflag:$0x1] =	stream.linear.gather [hbm4b:s22+s4], $0x2000, $0x38;
	[tilespmem:$0x1F400] =	vst v63  }
0x73: {  	s25 =	simm.s32 $0x6000;
	s26 =	sld [smem:$0x7F5]  }
0x74: {  	[tilespmem:s25], [sflag:$0x1] =	stream.linear.gather [hbm4b:s24+s4], $0x2000, $0x38;
	[tilespmem:$0x1F400] =	vst v63  }
0x75: {  	s28 =	simm.s32 $0x18000;
	s29 =	sld [smem:$0x7F6]  }
0x76: {  	[tilespmem:s28], [sflag:$0x3] =	stream.linear.gather [hbm4b:s26+s4], $0x2000, $0x38;
	[tilespmem:$0x1F400] =	vst v63  }
0x77: {  	s30 =	simm.s32 $0x1A000;
	s31 =	simm.s32 $0x3  }
0x78: {  	[tilespmem:s30], [sflag:$0x4] =	stream.linear.gather [hbm4b:s29+s4], $0x2000, $0x38;
	[tilespmem:$0x1F400] =	vst v63  }
0x79: {  	_ =	swait.ge [sflag:s31], $0x2000  }
0x7a: {  	[sflag:s31] =	ssyncset.done $0x0  }
0x7b: {  	[sflag:s31] =	ssyncadd.s32 $0xFFFFE000  }
.LBB2_6:
0x7c: {  	s1 =	simm.s32 $0x1  }
0x7d: {  	_ =	swait.ge [sflag:s1], $0x2000  }
0x7e: {  	[sflag:s1] =	ssyncset.done $0x0  }
0x7f: {  	[sflag:s1] =	ssyncadd.s32 $0xFFFFE000  }
0x80: {  	_ =	swait.ge [sflag:s1], $0x2000  }
0x81: {  	[sflag:s1] =	ssyncset.done $0x0  }
0x82: {  	[sflag:s1] =	ssyncadd.s32 $0xFFFFE000  }
0x83: {  	_ =	swait.ge [sflag:s1], $0x2000  }
0x84: {  	s2 =	sshll.u32 s4, $0x4;
	[sflag:s1] =	ssyncset.done $0x0  }
0x85: {  	[smem:$0x7ED] =	sst s2;
	[sflag:s1] =	ssyncadd.s32 $0xFFFFE000  }
0x86: {  	_ =	swait.ge [sflag:s1], $0x2000  }
0x87: {  	s0 =	sld [smem:$0x7FD]  }
0x88: {  	[sflag:s1] =	ssyncset.done $0x0  }
0x89: {  	[sflag:s1] =	ssyncadd.s32 $0xFFFFE000  }
0x8a: {  	s25 =	rddreg [dreg:$0x0];
	s0 =	sor.u32 s0, s2  }
0x8b: {  	[smem:$0x7E9] =	sst s0;
	s0 =	sshll.u32 s0, $0x7  }
0x8c: {  	s3 =	simm.s32 $0x8000;
	s26 =	sadd.s32 s25, s0  }
0x8d: {  	[tilespmem:s3], [sflag:$0x2] =	stream.linear.gather [hbm4b:s26+s7], $0x2000, $0x38;
	[tilespmem:$0x1F400] =	vst v63  }
0x8e: {  	s5 =	simm.s32 $0xA000;
	s3 =	sor.u32 $0x100000, s0  }
0x8f: {  	s9 =	sld [smem:$0x7F3];
	s6 =	sor.u32 $0x200000, s0;
	s1 =	sadd.s32 s25, s3  }
0x90: {  	[tilespmem:s5], [sflag:$0x2] =	stream.linear.gather [hbm4b:s1+s7], $0x2000, $0x38;
	[tilespmem:$0x1F400] =	vst v63  }
0x91: {  	s8 =	simm.s32 $0xC000;
	s1 =	sadd.s32 s25, s6  }
0x92: {  	[tilespmem:s8], [sflag:$0x2] =	stream.linear.gather [hbm4b:s1+s7], $0x2000, $0x38;
	[tilespmem:$0x1F400] =	vst v63  }
0x93: {  	s10 =	simm.s32 $0xE000;
	p1 =	seq.s32 s4, $0x0;
	s0 =	sadd.s32 s0, s9  }
0x94: {  	[tilespmem:s10], [sflag:$0x2] =	stream.linear.gather [hbm4b:s0+s7], $0x2000, $0x38;
	[tilespmem:$0x1F400] =	vst v63  }
0x95: {  	s11 =	simm.s32 $0x0;
	[smem:$0x7EA] =	sst s4;
	s0 =	simm.s32 @!p1 $0x5  }
0x96: {  	s12 =	simm.s32 $0x0;
	s4 =	sand.u32 $0x40, s11;
	_ =	swait.ge @!p1 [sflag:s0], $0x4000  }
0x97: {  	s19 =	sor.u32 $0x30, s4;
	s1 =	sand.u32 $0xFFFFFC00, s12;
	[sflag:s0] =	ssyncset.done @!p1 $0x0  }
0x98: {  	s12 =	sor.u32 s19, s1;
	[sflag:s0] =	ssyncadd.s32 @!p1 $0xFFFFC000  }
0x99: {  	v0 =	vld [tilespmem:s12+$0x18080]  }
0x9a: {  	v1 =	vld [tilespmem:s12+$0x0];
	_ =	sdelay $0x2  }
0x9b: {  	s13 =	simm.s32 $0x0;
	s11 =	sor.u32 s4, s1  }
0x9c: {  	s15 =	sand.u32 $0x3FFFFE00, s13;
	s5 =	sor.u32 $0x10, s4;
	v2 =	vld [tilespmem:s11+$0x18080]  }
0x9d: {  	s14 =	sadd.s32 $0x10000, s15;
	s6 =	sor.u32 s5, s1;
	v3 =	vld [tilespmem:s11+$0x0];
	v1 =	vadd.f32 v1, v0  }
0x9e: {  	s18 =	sor.u32 s19, s14;
	s16 =	sadd.s32 $0x2000, s1;
	v4 =	vld [tilespmem:s6+$0x18080]  }
0x9f: {  	s20 =	sor.u32 s19, s16;
	v5 =	vld [tilespmem:s6+$0x0];
	[tilespmem:s18+$0x0] =	vst v1  }
0xa0: {  	s17 =	sor.u32 $0x20, s4;
	v1 =	vld [tilespmem:s20+$0x0]  }
0xa1: {  	s0 =	sor.u32 s17, s1  }
0xa2: {  	v6 =	vld [tilespmem:s0+$0x18080];
	v3 =	vadd.f32 v3, v2  }
0xa3: {  	s8 =	sor.u32 s4, s14;
	v7 =	vld [tilespmem:s0+$0x0]  }
0xa4: {  	s9 =	sor.u32 s4, s16;
	[tilespmem:s8+$0x0] =	vst v3;
	v3 =	vadd.f32 v5, v4  }
0xa5: {  	s10 =	sor.u32 s5, s14;
	v5 =	vld [tilespmem:s9+$0x0];
	v1 =	vadd.f32 v1, v0  }
0xa6: {  	s13 =	sadd.s32 $0x4000, s1;
	s21 =	sor.u32 s5, s16;
	[tilespmem:s10+$0x0] =	vst v3  }
0xa7: {  	s22 =	sor.u32 s19, s13;
	v3 =	vld [tilespmem:s21+$0x0];
	[tilespmem:s18+$0x80] =	vst v1  }
0xa8: {  	v1 =	vadd.f32 v7, v6;
	v7 =	vld [tilespmem:s22+$0x0]  }
0xa9: {  	s2 =	sor.u32 s17, s14  }
0xaa: {  	s3 =	sor.u32 s17, s16;
	[tilespmem:s2+$0x0] =	vst v1;
	v1 =	vadd.f32 v5, v2  }
0xab: {  	v5 =	vld [tilespmem:s3+$0x0]  }
0xac: {  	s23 =	sor.u32 s4, s13;
	[tilespmem:s8+$0x80] =	vst v1;
	v1 =	vadd.f32 v3, v4  }
0xad: {  	v3 =	vld [tilespmem:s23+$0x0];
	v7 =	vadd.f32 v7, v0  }
0xae: {  	s25 =	sadd.s32 $0x6000, s1;
	s24 =	sor.u32 s5, s13;
	[tilespmem:s10+$0x80] =	vst v1  }
0xaf: {  	s26 =	sor.u32 s19, s25;
	v1 =	vld [tilespmem:s24+$0x0];
	[tilespmem:s18+$0x100] =	vst v7  }
0xb0: {  	v5 =	vadd.f32 v5, v6;
	v7 =	vld [tilespmem:s26+$0x0];
	_ =	sdelay $0x1  }
0xb1: {  	s13 =	sor.u32 s17, s13;
	[tilespmem:s2+$0x80] =	vst v5;
	v3 =	vadd.f32 v3, v2  }
0xb2: {  	v5 =	vld [tilespmem:s13+$0x0]  }
0xb3: {  	s14 =	sor.u32 s4, s25;
	v1 =	vadd.f32 v1, v4;
	[tilespmem:s8+$0x100] =	vst v3  }
0xb4: {  	v3 =	vld [tilespmem:s14+$0x0];
	v0 =	vadd.f32 v7, v0  }
0xb5: {  	s16 =	sor.u32 s5, s25;
	[tilespmem:s10+$0x100] =	vst v1  }
0xb6: {  	v1 =	vld [tilespmem:s16+$0x0];
	[tilespmem:s18+$0x180] =	vst v0  }
0xb7: {  	v0 =	vadd.f32 v5, v6;
	v5 =	vld [tilespmem:s12+$0x18100]  }
0xb8: {  	v7 =	vld [tilespmem:s12+$0x80]  }
0xb9: {  	s18 =	sor.u32 s17, s25;
	[tilespmem:s2+$0x100] =	vst v0;
	v0 =	vadd.f32 v3, v2  }
0xba: {  	v2 =	vld [tilespmem:s18+$0x0]  }
0xbb: {  	v1 =	vadd.f32 v1, v4;
	[tilespmem:s8+$0x180] =	vst v0  }
0xbc: {  	v0 =	vld [tilespmem:s11+$0x18100]  }
0xbd: {  	s20 =	sadd.s32 $0x11000, s15;
	[tilespmem:s10+$0x180] =	vst v1;
	v1 =	vld [tilespmem:s11+$0x80];
	v3 =	vadd.f32 v7, v5  }
0xbe: {  	s21 =	sadd.s32 $0x2080, s1;
	s22 =	sor.u32 s19, s20;
	v4 =	vld [tilespmem:s6+$0x18100]  }
0xbf: {  	s23 =	sor.u32 s19, s21;
	v2 =	vadd.f32 v2, v6;
	v6 =	vld [tilespmem:s6+$0x80];
	[tilespmem:s22+$0x0] =	vst v3  }
0xc0: {  	v3 =	vld [tilespmem:s23+$0x0]  }
0xc1: {  	[tilespmem:s2+$0x180] =	vst v2  }
0xc2: {  	v7 =	vld [tilespmem:s0+$0x18100];
	v1 =	vadd.f32 v1, v0  }
0xc3: {  	s24 =	sor.u32 s4, s20;
	v2 =	vld [tilespmem:s0+$0x80]  }
0xc4: {  	s26 =	sor.u32 s4, s21;
	v6 =	vadd.f32 v6, v4;
	[tilespmem:s24+$0x0] =	vst v1  }
0xc5: {  	s13 =	smov.u32 s0;
	s25 =	sor.u32 s5, s20;
	s2 =	sadd.s32 $0x11080, s15;
	v1 =	vadd.f32 v3, v5;
	v3 =	vld [tilespmem:s26+$0x0]  }
0xc6: {  	s14 =	sadd.s32 $0x4080, s1;
	s0 =	sor.u32 s5, s21;
	s16 =	sor.u32 s19, s2;
	[tilespmem:s25+$0x0] =	vst v6  }
0xc7: {  	s18 =	sor.u32 s19, s14;
	v6 =	vld [tilespmem:s0+$0x0];
	[tilespmem:s16+$0x0] =	vst v1  }
0xc8: {  	v1 =	vadd.f32 v2, v7;
	v2 =	vld [tilespmem:s18+$0x0]  }
0xc9: {  	s3 =	sor.u32 s17, s20  }
0xca: {  	s7 =	sor.u32 s17, s21;
	[tilespmem:s3+$0x0] =	vst v1;
	v1 =	vadd.f32 v3, v0  }
0xcb: {  	s20 =	sor.u32 s4, s2;
	v3 =	vld [tilespmem:s7+$0x0]  }
0xcc: {  	s22 =	sor.u32 s4, s14;
	v6 =	vadd.f32 v6, v4;
	[tilespmem:s20+$0x0] =	vst v1  }
0xcd: {  	s23 =	sadd.s32 $0x11100, s15;
	s21 =	sor.u32 s5, s2;
	v1 =	vadd.f32 v2, v5;
	v2 =	vld [tilespmem:s22+$0x0]  }
0xce: {  	s24 =	sor.u32 s5, s14;
	s26 =	sor.u32 s19, s23;
	s25 =	sadd.s32 $0x6080, s1;
	[tilespmem:s21+$0x0] =	vst v6  }
0xcf: {  	s0 =	sor.u32 s19, s25;
	v6 =	vld [tilespmem:s24+$0x0];
	[tilespmem:s26+$0x0] =	vst v1  }
0xd0: {  	v1 =	vadd.f32 v3, v7;
	v3 =	vld [tilespmem:s0+$0x0]  }
0xd1: {  	s2 =	sor.u32 s17, s2  }
0xd2: {  	s8 =	sor.u32 s17, s14;
	[tilespmem:s2+$0x0] =	vst v1;
	v1 =	vadd.f32 v2, v0  }
0xd3: {  	s9 =	sor.u32 s4, s23;
	v2 =	vld [tilespmem:s8+$0x0]  }
0xd4: {  	s14 =	sor.u32 s4, s25;
	v6 =	vadd.f32 v6, v4;
	[tilespmem:s9+$0x0] =	vst v1  }
0xd5: {  	s10 =	sor.u32 s5, s23;
	s16 =	sadd.s32 $0x11180, s15;
	v1 =	vadd.f32 v3, v5;
	v3 =	vld [tilespmem:s14+$0x0]  }
0xd6: {  	s18 =	sor.u32 s5, s25;
	s20 =	sor.u32 s19, s16;
	[tilespmem:s10+$0x0] =	vst v6  }
0xd7: {  	v5 =	vld [tilespmem:s18+$0x0];
	[tilespmem:s20+$0x0] =	vst v1  }
0xd8: {  	v1 =	vadd.f32 v2, v7;
	v9 =	vld [tilespmem:s12+$0x18180]  }
0xd9: {  	s3 =	sor.u32 s17, s23;
	v2 =	vld [tilespmem:s12+$0x100]  }
0xda: {  	s7 =	sor.u32 s17, s25;
	[tilespmem:s3+$0x0] =	vst v1;
	v0 =	vadd.f32 v3, v0  }
0xdb: {  	s21 =	sor.u32 s4, s16;
	v3 =	vld [tilespmem:s7+$0x0]  }
0xdc: {  	[tilespmem:s21+$0x0] =	vst v0;
	v0 =	vadd.f32 v5, v4  }
0xdd: {  	s22 =	sor.u32 s5, s16  }
0xde: {  	s9 =	sadd.s32 $0x12000, s15;
	v1 =	vld [tilespmem:s11+$0x18180];
	v4 =	vadd.f32 v2, v9;
	[tilespmem:s22+$0x0] =	vst v0  }
0xdf: {  	s8 =	sadd.s32 $0x2100, s1;
	s23 =	sor.u32 s19, s9;
	v5 =	vld [tilespmem:s11+$0x100];
	[smem:$0x7EB] =	sst s6  }
0xe0: {  	s26 =	simm.s32 $0x40;
	s24 =	sor.u32 s19, s8;
	v0 =	vadd.f32 v3, v7;
	v2 =	vld [tilespmem:s6+$0x18180];
	[tilespmem:s23+$0x0] =	vst v4  }
0xe1: {  	s25 =	simm.s32 $0x40;
	s2 =	sor.u32 s17, s16;
	v3 =	vld [tilespmem:s24+$0x0];
	[dreg:$0xc] =	wrdreg s26  }
0xe2: {  	s28 =	sand.u32 $0x40, s25;
	s0 =	simm.s32 $0x200;
	[tilespmem:s2+$0x0] =	vst v0  }
0xe3: {  	s31 =	sor.u32 $0x30, s28;
	s29 =	sand.u32 $0xFFFFFC00, s0;
	v7 =	vld [tilespmem:s6+$0x100];
	[smem:$0x7EC] =	sst s13  }
0xe4: {  	s3 =	smov.u32 s13;
	v0 =	vld [tilespmem:s13+$0x18180];
	s13 =	sor.u32 s31, s29  }
0xe5: {  	v4 =	vadd.f32 v5, v1;
	v5 =	vld [tilespmem:s13+$0x18080]  }
0xe6: {  	v6 =	vld [tilespmem:s13+$0x0]  }
0xe7: {  	s0 =	sadd.s32 $0x12080, s15;
	s16 =	sor.u32 s28, s29;
	s6 =	sor.u32 s4, s9;
	v10 =	vld [tilespmem:s3+$0x100];
	v3 =	vadd.f32 v3, v9  }
0xe8: {  	s10 =	sor.u32 s19, s0;
	s7 =	sor.u32 s4, s8;
	[tilespmem:s6+$0x0] =	vst v4;
	s3 =	sadd.s32 $0x4100, s1;
	v4 =	vld [tilespmem:s16+$0x18080]  }
0xe9: {  	s18 =	simm.s32 $0x100;
	v11 =	vld [tilespmem:s7+$0x0];
	s14 =	sor.u32 s19, s3;
	[tilespmem:s10+$0x0] =	vst v3  }
0xea: {  	s30 =	sand.u32 $0x3FFFFE00, s18;
	s7 =	sor.u32 $0x10, s28;
	v3 =	vld [tilespmem:s14+$0x0]  }
0xeb: {  	s2 =	sadd.s32 $0x10000, s30;
	v12 =	vld [tilespmem:s16+$0x0];
	s6 =	sor.u32 s7, s29;
	v8 =	vadd.f32 v6, v5  }
0xec: {  	s24 =	sor.u32 s31, s2;
	v13 =	vld [tilespmem:s6+$0x0];
	s10 =	sadd.s32 $0x2000, s29  }
0xed: {  	s22 =	sor.u32 $0x20, s28;
	v7 =	vadd.f32 v7, v2;
	s14 =	sor.u32 s31, s10;
	v6 =	vld [tilespmem:s6+$0x18080];
	[tilespmem:s24+$0x0] =	vst v8  }
0xee: {  	s20 =	sor.u32 s5, s9;
	s26 =	sor.u32 s22, s29;
	v11 =	vadd.f32 v11, v1;
	v14 =	vld [tilespmem:s14+$0x0]  }
0xef: {  	s21 =	sadd.s32 $0x12100, s15;
	[tilespmem:s20+$0x0] =	vst v7;
	v7 =	vld [tilespmem:s26+$0x0];
	s14 =	sor.u32 s4, s0;
	v3 =	vadd.f32 v3, v9  }
0xf0: {  	s18 =	sor.u32 s19, s21;
	s23 =	sor.u32 s5, s8;
	v12 =	vadd.f32 v12, v4;
	s20 =	sadd.s32 $0x6100, s1;
	v8 =	vld [tilespmem:s26+$0x18080];
	[tilespmem:s14+$0x0] =	vst v11  }
0xf1: {  	v15 =	vld [tilespmem:s23+$0x0];
	s25 =	sor.u32 s19, s20;
	[tilespmem:s18+$0x0] =	vst v3;
	v3 =	vadd.f32 v10, v0;
	s18 =	sor.u32 s28, s2  }
0xf2: {  	s9 =	sor.u32 s17, s9;
	s23 =	sor.u32 s28, s10;
	v39 =	vadd.f32 v13, v6;
	v10 =	vld [tilespmem:s25+$0x0];
	[tilespmem:s18+$0x0] =	vst v12  }
0xf3: {  	s14 =	sor.u32 s4, s3;
	[tilespmem:s9+$0x0] =	vst v3;
	v3 =	vld [tilespmem:s23+$0x0];
	v40 =	vadd.f32 v14, v5;
	s23 =	sor.u32 s7, s2  }
0xf4: {  	v43 =	vld [tilespmem:s14+$0x0];
	s25 =	sor.u32 s7, s10;
	s9 =	sadd.s32 $0x4000, s29;
	[tilespmem:s23+$0x0] =	vst v39  }
0xf5: {  	v7 =	vadd.f32 v7, v8;
	v12 =	vld [tilespmem:s25+$0x0];
	[tilespmem:s24+$0x80] =	vst v40;
	s25 =	sor.u32 s31, s9  }
0xf6: {  	s8 =	sor.u32 s17, s8;
	v42 =	vadd.f32 v15, v2;
	v11 =	vld [tilespmem:s25+$0x0];
	s25 =	sor.u32 s22, s2  }
0xf7: {  	s14 =	sor.u32 s5, s0;
	v41 =	vld [tilespmem:s8+$0x0];
	s8 =	sor.u32 s22, s10;
	s10 =	sadd.s32 $0x12180, s15;
	[tilespmem:s25+$0x0] =	vst v7;
	v7 =	vadd.f32 v10, v9  }
0xf8: {  	[tilespmem:s14+$0x0] =	vst v42;
	s14 =	sadd.s32 $0x18000, s1;
	s2 =	sor.u32 s5, s3;
	v9 =	vld [tilespmem:s8+$0x0];
	v10 =	vadd.f32 v3, v4;
	s8 =	sor.u32 s19, s10  }
0xf9: {  	v13 =	vld [tilespmem:s2+$0x0];
	[tilespmem:s8+$0x0] =	vst v7;
	s8 =	sor.u32 s19, s14  }
0xfa: {  	v3 =	vld [tilespmem:s8+$0x200];
	[tilespmem:s18+$0x80] =	vst v10;
	v7 =	vadd.f32 v12, v6;
	s8 =	sor.u32 s28, s9  }
0xfb: {  	v10 =	vld [tilespmem:s8+$0x0];
	v11 =	vadd.f32 v11, v5  }
0xfc: {  	v14 =	vadd.f32 v41, v0;
	v44 =	vld [tilespmem:s12+$0x180];
	s12 =	sor.u32 s7, s9;
	s8 =	sadd.s32 $0x6000, s29;
	[tilespmem:s23+$0x80] =	vst v7  }
0xfd: {  	v7 =	vld [tilespmem:s12+$0x0];
	s12 =	sor.u32 s17, s0;
	v9 =	vadd.f32 v9, v8;
	[tilespmem:s24+$0x100] =	vst v11;
	s0 =	sor.u32 s31, s8  }
0xfe: {  	v45 =	vadd.f32 v43, v1;
	s3 =	sor.u32 s17, s3;
	[tilespmem:s12+$0x0] =	vst v14;
	v11 =	vld [tilespmem:s0+$0x0]  }
0xff: {  	s12 =	sor.u32 s22, s9;
	s0 =	sor.u32 s4, s21;
	v46 =	vld [tilespmem:s3+$0x0];
	[tilespmem:s25+$0x80] =	vst v9;
	v9 =	vadd.f32 v13, v2  }
0x100: {  	[tilespmem:s0+$0x0] =	vst v45;
	s3 =	sor.u32 s5, s21;
	v47 =	vld [tilespmem:s12+$0x0];
	v10 =	vadd.f32 v10, v4  }
0x101: {  	s9 =	sor.u32 s4, s20;
	[tilespmem:s3+$0x0] =	vst v9  }
0x102: {  	s2 =	sor.u32 s28, s8;
	v9 =	vld [tilespmem:s9+$0x0];
	v7 =	vadd.f32 v7, v6;
	[tilespmem:s18+$0x100] =	vst v10  }
0x103: {  	s12 =	sor.u32 s5, s20;
	v10 =	vld [tilespmem:s2+$0x0];
	v5 =	vadd.f32 v11, v5  }
0x104: {  	s9 =	sor.u32 s7, s8;
	v48 =	vld [tilespmem:s12+$0x0];
	[tilespmem:s23+$0x100] =	vst v7  }
0x105: {  	v7 =	vld [tilespmem:s9+$0x0];
	[tilespmem:s24+$0x180] =	vst v5;
	v49 =	vadd.f32 v47, v8  }
0x106: {  	v12 =	vadd.f32 v44, v3;
	s3 =	sadd.s32 $0x13000, s15;
	v5 =	vld [tilespmem:s13+$0x18100]  }
0x107: {  	s8 =	sor.u32 s22, s8;
	s12 =	sadd.s32 $0x2180, s1;
	s0 =	sor.u32 s19, s3;
	v1 =	vadd.f32 v9, v1;
	v9 =	vld [tilespmem:s13+$0x80];
	[tilespmem:s25+$0x100] =	vst v49  }
0x108: {  	[tilespmem:s0+$0x0] =	vst v12;
	s0 =	sor.u32 s19, s12;
	s9 =	sor.u32 s17, s20;
	s20 =	sor.u32 s4, s10;
	v12 =	vld [tilespmem:s8+$0x0];
	v4 =	vadd.f32 v10, v4  }
0x109: {  	v11 =	vld [tilespmem:s0+$0x0];
	s0 =	sor.u32 s17, s21;
	s21 =	sor.u32 s4, s14;
	[tilespmem:s20+$0x0] =	vst v1  }
0x10a: {  	v1 =	vld [tilespmem:s21+$0x200];
	[tilespmem:s18+$0x180] =	vst v4;
	v4 =	vadd.f32 v7, v6  }
0x10b: {  	v50 =	vadd.f32 v46, v0;
	v7 =	vld [tilespmem:s16+$0x18100]  }
0x10c: {  	s2 =	sadd.s32 $0x11000, s30;
	v51 =	vld [tilespmem:s16+$0x80];
	v6 =	vadd.f32 v9, v5;
	[tilespmem:s23+$0x180] =	vst v4  }
0x10d: {  	[tilespmem:s0+$0x0] =	vst v50;
	s8 =	sadd.s32 $0x2080, s29;
	s23 =	sor.u32 s31, s2;
	v8 =	vadd.f32 v12, v8;
	v4 =	vld [tilespmem:s6+$0x18100]  }
0x10e: {  	s24 =	sor.u32 s31, s8;
	v11 =	vadd.f32 v11, v3;
	s21 =	sadd.s32 $0x13080, s15;
	[tilespmem:s23+$0x0] =	vst v6;
	v9 =	vld [tilespmem:s6+$0x80]  }
0x10f: {  	s18 =	sadd.s32 $0x4180, s1;
	s0 =	sor.u32 s19, s21;
	[tilespmem:s25+$0x180] =	vst v8;
	v8 =	vld [tilespmem:s24+$0x0]  }
0x110: {  	v10 =	vld [tilespmem:s9+$0x0];
	[tilespmem:s0+$0x0] =	vst v11;
	s23 =	smov.u32 s6;
	s6 =	sor.u32 s19, s18  }
0x111: {  	v2 =	vadd.f32 v48, v2;
	v53 =	vld [tilespmem:s6+$0x0]  }
0x112: {  	s24 =	sor.u32 s5, s10;
	v6 =	vld [tilespmem:s26+$0x18100];
	v11 =	vadd.f32 v51, v7  }
0x113: {  	s20 =	sor.u32 s28, s2;
	v52 =	vld [tilespmem:s26+$0x80];
	[tilespmem:s24+$0x0] =	vst v2;
	v9 =	vadd.f32 v9, v4  }
0x114: {  	s6 =	sor.u32 s7, s2;
	s25 =	sor.u32 s28, s8;
	[tilespmem:s20+$0x0] =	vst v11;
	v11 =	vld [tilespmem:s11+$0x180];
	s11 =	sadd.s32 $0x11080, s30;
	v8 =	vadd.f32 v8, v5  }
0x115: {  	v54 =	vld [tilespmem:s25+$0x0];
	s24 =	sor.u32 s31, s11;
	[tilespmem:s6+$0x0] =	vst v9  }
0x116: {  	s20 =	sor.u32 s7, s8;
	[tilespmem:s24+$0x0] =	vst v8  }
0x117: {  	v9 =	vld [tilespmem:s20+$0x0];
	s25 =	sld [smem:$0x7EB]  }
0x118: {  	s0 =	sor.u32 s5, s14;
	v12 =	vadd.f32 v52, v6  }
0x119: {  	s9 =	sadd.s32 $0x4080, s29;
	v0 =	vadd.f32 v10, v0;
	s2 =	sor.u32 s22, s2;
	v2 =	vld [tilespmem:s0+$0x200]  }
0x11a: {  	s0 =	sor.u32 s31, s9;
	s20 =	sor.u32 s17, s10;
	[tilespmem:s2+$0x0] =	vst v12;
	v14 =	vadd.f32 v54, v7;
	v8 =	vld [tilespmem:s25+$0x180]  }
0x11b: {  	s24 =	sor.u32 s22, s8;
	v10 =	vld [tilespmem:s0+$0x0];
	[tilespmem:s20+$0x0] =	vst v0;
	v11 =	vadd.f32 v11, v1;
	s0 =	sor.u32 s28, s11  }
0x11c: {  	s6 =	sor.u32 s4, s3;
	v12 =	vld [tilespmem:s24+$0x0];
	s25 =	sor.u32 s17, s14;
	[tilespmem:s0+$0x0] =	vst v14;
	v9 =	vadd.f32 v9, v4  }
0x11d: {  	s20 =	sor.u32 s4, s12;
	s24 =	sor.u32 s7, s11;
	v0 =	vld [tilespmem:s25+$0x200];
	s2 =	sld [smem:$0x7EC];
	[tilespmem:s6+$0x0] =	vst v11  }
0x11e: {  	s8 =	sor.u32 s28, s9;
	[tilespmem:s24+$0x0] =	vst v9;
	v9 =	vld [tilespmem:s20+$0x0]  }
0x11f: {  	s10 =	sor.u32 s5, s3;
	v11 =	vld [tilespmem:s8+$0x0];
	v8 =	vadd.f32 v8, v2  }
0x120: {  	s14 =	sor.u32 s7, s9;
	s0 =	sadd.s32 $0x13100, s15;
	s8 =	sadd.s32 $0x11100, s30;
	v10 =	vadd.f32 v10, v5;
	v55 =	vld [tilespmem:s2+$0x180]  }
0x121: {  	s25 =	sor.u32 s5, s12;
	s6 =	sadd.s32 $0x6080, s29;
	s20 =	sor.u32 s31, s8;
	v56 =	vld [tilespmem:s14+$0x0];
	[tilespmem:s10+$0x0] =	vst v8;
	v8 =	vadd.f32 v53, v3  }
0x122: {  	s24 =	sor.u32 s19, s0;
	v12 =	vadd.f32 v12, v6;
	[tilespmem:s20+$0x0] =	vst v10;
	v10 =	vld [tilespmem:s25+$0x0];
	s25 =	sor.u32 s31, s6  }
0x123: {  	s11 =	sor.u32 s22, s11;
	v9 =	vadd.f32 v9, v1;
	[tilespmem:s24+$0x0] =	vst v8;
	v8 =	vld [tilespmem:s25+$0x0]  }
0x124: {  	[tilespmem:s11+$0x0] =	vst v12;
	v11 =	vadd.f32 v11, v7;
	s10 =	sor.u32 s4, s21  }
0x125: {  	s1 =	sadd.s32 $0x6180, s1;
	v57 =	vadd.f32 v55, v0;
	s24 =	sor.u32 s22, s9;
	s9 =	sor.u32 s28, s8;
	[tilespmem:s10+$0x0] =	vst v9  }
0x126: {  	s14 =	sor.u32 s19, s1;
	s20 =	sor.u32 s17, s3;
	v59 =	vadd.f32 v56, v4;
	[tilespmem:s9+$0x0] =	vst v11  }
0x127: {  	v58 =	vld [tilespmem:s14+$0x0];
	s14 =	sor.u32 s7, s8;
	[tilespmem:s20+$0x0] =	vst v57;
	v9 =	vadd.f32 v10, v2  }
0x128: {  	s9 =	sadd.s32 $0x11180, s30;
	[tilespmem:s14+$0x0] =	vst v59;
	s20 =	sor.u32 s5, s21;
	v5 =	vadd.f32 v8, v5  }
0x129: {  	s10 =	sor.u32 s31, s9;
	[tilespmem:s20+$0x0] =	vst v9  }
0x12a: {  	s11 =	sor.u32 s28, s6;
	v12 =	vld [tilespmem:s24+$0x0];
	[tilespmem:s10+$0x0] =	vst v5  }
0x12b: {  	s25 =	sor.u32 s17, s12;
	v60 =	vld [tilespmem:s11+$0x0];
	s11 =	sld [smem:$0x7FC]  }
0x12c: {  	v11 =	vld [tilespmem:s25+$0x0];
	s3 =	sld [smem:$0x7ED]  }
0x12d: {  	s12 =	sor.u32 s4, s18  }
0x12e: {  	s24 =	sor.u32 s7, s6;
	v10 =	vld [tilespmem:s12+$0x0]  }
0x12f: {  	s25 =	sor.u32 s5, s18;
	v8 =	vld [tilespmem:s24+$0x0];
	v9 =	vadd.f32 v12, v6;
	s2 =	sadd.s32 s11, s3  }
0x130: {  	s12 =	sor.u32 s22, s8;
	v61 =	vld [tilespmem:s25+$0x0];
	[smem:$0x7EE] =	sst s2  }
0x131: {  	v11 =	vadd.f32 v11, v0;
	[tilespmem:s12+$0x0] =	vst v9  }
0x132: {  	s6 =	sor.u32 s22, s6;
	s14 =	sor.u32 s17, s21;
	v7 =	vadd.f32 v60, v7;
	v5 =	vld [tilespmem:s13+$0x18180];
	[dreg:$0x7] =	wrdreg s13  }
0x133: {  	s21 =	sor.u32 s28, s9;
	s18 =	sor.u32 s17, s18;
	s20 =	sadd.s32 $0x13180, s15;
	v3 =	vadd.f32 v58, v3;
	v62 =	vld [tilespmem:s13+$0x100];
	[tilespmem:s14+$0x0] =	vst v11  }
0x134: {  	s24 =	sor.u32 s5, s0;
	s15 =	sor.u32 s7, s9;
	s25 =	sor.u32 s19, s20;
	v63 =	vld [tilespmem:s6+$0x0];
	[tilespmem:s21+$0x0] =	vst v7  }
0x135: {  	s8 =	sor.u32 s5, s20;
	s19 =	sor.u32 s22, s9;
	v4 =	vadd.f32 v8, v4;
	s11 =	sor.u32 s17, s20;
	[tilespmem:s25+$0x0] =	vst v3;
	v8 =	vld [tilespmem:s18+$0x0]  }
0x136: {  	s2 =	sor.u32 s4, s0;
	s12 =	sor.u32 s17, s0;
	v7 =	vadd.f32 v10, v1;
	v3 =	vld [tilespmem:s16+$0x18180];
	[dreg:$0x8] =	wrdreg s16  }
0x137: {  	s13 =	smov.u32 s23;
	s6 =	sor.u32 s4, s1;
	s14 =	sor.u32 s5, s1;
	v10 =	vadd.f32 v61, v2;
	v9 =	vld [tilespmem:s16+$0x100];
	[tilespmem:s15+$0x0] =	vst v4  }
0x138: {  	s4 =	sor.u32 s4, s20;
	s20 =	sadd.s32 $0x12000, s30;
	s21 =	sadd.s32 $0x2100, s29;
	[tilespmem:s2+$0x0] =	vst v7;
	v4 =	vld [tilespmem:s23+$0x18180];
	v7 =	vadd.f32 v62, v5  }
0x139: {  	s18 =	sor.u32 s17, s1;
	s3 =	sor.u32 s28, s20;
	[tilespmem:s24+$0x0] =	vst v10;
	s24 =	sor.u32 s31, s20;
	v10 =	vld [tilespmem:s23+$0x100];
	v6 =	vadd.f32 v63, v6  }
0x13a: {  	s1 =	sor.u32 s22, s20;
	s25 =	sor.u32 s31, s21;
	s0 =	sor.u32 s28, s21;
	[tilespmem:s24+$0x0] =	vst v7;
	v7 =	vld [tilespmem:s6+$0x0]  }
0x13b: {  	s2 =	sor.u32 s7, s20;
	s20 =	sor.u32 s7, s21;
	v8 =	vadd.f32 v8, v0;
	[tilespmem:s19+$0x0] =	vst v6;
	s6 =	sor.u32 s22, s21;
	v11 =	vld [tilespmem:s25+$0x0]  }
.LBB2_7:
0x13c: {  	_ = 	snop  }
0x13d: {  	s16 =	rddreg [dreg:$0xc]  }
0x13e: {  	[dreg:$0x1b] =	wrdreg s18;
	v6 =	vld [tilespmem:s26+$0x18180];
	s18 =	sadd.s32 $0x40, s16;
	v9 =	vadd.f32 v9, v3;
	[tilespmem:s12+$0x0] =	vst v8  }
0x13f: {  	s5 =	sand.u32 $0x40, s18;
	s9 =	sshll.u32 s18, $0x3;
	v8 =	vld [tilespmem:s26+$0x100]  }
0x140: {  	[smem:$0x7DB] =	sst s13;
	s25 =	sand.u32 $0xFFFFFC00, s9;
	s12 =	sor.u32 $0x30, s5;
	[tilespmem:s3+$0x0] =	vst v9;
	v9 =	vadd.f32 v10, v4;
	v10 =	vld [tilespmem:s14+$0x0]  }
0x141: {  	[smem:$0x7DD] =	sst s26;
	s17 =	sadd.s32 $0x12080, s30;
	s3 =	sor.u32 s12, s25;
	v1 =	vadd.f32 v7, v1;
	v12 =	vld [tilespmem:s0+$0x0]  }
0x142: {  	[dreg:$0x19] =	wrdreg s11;
	s23 =	sadd.s32 $0x4100, s29;
	s10 =	sor.u32 s31, s17;
	v7 =	vld [tilespmem:s3+$0x18080];
	[tilespmem:s2+$0x0] =	vst v9;
	v9 =	vadd.f32 v11, v5  }
0x143: {  	s24 =	sor.u32 s31, s23;
	s16 =	smov.u32 s29;
	s26 =	sor.u32 s5, s25;
	v11 =	vld [tilespmem:s3+$0x0];
	[tilespmem:s4+$0x0] =	vst v1  }
0x144: {  	s29 =	sor.u32 s7, s23;
	[dreg:$0xc] =	wrdreg s18;
	p2 =	slt.u32 s18, $0x3C0;
	v1 =	vld [tilespmem:s26+$0x18080];
	[tilespmem:s10+$0x0] =	vst v9  }
0x145: {  	s11 =	sor.u32 $0x10, s5;
	s15 =	sor.u32 $0x20, s5;
	s9 =	sor.u32 s22, s23;
	v8 =	vadd.f32 v8, v6;
	v9 =	vld [tilespmem:s24+$0x0]  }
0x146: {  	s19 =	sor.u32 s11, s25;
	s21 =	sor.u32 s15, s25;
	[smem:$0x7D4] =	sst s9;
	v2 =	vadd.f32 v10, v2;
	v10 =	vld [tilespmem:s26+$0x0]  }
0x147: {  	s0 =	sor.u32 s22, s17;
	[smem:$0x7D8] =	sst s19;
	s10 =	sshll.u32 s18, $0x2;
	[tilespmem:s1+$0x0] =	vst v8;
	v8 =	vld [tilespmem:s19+$0x18080]  }
0x148: {  	s14 =	sor.u32 s7, s17;
	[smem:$0x7D3] =	sst s0;
	s0 =	sand.u32 $0x3FFFFE00, s10;
	[tilespmem:s8+$0x0] =	vst v2;
	v2 =	vld [tilespmem:s21+$0x18080]  }
0x149: {  	[smem:$0x7D9] =	sst s21;
	s2 =	sor.u32 s28, s17;
	s13 =	sadd.s32 $0x10000, s0;
	v11 =	vadd.f32 v11, v7;
	v13 =	vld [tilespmem:s19+$0x0]  }
0x14a: {  	s17 =	sor.u32 s28, s23;
	s18 =	sadd.s32 $0x2000, s25;
	s10 =	sor.u32 s12, s13;
	v40 =	vld [tilespmem:s21+$0x0]  }
0x14b: {  	s23 =	sor.u32 s12, s18;
	v12 =	vadd.f32 v12, v3;
	[smem:$0x7D7] =	sst s0;
	s4 =	sor.u32 s5, s13;
	v42 =	vld [tilespmem:s6+$0x0];
	[tilespmem:s10+$0x0] =	vst v11  }
0x14c: {  	s0 =	sor.u32 s11, s13;
	s21 =	sadd.s32 $0x12100, s30;
	s1 =	sor.u32 s15, s13;
	v9 =	vadd.f32 v9, v5;
	v11 =	vld [tilespmem:s23+$0x0]  }
0x14d: {  	s8 =	sadd.s32 $0x6100, s16;
	s6 =	sadd.s32 $0x4000, s25;
	[tilespmem:s2+$0x0] =	vst v12;
	s24 =	sor.u32 s31, s21;
	v14 =	vld [tilespmem:s20+$0x0];
	v10 =	vadd.f32 v10, v1  }
0x14e: {  	s19 =	sor.u32 s11, s18;
	s13 =	sor.u32 s31, s8;
	s2 =	sor.u32 s28, s21;
	[tilespmem:s24+$0x0] =	vst v9;
	v9 =	vadd.f32 v13, v8  }
0x14f: {  	s9 =	sor.u32 s7, s21;
	s23 =	sor.u32 s5, s18;
	s18 =	sor.u32 s15, s18;
	[tilespmem:s4+$0x0] =	vst v10;
	v10 =	vld [tilespmem:s13+$0x0]  }
0x150: {  	s24 =	sor.u32 s22, s21;
	v41 =	vld [tilespmem:s23+$0x0];
	s13 =	smov.u32 s30;
	s30 =	sor.u32 s28, s8;
	[tilespmem:s0+$0x0] =	vst v9;
	v9 =	vadd.f32 v40, v2  }
0x151: {  	s23 =	sor.u32 s7, s8;
	[smem:$0x7D5] =	sst s24;
	s8 =	sor.u32 s22, s8;
	v11 =	vadd.f32 v11, v7;
	v15 =	vld [tilespmem:s19+$0x0]  }
0x152: {  	v14 =	vadd.f32 v14, v4;
	s24 =	sadd.s32 $0x18000, s16;
	[smem:$0x7D6] =	sst s8;
	s20 =	sadd.s32 $0x12180, s13;
	[tilespmem:s1+$0x0] =	vst v9;
	v9 =	vld [tilespmem:s17+$0x0]  }
0x153: {  	s21 =	sor.u32 s31, s20;
	s8 =	sor.u32 s7, s20;
	[tilespmem:s10+$0x80] =	vst v11;
	v16 =	vld [tilespmem:s18+$0x0];
	s18 =	sor.u32 s12, s6  }
0x154: {  	[tilespmem:s14+$0x0] =	vst v14;
	s14 =	sor.u32 s28, s20;
	v5 =	vadd.f32 v10, v5;
	v11 =	vld [tilespmem:s18+$0x0];
	s18 =	sor.u32 s22, s20;
	s20 =	sor.u32 s7, s24  }
0x155: {  	v43 =	vld [tilespmem:s29+$0x0];
	s29 =	sor.u32 s31, s24;
	v10 =	vadd.f32 v41, v1;
	[smem:$0x7DA] =	sst s20  }
0x156: {  	[tilespmem:s21+$0x0] =	vst v5;
	s21 =	sor.u32 s28, s24;
	s20 =	sld [smem:$0x7D3];
	s24 =	sor.u32 s22, s24  }
0x157: {  	[tilespmem:s4+$0x80] =	vst v10;
	v10 =	vadd.f32 v15, v8;
	[smem:$0x7DC] =	sst s24  }
0x158: {  	v12 =	vadd.f32 v42, v6;
	v5 =	vld [tilespmem:s29+$0x200];
	s24 =	rddreg [dreg:$0x7]  }
0x159: {  	s19 =	sor.u32 s5, s6;
	v44 =	vld [tilespmem:s24+$0x180];
	s24 =	sld [smem:$0x7D4];
	[tilespmem:s0+$0x80] =	vst v10;
	v10 =	vadd.f32 v16, v2  }
0x15a: {  	s17 =	sor.u32 s11, s6;
	v45 =	vld [tilespmem:s19+$0x0];
	v9 =	vadd.f32 v9, v3;
	[tilespmem:s20+$0x0] =	vst v12  }
0x15b: {  	v46 =	vld [tilespmem:s17+$0x0];
	v11 =	vadd.f32 v11, v7;
	[tilespmem:s1+$0x80] =	vst v10  }
0x15c: {  	s6 =	sor.u32 s15, s6;
	[tilespmem:s2+$0x0] =	vst v9;
	s2 =	sadd.s32 $0x6000, s25;
	v9 =	vadd.f32 v43, v4;
	v10 =	vld [tilespmem:s24+$0x0]  }
0x15d: {  	v47 =	vld [tilespmem:s6+$0x0];
	[tilespmem:s10+$0x100] =	vst v11;
	s6 =	sor.u32 s12, s2  }
0x15e: {  	s20 =	smov.u32 s3;
	s3 =	sadd.s32 $0x13000, s13;
	[tilespmem:s9+$0x0] =	vst v9;
	v11 =	vld [tilespmem:s6+$0x0];
	v9 =	vadd.f32 v44, v5  }
0x15f: {  	s9 =	sadd.s32 $0x2180, s16;
	s24 =	sor.u32 s31, s3;
	v50 =	vld [tilespmem:s23+$0x0];
	s23 =	sor.u32 s7, s3  }
0x160: {  	v49 =	vld [tilespmem:s30+$0x0];
	v48 =	vadd.f32 v45, v1;
	[smem:$0x7DF] =	sst s23;
	[tilespmem:s24+$0x0] =	vst v9;
	s24 =	sor.u32 s31, s9  }
0x161: {  	s23 =	sor.u32 s28, s9;
	v15 =	vadd.f32 v46, v8;
	v9 =	vadd.f32 v10, v6;
	v10 =	vld [tilespmem:s24+$0x0];
	s24 =	sld [smem:$0x7D5]  }
0x162: {  	s17 =	sor.u32 s5, s2;
	[tilespmem:s4+$0x100] =	vst v48;
	[smem:$0x7DE] =	sst s23;
	s23 =	sor.u32 s7, s9  }
0x163: {  	v12 =	vld [tilespmem:s17+$0x0];
	[smem:$0x7E0] =	sst s23;
	[tilespmem:s0+$0x100] =	vst v15;
	v7 =	vadd.f32 v11, v7  }
0x164: {  	s19 =	sor.u32 s11, s2;
	s23 =	sor.u32 s22, s9;
	s9 =	sld [smem:$0x7D6];
	v13 =	vadd.f32 v47, v2;
	[tilespmem:s24+$0x0] =	vst v9  }
0x165: {  	v15 =	vld [tilespmem:s19+$0x0];
	v9 =	vadd.f32 v49, v3;
	[tilespmem:s10+$0x180] =	vst v7  }
0x166: {  	s2 =	sor.u32 s15, s2;
	s6 =	sor.u32 s28, s3;
	s3 =	sor.u32 s22, s3;
	[tilespmem:s1+$0x100] =	vst v13;
	v3 =	vld [tilespmem:s20+$0x18100]  }
0x167: {  	[smem:$0x7E1] =	sst s3;
	s17 =	sadd.s32 $0x4180, s16;
	v4 =	vadd.f32 v50, v4;
	v11 =	vld [tilespmem:s9+$0x0];
	[tilespmem:s14+$0x0] =	vst v9;
	s14 =	sadd.s32 $0x13080, s13  }
0x168: {  	[smem:$0x7E2] =	sst s23;
	v13 =	vld [tilespmem:s2+$0x0];
	v9 =	vadd.f32 v12, v1;
	s10 =	sor.u32 s28, s14;
	s23 =	sor.u32 s31, s14  }
0x169: {  	[tilespmem:s8+$0x0] =	vst v4;
	v7 =	vadd.f32 v10, v5;
	v10 =	vld [tilespmem:s20+$0x80];
	s24 =	sor.u32 s7, s14;
	s2 =	sor.u32 s22, s14;
	s14 =	sor.u32 s7, s17  }
0x16a: {  	v1 =	vld [tilespmem:s21+$0x200];
	[tilespmem:s4+$0x180] =	vst v9;
	[smem:$0x7E4] =	sst s14  }
0x16b: {  	v4 =	vadd.f32 v15, v8;
	[tilespmem:s23+$0x0] =	vst v7;
	s23 =	sld [smem:$0x7D8];
	v7 =	vld [tilespmem:s26+$0x18100]  }
0x16c: {  	s8 =	sor.u32 s31, s17;
	s14 =	sld [smem:$0x7D7];
	v9 =	vld [tilespmem:s26+$0x80];
	v6 =	vadd.f32 v11, v6  }
0x16d: {  	s29 =	smov.u32 s25;
	s3 =	sld [smem:$0x7D9];
	v8 =	vld [tilespmem:s8+$0x0];
	[tilespmem:s0+$0x180] =	vst v4;
	v2 =	vadd.f32 v13, v2  }
0x16e: {  	s19 =	sor.u32 s28, s17;
	s9 =	sadd.s32 $0x13100, s13;
	[smem:$0x7E3] =	sst s24;
	v4 =	vld [tilespmem:s23+$0x18100];
	[tilespmem:s18+$0x0] =	vst v6  }
0x16f: {  	s17 =	sor.u32 s22, s17;
	[smem:$0x7E5] =	sst s2;
	s18 =	sadd.s32 $0x11000, s14;
	[tilespmem:s1+$0x180] =	vst v2;
	v2 =	vadd.f32 v10, v3;
	v10 =	vld [tilespmem:s23+$0x80]  }
0x170: {  	[smem:$0x7E6] =	sst s17;
	s1 =	sadd.s32 $0x2080, s25;
	s21 =	sor.u32 s12, s18;
	v6 =	vld [tilespmem:s3+$0x18100]  }
0x171: {  	s4 =	sadd.s32 $0x6180, s16;
	s16 =	sor.u32 s31, s9;
	v9 =	vadd.f32 v9, v7;
	s24 =	sor.u32 s12, s1;
	v11 =	vld [tilespmem:s3+$0x80];
	[tilespmem:s21+$0x0] =	vst v2  }
0x172: {  	s0 =	sor.u32 s7, s4;
	s2 =	sor.u32 s5, s18;
	s8 =	sor.u32 s11, s18;
	v2 =	vadd.f32 v8, v5;
	v8 =	vld [tilespmem:s24+$0x0]  }
0x173: {  	s17 =	sor.u32 s15, s18;
	s18 =	sor.u32 s5, s1;
	s30 =	sor.u32 s15, s1;
	[tilespmem:s2+$0x0] =	vst v9  }
0x174: {  	s21 =	sor.u32 s31, s4;
	s2 =	sor.u32 s28, s4;
	[tilespmem:s16+$0x0] =	vst v2;
	v2 =	vadd.f32 v10, v4;
	v10 =	vld [tilespmem:s18+$0x0];
	s18 =	sld [smem:$0x7DA]  }
0x175: {  	s24 =	sor.u32 s11, s1;
	s1 =	sor.u32 s28, s9;
	v51 =	vld [tilespmem:s21+$0x0];
	s21 =	rddreg [dreg:$0x8]  }
0x176: {  	[smem:$0x7E7] =	sst s2;
	s2 =	sor.u32 s22, s4;
	s4 =	sadd.s32 $0x11080, s14;
	v9 =	vld [tilespmem:s21+$0x180];
	v11 =	vadd.f32 v11, v6;
	[tilespmem:s8+$0x0] =	vst v2  }
0x177: {  	s16 =	sor.u32 s7, s9;
	s21 =	smov.u32 s26;
	s26 =	sld [smem:$0x7DB];
	v8 =	vadd.f32 v8, v3;
	v2 =	vld [tilespmem:s18+$0x200]  }
0x178: {  	s9 =	sor.u32 s22, s9;
	s25 =	sor.u32 s12, s4;
	s8 =	sadd.s32 $0x4080, s29;
	v52 =	vld [tilespmem:s24+$0x0];
	[tilespmem:s17+$0x0] =	vst v11  }
0x179: {  	[smem:$0x7E8] =	sst s9;
	s18 =	sor.u32 s12, s8;
	v53 =	vld [tilespmem:s30+$0x0];
	[tilespmem:s25+$0x0] =	vst v8;
	s25 =	sadd.s32 $0x13180, s13  }
0x17a: {  	s30 =	sor.u32 s15, s8;
	v8 =	vld [tilespmem:s26+$0x180];
	v5 =	vadd.f32 v51, v5;
	s26 =	sor.u32 s5, s8;
	s13 =	sor.u32 s31, s25  }
0x17b: {  	v11 =	vld [tilespmem:s18+$0x0];
	s18 =	sor.u32 s11, s8;
	s8 =	sor.u32 s7, s25;
	s7 =	sld [smem:$0x7DC]  }
0x17c: {  	v9 =	vadd.f32 v9, v1;
	[tilespmem:s13+$0x0] =	vst v5;
	s13 =	sld [smem:$0x7DD]  }
0x17d: {  	s9 =	sor.u32 s5, s4;
	s24 =	sor.u32 s11, s4;
	s17 =	sor.u32 s15, s4;
	v10 =	vadd.f32 v10, v7  }
0x17e: {  	s4 =	sor.u32 s28, s25;
	s31 =	smov.u32 s12;
	[tilespmem:s6+$0x0] =	vst v9;
	s6 =	sor.u32 s22, s25;
	v9 =	vadd.f32 v52, v4;
	v5 =	vld [tilespmem:s7+$0x200]  }
0x17f: {  	s22 =	smov.u32 s15;
	s25 =	smov.u32 s14;
	s15 =	sld [smem:$0x7DE];
	[tilespmem:s9+$0x0] =	vst v10;
	v12 =	vadd.f32 v53, v6;
	v10 =	vld [tilespmem:s13+$0x180]  }
0x180: {  	s14 =	sadd.s32 $0x11100, s25;
	v54 =	vld [tilespmem:s26+$0x0];
	s13 =	smov.u32 s23;
	[tilespmem:s24+$0x0] =	vst v9;
	s23 =	sld [smem:$0x7DF];
	v9 =	vadd.f32 v11, v3  }
0x181: {  	v8 =	vadd.f32 v8, v2;
	v55 =	vld [tilespmem:s18+$0x0];
	s18 =	sor.u32 s31, s14;
	[tilespmem:s17+$0x0] =	vst v12  }
0x182: {  	v11 =	vld [tilespmem:s15+$0x0];
	[tilespmem:s18+$0x0] =	vst v9;
	s18 =	sld [smem:$0x7E0]  }
0x183: {  	s9 =	sadd.s32 $0x6080, s29;
	[tilespmem:s23+$0x0] =	vst v8;
	s23 =	sld [smem:$0x7E1]  }
0x184: {  	s24 =	sor.u32 s31, s9;
	v57 =	vld [tilespmem:s30+$0x0];
	v10 =	vadd.f32 v10, v5  }
0x185: {  	s28 =	smov.u32 s5;
	s7 =	smov.u32 s11;
	s11 =	sld [smem:$0x7E2];
	v9 =	vld [tilespmem:s24+$0x0];
	v56 =	vadd.f32 v54, v7  }
0x186: {  	s26 =	smov.u32 s3;
	s3 =	sor.u32 s28, s14;
	s24 =	rddreg [dreg:$0x1b];
	v8 =	vld [tilespmem:s18+$0x0];
	[tilespmem:s23+$0x0] =	vst v10  }
0x187: {  	s12 =	sor.u32 s7, s14;
	s5 =	sor.u32 s22, s14;
	s14 =	sor.u32 s28, s9;
	v11 =	vadd.f32 v11, v1;
	[tilespmem:s3+$0x0] =	vst v56;
	v10 =	vld [tilespmem:s24+$0x0]  }
0x188: {  	v58 =	vadd.f32 v55, v4;
	v60 =	vld [tilespmem:s14+$0x0]  }
0x189: {  	v61 =	vadd.f32 v57, v6;
	[tilespmem:s10+$0x0] =	vst v11  }
0x18a: {  	s17 =	sadd.s32 $0x11180, s25;
	v59 =	vld [tilespmem:s11+$0x0];
	[tilespmem:s12+$0x0] =	vst v58;
	s24 =	sld [smem:$0x7E3];
	v3 =	vadd.f32 v9, v3  }
0x18b: {  	s15 =	sor.u32 s7, s9;
	s23 =	sor.u32 s31, s17;
	s11 =	sld [smem:$0x7E4];
	v9 =	vld [tilespmem:s19+$0x0];
	[tilespmem:s5+$0x0] =	vst v61;
	v8 =	vadd.f32 v8, v2  }
0x18c: {  	v11 =	vld [tilespmem:s15+$0x0];
	[tilespmem:s23+$0x0] =	vst v3;
	v3 =	vadd.f32 v10, v0  }
0x18d: {  	s10 =	sor.u32 s7, s17;
	s15 =	rddreg [dreg:$0x19];
	v62 =	vld [tilespmem:s20+$0x100];
	[tilespmem:s24+$0x0] =	vst v8;
	v7 =	vadd.f32 v60, v7  }
0x18e: {  	s12 =	sor.u32 s22, s17;
	s19 =	sor.u32 s28, s17;
	s17 =	sld [smem:$0x7E5];
	v0 =	vmov v5;
	v8 =	vld [tilespmem:s11+$0x0];
	[tilespmem:s15+$0x0] =	vst v3  }
0x18f: {  	s9 =	sor.u32 s22, s9;
	v5 =	vld [tilespmem:s20+$0x18180];
	v10 =	vadd.f32 v59, v0;
	[tilespmem:s19+$0x0] =	vst v7;
	s19 =	sld [smem:$0x7E6]  }
0x190: {  	v9 =	vadd.f32 v9, v1;
	v63 =	vld [tilespmem:s9+$0x0]  }
0x191: {  	[dreg:$0x7] =	wrdreg s20;
	v4 =	vadd.f32 v11, v4;
	[tilespmem:s17+$0x0] =	vst v10;
	v3 =	vld [tilespmem:s21+$0x18180]  }
0x192: {  	s30 =	smov.u32 s25;
	s20 =	sadd.s32 $0x12000, s25;
	s25 =	sld [smem:$0x7E7];
	[tilespmem:s1+$0x0] =	vst v9;
	v11 =	vld [tilespmem:s19+$0x0]  }
.Ltmp2:
0x193: {  	[dreg:$0x8] =	wrdreg s21;
	s18 =	smov.u32 s2;
	[tilespmem:s10+$0x0] =	vst v4;
	v9 =	vld [tilespmem:s21+$0x100];
	v7 =	vadd.f32 v8, v2;
	(pc) =	sbr.rel @p2 .LBB2_7-.Ltmp2, $4  }
0x194: {  	s14 =	smov.u32 s0;
	s11 =	smov.u32 s6;
	s3 =	sor.u32 s28, s20;
	v4 =	vld [tilespmem:s13+$0x18180];
	v8 =	vadd.f32 v62, v5  }
0x195: {  	s23 =	sor.u32 s31, s20;
	s2 =	sor.u32 s7, s20;
	s21 =	sadd.s32 $0x2100, s29;
	[tilespmem:s16+$0x0] =	vst v7;
	v6 =	vadd.f32 v63, v6;
	v7 =	vld [tilespmem:s25+$0x0]  }
0x196: {  	s1 =	sor.u32 s22, s20;
	s24 =	sor.u32 s31, s21;
	s0 =	sor.u32 s28, s21;
	[tilespmem:s23+$0x0] =	vst v8;
	v10 =	vld [tilespmem:s13+$0x100]  }
0x197: {  	s20 =	sor.u32 s7, s21;
	s6 =	sor.u32 s22, s21;
	v8 =	vadd.f32 v11, v0;
	[tilespmem:s12+$0x0] =	vst v6;
	s12 =	sld [smem:$0x7E8];
	v11 =	vld [tilespmem:s24+$0x0]  }
0x198: {  	v6 =	vld [tilespmem:s26+$0x18180]  }
0x199: {  	v12 =	vld [tilespmem:s26+$0x100];
	v9 =	vadd.f32 v9, v3;
	_ =	sdelay $0x1  }
0x19a: {  	[tilespmem:s3+$0x0] =	vst v9;
	v9 =	vadd.f32 v10, v4  }
0x19b: {  	v10 =	vld [tilespmem:s0+$0x0]  }
0x19c: {  	[tilespmem:s2+$0x0] =	vst v9  }
0x19d: {  	v9 =	vadd.f32 v12, v6;
	v12 =	vld [tilespmem:s20+$0x0];
	_ =	sdelay $0x1  }
0x19e: {  	s15 =	sadd.s32 $0x12080, s30;
	v11 =	vadd.f32 v11, v5;
	[tilespmem:s1+$0x0] =	vst v9  }
0x19f: {  	s16 =	sadd.s32 $0x4100, s29;
	s17 =	sor.u32 s31, s15;
	v9 =	vld [tilespmem:s6+$0x0];
	v10 =	vadd.f32 v10, v3  }
0x1a0: {  	s19 =	sor.u32 s31, s16;
	[tilespmem:s17+$0x0] =	vst v11;
	s20 =	sor.u32 s28, s15  }
0x1a1: {  	v11 =	vld [tilespmem:s19+$0x0];
	[tilespmem:s20+$0x0] =	vst v10;
	v10 =	vadd.f32 v12, v4  }
0x1a2: {  	s21 =	sor.u32 s28, s16;
	s23 =	sor.u32 s7, s15  }
0x1a3: {  	s24 =	sor.u32 s7, s16;
	v12 =	vld [tilespmem:s21+$0x0];
	[tilespmem:s23+$0x0] =	vst v10  }
0x1a4: {  	v9 =	vadd.f32 v9, v6;
	v10 =	vld [tilespmem:s24+$0x0]  }
0x1a5: {  	s0 =	sor.u32 s22, s15  }
0x1a6: {  	s25 =	sadd.s32 $0x12100, s30;
	s1 =	sor.u32 s22, s16;
	v11 =	vadd.f32 v11, v5;
	[tilespmem:s0+$0x0] =	vst v9  }
0x1a7: {  	s5 =	sadd.s32 $0x6100, s29;
	s6 =	sor.u32 s31, s25;
	v9 =	vld [tilespmem:s1+$0x0]  }
0x1a8: {  	s9 =	sor.u32 s31, s5;
	[tilespmem:s6+$0x0] =	vst v11;
	v11 =	vadd.f32 v12, v3  }
0x1a9: {  	s10 =	sor.u32 s28, s25;
	v12 =	vld [tilespmem:s9+$0x0];
	v10 =	vadd.f32 v10, v4  }
0x1aa: {  	s15 =	sor.u32 s28, s5;
	s16 =	sor.u32 s7, s25;
	[tilespmem:s10+$0x0] =	vst v11  }
0x1ab: {  	s17 =	sor.u32 s7, s5;
	v11 =	vld [tilespmem:s15+$0x0];
	[tilespmem:s16+$0x0] =	vst v10  }
0x1ac: {  	v9 =	vadd.f32 v9, v6;
	v10 =	vld [tilespmem:s17+$0x0]  }
0x1ad: {  	s2 =	sor.u32 s22, s25  }
0x1ae: {  	s19 =	sadd.s32 $0x12180, s30;
	s0 =	sor.u32 s22, s5;
	v5 =	vadd.f32 v12, v5;
	[tilespmem:s2+$0x0] =	vst v9  }
0x1af: {  	s20 =	sadd.s32 $0x18000, s29;
	s21 =	sor.u32 s31, s19;
	v9 =	vld [tilespmem:s0+$0x0]  }
0x1b0: {  	s23 =	sor.u32 s31, s20;
	[tilespmem:s21+$0x0] =	vst v5;
	v3 =	vadd.f32 v11, v3  }
0x1b1: {  	s24 =	sor.u32 s28, s19;
	v5 =	vld [tilespmem:s23+$0x200];
	s5 =	rddreg [dreg:$0x7];
	v4 =	vadd.f32 v10, v4  }
0x1b2: {  	s25 =	sor.u32 s28, s20;
	s6 =	sor.u32 s7, s19;
	v11 =	vld [tilespmem:s5+$0x180];
	[tilespmem:s24+$0x0] =	vst v3  }
0x1b3: {  	s9 =	sor.u32 s7, s20;
	v3 =	vld [tilespmem:s25+$0x200];
	[tilespmem:s6+$0x0] =	vst v4  }
0x1b4: {  	v4 =	vadd.f32 v9, v6;
	s3 =	rddreg [dreg:$0x8];
	v9 =	vld [tilespmem:s9+$0x200]  }
0x1b5: {  	s1 =	sor.u32 s22, s19;
	v6 =	vld [tilespmem:s3+$0x180]  }
0x1b6: {  	s10 =	sor.u32 s22, s20;
	[tilespmem:s1+$0x0] =	vst v4;
	v4 =	vld [tilespmem:s13+$0x180]  }
0x1b7: {  	v10 =	vld [tilespmem:s10+$0x200]  }
0x1b8: {  	v12 =	vld [tilespmem:s26+$0x180]  }
0x1b9: {  	s15 =	sadd.s32 $0x13000, s30;
	v11 =	vadd.f32 v11, v5  }
0x1ba: {  	s16 =	sadd.s32 $0x2180, s29;
	s17 =	sor.u32 s31, s15  }
0x1bb: {  	s19 =	sor.u32 s31, s16;
	[tilespmem:s17+$0x0] =	vst v11;
	v6 =	vadd.f32 v6, v3  }
0x1bc: {  	s20 =	sor.u32 s28, s15;
	v11 =	vld [tilespmem:s19+$0x0];
	v4 =	vadd.f32 v4, v9  }
0x1bd: {  	s21 =	sor.u32 s7, s15;
	s23 =	sor.u32 s28, s16;
	[tilespmem:s20+$0x0] =	vst v6;
	v6 =	vadd.f32 v12, v10  }
0x1be: {  	s0 =	sor.u32 s22, s15;
	s24 =	sor.u32 s7, s16;
	[tilespmem:s21+$0x0] =	vst v4;
	v12 =	vld [tilespmem:s23+$0x0]  }
0x1bf: {  	s1 =	sor.u32 s22, s16;
	v4 =	vld [tilespmem:s24+$0x0];
	[tilespmem:s0+$0x0] =	vst v6  }
0x1c0: {  	v6 =	vld [tilespmem:s1+$0x0]  }
0x1c1: {  	s25 =	sadd.s32 $0x13080, s30;
	v11 =	vadd.f32 v11, v5  }
0x1c2: {  	s6 =	sor.u32 s31, s25;
	s26 =	sadd.s32 $0x4180, s29  }
0x1c3: {  	s9 =	sor.u32 s31, s26;
	[tilespmem:s6+$0x0] =	vst v11;
	v11 =	vadd.f32 v12, v3  }
0x1c4: {  	s10 =	sor.u32 s28, s25;
	v12 =	vld [tilespmem:s9+$0x0];
	v4 =	vadd.f32 v4, v9  }
0x1c5: {  	s13 =	sor.u32 s7, s25;
	s15 =	sor.u32 s28, s26;
	[tilespmem:s10+$0x0] =	vst v11;
	v6 =	vadd.f32 v6, v10  }
0x1c6: {  	s16 =	sor.u32 s7, s26;
	s0 =	sor.u32 s22, s25;
	[tilespmem:s13+$0x0] =	vst v4;
	v11 =	vld [tilespmem:s15+$0x0]  }
0x1c7: {  	s1 =	sor.u32 s22, s26;
	v4 =	vld [tilespmem:s16+$0x0];
	[tilespmem:s0+$0x0] =	vst v6  }
0x1c8: {  	v6 =	vld [tilespmem:s1+$0x0]  }
0x1c9: {  	s17 =	sadd.s32 $0x13100, s30;
	v12 =	vadd.f32 v12, v5  }
0x1ca: {  	s19 =	sadd.s32 $0x6180, s29;
	s20 =	sor.u32 s31, s17  }
0x1cb: {  	v13 =	vld [tilespmem:s14+$0x0];
	s21 =	sor.u32 s31, s19;
	[tilespmem:s20+$0x0] =	vst v12;
	v11 =	vadd.f32 v11, v3  }
0x1cc: {  	[tilespmem:s12+$0x0] =	vst v8;
	s23 =	sor.u32 s28, s17;
	v8 =	vld [tilespmem:s21+$0x0];
	v4 =	vadd.f32 v4, v9  }
0x1cd: {  	s24 =	sor.u32 s7, s17;
	s25 =	sor.u32 s28, s19;
	v12 =	vld [tilespmem:s18+$0x0];
	[tilespmem:s23+$0x0] =	vst v11;
	v6 =	vadd.f32 v6, v10  }
0x1ce: {  	s26 =	sor.u32 s7, s19;
	s0 =	sor.u32 s22, s17;
	[tilespmem:s24+$0x0] =	vst v4;
	v4 =	vld [tilespmem:s25+$0x0]  }
0x1cf: {  	v1 =	vadd.f32 v7, v1;
	s1 =	sor.u32 s22, s19;
	[tilespmem:s0+$0x0] =	vst v6;
	v6 =	vld [tilespmem:s26+$0x0]  }
0x1d0: {  	v2 =	vadd.f32 v13, v2;
	v7 =	vld [tilespmem:s1+$0x0]  }
0x1d1: {  	[tilespmem:s4+$0x0] =	vst v1;
	s4 =	sadd.s32 $0x13180, s30;
	v1 =	vadd.f32 v8, v5  }
0x1d2: {  	[tilespmem:s8+$0x0] =	vst v2;
	s5 =	sor.u32 s31, s4;
	v0 =	vadd.f32 v12, v0  }
0x1d3: {  	[tilespmem:s5+$0x0] =	vst v1;
	v1 =	vadd.f32 v4, v3  }
0x1d4: {  	s6 =	sor.u32 s28, s4;
	[tilespmem:s11+$0x0] =	vst v0;
	v0 =	vadd.f32 v6, v9  }
0x1d5: {  	s7 =	sor.u32 s7, s4;
	[tilespmem:s6+$0x0] =	vst v1;
	v1 =	vadd.f32 v7, v10  }
0x1d6: {  	s0 =	sor.u32 s22, s4;
	[tilespmem:s7+$0x0] =	vst v0  }
0x1d7: {  	s1 =	sld [smem:$0x7EE];
	[tilespmem:s0+$0x0] =	vst v1  }
0x1d8: {  	s0 =	sld [smem:$0x7F7];
	_ =	sdelay $0x1  }
0x1d9: {  	s1 =	sshll.u32 s1, $0x9  }
0x1da: {  	s8 =	simm.s32 $0x0;
	s9 =	simm.s32 $0x10000;
	s0 =	sadd.s32 s1, s0  }
0x1db: {  	[hbm4b:s0+s8] =	stream.linear.scatter [tilespmem:s9], [sflag:$0x5], $0x4000, $0x38;
	[tilespmem:$0x1F400] =	vst v63  }
0x1dc: {  	s10 =	simm.s32 $0x0;
	[smem:$0x7CB] =	sst s1;
	s0 =	simm.s32 @!p1 $0x6  }
0x1dd: {  	s22 =	sand.u32 $0x40, s10;
	s11 =	simm.s32 $0x0;
	_ =	swait.ge @!p1 [sflag:s0], $0x4000  }
0x1de: {  	s24 =	sor.u32 $0x30, s22;
	s2 =	sand.u32 $0xFFFFFC00, s11;
	[sflag:s0] =	ssyncset.done @!p1 $0x0  }
0x1df: {  	[sflag:s0] =	ssyncadd.s32 @!p1 $0xFFFFC000;
	s0 =	sor.u32 s24, s2  }
0x1e0: {  	v0 =	vld [tilespmem:s0+$0x18280]  }
0x1e1: {  	v1 =	vld [tilespmem:s0+$0x200];
	_ =	sdelay $0x2  }
0x1e2: {  	s12 =	simm.s32 $0x0  }
0x1e3: {  	s4 =	sand.u32 $0x3FFFFE00, s12  }
0x1e4: {  	s1 =	sadd.s32 $0x14000, s4;
	v1 =	vadd.f32 v1, v0  }
0x1e5: {  	s13 =	sadd.s32 $0x2200, s2;
	s14 =	sor.u32 s24, s1  }
0x1e6: {  	s15 =	sor.u32 s24, s13;
	[tilespmem:s14+$0x0] =	vst v1  }
0x1e7: {  	s8 =	sor.u32 s22, s2;
	v1 =	vld [tilespmem:s15+$0x0]  }
0x1e8: {  	v2 =	vld [tilespmem:s8+$0x18280]  }
0x1e9: {  	s25 =	sor.u32 $0x10, s22;
	v3 =	vld [tilespmem:s8+$0x200]  }
0x1ea: {  	s7 =	sor.u32 s25, s2  }
0x1eb: {  	s23 =	sor.u32 $0x20, s22;
	v4 =	vld [tilespmem:s7+$0x18280]  }
0x1ec: {  	s16 =	sadd.s32 $0x14080, s4;
	s3 =	sor.u32 s23, s2;
	v5 =	vld [tilespmem:s7+$0x200];
	v1 =	vadd.f32 v1, v0  }
0x1ed: {  	s10 =	sor.u32 s24, s16;
	s9 =	sadd.s32 $0x4200, s2;
	v6 =	vld [tilespmem:s3+$0x18280]  }
0x1ee: {  	s17 =	sor.u32 s24, s9;
	v7 =	vld [tilespmem:s3+$0x200];
	v3 =	vadd.f32 v3, v2;
	[tilespmem:s10+$0x0] =	vst v1  }
0x1ef: {  	s18 =	sor.u32 s22, s1;
	v1 =	vld [tilespmem:s17+$0x0]  }
0x1f0: {  	s19 =	sor.u32 s22, s13;
	[tilespmem:s18+$0x0] =	vst v3  }
0x1f1: {  	v3 =	vadd.f32 v5, v4;
	v5 =	vld [tilespmem:s19+$0x0]  }
0x1f2: {  	s20 =	sor.u32 s25, s1  }
0x1f3: {  	s21 =	sor.u32 s25, s13;
	v7 =	vadd.f32 v7, v6;
	[tilespmem:s20+$0x0] =	vst v3  }
0x1f4: {  	s1 =	sor.u32 s23, s1;
	v3 =	vld [tilespmem:s21+$0x0];
	s10 =	sadd.s32 $0x14100, s4;
	v1 =	vadd.f32 v1, v0  }
0x1f5: {  	s5 =	sor.u32 s23, s13;
	[tilespmem:s1+$0x0] =	vst v7;
	s1 =	sadd.s32 $0x6200, s2;
	s26 =	sor.u32 s24, s10  }
0x1f6: {  	v7 =	vld [tilespmem:s5+$0x0];
	s28 =	sor.u32 s24, s1;
	v5 =	vadd.f32 v5, v2;
	[tilespmem:s26+$0x0] =	vst v1  }
0x1f7: {  	s30 =	sor.u32 s22, s16;
	v1 =	vld [tilespmem:s28+$0x0]  }
0x1f8: {  	s12 =	sor.u32 s22, s9;
	[tilespmem:s30+$0x0] =	vst v5  }
0x1f9: {  	v3 =	vadd.f32 v3, v4;
	v5 =	vld [tilespmem:s12+$0x0]  }
0x1fa: {  	s13 =	sor.u32 s25, s16  }
0x1fb: {  	s14 =	sor.u32 s25, s9;
	v7 =	vadd.f32 v7, v6;
	[tilespmem:s13+$0x0] =	vst v3  }
0x1fc: {  	s15 =	sor.u32 s23, s16;
	s16 =	sadd.s32 $0x14180, s4;
	v3 =	vld [tilespmem:s14+$0x0];
	v0 =	vadd.f32 v1, v0  }
0x1fd: {  	s9 =	sor.u32 s23, s9;
	[tilespmem:s15+$0x0] =	vst v7;
	s17 =	sor.u32 s24, s16  }
0x1fe: {  	v1 =	vadd.f32 v5, v2;
	v5 =	vld [tilespmem:s9+$0x0];
	[tilespmem:s17+$0x0] =	vst v0  }
0x1ff: {  	s18 =	sor.u32 s22, s10;
	v7 =	vld [tilespmem:s0+$0x18300]  }
0x200: {  	s19 =	sor.u32 s22, s1;
	[tilespmem:s18+$0x0] =	vst v1;
	v1 =	vld [tilespmem:s0+$0x280]  }
0x201: {  	v0 =	vadd.f32 v3, v4;
	v3 =	vld [tilespmem:s19+$0x0]  }
0x202: {  	s20 =	sor.u32 s25, s10  }
0x203: {  	s21 =	sor.u32 s25, s1;
	[tilespmem:s20+$0x0] =	vst v0;
	v5 =	vadd.f32 v5, v6  }
0x204: {  	s26 =	sor.u32 s23, s10;
	v0 =	vld [tilespmem:s21+$0x0]  }
0x205: {  	s1 =	sor.u32 s23, s1;
	[tilespmem:s26+$0x0] =	vst v5  }
0x206: {  	s28 =	sadd.s32 $0x15000, s4;
	v1 =	vadd.f32 v1, v7;
	v2 =	vadd.f32 v3, v2;
	v3 =	vld [tilespmem:s1+$0x0]  }
0x207: {  	s30 =	sadd.s32 $0x2280, s2;
	s12 =	sor.u32 s24, s28  }
0x208: {  	s13 =	sor.u32 s22, s16;
	s14 =	sor.u32 s24, s30;
	[tilespmem:s12+$0x0] =	vst v1  }
0x209: {  	[tilespmem:s13+$0x0] =	vst v2;
	v0 =	vadd.f32 v0, v4;
	v4 =	vld [tilespmem:s14+$0x0]  }
0x20a: {  	s15 =	sor.u32 s25, s16;
	v2 =	vld [tilespmem:s8+$0x18300]  }
0x20b: {  	v5 =	vld [tilespmem:s8+$0x280];
	[tilespmem:s15+$0x0] =	vst v0;
	v0 =	vadd.f32 v3, v6  }
0x20c: {  	s6 =	sor.u32 s23, s16;
	v1 =	vld [tilespmem:s7+$0x18300]  }
0x20d: {  	v3 =	vld [tilespmem:s7+$0x280];
	[tilespmem:s6+$0x0] =	vst v0  }
0x20e: {  	v0 =	vld [tilespmem:s3+$0x18300]  }
0x20f: {  	s12 =	sadd.s32 $0x15080, s4;
	v4 =	vadd.f32 v4, v7;
	v6 =	vld [tilespmem:s3+$0x280]  }
0x210: {  	s10 =	sadd.s32 $0x4280, s2;
	s16 =	sor.u32 s24, s12  }
0x211: {  	s17 =	sor.u32 s24, s10;
	[tilespmem:s16+$0x0] =	vst v4  }
0x212: {  	v4 =	vadd.f32 v5, v2;
	v3 =	vadd.f32 v3, v1;
	v5 =	vld [tilespmem:s17+$0x0]  }
0x213: {  	s19 =	sor.u32 s25, s28  }
0x214: {  	s18 =	sor.u32 s22, s28;
	s21 =	sor.u32 s25, s30;
	[tilespmem:s19+$0x0] =	vst v3;
	v6 =	vadd.f32 v6, v0  }
0x215: {  	s5 =	sor.u32 s23, s28;
	s20 =	sor.u32 s22, s30;
	s26 =	simm.s32 $0x40;
	[tilespmem:s18+$0x0] =	vst v4;
	v3 =	vld [tilespmem:s21+$0x0]  }
0x216: {  	s1 =	sor.u32 s23, s30;
	s30 =	simm.s32 $0x200;
	[tilespmem:s5+$0x0] =	vst v6;
	s5 =	sand.u32 $0x40, s26  }
0x217: {  	s15 =	sand.u32 $0xFFFFFC00, s30;
	s17 =	sadd.s32 $0x15100, s4;
	v4 =	vld [tilespmem:s20+$0x0];
	v5 =	vadd.f32 v5, v7;
	s29 =	sor.u32 $0x30, s5  }
0x218: {  	s16 =	sadd.s32 $0x6280, s2;
	s28 =	sor.u32 s24, s17;
	v8 =	vld [tilespmem:s1+$0x0];
	s9 =	sor.u32 s29, s15  }
0x219: {  	s11 =	sor.u32 s24, s16;
	[tilespmem:s28+$0x0] =	vst v5;
	v6 =	vld [tilespmem:s9+$0x18280]  }
0x21a: {  	v3 =	vadd.f32 v3, v1;
	v5 =	vld [tilespmem:s11+$0x0]  }
0x21b: {  	s14 =	sor.u32 s25, s12;
	v9 =	vld [tilespmem:s9+$0x200];
	s11 =	sor.u32 s5, s15  }
0x21c: {  	v4 =	vadd.f32 v4, v2;
	s28 =	sor.u32 $0x10, s5;
	[tilespmem:s14+$0x0] =	vst v3;
	v3 =	vld [tilespmem:s11+$0x18280]  }
0x21d: {  	s13 =	sor.u32 s22, s12;
	s6 =	sor.u32 s28, s15;
	v12 =	vld [tilespmem:s11+$0x200]  }
0x21e: {  	s19 =	sor.u32 s25, s10;
	s20 =	simm.s32 $0x100;
	[tilespmem:s13+$0x0] =	vst v4;
	v4 =	vld [tilespmem:s6+$0x18280]  }
0x21f: {  	s18 =	sor.u32 s22, s10;
	s1 =	sand.u32 $0x3FFFFE00, s20;
	s13 =	sadd.s32 $0x15180, s4;
	v11 =	vld [tilespmem:s19+$0x0];
	v5 =	vadd.f32 v5, v7  }
0x220: {  	s14 =	sadd.s32 $0x18000, s2;
	s21 =	sor.u32 s24, s13;
	s19 =	sadd.s32 $0x14000, s1;
	v7 =	vadd.f32 v9, v6;
	v9 =	vld [tilespmem:s6+$0x200]  }
0x221: {  	s20 =	sadd.s32 $0x2200, s15;
	v10 =	vld [tilespmem:s18+$0x0];
	s26 =	sor.u32 s24, s14;
	[tilespmem:s21+$0x0] =	vst v5;
	s21 =	sor.u32 s29, s19  }
0x222: {  	s30 =	sor.u32 s29, s20;
	v5 =	vld [tilespmem:s26+$0x380];
	[tilespmem:s21+$0x0] =	vst v7  }
0x223: {  	v14 =	vadd.f32 v8, v0;
	v7 =	vld [tilespmem:s30+$0x0];
	s30 =	sor.u32 $0x20, s5  }
0x224: {  	s12 =	sor.u32 s23, s12;
	v12 =	vadd.f32 v12, v3;
	v13 =	vld [tilespmem:s0+$0x300];
	s0 =	sor.u32 s30, s15  }
0x225: {  	[tilespmem:s12+$0x0] =	vst v14;
	s21 =	sor.u32 s5, s19;
	v9 =	vadd.f32 v9, v4;
	v8 =	vld [tilespmem:s0+$0x18280]  }
0x226: {  	s10 =	sor.u32 s23, s10;
	[tilespmem:s21+$0x0] =	vst v12;
	s21 =	sor.u32 s28, s19;
	v12 =	vld [tilespmem:s0+$0x200]  }
0x227: {  	v10 =	vadd.f32 v10, v2;
	s26 =	sor.u32 s5, s20;
	[tilespmem:s21+$0x0] =	vst v9;
	v9 =	vld [tilespmem:s10+$0x0]  }
0x228: {  	s12 =	sor.u32 s22, s17;
	v14 =	vld [tilespmem:s26+$0x0];
	s26 =	sor.u32 s28, s20;
	s21 =	sadd.s32 $0x14080, s1;
	v7 =	vadd.f32 v7, v6  }
0x229: {  	s18 =	sor.u32 s22, s16;
	[tilespmem:s12+$0x0] =	vst v10;
	s10 =	sadd.s32 $0x16000, s4;
	v10 =	vld [tilespmem:s26+$0x0];
	v13 =	vadd.f32 v13, v5;
	s12 =	sor.u32 s29, s21  }
0x22a: {  	v15 =	vld [tilespmem:s18+$0x0];
	s26 =	sadd.s32 $0x4200, s15;
	s18 =	sor.u32 s24, s10;
	[tilespmem:s12+$0x0] =	vst v7;
	v7 =	vadd.f32 v11, v1  }
0x22b: {  	s31 =	sor.u32 s29, s26;
	[tilespmem:s18+$0x0] =	vst v13;
	s18 =	sor.u32 s25, s17;
	s12 =	sadd.s32 $0x2300, s2;
	v12 =	vadd.f32 v12, v8  }
0x22c: {  	v11 =	vld [tilespmem:s31+$0x0];
	s31 =	sor.u32 s24, s12;
	v9 =	vadd.f32 v9, v0;
	[tilespmem:s18+$0x0] =	vst v7;
	s18 =	sor.u32 s30, s19  }
0x22d: {  	v13 =	vadd.f32 v14, v3;
	s17 =	sor.u32 s23, s17;
	v7 =	vld [tilespmem:s31+$0x0];
	s19 =	sor.u32 s25, s16;
	[tilespmem:s18+$0x0] =	vst v12  }
0x22e: {  	v10 =	vadd.f32 v10, v4;
	v14 =	vld [tilespmem:s19+$0x0];
	s18 =	sor.u32 s30, s20;
	s20 =	sor.u32 s5, s21;
	[tilespmem:s17+$0x0] =	vst v9  }
0x22f: {  	v2 =	vadd.f32 v15, v2;
	s19 =	sor.u32 s28, s21;
	[tilespmem:s20+$0x0] =	vst v13;
	v12 =	vld [tilespmem:s18+$0x0];
	s20 =	sor.u32 s5, s26  }
0x230: {  	s16 =	sor.u32 s23, s16;
	s17 =	sor.u32 s22, s13;
	[tilespmem:s19+$0x0] =	vst v10;
	s18 =	sor.u32 s22, s14;
	v13 =	vld [tilespmem:s20+$0x0]  }
0x231: {  	v9 =	vld [tilespmem:s16+$0x0];
	s19 =	sadd.s32 $0x14100, s1;
	[tilespmem:s17+$0x0] =	vst v2;
	s16 =	sadd.s32 $0x16080, s4;
	s20 =	sor.u32 s28, s26;
	v10 =	vadd.f32 v11, v6  }
0x232: {  	s17 =	sor.u32 s29, s19;
	v11 =	vld [tilespmem:s20+$0x0];
	[smem:$0x7CE] =	sst s4;
	s20 =	sadd.s32 $0x6200, s15;
	v2 =	vadd.f32 v7, v5  }
0x233: {  	v7 =	vld [tilespmem:s18+$0x380];
	s18 =	sor.u32 s24, s16;
	s31 =	sor.u32 s29, s20;
	[tilespmem:s17+$0x0] =	vst v10  }
0x234: {  	s17 =	sadd.s32 $0x4300, s2;
	[tilespmem:s18+$0x0] =	vst v2;
	v2 =	vld [tilespmem:s31+$0x0];
	v10 =	vadd.f32 v12, v8  }
0x235: {  	s21 =	sor.u32 s30, s21;
	s18 =	sor.u32 s24, s17;
	v13 =	vadd.f32 v13, v3  }
0x236: {  	v1 =	vadd.f32 v14, v1;
	v12 =	vld [tilespmem:s18+$0x0];
	[tilespmem:s21+$0x0] =	vst v10;
	s21 =	sor.u32 s30, s26;
	s26 =	sor.u32 s5, s19  }
0x237: {  	v11 =	vadd.f32 v11, v4;
	[tilespmem:s26+$0x0] =	vst v13;
	v10 =	vld [tilespmem:s21+$0x0];
	s21 =	sor.u32 s25, s13;
	s26 =	sor.u32 s5, s20  }
0x238: {  	[tilespmem:s21+$0x0] =	vst v1;
	v13 =	vld [tilespmem:s26+$0x0];
	s21 =	sor.u32 s25, s14;
	s26 =	sor.u32 s28, s19  }
0x239: {  	s18 =	sadd.s32 $0x14180, s1;
	[tilespmem:s26+$0x0] =	vst v11;
	v1 =	vld [tilespmem:s21+$0x380];
	v2 =	vadd.f32 v2, v6;
	s21 =	sor.u32 s28, s20  }
0x23a: {  	s26 =	sor.u32 s29, s18;
	v6 =	vld [tilespmem:s21+$0x0]  }
0x23b: {  	v15 =	vld [tilespmem:s8+$0x300];
	v0 =	vadd.f32 v9, v0;
	[tilespmem:s26+$0x0] =	vst v2  }
0x23c: {  	s13 =	sor.u32 s23, s13;
	v2 =	vadd.f32 v10, v8;
	v9 =	vld [tilespmem:s9+$0x18300]  }
0x23d: {  	[tilespmem:s13+$0x0] =	vst v0;
	s14 =	sor.u32 s23, s14;
	s21 =	sor.u32 s30, s19;
	v10 =	vld [tilespmem:s9+$0x280];
	v3 =	vadd.f32 v13, v3  }
0x23e: {  	v0 =	vld [tilespmem:s14+$0x380];
	s14 =	sor.u32 s5, s18;
	s26 =	sor.u32 s30, s20;
	[tilespmem:s21+$0x0] =	vst v2  }
0x23f: {  	[tilespmem:s14+$0x0] =	vst v3;
	v3 =	vadd.f32 v6, v4;
	v4 =	vld [tilespmem:s26+$0x0]  }
0x240: {  	v11 =	vld [tilespmem:s7+$0x300];
	s19 =	sor.u32 s28, s18;
	[smem:$0x7CC] =	sst s11  }
0x241: {  	v2 =	vld [tilespmem:s11+$0x18300];
	[tilespmem:s19+$0x0] =	vst v3  }
0x242: {  	s7 =	sadd.s32 $0x15000, s1;
	v6 =	vld [tilespmem:s11+$0x280];
	v10 =	vadd.f32 v10, v9;
	[smem:$0x7CD] =	sst s6  }
0x243: {  	s20 =	sor.u32 s29, s7;
	v13 =	vadd.f32 v15, v7;
	v3 =	vld [tilespmem:s6+$0x18300]  }
0x244: {  	s8 =	sadd.s32 $0x2280, s15;
	s21 =	sor.u32 s22, s10;
	v14 =	vld [tilespmem:s6+$0x280];
	[tilespmem:s20+$0x0] =	vst v10;
	v4 =	vadd.f32 v4, v8  }
0x245: {  	s26 =	sor.u32 s29, s8;
	s11 =	sor.u32 s30, s18;
	v15 =	vld [tilespmem:s3+$0x300];
	[tilespmem:s21+$0x0] =	vst v13  }
0x246: {  	s6 =	sor.u32 s22, s12;
	v8 =	vld [tilespmem:s26+$0x0];
	[tilespmem:s11+$0x0] =	vst v4  }
0x247: {  	v10 =	vld [tilespmem:s6+$0x0];
	v13 =	vadd.f32 v6, v2;
	[smem:$0x7D0] =	sst s0  }
0x248: {  	s18 =	sor.u32 s5, s7;
	v4 =	vadd.f32 v11, v1;
	v6 =	vld [tilespmem:s0+$0x18300]  }
0x249: {  	s19 =	sor.u32 s25, s10;
	s20 =	sor.u32 s5, s8;
	[tilespmem:s18+$0x0] =	vst v13;
	v11 =	vadd.f32 v14, v3;
	v13 =	vld [tilespmem:s0+$0x280]  }
0x24a: {  	s21 =	sor.u32 s25, s12;
	s26 =	sor.u32 s28, s7;
	[tilespmem:s19+$0x0] =	vst v4;
	v14 =	vadd.f32 v15, v0;
	v4 =	vld [tilespmem:s20+$0x0]  }
0x24b: {  	s10 =	sor.u32 s23, s10;
	s6 =	sor.u32 s28, s8;
	[tilespmem:s26+$0x0] =	vst v11;
	v11 =	vld [tilespmem:s21+$0x0]  }
0x24c: {  	s11 =	sadd.s32 $0x16100, s4;
	s0 =	sor.u32 s23, s12;
	s19 =	sadd.s32 $0x15080, s1;
	v8 =	vadd.f32 v8, v9;
	[tilespmem:s10+$0x0] =	vst v14;
	v15 =	vld [tilespmem:s6+$0x0]  }
0x24d: {  	v12 =	vadd.f32 v12, v5;
	s13 =	sor.u32 s29, s19;
	v14 =	vld [tilespmem:s0+$0x0];
	[smem:$0x7CF] =	sst s11  }
0x24e: {  	s18 =	sor.u32 s24, s11;
	s26 =	sadd.s32 $0x4280, s15;
	[tilespmem:s13+$0x0] =	vst v8  }
0x24f: {  	s14 =	sadd.s32 $0x6300, s2;
	v16 =	vadd.f32 v10, v7;
	s20 =	sor.u32 s29, s26;
	[tilespmem:s18+$0x0] =	vst v12  }
0x250: {  	s21 =	sor.u32 s22, s16;
	v8 =	vld [tilespmem:s20+$0x0];
	[smem:$0x7D1] =	sst s14;
	v12 =	vadd.f32 v13, v6  }
0x251: {  	s7 =	sor.u32 s30, s7;
	s8 =	sor.u32 s30, s8;
	s6 =	sor.u32 s24, s14;
	[tilespmem:s21+$0x0] =	vst v16;
	v4 =	vadd.f32 v4, v2  }
0x252: {  	s4 =	smov.u32 s14;
	s10 =	sor.u32 s22, s17;
	s13 =	sor.u32 s5, s19;
	v10 =	vld [tilespmem:s6+$0x0];
	[tilespmem:s7+$0x0] =	vst v12;
	v11 =	vadd.f32 v11, v1  }
0x253: {  	s12 =	sor.u32 s25, s16;
	s16 =	sor.u32 s23, s16;
	s0 =	sor.u32 s28, s19;
	v16 =	vld [tilespmem:s10+$0x0];
	[tilespmem:s13+$0x0] =	vst v4;
	v4 =	vadd.f32 v15, v3  }
0x254: {  	s18 =	sor.u32 s5, s26;
	s14 =	sor.u32 s25, s17;
	s20 =	sor.u32 s23, s17;
	v17 =	vld [tilespmem:s8+$0x0];
	[tilespmem:s12+$0x0] =	vst v11;
	v11 =	vadd.f32 v14, v0  }
0x255: {  	s17 =	simm.s32 $0x400;
	s6 =	sor.u32 s28, s26;
	s21 =	sadd.s32 $0x15100, s1;
	v18 =	vld [tilespmem:s18+$0x0];
	[tilespmem:s0+$0x0] =	vst v4  }
0x256: {  	s7 =	simm.s32 $0x80;
	s13 =	sadd.s32 $0x6280, s15;
	v12 =	vld [tilespmem:s14+$0x0];
	v4 =	vadd.f32 v8, v9;
	[tilespmem:s16+$0x0] =	vst v11;
	s16 =	simm.s32 $0x80  }
0x257: {  	s2 =	sand.u32 $0x40, s7;
	s12 =	sor.u32 s29, s21;
	v19 =	vld [tilespmem:s6+$0x0];
	[dreg:$0x10] =	wrdreg s16  }
0x258: {  	s10 =	sand.u32 $0xFFFFFC00, s17;
	s18 =	sor.u32 s29, s13;
	s7 =	sor.u32 $0x30, s2;
	v13 =	vld [tilespmem:s20+$0x0];
	[tilespmem:s12+$0x0] =	vst v4  }
0x259: {  	s12 =	sor.u32 s7, s10;
	v4 =	vld [tilespmem:s18+$0x0]  }
0x25a: {  	v8 =	vadd.f32 v16, v7;
	v16 =	vld [tilespmem:s12+$0x18280]  }
0x25b: {  	s3 =	sor.u32 $0x10, s2;
	s16 =	sor.u32 s2, s10;
	v14 =	vld [tilespmem:s12+$0x200]  }
0x25c: {  	s0 =	sor.u32 s22, s4;
	s4 =	sor.u32 s3, s10;
	v20 =	vld [tilespmem:s16+$0x200]  }
0x25d: {  	s14 =	smov.u32 s1;
	s20 =	sor.u32 s22, s11;
	v15 =	vld [tilespmem:s4+$0x18280]  }
0x25e: {  	s1 =	simm.s32 $0x200;
	[tilespmem:s20+$0x0] =	vst v8;
	v8 =	vld [tilespmem:s16+$0x18280];
	s20 =	sadd.s32 $0x15180, s14;
	v4 =	vadd.f32 v4, v9  }
0x25f: {  	s8 =	sand.u32 $0x3FFFFE00, s1;
	v11 =	vld [tilespmem:s0+$0x0];
	s6 =	sor.u32 s29, s20  }
0x260: {  	s1 =	sadd.s32 $0x2200, s10;
	s31 =	sadd.s32 $0x14000, s8;
	s18 =	sadd.s32 $0x18000, s15;
	v14 =	vadd.f32 v14, v16;
	[tilespmem:s6+$0x0] =	vst v4;
	v4 =	vld [tilespmem:s4+$0x200]  }
0x261: {  	s11 =	sor.u32 s29, s18;
	s0 =	sor.u32 s7, s31;
	v21 =	vld [tilespmem:s9+$0x300];
	s9 =	sor.u32 $0x20, s2  }
0x262: {  	[tilespmem:s0+$0x0] =	vst v14;
	s6 =	sor.u32 s7, s1;
	v9 =	vld [tilespmem:s11+$0x380];
	s0 =	sor.u32 s9, s10  }
0x263: {  	v20 =	vadd.f32 v20, v8;
	v22 =	vld [tilespmem:s6+$0x0];
	[dreg:$0x14] =	wrdreg s0  }
0x264: {  	v17 =	vadd.f32 v17, v6;
	s11 =	sor.u32 s2, s31;
	v14 =	vld [tilespmem:s0+$0x18280]  }
0x265: {  	s6 =	sor.u32 s30, s19;
	[tilespmem:s11+$0x0] =	vst v20;
	v49 =	vld [tilespmem:s0+$0x200];
	s11 =	sor.u32 s2, s1;
	v4 =	vadd.f32 v4, v15  }
0x266: {  	s26 =	sor.u32 s30, s26;
	v18 =	vadd.f32 v18, v2;
	[tilespmem:s6+$0x0] =	vst v17;
	s0 =	sor.u32 s3, s31;
	v17 =	vld [tilespmem:s11+$0x0]  }
0x267: {  	s19 =	sadd.s32 $0x16000, s14;
	s6 =	sor.u32 s5, s21;
	s11 =	sor.u32 s3, s1;
	v21 =	vadd.f32 v21, v9;
	[tilespmem:s0+$0x0] =	vst v4;
	v4 =	vld [tilespmem:s26+$0x0]  }
0x268: {  	s17 =	sadd.s32 $0x2300, s15;
	v19 =	vadd.f32 v19, v3;
	[tilespmem:s6+$0x0] =	vst v18;
	s0 =	sor.u32 s5, s13;
	v50 =	vld [tilespmem:s11+$0x0];
	s11 =	sor.u32 s29, s19  }
0x269: {  	v22 =	vadd.f32 v22, v16;
	s26 =	sadd.s32 $0x14080, s8;
	v51 =	vld [tilespmem:s0+$0x0];
	s0 =	sor.u32 s28, s21;
	[tilespmem:s11+$0x0] =	vst v21;
	s11 =	sor.u32 s29, s17  }
0x26a: {  	s6 =	sadd.s32 $0x4200, s10;
	[tilespmem:s0+$0x0] =	vst v19;
	v20 =	vadd.f32 v49, v14;
	v52 =	vld [tilespmem:s11+$0x0];
	s11 =	sor.u32 s7, s26  }
0x26b: {  	v17 =	vadd.f32 v17, v8;
	[tilespmem:s11+$0x0] =	vst v22;
	s11 =	sor.u32 s9, s31;
	s31 =	smov.u32 s4;
	s4 =	sor.u32 s7, s6  }
0x26c: {  	[tilespmem:s11+$0x0] =	vst v20;
	v54 =	vld [tilespmem:s4+$0x0];
	s4 =	sor.u32 s9, s1;
	v4 =	vadd.f32 v4, v6;
	s11 =	sor.u32 s2, s26  }
0x26d: {  	s0 =	sor.u32 s28, s13;
	[tilespmem:s11+$0x0] =	vst v17;
	v17 =	vld [tilespmem:s4+$0x0];
	s4 =	sor.u32 s30, s21;
	v18 =	vadd.f32 v50, v15  }
0x26e: {  	v53 =	vld [tilespmem:s0+$0x0];
	s11 =	sor.u32 s2, s6;
	[tilespmem:s4+$0x0] =	vst v4;
	s4 =	sor.u32 s3, s26  }
0x26f: {  	s21 =	sor.u32 s30, s13;
	v2 =	vadd.f32 v51, v2;
	s13 =	sor.u32 s3, s6;
	v4 =	vld [tilespmem:s11+$0x0];
	[tilespmem:s4+$0x0] =	vst v18  }
0x270: {  	s11 =	sor.u32 s5, s20;
	v55 =	vld [tilespmem:s21+$0x0];
	v19 =	vadd.f32 v52, v9;
	s21 =	sadd.s32 $0x16080, s14;
	[smem:$0x7D2] =	sst s14  }
0x271: {  	s1 =	sor.u32 s5, s18;
	s4 =	sor.u32 s29, s21;
	v56 =	vld [tilespmem:s13+$0x0];
	[tilespmem:s11+$0x0] =	vst v2;
	s13 =	sadd.s32 $0x4300, s15  }
0x272: {  	s0 =	sadd.s32 $0x14100, s8;
	[tilespmem:s4+$0x0] =	vst v19;
	v57 =	vadd.f32 v54, v16;
	v2 =	vld [tilespmem:s1+$0x380];
	s11 =	sor.u32 s29, s13  }
0x273: {  	s4 =	sor.u32 s7, s0;
	v17 =	vadd.f32 v17, v14;
	s1 =	sadd.s32 $0x6200, s10;
	v58 =	vld [tilespmem:s11+$0x0]  }
0x274: {  	s26 =	sor.u32 s9, s26;
	[tilespmem:s4+$0x0] =	vst v57;
	v4 =	vadd.f32 v4, v8;
	s4 =	sor.u32 s7, s1  }
0x275: {  	s6 =	sor.u32 s9, s6;
	v3 =	vadd.f32 v53, v3;
	s11 =	sld [smem:$0x7CC];
	[tilespmem:s26+$0x0] =	vst v17;
	v17 =	vld [tilespmem:s4+$0x0];
	s4 =	sor.u32 s2, s0  }
0x276: {  	s26 =	sor.u32 s28, s20;
	[tilespmem:s4+$0x0] =	vst v4;
	v60 =	vld [tilespmem:s6+$0x0];
	s4 =	sor.u32 s2, s1;
	v4 =	vadd.f32 v56, v15  }
0x277: {  	[tilespmem:s26+$0x0] =	vst v3;
	s26 =	sor.u32 s28, s18;
	v61 =	vld [tilespmem:s4+$0x0];
	s4 =	sor.u32 s3, s0  }
0x278: {  	[tilespmem:s4+$0x0] =	vst v4;
	v4 =	vld [tilespmem:s26+$0x380];
	v3 =	vadd.f32 v58, v9;
	s26 =	sadd.s32 $0x16100, s14  }
0x279: {  	s14 =	sor.u32 s29, s26  }
0x27a: {  	v59 =	vld [tilespmem:s11+$0x300];
	s11 =	sor.u32 s3, s1;
	[tilespmem:s14+$0x0] =	vst v3  }
0x27b: {  	v6 =	vadd.f32 v55, v6;
	v62 =	vld [tilespmem:s11+$0x0];
	s11 =	sadd.s32 $0x6300, s15;
	s15 =	sld [smem:$0x7CD]  }
0x27c: {  	s4 =	sor.u32 s30, s20  }
0x27d: {  	[tilespmem:s4+$0x0] =	vst v6;
	v6 =	vadd.f32 v60, v14  }
0x27e: {  	s0 =	sor.u32 s9, s0;
	v3 =	vadd.f32 v17, v16;
	s14 =	sor.u32 s29, s11;
	v63 =	vld [tilespmem:s15+$0x300];
	s15 =	sadd.s32 $0x14180, s8  }
0x27f: {  	v16 =	vld [tilespmem:s14+$0x0];
	[tilespmem:s0+$0x0] =	vst v6;
	s14 =	sor.u32 s7, s15  }
0x280: {  	[tilespmem:s14+$0x0] =	vst v3  }
0x281: {  	s4 =	sor.u32 s30, s18;
	s0 =	sld [smem:$0x7CE]  }
0x282: {  	v17 =	vadd.f32 v61, v8;
	v3 =	vld [tilespmem:s4+$0x380]  }
0x283: {  	v6 =	vadd.f32 v62, v15;
	s4 =	sor.u32 s2, s15;
	v8 =	vld [tilespmem:s12+$0x18300];
	[dreg:$0x11] =	wrdreg s12  }
0x284: {  	v5 =	vadd.f32 v10, v5;
	s14 =	sor.u32 s3, s15;
	[tilespmem:s4+$0x0] =	vst v17;
	s6 =	sadd.s32 $0x16180, s0  }
0x285: {  	v10 =	vld [tilespmem:s12+$0x280];
	[tilespmem:s14+$0x0] =	vst v6;
	s12 =	sor.u32 s24, s6  }
0x286: {  	[tilespmem:s12+$0x0] =	vst v5  }
0x287: {  	s20 =	sor.u32 s9, s1;
	s1 =	sld [smem:$0x7CF];
	_ =	sdelay $0x1  }
0x288: {  	v12 =	vadd.f32 v12, v1;
	v17 =	vld [tilespmem:s20+$0x0]  }
0x289: {  	v13 =	vadd.f32 v13, v0;
	v5 =	vld [tilespmem:s16+$0x18300];
	[dreg:$0xe] =	wrdreg s16;
	s18 =	sor.u32 s25, s1  }
0x28a: {  	s20 =	sor.u32 s23, s1;
	[tilespmem:s18+$0x0] =	vst v12;
	v12 =	vadd.f32 v59, v2  }
0x28b: {  	s24 =	sor.u32 s5, s19;
	v10 =	vadd.f32 v10, v8;
	s1 =	sadd.s32 $0x15000, s8;
	[tilespmem:s20+$0x0] =	vst v13  }
0x28c: {  	s12 =	sor.u32 s7, s1;
	[tilespmem:s24+$0x0] =	vst v12  }
0x28d: {  	v15 =	vld [tilespmem:s16+$0x280];
	s0 =	sld [smem:$0x7D0];
	[tilespmem:s12+$0x0] =	vst v10  }
0x28e: {  	v6 =	vld [tilespmem:s31+$0x18300];
	s16 =	sld [smem:$0x7D1]  }
0x28f: {  	v14 =	vadd.f32 v17, v14;
	v13 =	vld [tilespmem:s31+$0x280]  }
0x290: {  	s15 =	sor.u32 s9, s15;
	s4 =	sor.u32 s5, s17;
	v12 =	vld [tilespmem:s0+$0x300];
	s0 =	sadd.s32 $0x2280, s10  }
0x291: {  	v10 =	vld [tilespmem:s4+$0x0];
	[tilespmem:s15+$0x0] =	vst v14;
	s20 =	sor.u32 s7, s0;
	s4 =	sor.u32 s23, s16  }
0x292: {  	v7 =	vadd.f32 v11, v7;
	s14 =	sor.u32 s25, s6;
	v11 =	vld [tilespmem:s20+$0x0];
	[dreg:$0x16] =	wrdreg s4  }
0x293: {  	s24 =	sor.u32 s22, s6;
	[dreg:$0x17] =	wrdreg s14  }
0x294: {  	[tilespmem:s24+$0x0] =	vst v7  }
0x295: {  	s22 =	smov.u32 s2;
	s2 =	sor.u32 s28, s17;
	v14 =	vadd.f32 v15, v5;
	s15 =	rddreg [dreg:$0x14]  }
0x296: {  	s12 =	sor.u32 s28, s21;
	v15 =	vadd.f32 v63, v4;
	s18 =	sor.u32 s25, s16;
	s24 =	sor.u32 s22, s1;
	v7 =	vld [tilespmem:s15+$0x18300]  }
0x297: {  	v13 =	vadd.f32 v13, v6;
	s25 =	sor.u32 s30, s19;
	s20 =	sor.u32 s28, s19;
	s19 =	sor.u32 s22, s0;
	[tilespmem:s24+$0x0] =	vst v14;
	v14 =	vld [tilespmem:s15+$0x280]  }
0x298: {  	s16 =	sor.u32 s23, s6;
	s4 =	sor.u32 s30, s17;
	[tilespmem:s20+$0x0] =	vst v15;
	s20 =	sor.u32 s3, s1;
	v15 =	vld [tilespmem:s19+$0x0];
	v12 =	vadd.f32 v12, v3  }
0x299: {  	s14 =	sor.u32 s5, s21;
	s17 =	sor.u32 s30, s21;
	s21 =	sadd.s32 $0x4280, s10;
	[tilespmem:s20+$0x0] =	vst v13  }
0x29a: {  	s23 =	smov.u32 s10;
	v10 =	vadd.f32 v10, v2;
	s10 =	sor.u32 s7, s21;
	s24 =	sor.u32 s3, s0;
	v13 =	vld [tilespmem:s2+$0x0];
	[tilespmem:s25+$0x0] =	vst v12  }
0x29b: {  	s1 =	sor.u32 s9, s1;
	s19 =	sadd.s32 $0x15080, s8;
	v11 =	vadd.f32 v11, v8;
	s25 =	sld [smem:$0x7D2]  }
0x29c: {  	s0 =	sor.u32 s9, s0;
	s2 =	sor.u32 s5, s13;
	v17 =	vld [tilespmem:s24+$0x0];
	s24 =	sor.u32 s7, s19;
	[tilespmem:s14+$0x0] =	vst v10;
	v12 =	vadd.f32 v14, v7  }
0x29d: {  	s20 =	sor.u32 s28, s13;
	s15 =	sor.u32 s22, s19;
	v10 =	vld [tilespmem:s4+$0x0];
	s14 =	sor.u32 s30, s13;
	[tilespmem:s24+$0x0] =	vst v11;
	v14 =	vadd.f32 v15, v5  }
0x29e: {  	v9 =	vadd.f32 v16, v9;
	s4 =	smov.u32 s9;
	s9 =	sor.u32 s28, s11;
	v11 =	vld [tilespmem:s2+$0x0];
	s6 =	sadd.s32 $0x16180, s25;
	[tilespmem:s1+$0x0] =	vst v12  }
0x29f: {  	s24 =	sor.u32 s5, s26;
	v16 =	vld [tilespmem:s10+$0x0];
	s10 =	sor.u32 s30, s26;
	v13 =	vadd.f32 v13, v4;
	s2 =	sor.u32 s29, s6;
	[tilespmem:s15+$0x0] =	vst v14  }
0x2a0: {  	s25 =	smov.u32 s7;
	s7 =	sor.u32 s28, s26;
	s26 =	sor.u32 s3, s19;
	[tilespmem:s2+$0x0] =	vst v9;
	v9 =	vld [tilespmem:s18+$0x0]  }
0x2a1: {  	v15 =	vadd.f32 v17, v6;
	[tilespmem:s12+$0x0] =	vst v13;
	s12 =	sor.u32 s28, s6;
	s28 =	sor.u32 s30, s6;
	v14 =	vld [tilespmem:s0+$0x0];
	s18 =	sor.u32 s22, s21  }
0x2a2: {  	s29 =	sor.u32 s5, s11;
	s5 =	sor.u32 s5, s6;
	v17 =	vadd.f32 v10, v3;
	v12 =	vld [tilespmem:s18+$0x0];
	[dreg:$0x1e] =	wrdreg s28  }
0x2a3: {  	s1 =	sadd.s32 $0x15100, s8;
	s18 =	sor.u32 s30, s11;
	s30 =	sor.u32 s3, s21;
	[tilespmem:s26+$0x0] =	vst v15;
	v10 =	vld [tilespmem:s20+$0x0]  }
0x2a4: {  	s0 =	smov.u32 s3;
	v11 =	vadd.f32 v11, v2;
	[tilespmem:s17+$0x0] =	vst v17;
	s17 =	sor.u32 s4, s19;
	s19 =	sor.u32 s4, s21;
	v15 =	vadd.f32 v16, v8;
	v13 =	vld [tilespmem:s30+$0x0]  }
.LBB2_9:
0x2a5: {  	[smem:$0x7BE] =	sst s31  }
0x2a6: {  	[smem:$0x7C6] =	sst s9  }
0x2a7: {  	s3 =	rddreg [dreg:$0x10]  }
0x2a8: {  	s13 =	sadd.s32 $0x6280, s23;
	s6 =	sor.u32 s25, s1;
	s9 =	smov.u32 s25  }
0x2a9: {  	s2 =	rddreg [dreg:$0x17];
	s20 =	sor.u32 s22, s1;
	s3 =	sadd.s32 $0x40, s3;
	[tilespmem:s24+$0x0] =	vst v11  }
0x2aa: {  	[tilespmem:s6+$0x0] =	vst v15;
	s15 =	sor.u32 s9, s13;
	s24 =	sor.u32 s0, s1;
	s6 =	sor.u32 s4, s1  }
0x2ab: {  	v11 =	vld [tilespmem:s14+$0x0];
	s14 =	smov.u32 s18;
	s25 =	sand.u32 $0x40, s3;
	s11 =	sshll.u32 s3, $0x3  }
0x2ac: {  	s18 =	smov.u32 s12;
	v9 =	vadd.f32 v9, v1;
	v16 =	vld [tilespmem:s15+$0x0];
	s31 =	sand.u32 $0xFFFFFC00, s11;
	s26 =	sor.u32 $0x30, s25  }
0x2ad: {  	v1 =	vmov v4;
	s15 =	smov.u32 s23;
	[dreg:$0x17] =	wrdreg s18;
	v4 =	vadd.f32 v14, v7;
	v14 =	vld [tilespmem:s29+$0x0];
	s23 =	sor.u32 s26, s31  }
0x2ae: {  	v15 =	vadd.f32 v12, v5;
	s1 =	sadd.s32 $0x15180, s8;
	p1 =	slt.u32 s3, $0x3C0;
	[dreg:$0x10] =	wrdreg s3;
	[tilespmem:s2+$0x0] =	vst v9;
	v12 =	vld [tilespmem:s23+$0x18280]  }
0x2af: {  	s18 =	sor.u32 s22, s1;
	s28 =	sor.u32 $0x10, s25;
	v13 =	vadd.f32 v13, v6;
	v17 =	vld [tilespmem:s23+$0x200];
	[tilespmem:s17+$0x0] =	vst v4;
	s17 =	rddreg [dreg:$0x16]  }
0x2b0: {  	s30 =	sor.u32 $0x20, s25;
	s11 =	sor.u32 s25, s31;
	s21 =	sor.u32 s28, s31;
	[tilespmem:s20+$0x0] =	vst v15;
	v4 =	vadd.f32 v10, v1;
	v9 =	vld [tilespmem:s17+$0x0]  }
0x2b1: {  	s2 =	sor.u32 s22, s13;
	s20 =	sor.u32 s0, s13;
	s29 =	sadd.s32 $0x18000, s15;
	v10 =	vld [tilespmem:s11+$0x18280];
	[tilespmem:s24+$0x0] =	vst v13;
	v8 =	vadd.f32 v16, v8  }
0x2b2: {  	[smem:$0x7BD] =	sst s11;
	v15 =	vadd.f32 v11, v3;
	s24 =	sshll.u32 s3, $0x2;
	s3 =	sor.u32 s9, s1;
	[tilespmem:s7+$0x0] =	vst v4;
	v2 =	vadd.f32 v14, v2;
	v14 =	vld [tilespmem:s11+$0x200]  }
0x2b3: {  	[smem:$0x7C1] =	sst s21;
	s12 =	sand.u32 $0x3FFFFE00, s24;
	s7 =	sor.u32 s9, s29;
	v11 =	vld [tilespmem:s21+$0x18280];
	[tilespmem:s3+$0x0] =	vst v8  }
0x2b4: {  	s13 =	sor.u32 s4, s13;
	[dreg:$0x16] =	wrdreg s14;
	[tilespmem:s10+$0x0] =	vst v15;
	s11 =	sadd.s32 $0x14000, s12;
	v8 =	vadd.f32 v17, v12;
	v13 =	vld [tilespmem:s7+$0x380]  }
0x2b5: {  	s10 =	sor.u32 s26, s11;
	[tilespmem:s5+$0x0] =	vst v2;
	s5 =	sadd.s32 $0x2200, s31;
	v4 =	vadd.f32 v9, v0;
	v0 =	vmov v3;
	v3 =	vld [tilespmem:s21+$0x200];
	s21 =	rddreg [dreg:$0x11]  }
0x2b6: {  	s14 =	sor.u32 s0, s1;
	s3 =	smov.u32 s4;
	s24 =	sor.u32 s26, s5;
	v2 =	vld [tilespmem:s21+$0x300];
	[tilespmem:s10+$0x0] =	vst v8  }
0x2b7: {  	s17 =	sor.u32 s30, s31;
	s1 =	sor.u32 s3, s1;
	s4 =	sor.u32 s25, s11;
	[tilespmem:s16+$0x0] =	vst v4;
	v4 =	vadd.f32 v14, v10;
	v8 =	vld [tilespmem:s24+$0x0]  }
0x2b8: {  	s7 =	smov.u32 s8;
	[smem:$0x7BC] =	sst s1;
	s1 =	sor.u32 s30, s11;
	v9 =	vld [tilespmem:s17+$0x18280]  }
0x2b9: {  	s8 =	sor.u32 s28, s5;
	s21 =	sor.u32 s28, s11;
	s10 =	sor.u32 s25, s5;
	[tilespmem:s4+$0x0] =	vst v4;
	v4 =	vld [tilespmem:s17+$0x200]  }
0x2ba: {  	s16 =	sor.u32 s30, s5;
	s5 =	sor.u32 s3, s29;
	v3 =	vadd.f32 v3, v11;
	v14 =	vld [tilespmem:s10+$0x0];
	s10 =	rddreg [dreg:$0x1e]  }
0x2bb: {  	[smem:$0x7C0] =	sst s5;
	s5 =	smov.u32 s23;
	s23 =	smov.u32 s10  }
0x2bc: {  	s11 =	sor.u32 s0, s29;
	s10 =	sadd.s32 $0x16000, s7;
	v2 =	vadd.f32 v2, v13;
	[smem:$0x7C7] =	sst s23;
	[tilespmem:s21+$0x0] =	vst v3;
	v3 =	vld [tilespmem:s19+$0x0]  }
0x2bd: {  	s23 =	sor.u32 s22, s10;
	s4 =	sor.u32 s9, s10;
	v15 =	vld [tilespmem:s8+$0x0];
	s8 =	sadd.s32 $0x2300, s15  }
0x2be: {  	v16 =	vld [tilespmem:s2+$0x0];
	v8 =	vadd.f32 v8, v12;
	[smem:$0x7BF] =	sst s23;
	s23 =	sadd.s32 $0x14080, s12;
	[tilespmem:s4+$0x0] =	vst v2;
	s21 =	sor.u32 s9, s8  }
0x2bf: {  	s24 =	sor.u32 s22, s29;
	s29 =	sadd.s32 $0x4200, s31;
	v2 =	vadd.f32 v4, v9;
	s2 =	sor.u32 s26, s23;
	v4 =	vld [tilespmem:s21+$0x0]  }
0x2c0: {  	s19 =	sor.u32 s0, s10;
	s4 =	smov.u32 s0;
	s0 =	sor.u32 s26, s29;
	v14 =	vadd.f32 v14, v10;
	[tilespmem:s2+$0x0] =	vst v8;
	v8 =	vld [tilespmem:s20+$0x0]  }
0x2c1: {  	s10 =	sor.u32 s3, s10;
	[smem:$0x7C2] =	sst s19;
	s19 =	sor.u32 s25, s23;
	[tilespmem:s1+$0x0] =	vst v2;
	v2 =	vld [tilespmem:s0+$0x0];
	v3 =	vadd.f32 v3, v7  }
0x2c2: {  	[smem:$0x7C4] =	sst s10;
	s20 =	sor.u32 s25, s29;
	[tilespmem:s19+$0x0] =	vst v14;
	v14 =	vadd.f32 v15, v11;
	v15 =	vld [tilespmem:s16+$0x0]  }
0x2c3: {  	s10 =	sadd.s32 $0x16080, s7;
	s21 =	sor.u32 s28, s23;
	v5 =	vadd.f32 v16, v5;
	s19 =	sor.u32 s4, s8;
	v17 =	vld [tilespmem:s20+$0x0];
	[tilespmem:s6+$0x0] =	vst v3  }
0x2c4: {  	s2 =	sor.u32 s28, s29;
	[smem:$0x7C3] =	sst s19;
	s19 =	sor.u32 s3, s8;
	[tilespmem:s21+$0x0] =	vst v14;
	v3 =	vld [tilespmem:s13+$0x0];
	v4 =	vadd.f32 v4, v13  }
0x2c5: {  	s23 =	sor.u32 s30, s23;
	[tilespmem:s18+$0x0] =	vst v5;
	s20 =	sor.u32 s9, s10;
	[smem:$0x7C5] =	sst s19;
	v5 =	vadd.f32 v8, v6;
	v14 =	vld [tilespmem:s2+$0x0]  }
0x2c6: {  	s21 =	sadd.s32 $0x14100, s12;
	s2 =	sadd.s32 $0x4300, s15;
	v6 =	vadd.f32 v2, v12;
	v2 =	vld [tilespmem:s24+$0x380];
	s24 =	sor.u32 s4, s10;
	[tilespmem:s20+$0x0] =	vst v4  }
0x2c7: {  	s19 =	sor.u32 s26, s21;
	[smem:$0x7C8] =	sst s24;
	s0 =	sor.u32 s9, s2;
	[tilespmem:s14+$0x0] =	vst v5;
	v4 =	vadd.f32 v15, v9  }
0x2c8: {  	s1 =	sor.u32 s30, s29;
	s20 =	sadd.s32 $0x6200, s31;
	s14 =	rddreg [dreg:$0xe];
	v5 =	vld [tilespmem:s0+$0x0];
	v8 =	vadd.f32 v17, v10;
	[tilespmem:s19+$0x0] =	vst v6  }
0x2c9: {  	s18 =	sor.u32 s25, s21;
	s6 =	sor.u32 s26, s20;
	v6 =	vld [tilespmem:s14+$0x300];
	s14 =	sld [smem:$0x7BC];
	[tilespmem:s23+$0x0] =	vst v4  }
0x2ca: {  	s24 =	sor.u32 s28, s21;
	s0 =	sor.u32 s30, s21;
	v15 =	vld [tilespmem:s6+$0x0];
	v3 =	vadd.f32 v3, v7;
	[tilespmem:s18+$0x0] =	vst v8;
	s18 =	sld [smem:$0x7BD]  }
0x2cb: {  	s19 =	sor.u32 s25, s20;
	s6 =	sor.u32 s22, s2;
	s23 =	sor.u32 s4, s2;
	v4 =	vadd.f32 v14, v11;
	v7 =	vld [tilespmem:s1+$0x0]  }
0x2cc: {  	v8 =	vld [tilespmem:s19+$0x0];
	[tilespmem:s14+$0x0] =	vst v3;
	s14 =	sor.u32 s3, s2;
	s2 =	sadd.s32 $0x6300, s15;
	s15 =	sld [smem:$0x7BE]  }
0x2cd: {  	s1 =	sadd.s32 $0x16100, s7;
	s19 =	smov.u32 s18;
	[tilespmem:s24+$0x0] =	vst v4;
	v3 =	vadd.f32 v5, v13;
	s18 =	sld [smem:$0x7BF]  }
0x2ce: {  	s21 =	sor.u32 s28, s20;
	[smem:$0x7C9] =	sst s23;
	s23 =	sor.u32 s9, s1;
	v6 =	vadd.f32 v6, v2;
	v4 =	vld [tilespmem:s11+$0x380]  }
0x2cf: {  	s16 =	sor.u32 s22, s8;
	s8 =	sor.u32 s22, s10;
	v5 =	vld [tilespmem:s21+$0x0];
	s11 =	sadd.s32 $0x14180, s12;
	v12 =	vadd.f32 v15, v12;
	[tilespmem:s23+$0x0] =	vst v3  }
0x2d0: {  	s13 =	sor.u32 s3, s10;
	s10 =	sor.u32 s9, s2;
	v14 =	vld [tilespmem:s15+$0x300];
	s29 =	sor.u32 s26, s11;
	[tilespmem:s18+$0x0] =	vst v6  }
0x2d1: {  	[dreg:$0x11] =	wrdreg s5;
	v6 =	vld [tilespmem:s10+$0x0];
	v10 =	vadd.f32 v8, v10;
	[tilespmem:s29+$0x0] =	vst v12  }
0x2d2: {  	s21 =	sor.u32 s25, s11;
	s18 =	sld [smem:$0x7C0];
	v8 =	vld [tilespmem:s5+$0x18300]  }
0x2d3: {  	[tilespmem:s21+$0x0] =	vst v10;
	v10 =	vld [tilespmem:s5+$0x280];
	s5 =	sld [smem:$0x7C1]  }
0x2d4: {  	s24 =	sor.u32 s22, s1;
	v7 =	vadd.f32 v7, v9  }
0x2d5: {  	s15 =	smov.u32 s31;
	s29 =	sor.u32 s22, s2;
	s21 =	sadd.s32 $0x16180, s7  }
0x2d6: {  	v3 =	vld [tilespmem:s18+$0x380];
	[tilespmem:s0+$0x0] =	vst v7;
	v7 =	vadd.f32 v5, v11;
	s31 =	smov.u32 s5;
	s5 =	sor.u32 s22, s21;
	s22 =	sld [smem:$0x7C2]  }
0x2d7: {  	[smem:$0x7CA] =	sst s13;
	s20 =	sor.u32 s30, s20;
	s23 =	sor.u32 s28, s11;
	v5 =	vld [tilespmem:s19+$0x18300];
	v12 =	vadd.f32 v14, v4  }
0x2d8: {  	s13 =	sor.u32 s4, s1;
	[dreg:$0xe] =	wrdreg s19;
	s10 =	sor.u32 s30, s11;
	v11 =	vld [tilespmem:s20+$0x0];
	[tilespmem:s23+$0x0] =	vst v7  }
0x2d9: {  	s11 =	sor.u32 s3, s1;
	s1 =	sor.u32 s4, s2;
	s7 =	smov.u32 s12;
	v7 =	vadd.f32 v6, v13;
	v13 =	vld [tilespmem:s19+$0x280];
	[tilespmem:s22+$0x0] =	vst v12  }
0x2da: {  	s18 =	sor.u32 s3, s2;
	s12 =	sor.u32 s4, s21;
	s0 =	sor.u32 s3, s21;
	v6 =	vld [tilespmem:s31+$0x18300]  }
0x2db: {  	s3 =	smov.u32 s28;
	s28 =	sadd.s32 $0x15000, s7;
	s23 =	sor.u32 s9, s21;
	v12 =	vld [tilespmem:s31+$0x280]  }
0x2dc: {  	s21 =	rddreg [dreg:$0x14];
	[tilespmem:s23+$0x0] =	vst v7;
	v7 =	vadd.f32 v10, v8;
	s22 =	smov.u32 s25;
	s25 =	smov.u32 s26  }
0x2dd: {  	s4 =	smov.u32 s30;
	s19 =	sadd.s32 $0x2280, s15;
	v10 =	vld [tilespmem:s21+$0x300];
	v9 =	vadd.f32 v11, v9;
	s30 =	sor.u32 s25, s28  }
0x2de: {  	s23 =	sor.u32 s25, s19;
	v11 =	vld [tilespmem:s16+$0x0];
	[tilespmem:s30+$0x0] =	vst v7  }
0x2df: {  	v13 =	vadd.f32 v13, v5;
	[tilespmem:s10+$0x0] =	vst v9;
	v9 =	vld [tilespmem:s23+$0x0]  }
0x2e0: {  	s2 =	sor.u32 s22, s28;
	s16 =	sld [smem:$0x7C3];
	s30 =	smov.u32 s17;
	v7 =	vld [tilespmem:s17+$0x18300];
	v12 =	vadd.f32 v12, v6  }
0x2e1: {  	s20 =	sld [smem:$0x7C4];
	s21 =	sor.u32 s3, s28;
	s26 =	sor.u32 s22, s19;
	[tilespmem:s2+$0x0] =	vst v13;
	v13 =	vld [tilespmem:s30+$0x280]  }
0x2e2: {  	v10 =	vadd.f32 v10, v3;
	v14 =	vld [tilespmem:s26+$0x0];
	[tilespmem:s21+$0x0] =	vst v12  }
0x2e3: {  	s9 =	sor.u32 s4, s28;
	s28 =	sor.u32 s3, s19;
	s26 =	sld [smem:$0x7C5];
	v11 =	vadd.f32 v11, v2;
	v12 =	vld [tilespmem:s16+$0x0]  }
0x2e4: {  	s17 =	sadd.s32 $0x15080, s7;
	[tilespmem:s20+$0x0] =	vst v10;
	v9 =	vadd.f32 v9, v8;
	v15 =	vld [tilespmem:s28+$0x0]  }
0x2e5: {  	[dreg:$0x1e] =	wrdreg s0;
	s21 =	sor.u32 s25, s17;
	[tilespmem:s8+$0x0] =	vst v11  }
0x2e6: {  	s10 =	sor.u32 s4, s19;
	s19 =	sadd.s32 $0x4280, s15;
	v10 =	vld [tilespmem:s26+$0x0];
	v11 =	vadd.f32 v13, v7;
	[tilespmem:s21+$0x0] =	vst v9;
	s21 =	sld [smem:$0x7C6]  }
0x2e7: {  	s26 =	sld [smem:$0x7C8];
	s28 =	sor.u32 s25, s19;
	v13 =	vld [tilespmem:s6+$0x0];
	v14 =	vadd.f32 v14, v5  }
0x2e8: {  	s0 =	smov.u32 s3;
	[dreg:$0x14] =	wrdreg s30;
	s16 =	sor.u32 s22, s17;
	v16 =	vld [tilespmem:s28+$0x0];
	[tilespmem:s9+$0x0] =	vst v11;
	v11 =	vadd.f32 v12, v4  }
.Ltmp3:
0x2e9: {  	s30 =	sor.u32 s22, s19;
	s28 =	sld [smem:$0x7C9];
	[tilespmem:s16+$0x0] =	vst v14;
	v9 =	vld [tilespmem:s21+$0x0];
	v15 =	vadd.f32 v15, v6;
	(pc) =	sbr.rel @p1 .LBB2_9-.Ltmp3, $4  }
0x2ea: {  	s23 =	smov.u32 s15;
	s8 =	sor.u32 s3, s17;
	v12 =	vld [tilespmem:s30+$0x0];
	s30 =	sld [smem:$0x7CA];
	[tilespmem:s26+$0x0] =	vst v11  }
0x2eb: {  	s15 =	sor.u32 s3, s19;
	s17 =	sor.u32 s4, s17;
	s19 =	sor.u32 s4, s19;
	v14 =	vld [tilespmem:s10+$0x0];
	v17 =	vadd.f32 v10, v3;
	[tilespmem:s8+$0x0] =	vst v15  }
0x2ec: {  	s9 =	smov.u32 s1;
	s16 =	sld [smem:$0x7C7];
	s8 =	smov.u32 s7;
	v10 =	vld [tilespmem:s28+$0x0]  }
0x2ed: {  	s10 =	smov.u32 s11;
	v11 =	vadd.f32 v13, v2;
	s7 =	smov.u32 s13;
	v15 =	vadd.f32 v16, v8;
	[tilespmem:s30+$0x0] =	vst v17;
	s1 =	sadd.s32 $0x15100, s8;
	v13 =	vld [tilespmem:s15+$0x0]  }
0x2ee: {  	_ =	sdelay $0x1  }
0x2ef: {  	v14 =	vadd.f32 v14, v7;
	_ =	sdelay $0x1  }
0x2f0: {  	[tilespmem:s17+$0x0] =	vst v14  }
0x2f1: {  	s6 =	sadd.s32 $0x6280, s23;
	s2 =	sor.u32 s25, s1;
	v12 =	vadd.f32 v12, v5;
	v14 =	vld [tilespmem:s19+$0x0]  }
0x2f2: {  	s20 =	sor.u32 s22, s1;
	[tilespmem:s2+$0x0] =	vst v15;
	s19 =	sor.u32 s25, s6  }
0x2f3: {  	s21 =	sor.u32 s22, s6;
	[tilespmem:s20+$0x0] =	vst v12;
	v13 =	vadd.f32 v13, v6;
	v15 =	vld [tilespmem:s19+$0x0]  }
0x2f4: {  	s26 =	sor.u32 s0, s1;
	v12 =	vld [tilespmem:s21+$0x0]  }
0x2f5: {  	s30 =	sor.u32 s0, s6;
	[tilespmem:s26+$0x0] =	vst v13  }
0x2f6: {  	v13 =	vadd.f32 v14, v7;
	v14 =	vld [tilespmem:s30+$0x0]  }
0x2f7: {  	s3 =	smov.u32 s0;
	s0 =	sor.u32 s4, s1  }
0x2f8: {  	s2 =	sadd.s32 $0x15180, s8;
	s6 =	sor.u32 s4, s6;
	v8 =	vadd.f32 v15, v8;
	[tilespmem:s0+$0x0] =	vst v13  }
0x2f9: {  	s11 =	sadd.s32 $0x18000, s23;
	s13 =	sor.u32 s25, s2;
	v5 =	vadd.f32 v12, v5;
	v13 =	vld [tilespmem:s6+$0x0]  }
0x2fa: {  	s15 =	sor.u32 s25, s11;
	s17 =	sor.u32 s22, s2;
	[tilespmem:s13+$0x0] =	vst v8  }
0x2fb: {  	v8 =	vld [tilespmem:s15+$0x380];
	s19 =	rddreg [dreg:$0x11];
	[tilespmem:s17+$0x0] =	vst v5;
	v5 =	vadd.f32 v14, v6  }
0x2fc: {  	s20 =	sor.u32 s22, s11;
	s21 =	sor.u32 s3, s2;
	v12 =	vld [tilespmem:s19+$0x300]  }
0x2fd: {  	s26 =	sor.u32 s3, s11;
	v6 =	vld [tilespmem:s20+$0x380];
	[tilespmem:s21+$0x0] =	vst v5  }
0x2fe: {  	s30 =	rddreg [dreg:$0xe];
	v7 =	vadd.f32 v13, v7;
	v13 =	vld [tilespmem:s26+$0x380]  }
0x2ff: {  	s2 =	sor.u32 s4, s2;
	v5 =	vld [tilespmem:s30+$0x300]  }
0x300: {  	s6 =	sor.u32 s4, s11;
	[tilespmem:s2+$0x0] =	vst v7;
	v7 =	vld [tilespmem:s31+$0x300]  }
0x301: {  	v14 =	vld [tilespmem:s6+$0x380];
	s13 =	rddreg [dreg:$0x14]  }
0x302: {  	v15 =	vld [tilespmem:s13+$0x300]  }
0x303: {  	s11 =	sadd.s32 $0x16000, s8;
	v12 =	vadd.f32 v12, v8  }
0x304: {  	s15 =	sadd.s32 $0x2300, s23;
	s17 =	sor.u32 s25, s11;
	v5 =	vadd.f32 v5, v6  }
0x305: {  	s19 =	sor.u32 s25, s15;
	s20 =	sor.u32 s22, s11;
	[tilespmem:s17+$0x0] =	vst v12  }
0x306: {  	v12 =	vld [tilespmem:s19+$0x0];
	[tilespmem:s20+$0x0] =	vst v5;
	v5 =	vadd.f32 v7, v13  }
0x307: {  	s21 =	sor.u32 s22, s15;
	s26 =	sor.u32 s3, s11;
	v15 =	vadd.f32 v15, v14  }
0x308: {  	s0 =	sor.u32 s4, s11;
	s30 =	sor.u32 s3, s15;
	v7 =	vld [tilespmem:s21+$0x0];
	[tilespmem:s26+$0x0] =	vst v5  }
0x309: {  	s1 =	sor.u32 s4, s15;
	v5 =	vld [tilespmem:s30+$0x0];
	[tilespmem:s0+$0x0] =	vst v15  }
0x30a: {  	v15 =	vld [tilespmem:s1+$0x0]  }
0x30b: {  	s31 =	sadd.s32 $0x16080, s8;
	v12 =	vadd.f32 v12, v8  }
0x30c: {  	s11 =	sadd.s32 $0x4300, s23;
	s13 =	sor.u32 s25, s31  }
0x30d: {  	s15 =	sor.u32 s25, s11;
	[tilespmem:s13+$0x0] =	vst v12;
	v7 =	vadd.f32 v7, v6  }
0x30e: {  	[tilespmem:s24+$0x0] =	vst v11;
	s17 =	sor.u32 s22, s31;
	v12 =	vld [tilespmem:s15+$0x0];
	v5 =	vadd.f32 v5, v13  }
0x30f: {  	s19 =	sor.u32 s22, s11;
	s20 =	sor.u32 s3, s31;
	[tilespmem:s17+$0x0] =	vst v7;
	v15 =	vadd.f32 v15, v14  }
0x310: {  	s0 =	sor.u32 s4, s31;
	v7 =	vld [tilespmem:s19+$0x0];
	[tilespmem:s20+$0x0] =	vst v5  }
0x311: {  	v1 =	vadd.f32 v9, v1;
	s21 =	sor.u32 s3, s11;
	v5 =	vld [tilespmem:s14+$0x0];
	[tilespmem:s0+$0x0] =	vst v15  }
0x312: {  	v9 =	vld [tilespmem:s21+$0x0];
	s30 =	rddreg [dreg:$0x17]  }
0x313: {  	s26 =	sadd.s32 $0x16100, s8;
	s1 =	sor.u32 s4, s11;
	v11 =	vadd.f32 v12, v8;
	v15 =	vld [tilespmem:s29+$0x0];
	[tilespmem:s30+$0x0] =	vst v1  }
0x314: {  	s31 =	sadd.s32 $0x6300, s23;
	s11 =	sor.u32 s25, s26;
	v12 =	vld [tilespmem:s1+$0x0];
	v1 =	vadd.f32 v10, v4;
	s6 =	rddreg [dreg:$0x16]  }
0x315: {  	s13 =	sor.u32 s25, s31;
	[tilespmem:s11+$0x0] =	vst v11;
	v7 =	vadd.f32 v7, v6;
	v10 =	vld [tilespmem:s6+$0x0]  }
0x316: {  	s14 =	sor.u32 s22, s26;
	v5 =	vadd.f32 v5, v3;
	[tilespmem:s7+$0x0] =	vst v1;
	v1 =	vld [tilespmem:s13+$0x0]  }
0x317: {  	s15 =	sor.u32 s22, s31;
	v11 =	vld [tilespmem:s9+$0x0];
	[tilespmem:s14+$0x0] =	vst v7;
	v7 =	vadd.f32 v9, v13  }
0x318: {  	s19 =	sor.u32 s3, s26;
	v2 =	vadd.f32 v15, v2;
	[tilespmem:s10+$0x0] =	vst v5;
	v5 =	vld [tilespmem:s15+$0x0]  }
0x319: {  	s17 =	smov.u32 s4;
	v9 =	vadd.f32 v12, v14;
	[tilespmem:s19+$0x0] =	vst v7  }
0x31a: {  	s0 =	sor.u32 s17, s26;
	v12 =	vld [tilespmem:s18+$0x0];
	[tilespmem:s5+$0x0] =	vst v2;
	v0 =	vadd.f32 v10, v0  }
0x31b: {  	s21 =	sadd.s32 $0x16180, s8;
	[tilespmem:s0+$0x0] =	vst v9;
	v1 =	vadd.f32 v1, v8  }
0x31c: {  	s23 =	sor.u32 s25, s21;
	[tilespmem:s16+$0x0] =	vst v0;
	v0 =	vadd.f32 v11, v4  }
0x31d: {  	[tilespmem:s23+$0x0] =	vst v1;
	v1 =	vadd.f32 v5, v6  }
0x31e: {  	s20 =	sor.u32 s3, s31;
	s24 =	sor.u32 s22, s21;
	[tilespmem:s12+$0x0] =	vst v0  }
0x31f: {  	s1 =	sor.u32 s17, s31;
	v7 =	vld [tilespmem:s20+$0x0];
	v0 =	vadd.f32 v12, v3;
	[tilespmem:s24+$0x0] =	vst v1  }
0x320: {  	v2 =	vld [tilespmem:s1+$0x0];
	s1 =	rddreg [dreg:$0x1e]  }
0x321: {  	[tilespmem:s1+$0x0] =	vst v0  }
0x322: {  	s1 =	sld [smem:$0x7F8]  }
0x323: {  	s26 =	sld [smem:$0x7ED]  }
0x324: {  	v1 =	vadd.f32 v7, v13  }
0x325: {  	s25 =	sor.u32 s3, s21  }
0x326: {  	s31 =	rddreg [dreg:$0x2];
	v0 =	vadd.f32 v2, v14;
	[tilespmem:s25+$0x0] =	vst v1;
	s1 =	sadd.s32 s26, s1  }
0x327: {  	s4 =	simm.s32 $0x0;
	s30 =	sor.u32 s17, s21;
	[smem:$0x7BA] =	sst s1  }
0x328: {  	s3 =	simm.s32 $0x18000;
	s5 =	simm.s32 $0x4;
	s1 =	sshll.u32 s1, $0x7;
	[tilespmem:s30+$0x0] =	vst v0  }
0x329: {  	s0 =	sadd.s32 s31, s1;
	[smem:$0x7BB] =	sst s1;
	s1 =	simm.s32 $0x0  }
0x32a: {  	[tilespmem:s3], [sflag:$0x3] =	stream.linear.gather [hbm4b:s0+s1], $0x2000, $0x38;
	[tilespmem:$0x1F400] =	vst v63  }
0x32b: {  	s8 =	sand.u32 $0x40, s4;
	s6 =	simm.s32 $0x0;
	_ =	swait.ge [sflag:s5], $0x2000  }
0x32c: {  	s7 =	sand.u32 $0xFFFFFC00, s6;
	s10 =	sor.u32 $0x30, s8;
	[sflag:s5] =	ssyncset.done $0x0  }
0x32d: {  	s2 =	sadd.s32 $0x1A000, s7;
	s18 =	sor.u32 s10, s7;
	[sflag:s5] =	ssyncadd.s32 $0xFFFFE000  }
0x32e: {  	s19 =	sor.u32 s10, s2;
	v0 =	vld [tilespmem:s18+$0x380]  }
0x32f: {  	v7 =	vld [tilespmem:s19+$0x0];
	_ =	sdelay $0x2  }
0x330: {  	s20 =	simm.s32 $0x0  }
0x331: {  	s11 =	sand.u32 $0x3FFFFE00, s20  }
0x332: {  	s21 =	sor.u32 s8, s2;
	s23 =	sadd.s32 $0x17000, s11;
	v3 =	vadd.f32 v0, v7  }
0x333: {  	s24 =	sadd.s32 $0x2380, s7;
	s25 =	sor.u32 s10, s23;
	s30 =	sor.u32 s8, s7;
	v1 =	vld [tilespmem:s21+$0x0]  }
0x334: {  	s26 =	sor.u32 s10, s24;
	s19 =	sor.u32 $0x20, s8;
	v4 =	vld [tilespmem:s30+$0x380];
	[tilespmem:s25+$0x0] =	vst v3  }
0x335: {  	s18 =	sor.u32 $0x10, s8;
	s0 =	sor.u32 s19, s7;
	v3 =	vld [tilespmem:s26+$0x0]  }
0x336: {  	s22 =	sor.u32 s18, s2;
	s2 =	sor.u32 s19, s2;
	v6 =	vld [tilespmem:s0+$0x380]  }
0x337: {  	v0 =	vld [tilespmem:s2+$0x0];
	_ =	sdelay $0x1  }
0x338: {  	s6 =	simm.s32 $0x40;
	s21 =	simm.s32 $0x200;
	s31 =	sor.u32 s18, s7;
	v2 =	vld [tilespmem:s22+$0x0]  }
0x339: {  	s1 =	sadd.s32 $0x17080, s11;
	s9 =	sand.u32 $0xFFFFFC00, s21;
	v5 =	vld [tilespmem:s31+$0x380];
	s2 =	sand.u32 $0x40, s6;
	v3 =	vadd.f32 v3, v7  }
0x33a: {  	s12 =	sadd.s32 $0x4380, s7;
	s14 =	sor.u32 s10, s1;
	v4 =	vadd.f32 v4, v1;
	s31 =	sor.u32 s2, s9  }
0x33b: {  	s15 =	sor.u32 s8, s23;
	s17 =	sor.u32 s10, s12;
	v13 =	vld [tilespmem:s31+$0x380];
	[tilespmem:s14+$0x0] =	vst v3;
	v3 =	vadd.f32 v6, v0  }
0x33c: {  	s13 =	sor.u32 s8, s24;
	s4 =	sor.u32 s19, s23;
	[tilespmem:s15+$0x0] =	vst v4;
	v4 =	vld [tilespmem:s17+$0x0]  }
0x33d: {  	s3 =	sor.u32 s19, s24;
	v8 =	vld [tilespmem:s13+$0x0];
	[tilespmem:s4+$0x0] =	vst v3;
	s4 =	sor.u32 $0x30, s2  }
0x33e: {  	s16 =	sor.u32 s18, s23;
	s22 =	sadd.s32 $0x1A000, s9;
	v5 =	vadd.f32 v5, v2;
	v10 =	vld [tilespmem:s3+$0x0];
	s23 =	sor.u32 s4, s9  }
0x33f: {  	s20 =	sor.u32 s18, s24;
	s24 =	sor.u32 s4, s22;
	v11 =	vld [tilespmem:s23+$0x380]  }
0x340: {  	s21 =	simm.s32 $0x100;
	[tilespmem:s16+$0x0] =	vst v5;
	s3 =	sor.u32 $0x10, s2;
	v3 =	vld [tilespmem:s24+$0x0]  }
0x341: {  	s5 =	sor.u32 $0x20, s2;
	s16 =	sadd.s32 $0x17100, s11;
	v9 =	vld [tilespmem:s20+$0x0];
	s25 =	sor.u32 s3, s22;
	v6 =	vadd.f32 v4, v7  }
0x342: {  	s20 =	sadd.s32 $0x6380, s7;
	s26 =	sor.u32 s10, s16;
	s0 =	sor.u32 s3, s9;
	v5 =	vld [tilespmem:s25+$0x0]  }
0x343: {  	s15 =	sor.u32 s2, s22;
	s13 =	sor.u32 s5, s22;
	s30 =	sor.u32 s10, s20;
	v14 =	vld [tilespmem:s0+$0x380];
	[tilespmem:s26+$0x0] =	vst v6  }
0x344: {  	s7 =	sand.u32 $0x3FFFFE00, s21;
	v8 =	vadd.f32 v8, v1;
	s17 =	sor.u32 s8, s1;
	s22 =	sor.u32 s19, s1;
	v12 =	vld [tilespmem:s30+$0x0]  }
0x345: {  	s23 =	sadd.s32 $0x17000, s7;
	v4 =	vld [tilespmem:s15+$0x0];
	s15 =	sor.u32 s18, s1;
	s1 =	sor.u32 s5, s9;
	v11 =	vadd.f32 v11, v3  }
0x346: {  	s21 =	sor.u32 s8, s12;
	v9 =	vadd.f32 v9, v2;
	[tilespmem:s17+$0x0] =	vst v8;
	s24 =	sadd.s32 $0x2380, s9;
	s25 =	sor.u32 s4, s23;
	v15 =	vld [tilespmem:s1+$0x380]  }
0x347: {  	s14 =	sor.u32 s18, s16;
	s31 =	sor.u32 s4, s24;
	s0 =	sadd.s32 $0x17180, s11;
	v6 =	vld [tilespmem:s13+$0x0];
	[tilespmem:s25+$0x0] =	vst v11  }
0x348: {  	s17 =	sor.u32 s8, s20;
	s11 =	sor.u32 s8, s0;
	[tilespmem:s15+$0x0] =	vst v9;
	s15 =	sor.u32 s18, s20;
	v8 =	vadd.f32 v10, v0;
	v10 =	vld [tilespmem:s31+$0x0]  }
0x349: {  	v9 =	vld [tilespmem:s21+$0x0];
	s1 =	sor.u32 s10, s0;
	s10 =	sor.u32 s18, s0;
	s30 =	sor.u32 s18, s12;
	v7 =	vadd.f32 v12, v7  }
0x34a: {  	s26 =	sor.u32 s19, s12;
	s13 =	sor.u32 s8, s16;
	s8 =	sor.u32 s19, s0;
	[tilespmem:s22+$0x0] =	vst v8;
	v8 =	vadd.f32 v13, v4;
	v12 =	vld [tilespmem:s30+$0x0]  }
0x34b: {  	s12 =	sor.u32 s19, s16;
	s16 =	sor.u32 s19, s20;
	s19 =	sor.u32 s2, s23;
	v11 =	vadd.f32 v14, v5;
	[tilespmem:s1+$0x0] =	vst v7;
	v7 =	vld [tilespmem:s26+$0x0]  }
0x34c: {  	s20 =	sor.u32 s3, s23;
	s22 =	sor.u32 s5, s23;
	s23 =	sor.u32 s2, s24;
	[tilespmem:s19+$0x0] =	vst v8;
	v13 =	vadd.f32 v15, v6  }
0x34d: {  	s25 =	sor.u32 s3, s24;
	[tilespmem:s20+$0x0] =	vst v11;
	s19 =	sadd.s32 $0x4380, s9;
	v8 =	vld [tilespmem:s23+$0x0];
	s30 =	sadd.s32 $0x17080, s7;
	v14 =	vadd.f32 v10, v3  }
0x34e: {  	v11 =	vadd.f32 v9, v1;
	s20 =	sor.u32 s4, s19;
	[tilespmem:s22+$0x0] =	vst v13;
	s31 =	sor.u32 s4, s30;
	s26 =	sor.u32 s5, s24;
	v10 =	vld [tilespmem:s25+$0x0]  }
0x34f: {  	s28 =	sor.u32 s2, s30;
	s29 =	sor.u32 s3, s30;
	v9 =	vld [tilespmem:s26+$0x0];
	s26 =	sor.u32 s5, s30;
	[tilespmem:s31+$0x0] =	vst v14;
	v12 =	vadd.f32 v12, v2  }
.LBB2_11:
0x350: {  	s6 =	sadd.s32 $0x40, s6;
	s24 =	sor.u32 s2, s19;
	s18 =	sor.u32 s3, s19;
	v13 =	vld [tilespmem:s20+$0x0];
	[tilespmem:s13+$0x0] =	vst v11;
	v7 =	vadd.f32 v7, v0  }
0x351: {  	s19 =	sor.u32 s5, s19;
	s21 =	sand.u32 $0x40, s6;
	s13 =	sshll.u32 s6, $0x3;
	v11 =	vld [tilespmem:s17+$0x0];
	[tilespmem:s14+$0x0] =	vst v12  }
0x352: {  	s22 =	sand.u32 $0xFFFFFC00, s13;
	s23 =	sor.u32 $0x10, s21;
	s20 =	sor.u32 $0x30, s21;
	v8 =	vadd.f32 v8, v4;
	v12 =	vld [tilespmem:s15+$0x0];
	[tilespmem:s12+$0x0] =	vst v7  }
0x353: {  	s25 =	sor.u32 $0x20, s21;
	s12 =	sadd.s32 $0x1A000, s22;
	s13 =	sor.u32 s20, s22;
	v7 =	vadd.f32 v10, v5;
	v10 =	vld [tilespmem:s16+$0x0]  }
0x354: {  	s14 =	sor.u32 s21, s12;
	s15 =	sor.u32 s23, s12;
	s16 =	sor.u32 s20, s12;
	v14 =	vld [tilespmem:s13+$0x380];
	[tilespmem:s28+$0x0] =	vst v8;
	v8 =	vadd.f32 v9, v6  }
0x355: {  	s28 =	sor.u32 s21, s22;
	s17 =	sor.u32 s25, s12;
	s12 =	sadd.s32 $0x17100, s7;
	v9 =	vld [tilespmem:s16+$0x0];
	[tilespmem:s29+$0x0] =	vst v7;
	v7 =	vadd.f32 v13, v3  }
0x356: {  	s9 =	sadd.s32 $0x6380, s9;
	s29 =	sor.u32 s23, s22;
	s16 =	sor.u32 s4, s12;
	[tilespmem:s26+$0x0] =	vst v8;
	v8 =	vadd.f32 v11, v1;
	v1 =	vmov v4;
	v4 =	vld [tilespmem:s14+$0x0]  }
0x357: {  	s13 =	sor.u32 s2, s12;
	s26 =	sor.u32 s25, s22;
	[tilespmem:s16+$0x0] =	vst v7;
	s16 =	sor.u32 s4, s9;
	v7 =	vadd.f32 v12, v2;
	v2 =	vmov v5;
	v5 =	vld [tilespmem:s15+$0x0]  }
0x358: {  	s14 =	sor.u32 s3, s12;
	s12 =	sor.u32 s5, s12;
	s15 =	sshll.u32 s6, $0x2;
	v11 =	vld [tilespmem:s16+$0x0];
	[tilespmem:s11+$0x0] =	vst v8;
	v8 =	vadd.f32 v10, v0;
	v0 =	vmov v6  }
0x359: {  	s30 =	sand.u32 $0x3FFFFE00, s15;
	s15 =	sor.u32 s3, s9;
	v6 =	vld [tilespmem:s17+$0x0];
	s17 =	sor.u32 s2, s9;
	[tilespmem:s10+$0x0] =	vst v7  }
0x35a: {  	p1 =	slt.u32 s6, $0x3C0;
	s16 =	sor.u32 s5, s9;
	s10 =	sadd.s32 $0x17000, s30;
	v7 =	vld [tilespmem:s28+$0x380];
	v10 =	vadd.f32 v14, v9;
	[tilespmem:s8+$0x0] =	vst v8  }
0x35b: {  	s28 =	sor.u32 s21, s10;
	s8 =	sadd.s32 $0x2380, s22;
	s9 =	sor.u32 s20, s10;
	v8 =	vld [tilespmem:s29+$0x380]  }
0x35c: {  	s29 =	sor.u32 s23, s10;
	v12 =	vld [tilespmem:s26+$0x380];
	s26 =	sor.u32 s25, s10;
	[tilespmem:s9+$0x0] =	vst v10;
	s9 =	sor.u32 s20, s8  }
0x35d: {  	s7 =	sadd.s32 $0x17180, s7;
	s31 =	sor.u32 s21, s8;
	s1 =	sor.u32 s23, s8;
	v10 =	vld [tilespmem:s9+$0x0];
	v11 =	vadd.f32 v11, v3;
	v3 =	vmov v9  }
0x35e: {  	s11 =	sor.u32 s2, s7;
	s2 =	sor.u32 s4, s7;
	s0 =	sor.u32 s25, s8;
	v9 =	vld [tilespmem:s24+$0x0]  }
0x35f: {  	s10 =	sor.u32 s3, s7;
	s8 =	sor.u32 s5, s7;
	v13 =	vadd.f32 v7, v4;
	v14 =	vld [tilespmem:s18+$0x0];
	[tilespmem:s2+$0x0] =	vst v11;
	s2 =	smov.u32 s21  }
.Ltmp4:
0x360: {  	s3 =	smov.u32 s23;
	s9 =	smov.u32 s22;
	v11 =	vadd.f32 v8, v5;
	v7 =	vld [tilespmem:s19+$0x0];
	(pc) =	sbr.rel @p1 .LBB2_11-.Ltmp4, $4  }
0x361: {  	s4 =	smov.u32 s20;
	s5 =	smov.u32 s25;
	s7 =	smov.u32 s30;
	[tilespmem:s28+$0x0] =	vst v13;
	v12 =	vadd.f32 v12, v6  }
0x362: {  	s18 =	sadd.s32 $0x17080, s7;
	v8 =	vld [tilespmem:s31+$0x0];
	[tilespmem:s29+$0x0] =	vst v11;
	v13 =	vadd.f32 v10, v3  }
0x363: {  	s19 =	sadd.s32 $0x4380, s9;
	s28 =	sor.u32 s2, s18;
	v10 =	vld [tilespmem:s1+$0x0];
	[tilespmem:s26+$0x0] =	vst v12;
	s1 =	sor.u32 s4, s18;
	v11 =	vadd.f32 v9, v1  }
0x364: {  	s20 =	sor.u32 s4, s19;
	s29 =	sor.u32 s3, s18;
	s26 =	sor.u32 s5, s18;
	v9 =	vld [tilespmem:s0+$0x0];
	[tilespmem:s1+$0x0] =	vst v13;
	v12 =	vadd.f32 v14, v2  }
0x365: {  	_ =	sdelay $0x1  }
0x366: {  	v8 =	vadd.f32 v8, v4  }
0x367: {  	v10 =	vadd.f32 v10, v5  }
0x368: {  	s0 =	sor.u32 s2, s19;
	v13 =	vld [tilespmem:s20+$0x0];
	[tilespmem:s28+$0x0] =	vst v8;
	v8 =	vadd.f32 v9, v6  }
0x369: {  	s1 =	sor.u32 s3, s19;
	[tilespmem:s29+$0x0] =	vst v10;
	v9 =	vld [tilespmem:s0+$0x0]  }
0x36a: {  	s20 =	sor.u32 s5, s19;
	[tilespmem:s26+$0x0] =	vst v8;
	v8 =	vld [tilespmem:s1+$0x0]  }
0x36b: {  	v10 =	vld [tilespmem:s20+$0x0]  }
0x36c: {  	[tilespmem:s13+$0x0] =	vst v11;
	v7 =	vadd.f32 v7, v0  }
0x36d: {  	s21 =	sadd.s32 $0x17100, s7;
	v11 =	vld [tilespmem:s17+$0x0];
	[tilespmem:s14+$0x0] =	vst v12;
	v43 =	vadd.f32 v13, v3  }
0x36e: {  	s22 =	sadd.s32 $0x6380, s9;
	s6 =	sor.u32 s4, s21;
	v44 =	vld [tilespmem:s15+$0x0];
	[tilespmem:s12+$0x0] =	vst v7;
	v7 =	vadd.f32 v9, v4  }
0x36f: {  	s23 =	sor.u32 s2, s21;
	s24 =	sor.u32 s4, s22;
	[tilespmem:s6+$0x0] =	vst v43;
	v9 =	vld [tilespmem:s16+$0x0];
	v8 =	vadd.f32 v8, v5  }
0x370: {  	s25 =	sor.u32 s3, s21;
	s26 =	sor.u32 s2, s22;
	v12 =	vld [tilespmem:s24+$0x0];
	[tilespmem:s23+$0x0] =	vst v7;
	v7 =	vadd.f32 v10, v6  }
0x371: {  	s28 =	sor.u32 s3, s22;
	s0 =	sor.u32 s5, s21;
	v10 =	vld [tilespmem:s26+$0x0];
	[tilespmem:s25+$0x0] =	vst v8  }
0x372: {  	v1 =	vadd.f32 v11, v1;
	s1 =	sor.u32 s5, s22;
	v8 =	vld [tilespmem:s28+$0x0];
	[tilespmem:s0+$0x0] =	vst v7  }
0x373: {  	v2 =	vadd.f32 v44, v2;
	v7 =	vld [tilespmem:s1+$0x0]  }
0x374: {  	[tilespmem:s11+$0x0] =	vst v1;
	v0 =	vadd.f32 v9, v0  }
0x375: {  	[tilespmem:s10+$0x0] =	vst v2;
	s10 =	sadd.s32 $0x17180, s7;
	v1 =	vadd.f32 v12, v3  }
0x376: {  	s11 =	sor.u32 s4, s10;
	[tilespmem:s8+$0x0] =	vst v0;
	v0 =	vadd.f32 v10, v4  }
0x377: {  	s12 =	sor.u32 s2, s10;
	[tilespmem:s11+$0x0] =	vst v1;
	v1 =	vadd.f32 v8, v5  }
0x378: {  	s13 =	sor.u32 s3, s10;
	[tilespmem:s12+$0x0] =	vst v0;
	v0 =	vadd.f32 v7, v6  }
0x379: {  	s0 =	sor.u32 s5, s10;
	[tilespmem:s13+$0x0] =	vst v1  }
0x37a: {  	[tilespmem:s0+$0x0] =	vst v0  }
0x37b: {  	s0 =	sld [smem:$0x7F9]  }
0x37c: {  	s1 =	sld [smem:$0x7CB];
	_ =	sdelay $0x1  }
0x37d: {  	s14 =	simm.s32 $0x0  }
0x37e: {  	s15 =	simm.s32 $0x14000;
	s16 =	simm.s32 $0x2;
	s0 =	sadd.s32 s1, s0  }
0x37f: {  	[hbm4b:s0+s14] =	stream.linear.scatter [tilespmem:s15], [sflag:$0x6], $0x4000, $0x38;
	[tilespmem:$0x1F400] =	vst v63  }
0x380: {  	_ =	swait.ge [sflag:s16], $0x2000  }
0x381: {  	[sflag:s16] =	ssyncset.done $0x0  }
0x382: {  	[sflag:s16] =	ssyncadd.s32 $0xFFFFE000  }
0x383: {  	_ =	swait.ge [sflag:s16], $0x2000  }
0x384: {  	[sflag:s16] =	ssyncset.done $0x0  }
0x385: {  	[sflag:s16] =	ssyncadd.s32 $0xFFFFE000  }
0x386: {  	_ =	swait.ge [sflag:s16], $0x2000  }
0x387: {  	[sflag:s16] =	ssyncset.done $0x0  }
0x388: {  	[sflag:s16] =	ssyncadd.s32 $0xFFFFE000  }
0x389: {  	_ =	swait.ge [sflag:s16], $0x2000  }
0x38a: {  	s17 =	sld [smem:$0x7EA]  }
0x38b: {  	[sflag:s16] =	ssyncset.done $0x0;
	s5 =	sld [smem:$0x7BB]  }
0x38c: {  	[sflag:s16] =	ssyncadd.s32 $0xFFFFE000  }
0x38d: {  	s4 =	rddreg [dreg:$0x0];
	p1 =	seq.s32 s17, $0xF  }
0x38e: {  	s0 =	sadd.s32 @!p1 s4, s5;
	s1 =	simm.s32 @!p1 $0x0  }
0x38f: {  	[tilespmem:s1], [sflag:$0x1] =	stream.linear.gather @!p1 [hbm4b:s0+s1], $0x2000, $0x38;
	[tilespmem:$0x1F400] =	vst v63  }
0x390: {  	s0 =	sld [smem:$0x7BA];
	_ =	sdelay $0x2  }
0x391: {  	s0 =	sshll.u32 @!p1 s0, $0x7  }
0x392: {  	s0 =	sand.u32 @!p1 $0x1FFFFF80, s0  }
0x393: {  	s0 =	sadd.s32 @!p1 s4, s0  }
0x394: {  	s3 =	simm.s32 @!p1 $0x2000;
	s2 =	sadd.s32 @!p1 $0x100000, s0  }
0x395: {  	[tilespmem:s3], [sflag:$0x1] =	stream.linear.gather @!p1 [hbm4b:s2+s1], $0x2000, $0x38;
	[tilespmem:$0x1F400] =	vst v63  }
0x396: {  	s2 =	sor.u32 @!p1 $0x200000, s5  }
0x397: {  	s18 =	simm.s32 $0x0;
	s3 =	simm.s32 @!p1 $0x4000;
	s2 =	sadd.s32 @!p1 s4, s2  }
0x398: {  	[tilespmem:s3], [sflag:$0x1] =	stream.linear.gather @!p1 [hbm4b:s2+s1], $0x2000, $0x38;
	[tilespmem:$0x1F400] =	vst v63  }
0x399: {  	s19 =	simm.s32 $0x5;
	s0 =	sadd.s32 @!p1 $0x300000, s0;
	s2 =	simm.s32 @!p1 $0x6000  }
0x39a: {  	[tilespmem:s2], [sflag:$0x1] =	stream.linear.gather @!p1 [hbm4b:s0+s1], $0x2000, $0x38;
	[tilespmem:$0x1F400] =	vst v63  }
0x39b: {  	s20 =	simm.s32 $0x0;
	s4 =	sand.u32 $0x40, s18;
	_ =	swait.ge [sflag:s19], $0x4000  }
0x39c: {  	s6 =	sand.u32 $0xFFFFFC00, s20;
	s20 =	sor.u32 $0x30, s4;
	[sflag:s19] =	ssyncset.done $0x0  }
0x39d: {  	s21 =	sadd.s32 $0x8000, s6;
	s17 =	sor.u32 s20, s6;
	[sflag:s19] =	ssyncadd.s32 $0xFFFFC000  }
0x39e: {  	s10 =	sor.u32 s20, s21;
	v0 =	vld [tilespmem:s17+$0x1A080]  }
0x39f: {  	v1 =	vld [tilespmem:s10+$0x0];
	_ =	sdelay $0x2  }
0x3a0: {  	s22 =	simm.s32 $0x0  }
0x3a1: {  	s19 =	sand.u32 $0x3FFFFE00, s22  }
0x3a2: {  	s23 =	sadd.s32 $0x10000, s19;
	v1 =	vadd.f32 v1, v0  }
0x3a3: {  	s28 =	sadd.s32 $0xA000, s6;
	s1 =	sor.u32 s20, s23  }
0x3a4: {  	s9 =	sor.u32 s20, s28;
	[tilespmem:s1+$0x0] =	vst v1  }
0x3a5: {  	v1 =	vld [tilespmem:s9+$0x0];
	_ =	sdelay $0x4  }
0x3a6: {  	v1 =	vadd.f32 v1, v0  }
0x3a7: {  	s11 =	sadd.s32 $0xC000, s6  }
0x3a8: {  	s15 =	sor.u32 s20, s11;
	[tilespmem:s1+$0x80] =	vst v1  }
0x3a9: {  	s18 =	sor.u32 s4, s21;
	v1 =	vld [tilespmem:s15+$0x0]  }
0x3aa: {  	s14 =	sor.u32 $0x10, s4;
	s26 =	sor.u32 s4, s6;
	v2 =	vld [tilespmem:s18+$0x0]  }
0x3ab: {  	s3 =	sor.u32 s14, s21;
	v3 =	vld [tilespmem:s26+$0x1A080]  }
0x3ac: {  	s25 =	sor.u32 $0x20, s4;
	s0 =	sor.u32 s14, s6;
	v4 =	vld [tilespmem:s3+$0x0]  }
0x3ad: {  	s12 =	sor.u32 s25, s21;
	v5 =	vld [tilespmem:s0+$0x1A080]  }
0x3ae: {  	s24 =	sor.u32 s25, s6;
	v6 =	vld [tilespmem:s12+$0x0];
	v1 =	vadd.f32 v1, v0  }
0x3af: {  	s2 =	sadd.s32 $0xE000, s6;
	v7 =	vld [tilespmem:s24+$0x1A080]  }
0x3b0: {  	s16 =	sor.u32 s20, s2;
	[tilespmem:s1+$0x100] =	vst v1  }
0x3b1: {  	v1 =	vadd.f32 v2, v3;
	v2 =	vld [tilespmem:s16+$0x0]  }
0x3b2: {  	s13 =	sor.u32 s4, s23;
	v4 =	vadd.f32 v4, v5  }
0x3b3: {  	s21 =	sor.u32 s4, s28;
	s16 =	sor.u32 s14, s23;
	[tilespmem:s13+$0x0] =	vst v1  }
0x3b4: {  	s22 =	sor.u32 s14, s28;
	v6 =	vadd.f32 v6, v7;
	[tilespmem:s16+$0x0] =	vst v4;
	v1 =	vld [tilespmem:s21+$0x0]  }
0x3b5: {  	s5 =	sor.u32 s25, s23;
	v4 =	vld [tilespmem:s22+$0x0]  }
0x3b6: {  	s7 =	sor.u32 s25, s28;
	[tilespmem:s5+$0x0] =	vst v6;
	v0 =	vadd.f32 v2, v0  }
0x3b7: {  	v2 =	vld [tilespmem:s7+$0x0]  }
0x3b8: {  	[tilespmem:s1+$0x180] =	vst v0  }
0x3b9: {  	v0 =	vadd.f32 v1, v3;
	v1 =	vld [tilespmem:s17+$0x1A100]  }
0x3ba: {  	v4 =	vadd.f32 v4, v5;
	v6 =	vld [tilespmem:s10+$0x80]  }
0x3bb: {  	s23 =	sor.u32 s4, s11;
	[tilespmem:s13+$0x80] =	vst v0  }
0x3bc: {  	s28 =	sor.u32 s14, s11;
	[tilespmem:s16+$0x80] =	vst v4;
	v0 =	vld [tilespmem:s23+$0x0];
	v2 =	vadd.f32 v2, v7  }
0x3bd: {  	v4 =	vld [tilespmem:s28+$0x0]  }
0x3be: {  	s1 =	sor.u32 s25, s11;
	[tilespmem:s5+$0x80] =	vst v2  }
0x3bf: {  	v2 =	vadd.f32 v6, v1;
	v6 =	vld [tilespmem:s1+$0x0]  }
0x3c0: {  	s8 =	sadd.s32 $0x11000, s19  }
0x3c1: {  	s9 =	sor.u32 s20, s8;
	v0 =	vadd.f32 v0, v3  }
0x3c2: {  	[tilespmem:s9+$0x0] =	vst v2;
	v4 =	vadd.f32 v4, v5  }
0x3c3: {  	s11 =	sor.u32 s4, s2;
	v2 =	vld [tilespmem:s17+$0xA080];
	[tilespmem:s13+$0x100] =	vst v0  }
0x3c4: {  	s15 =	sor.u32 s14, s2;
	[tilespmem:s16+$0x100] =	vst v4;
	v0 =	vld [tilespmem:s11+$0x0];
	v6 =	vadd.f32 v6, v7  }
0x3c5: {  	v4 =	vld [tilespmem:s15+$0x0]  }
0x3c6: {  	s2 =	sor.u32 s25, s2;
	[tilespmem:s5+$0x100] =	vst v6  }
0x3c7: {  	v6 =	vld [tilespmem:s2+$0x0]  }
0x3c8: {  	s9 =	sadd.s32 $0x11080, s19;
	v2 =	vadd.f32 v2, v1  }
0x3c9: {  	s21 =	sor.u32 s20, s9;
	s15 =	sadd.s32 $0xC080, s6;
	v0 =	vadd.f32 v0, v3  }
0x3ca: {  	s22 =	sor.u32 s20, s15;
	[tilespmem:s21+$0x0] =	vst v2;
	v3 =	vadd.f32 v4, v5  }
0x3cb: {  	v2 =	vld [tilespmem:s22+$0x0];
	[tilespmem:s13+$0x180] =	vst v0  }
0x3cc: {  	[tilespmem:s16+$0x180] =	vst v3;
	v0 =	vld [tilespmem:s26+$0x1A100];
	v4 =	vadd.f32 v6, v7  }
0x3cd: {  	v3 =	vld [tilespmem:s18+$0x80];
	[smem:$0x7B3] =	sst s18  }
0x3ce: {  	[tilespmem:s5+$0x180] =	vst v4  }
0x3cf: {  	v5 =	vld [tilespmem:s0+$0x1A100];
	[smem:$0x7B4] =	sst s3  }
0x3d0: {  	v4 =	vld [tilespmem:s3+$0x80]  }
0x3d1: {  	s7 =	sadd.s32 $0x11100, s19;
	v2 =	vadd.f32 v2, v1;
	v6 =	vld [tilespmem:s24+$0x1A100]  }
0x3d2: {  	s23 =	sor.u32 s20, s7;
	s5 =	sadd.s32 $0xE080, s6;
	v7 =	vld [tilespmem:s12+$0x80];
	[smem:$0x7B5] =	sst s12  }
0x3d3: {  	s1 =	sor.u32 s20, s5;
	[tilespmem:s23+$0x0] =	vst v2  }
0x3d4: {  	v3 =	vadd.f32 v3, v0;
	v2 =	vld [tilespmem:s1+$0x0]  }
0x3d5: {  	s16 =	smov.u32 s3;
	s3 =	sor.u32 s4, s8  }
0x3d6: {  	[tilespmem:s3+$0x0] =	vst v3;
	v3 =	vadd.f32 v4, v5  }
0x3d7: {  	s11 =	sor.u32 s14, s8;
	v4 =	vld [tilespmem:s26+$0xA080]  }
0x3d8: {  	v7 =	vadd.f32 v7, v6;
	[tilespmem:s11+$0x0] =	vst v3  }
0x3d9: {  	s8 =	sor.u32 s25, s8;
	v1 =	vadd.f32 v2, v1;
	v2 =	vld [tilespmem:s0+$0xA080]  }
0x3da: {  	s2 =	sadd.s32 $0x11180, s19;
	[tilespmem:s8+$0x0] =	vst v7  }
0x3db: {  	s31 =	smov.u32 s12;
	s12 =	sor.u32 s20, s2;
	v7 =	vld [tilespmem:s24+$0xA080]  }
0x3dc: {  	[tilespmem:s12+$0x0] =	vst v1;
	v1 =	vadd.f32 v4, v0  }
0x3dd: {  	s13 =	sor.u32 s4, s9;
	v3 =	vld [tilespmem:s17+$0x1A180]  }
0x3de: {  	v4 =	vld [tilespmem:s10+$0x100];
	[tilespmem:s13+$0x0] =	vst v1;
	v1 =	vadd.f32 v2, v5  }
0x3df: {  	s21 =	sor.u32 s14, s9  }
0x3e0: {  	s28 =	smov.u32 s18;
	s18 =	sor.u32 s4, s15;
	[tilespmem:s21+$0x0] =	vst v1;
	v1 =	vadd.f32 v7, v6  }
0x3e1: {  	s22 =	sor.u32 s14, s15;
	s9 =	sor.u32 s25, s9;
	s11 =	simm.s32 $0x40;
	v2 =	vld [tilespmem:s18+$0x0]  }
0x3e2: {  	s23 =	sor.u32 s25, s15;
	s15 =	sand.u32 $0x40, s11;
	s18 =	simm.s32 $0x40;
	[tilespmem:s9+$0x0] =	vst v1  }
0x3e3: {  	s12 =	sadd.s32 $0x12000, s19;
	v4 =	vadd.f32 v4, v3;
	s21 =	simm.s32 $0x200;
	v7 =	vld [tilespmem:s22+$0x0];
	[dreg:$0xb] =	wrdreg s18  }
0x3e4: {  	s13 =	sor.u32 s20, s12;
	s11 =	sand.u32 $0xFFFFFC00, s21;
	v8 =	vld [tilespmem:s23+$0x0];
	s23 =	sor.u32 $0x30, s15  }
0x3e5: {  	s8 =	sadd.s32 $0x8000, s11;
	[tilespmem:s13+$0x0] =	vst v4;
	s22 =	sor.u32 s23, s11  }
0x3e6: {  	v2 =	vadd.f32 v2, v0;
	v4 =	vld [tilespmem:s17+$0xA100];
	s13 =	sor.u32 s23, s8;
	[dreg:$0x5] =	wrdreg s22  }
0x3e7: {  	s1 =	sor.u32 s4, s7;
	v1 =	vld [tilespmem:s22+$0x1A080];
	[dreg:$0x6] =	wrdreg s13  }
0x3e8: {  	s18 =	sor.u32 s4, s5;
	[tilespmem:s1+$0x0] =	vst v2;
	v2 =	vadd.f32 v7, v5;
	v7 =	vld [tilespmem:s13+$0x0]  }
0x3e9: {  	v9 =	vld [tilespmem:s18+$0x0]  }
0x3ea: {  	s3 =	smov.u32 s0;
	s0 =	simm.s32 $0x100;
	s21 =	sor.u32 s14, s7  }
0x3eb: {  	s7 =	sor.u32 s25, s7;
	s22 =	sor.u32 s14, s5;
	s1 =	sand.u32 $0x3FFFFE00, s0;
	v8 =	vadd.f32 v8, v6;
	[tilespmem:s21+$0x0] =	vst v2  }
0x3ec: {  	v4 =	vadd.f32 v4, v3;
	v2 =	vld [tilespmem:s22+$0x0];
	s22 =	sor.u32 s25, s5;
	[smem:$0x7B2] =	sst s1;
	s5 =	sadd.s32 $0x12080, s19  }
0x3ed: {  	s18 =	sadd.s32 $0x10000, s1;
	[tilespmem:s7+$0x0] =	vst v8;
	s9 =	sor.u32 s20, s5;
	v7 =	vadd.f32 v7, v1  }
0x3ee: {  	s21 =	sadd.s32 $0xC100, s6;
	s7 =	sor.u32 s23, s18;
	[tilespmem:s9+$0x0] =	vst v4;
	v0 =	vadd.f32 v9, v0  }
0x3ef: {  	s13 =	sor.u32 s20, s21;
	s1 =	sadd.s32 $0xA000, s11;
	v8 =	vld [tilespmem:s22+$0x0];
	s22 =	sor.u32 s4, s2;
	[tilespmem:s7+$0x0] =	vst v7  }
0x3f0: {  	s0 =	sor.u32 s23, s1;
	v9 =	vld [tilespmem:s13+$0x0];
	[tilespmem:s22+$0x0] =	vst v0  }
0x3f1: {  	v10 =	vld [tilespmem:s0+$0x0];
	v0 =	vadd.f32 v2, v5;
	[smem:$0x7B6] =	sst s26  }
0x3f2: {  	s13 =	sor.u32 s14, s2;
	v2 =	vld [tilespmem:s26+$0x1A180]  }
0x3f3: {  	[tilespmem:s13+$0x0] =	vst v0;
	v4 =	vld [tilespmem:s28+$0x100]  }
0x3f4: {  	s22 =	sor.u32 s15, s8;
	s28 =	sor.u32 $0x10, s15;
	v0 =	vld [tilespmem:s3+$0x1A180];
	[smem:$0x7B8] =	sst s3  }
0x3f5: {  	s29 =	smov.u32 s26;
	s26 =	sor.u32 s28, s8;
	v11 =	vld [tilespmem:s16+$0x100];
	[dreg:$0x9] =	wrdreg s22  }
0x3f6: {  	s9 =	smov.u32 s3;
	s3 =	sor.u32 s15, s11;
	v45 =	vld [tilespmem:s22+$0x0];
	[dreg:$0xa] =	wrdreg s26  }
0x3f7: {  	v5 =	vadd.f32 v8, v6;
	v46 =	vld [tilespmem:s26+$0x0];
	[smem:$0x7B1] =	sst s3  }
0x3f8: {  	s2 =	sor.u32 s25, s2;
	s16 =	sor.u32 s28, s11;
	s22 =	sor.u32 $0x20, s15;
	v7 =	vld [tilespmem:s3+$0x1A080];
	v4 =	vadd.f32 v4, v2  }
0x3f9: {  	s26 =	sor.u32 s22, s8;
	s8 =	sor.u32 s4, s12;
	v6 =	vld [tilespmem:s16+$0x1A080];
	[tilespmem:s2+$0x0] =	vst v5  }
0x3fa: {  	s13 =	sor.u32 s22, s11;
	v8 =	vld [tilespmem:s26+$0x0];
	[tilespmem:s8+$0x0] =	vst v4  }
0x3fb: {  	v5 =	vld [tilespmem:s13+$0x1A080];
	[smem:$0x7B9] =	sst s24  }
0x3fc: {  	v9 =	vadd.f32 v9, v3;
	s2 =	sadd.s32 $0x12100, s19;
	v4 =	vld [tilespmem:s24+$0x1A180]  }
0x3fd: {  	s30 =	sadd.s32 $0xE100, s6;
	s0 =	smov.u32 s24;
	v14 =	vld [tilespmem:s29+$0xA100];
	s24 =	sor.u32 s20, s2;
	v12 =	vadd.f32 v45, v7  }
0x3fe: {  	s3 =	sor.u32 s20, s30;
	s8 =	sor.u32 s15, s18;
	[tilespmem:s24+$0x0] =	vst v9;
	v9 =	vld [tilespmem:s31+$0x100];
	v13 =	vadd.f32 v46, v6  }
0x3ff: {  	v11 =	vadd.f32 v11, v0;
	s24 =	sor.u32 s15, s1;
	v15 =	vld [tilespmem:s3+$0x0];
	s3 =	sor.u32 s28, s18;
	[tilespmem:s8+$0x0] =	vst v12  }
0x400: {  	v8 =	vadd.f32 v8, v5;
	s31 =	sor.u32 s28, s1;
	[tilespmem:s3+$0x0] =	vst v13;
	v12 =	vld [tilespmem:s24+$0x0];
	s24 =	sor.u32 s14, s12  }
0x401: {  	v10 =	vadd.f32 v10, v1;
	[tilespmem:s24+$0x0] =	vst v11;
	v11 =	vld [tilespmem:s31+$0x0];
	s24 =	sor.u32 s22, s18  }
0x402: {  	s18 =	sor.u32 s22, s1;
	s1 =	sadd.s32 $0xC000, s11;
	v47 =	vld [tilespmem:s9+$0xA100];
	[tilespmem:s24+$0x0] =	vst v8;
	v8 =	vadd.f32 v14, v2  }
0x403: {  	[tilespmem:s7+$0x80] =	vst v10;
	v9 =	vadd.f32 v9, v4;
	s9 =	sor.u32 s4, s5;
	s31 =	sor.u32 s23, s1;
	v48 =	vld [tilespmem:s18+$0x0]  }
0x404: {  	s12 =	sor.u32 s25, s12;
	v10 =	vld [tilespmem:s31+$0x0];
	v3 =	vadd.f32 v15, v3;
	s31 =	sor.u32 s4, s21;
	s18 =	sadd.s32 $0x12180, s19;
	[tilespmem:s9+$0x0] =	vst v8  }
0x405: {  	[tilespmem:s12+$0x0] =	vst v9;
	s12 =	sadd.s32 $0x1A200, s6;
	v8 =	vld [tilespmem:s31+$0x0];
	s31 =	sor.u32 s20, s18  }
0x406: {  	v9 =	vld [tilespmem:s0+$0xA100];
	v12 =	vadd.f32 v12, v7;
	[tilespmem:s31+$0x0] =	vst v3;
	s31 =	sor.u32 s20, s12  }
0x407: {  	v3 =	vld [tilespmem:s31+$0x0];
	v13 =	vadd.f32 v47, v0  }
0x408: {  	s9 =	sor.u32 s14, s5;
	v11 =	vadd.f32 v11, v6;
	v49 =	vld [tilespmem:s10+$0x180];
	[tilespmem:s8+$0x80] =	vst v12;
	s31 =	sor.u32 s15, s1  }
0x409: {  	s0 =	sor.u32 s14, s21;
	v12 =	vld [tilespmem:s31+$0x0];
	v10 =	vadd.f32 v10, v1;
	[tilespmem:s9+$0x0] =	vst v13  }
0x40a: {  	v14 =	vadd.f32 v48, v5;
	[tilespmem:s3+$0x80] =	vst v11;
	s31 =	sadd.s32 $0xE000, s11;
	s9 =	sor.u32 s28, s1;
	v13 =	vld [tilespmem:s0+$0x0]  }
0x40b: {  	v11 =	vld [tilespmem:s9+$0x0];
	v9 =	vadd.f32 v9, v4;
	[tilespmem:s7+$0x100] =	vst v10;
	s0 =	sor.u32 s23, s31  }
0x40c: {  	s5 =	sor.u32 s25, s5;
	s1 =	sor.u32 s22, s1;
	[tilespmem:s24+$0x80] =	vst v14;
	v8 =	vadd.f32 v8, v2;
	v10 =	vld [tilespmem:s0+$0x0]  }
0x40d: {  	s9 =	sor.u32 s25, s21;
	s0 =	sor.u32 s4, s2;
	[tilespmem:s5+$0x0] =	vst v9;
	v9 =	vld [tilespmem:s1+$0x0];
	v50 =	vadd.f32 v49, v3;
	s5 =	sadd.s32 $0x13000, s19  }
0x40e: {  	[tilespmem:s0+$0x0] =	vst v8;
	v8 =	vld [tilespmem:s9+$0x0];
	v12 =	vadd.f32 v12, v7;
	s9 =	sor.u32 s20, s5  }
0x40f: {  	[tilespmem:s9+$0x0] =	vst v50  }
0x410: {  	s0 =	sor.u32 s15, s31;
	v14 =	vld [tilespmem:s17+$0xA180];
	v11 =	vadd.f32 v11, v6;
	[tilespmem:s8+$0x100] =	vst v12  }
0x411: {  	v12 =	vld [tilespmem:s0+$0x0];
	v1 =	vadd.f32 v10, v1  }
0x412: {  	s9 =	sor.u32 s28, s31;
	v13 =	vadd.f32 v13, v0;
	[tilespmem:s3+$0x100] =	vst v11  }
0x413: {  	s21 =	sor.u32 s14, s2;
	v11 =	vld [tilespmem:s9+$0x0];
	[tilespmem:s7+$0x180] =	vst v1;
	v1 =	vadd.f32 v9, v5  }
0x414: {  	s2 =	sor.u32 s25, s2;
	s1 =	sor.u32 s4, s30;
	[tilespmem:s21+$0x0] =	vst v13;
	v8 =	vadd.f32 v8, v4  }
0x415: {  	v51 =	vld [tilespmem:s1+$0x0];
	s1 =	sor.u32 s14, s30;
	s7 =	sadd.s32 $0x13080, s19;
	s0 =	rddreg [dreg:$0x5];
	[tilespmem:s24+$0x100] =	vst v1;
	v1 =	vadd.f32 v14, v3  }
0x416: {  	v10 =	vld [tilespmem:s1+$0x0];
	s1 =	sor.u32 s20, s7;
	s17 =	rddreg [dreg:$0x6];
	[tilespmem:s2+$0x0] =	vst v8;
	v7 =	vadd.f32 v12, v7  }
0x417: {  	[tilespmem:s1+$0x0] =	vst v1  }
0x418: {  	s29 =	smov.u32 s13;
	s10 =	sadd.s32 $0xC180, s6;
	s13 =	sor.u32 s22, s31;
	v9 =	vld [tilespmem:s0+$0x1A100];
	[tilespmem:s8+$0x180] =	vst v7;
	v1 =	vadd.f32 v11, v6  }
0x419: {  	s21 =	sor.u32 s25, s30;
	s30 =	smov.u32 s26;
	v52 =	vld [tilespmem:s17+$0x80];
	s26 =	sld [smem:$0x7B1]  }
0x41a: {  	v53 =	vld [tilespmem:s13+$0x0];
	s13 =	sor.u32 s20, s10;
	[tilespmem:s3+$0x180] =	vst v1  }
0x41b: {  	v54 =	vld [tilespmem:s13+$0x0];
	s3 =	sld [smem:$0x7B2]  }
0x41c: {  	s13 =	rddreg [dreg:$0x9];
	v7 =	vld [tilespmem:s26+$0x1A100]  }
0x41d: {  	v11 =	vld [tilespmem:s13+$0x80]  }
0x41e: {  	v1 =	vadd.f32 v52, v9;
	s2 =	sadd.s32 $0x11000, s3  }
0x41f: {  	v2 =	vadd.f32 v51, v2;
	v8 =	vld [tilespmem:s21+$0x0];
	s17 =	sor.u32 s23, s2  }
0x420: {  	s1 =	sor.u32 s4, s18;
	v55 =	vld [tilespmem:s16+$0x1A100];
	v5 =	vadd.f32 v53, v5;
	[tilespmem:s17+$0x0] =	vst v1  }
0x421: {  	s21 =	rddreg [dreg:$0xa];
	[tilespmem:s1+$0x0] =	vst v2;
	v2 =	vld [tilespmem:s0+$0xA080]  }
0x422: {  	[tilespmem:s24+$0x180] =	vst v5;
	v5 =	vadd.f32 v11, v7;
	v56 =	vld [tilespmem:s21+$0x80]  }
0x423: {  	s21 =	sor.u32 s15, s2  }
0x424: {  	v0 =	vadd.f32 v10, v0;
	v6 =	vld [tilespmem:s29+$0x1A100];
	[tilespmem:s21+$0x0] =	vst v5  }
0x425: {  	s31 =	smov.u32 s0;
	s1 =	sor.u32 s14, s18;
	v10 =	vld [tilespmem:s30+$0x80];
	s0 =	sld [smem:$0x7B3]  }
0x426: {  	[tilespmem:s1+$0x0] =	vst v0;
	s1 =	sadd.s32 $0x11080, s3;
	v0 =	vadd.f32 v2, v9  }
0x427: {  	s24 =	smov.u32 s3;
	v57 =	vld [tilespmem:s26+$0xA080];
	s3 =	sor.u32 s23, s1;
	v11 =	vadd.f32 v56, v55  }
0x428: {  	s17 =	sor.u32 s4, s12;
	v5 =	vld [tilespmem:s0+$0x180];
	s0 =	sor.u32 s28, s2;
	[tilespmem:s3+$0x0] =	vst v0  }
0x429: {  	v1 =	vld [tilespmem:s17+$0x0];
	v0 =	vadd.f32 v8, v4;
	[tilespmem:s0+$0x0] =	vst v11  }
0x42a: {  	s18 =	sor.u32 s25, s18;
	v10 =	vadd.f32 v10, v6;
	v4 =	vld [tilespmem:s16+$0xA080]  }
0x42b: {  	s8 =	sadd.s32 $0xC080, s11;
	s17 =	sor.u32 s14, s12;
	s2 =	sor.u32 s22, s2;
	[tilespmem:s18+$0x0] =	vst v0  }
0x42c: {  	v2 =	vld [tilespmem:s17+$0x0];
	s17 =	sor.u32 s23, s8;
	s0 =	sld [smem:$0x7B4];
	[tilespmem:s2+$0x0] =	vst v10;
	v10 =	vadd.f32 v57, v7  }
0x42d: {  	v8 =	vld [tilespmem:s17+$0x0];
	s17 =	sor.u32 s15, s1  }
0x42e: {  	s21 =	smov.u32 s16;
	v5 =	vadd.f32 v5, v1;
	[tilespmem:s17+$0x0] =	vst v10  }
0x42f: {  	s16 =	sor.u32 s25, s12;
	s18 =	sor.u32 s4, s5;
	s2 =	sld [smem:$0x7B5];
	v4 =	vadd.f32 v4, v55  }
0x430: {  	s12 =	sor.u32 s28, s1;
	v0 =	vld [tilespmem:s16+$0x0];
	[tilespmem:s18+$0x0] =	vst v5  }
0x431: {  	v11 =	vld [tilespmem:s0+$0x180];
	[tilespmem:s12+$0x0] =	vst v4  }
0x432: {  	v10 =	vld [tilespmem:s2+$0x180];
	s2 =	sld [smem:$0x7B6]  }
0x433: {  	v58 =	vld [tilespmem:s29+$0xA080];
	s0 =	sor.u32 s15, s8  }
0x434: {  	s16 =	sadd.s32 $0x11100, s24;
	v8 =	vadd.f32 v8, v9;
	v5 =	vld [tilespmem:s0+$0x0]  }
0x435: {  	v12 =	vadd.f32 v54, v3;
	s3 =	sadd.s32 $0x13100, s19;
	s18 =	sor.u32 s23, s16;
	v4 =	vld [tilespmem:s2+$0xA180];
	[smem:$0x7B7] =	sst s11  }
0x436: {  	s0 =	sor.u32 s20, s3;
	[tilespmem:s18+$0x0] =	vst v8;
	v8 =	vadd.f32 v11, v2  }
0x437: {  	s17 =	sor.u32 s28, s8;
	s12 =	sadd.s32 $0xE080, s11;
	[tilespmem:s0+$0x0] =	vst v12;
	s18 =	sor.u32 s14, s5  }
0x438: {  	v60 =	vadd.f32 v58, v6;
	s11 =	sor.u32 s23, s12;
	v59 =	vld [tilespmem:s17+$0x0];
	[tilespmem:s18+$0x0] =	vst v8  }
0x439: {  	v5 =	vadd.f32 v5, v7;
	s2 =	sadd.s32 $0xE180, s6;
	v11 =	vld [tilespmem:s11+$0x0];
	s11 =	sor.u32 s22, s1;
	s17 =	sld [smem:$0x7B8]  }
0x43a: {  	s0 =	sor.u32 s20, s2;
	v8 =	vadd.f32 v10, v0;
	s18 =	sor.u32 s25, s5;
	s5 =	sor.u32 s15, s16;
	[tilespmem:s11+$0x0] =	vst v60  }
0x43b: {  	v61 =	vld [tilespmem:s0+$0x0];
	[tilespmem:s5+$0x0] =	vst v5  }
0x43c: {  	s1 =	sor.u32 s22, s8;
	[tilespmem:s18+$0x0] =	vst v8;
	v4 =	vadd.f32 v4, v1;
	v10 =	vld [tilespmem:s17+$0xA180]  }
0x43d: {  	s6 =	sor.u32 s4, s7;
	s8 =	sor.u32 s15, s12;
	v12 =	vld [tilespmem:s1+$0x0];
	s0 =	sld [smem:$0x7B9]  }
0x43e: {  	s11 =	sor.u32 s4, s10;
	v62 =	vld [tilespmem:s8+$0x0];
	v5 =	vadd.f32 v59, v55;
	[tilespmem:s6+$0x0] =	vst v4  }
0x43f: {  	s9 =	smov.u32 s15;
	s15 =	sadd.s32 $0x11180, s24;
	v4 =	vadd.f32 v11, v9;
	s17 =	sor.u32 s28, s16;
	v9 =	vld [tilespmem:s11+$0x0]  }
0x440: {  	s1 =	sor.u32 s23, s15;
	[tilespmem:s17+$0x0] =	vst v5;
	v8 =	vld [tilespmem:s0+$0xA180]  }
0x441: {  	s18 =	sor.u32 s28, s12;
	[tilespmem:s1+$0x0] =	vst v4;
	v4 =	vadd.f32 v10, v2  }
0x442: {  	s5 =	sor.u32 s14, s7;
	v11 =	vld [tilespmem:s18+$0x0];
	v10 =	vadd.f32 v12, v6  }
0x443: {  	s6 =	sor.u32 s22, s16;
	s16 =	sor.u32 s25, s7;
	v7 =	vadd.f32 v62, v7;
	[tilespmem:s5+$0x0] =	vst v4  }
0x444: {  	s7 =	sadd.s32 $0x13180, s19;
	v5 =	vld [tilespmem:s31+$0x1A180];
	v9 =	vadd.f32 v9, v1;
	s5 =	sor.u32 s9, s15;
	s8 =	rddreg [dreg:$0x6];
	[tilespmem:s6+$0x0] =	vst v10  }
0x445: {  	s11 =	sor.u32 s14, s10;
	s1 =	sor.u32 s25, s10;
	s10 =	sor.u32 s4, s3;
	v8 =	vadd.f32 v8, v0;
	[tilespmem:s5+$0x0] =	vst v7;
	v4 =	vld [tilespmem:s8+$0x100]  }
0x446: {  	v3 =	vadd.f32 v61, v3;
	s17 =	sor.u32 s22, s12;
	s12 =	sor.u32 s14, s3;
	s19 =	sor.u32 s14, s7;
	v10 =	vld [tilespmem:s11+$0x0];
	[tilespmem:s10+$0x0] =	vst v9  }
0x447: {  	s18 =	smov.u32 s31;
	s31 =	smov.u32 s9;
	s11 =	sor.u32 s20, s7;
	v7 =	vadd.f32 v11, v55;
	v63 =	vld [tilespmem:s17+$0x0];
	[tilespmem:s16+$0x0] =	vst v8  }
0x448: {  	s6 =	sor.u32 s28, s15;
	s5 =	sor.u32 s4, s2;
	s20 =	sor.u32 s25, s2;
	[tilespmem:s11+$0x0] =	vst v3;
	v11 =	vld [tilespmem:s1+$0x0]  }
0x449: {  	s16 =	sor.u32 s25, s3;
	v3 =	vld [tilespmem:s26+$0x1A180];
	s11 =	smov.u32 s24;
	s8 =	sadd.s32 $0x12000, s24;
	[tilespmem:s6+$0x0] =	vst v7  }
0x44a: {  	v8 =	vld [tilespmem:s13+$0x100];
	s17 =	sor.u32 s4, s7;
	s13 =	smov.u32 s23;
	s3 =	rddreg [dreg:$0xa];
	v7 =	vadd.f32 v4, v5  }
0x44b: {  	s1 =	sor.u32 s14, s2;
	s24 =	sor.u32 s23, s8;
	s6 =	sor.u32 s25, s7;
	v9 =	vadd.f32 v10, v2;
	v10 =	vld [tilespmem:s3+$0x100]  }
0x44c: {  	s2 =	sor.u32 s22, s15;
	s23 =	smov.u32 s28;
	s7 =	sor.u32 s28, s8;
	v4 =	vld [tilespmem:s21+$0x1A180];
	[tilespmem:s24+$0x0] =	vst v7  }
0x44d: {  	s0 =	sor.u32 s22, s8;
	s3 =	sor.u32 s9, s8;
	s9 =	smov.u32 s22;
	v6 =	vadd.f32 v63, v6;
	[tilespmem:s12+$0x0] =	vst v9;
	v7 =	vadd.f32 v11, v0;
	v9 =	vld [tilespmem:s18+$0xA100]  }
.LBB2_13:
0x44e: {  	[smem:$0x7A3] =	sst s21  }
0x44f: {  	[smem:$0x7A1] =	sst s30  }
0x450: {  	[smem:$0x7A4] =	sst s20  }
0x451: {  	[dreg:$0x1f] =	wrdreg s6  }
0x452: {  	s8 =	rddreg [dreg:$0xb]  }
0x453: {  	[smem:$0x7B1] =	sst s26  }
0x454: {  	s12 =	smov.u32 s26;
	[smem:$0x7A6] =	sst s29;
	s8 =	sadd.s32 $0x40, s8;
	[tilespmem:s2+$0x0] =	vst v6  }
0x455: {  	s25 =	sand.u32 $0x40, s8;
	s20 =	sshll.u32 s8, $0x3;
	v6 =	vld [tilespmem:s29+$0x1A180];
	[tilespmem:s16+$0x0] =	vst v7;
	s16 =	smov.u32 s29  }
0x456: {  	[dreg:$0xb] =	wrdreg s8;
	p2 =	slt.u32 s8, $0x3C0;
	s29 =	sadd.s32 $0x12100, s11  }
0x457: {  	s18 =	sand.u32 $0xFFFFFC00, s20;
	s26 =	sor.u32 $0x10, s25;
	s28 =	sor.u32 $0x30, s25  }
0x458: {  	v11 =	vld [tilespmem:s5+$0x0];
	s20 =	sld [smem:$0x7B7];
	s2 =	sadd.s32 $0x8000, s18;
	s4 =	sor.u32 s28, s18  }
0x459: {  	v12 =	vld [tilespmem:s30+$0x100];
	s30 =	sor.u32 $0x20, s25;
	v8 =	vadd.f32 v8, v3;
	[smem:$0x794] =	sst s4;
	s22 =	sor.u32 s25, s2  }
0x45a: {  	v7 =	vld [tilespmem:s4+$0x1A080];
	s10 =	sor.u32 s28, s2;
	s4 =	sadd.s32 $0x12080, s11;
	s6 =	sor.u32 s26, s2  }
0x45b: {  	v9 =	vadd.f32 v9, v5;
	s15 =	sor.u32 s30, s2;
	[tilespmem:s3+$0x0] =	vst v8;
	v8 =	vadd.f32 v10, v4;
	v10 =	vld [tilespmem:s1+$0x0];
	[smem:$0x79B] =	sst s6;
	s14 =	sadd.s32 $0xC100, s20  }
0x45c: {  	v13 =	vld [tilespmem:s10+$0x0];
	s24 =	sor.u32 s13, s4;
	s3 =	sor.u32 s25, s18;
	[smem:$0x79D] =	sst s15  }
0x45d: {  	v1 =	vadd.f32 v11, v1;
	s1 =	sor.u32 s30, s18;
	[smem:$0x797] =	sst s3;
	v11 =	vld [tilespmem:s22+$0x0];
	[tilespmem:s24+$0x0] =	vst v9;
	s5 =	sor.u32 s13, s14  }
0x45e: {  	s2 =	sor.u32 s23, s4;
	[smem:$0x79C] =	sst s1;
	s24 =	sor.u32 s31, s4;
	[tilespmem:s7+$0x0] =	vst v8;
	v9 =	vld [tilespmem:s5+$0x0]  }
0x45f: {  	[tilespmem:s17+$0x0] =	vst v1;
	s17 =	sor.u32 s9, s4;
	s7 =	sor.u32 s26, s18;
	v8 =	vadd.f32 v12, v6;
	s5 =	sshll.u32 s8, $0x2;
	v37 =	vld [tilespmem:s6+$0x0]  }
0x460: {  	s8 =	sadd.s32 $0xA000, s18;
	[smem:$0x79A] =	sst s7;
	s4 =	sand.u32 $0x3FFFFE00, s5;
	v1 =	vadd.f32 v10, v2;
	v2 =	vld [tilespmem:s3+$0x1A080]  }
0x461: {  	s5 =	sor.u32 s31, s14;
	[smem:$0x799] =	sst s4;
	v10 =	vld [tilespmem:s15+$0x0];
	[tilespmem:s0+$0x0] =	vst v8;
	s3 =	sadd.s32 $0x10000, s4  }
0x462: {  	s15 =	sor.u32 s23, s14;
	v13 =	vadd.f32 v13, v7;
	s0 =	sor.u32 s25, s3;
	s4 =	sor.u32 s26, s3;
	[tilespmem:s19+$0x0] =	vst v1;
	v1 =	vld [tilespmem:s1+$0x1A080]  }
0x463: {  	s6 =	sor.u32 s30, s3;
	s19 =	sor.u32 s28, s8;
	v9 =	vadd.f32 v9, v5;
	v8 =	vld [tilespmem:s7+$0x1A080];
	s7 =	sor.u32 s28, s3  }
0x464: {  	v14 =	vld [tilespmem:s12+$0xA100];
	s1 =	sor.u32 s13, s29;
	s3 =	smov.u32 s31;
	s31 =	sadd.s32 $0xE100, s20;
	[tilespmem:s7+$0x0] =	vst v13  }
0x465: {  	[smem:$0x791] =	sst s15;
	s15 =	sor.u32 s9, s14;
	s14 =	sor.u32 s13, s31;
	v13 =	vld [tilespmem:s19+$0x0];
	[tilespmem:s1+$0x0] =	vst v9;
	v9 =	vadd.f32 v11, v2  }
0x466: {  	[smem:$0x798] =	sst s22;
	v11 =	vld [tilespmem:s14+$0x0]  }
0x467: {  	s22 =	smov.u32 s23;
	s12 =	sor.u32 s30, s8;
	[smem:$0x792] =	sst s15;
	[tilespmem:s0+$0x0] =	vst v9;
	v9 =	vadd.f32 v10, v1  }
0x468: {  	s15 =	sor.u32 s25, s8;
	v15 =	vld [tilespmem:s21+$0xA100];
	s21 =	sor.u32 s23, s31;
	s1 =	sor.u32 s23, s29;
	v12 =	vadd.f32 v37, v8  }
0x469: {  	s19 =	sor.u32 s26, s8;
	s23 =	sor.u32 s9, s29;
	[smem:$0x793] =	sst s1;
	v10 =	vld [tilespmem:s16+$0xA100];
	[tilespmem:s6+$0x0] =	vst v9;
	v9 =	vadd.f32 v14, v3  }
0x46a: {  	s14 =	sor.u32 s3, s31;
	[smem:$0x795] =	sst s23;
	s23 =	sor.u32 s9, s31;
	v16 =	vld [tilespmem:s15+$0x0];
	[tilespmem:s4+$0x0] =	vst v12;
	v38 =	vadd.f32 v13, v7  }
0x46b: {  	s31 =	sadd.s32 $0x12180, s11;
	[smem:$0x796] =	sst s23;
	s15 =	sadd.s32 $0xC000, s18;
	v40 =	vld [tilespmem:s12+$0x0];
	v5 =	vadd.f32 v11, v5;
	[tilespmem:s24+$0x0] =	vst v9  }
0x46c: {  	s23 =	sor.u32 s13, s31;
	s1 =	sor.u32 s28, s15;
	s12 =	sadd.s32 $0x1A200, s20;
	v39 =	vld [tilespmem:s19+$0x0];
	[tilespmem:s7+$0x80] =	vst v38  }
0x46d: {  	s8 =	sor.u32 s3, s29;
	s24 =	sor.u32 s13, s12;
	s29 =	sor.u32 s3, s12;
	v11 =	vld [tilespmem:s1+$0x0];
	[tilespmem:s23+$0x0] =	vst v5  }
0x46e: {  	v10 =	vadd.f32 v10, v6;
	s23 =	sor.u32 s9, s12;
	v5 =	vld [tilespmem:s24+$0x0];
	s24 =	sor.u32 s22, s12;
	s12 =	sld [smem:$0x791]  }
0x46f: {  	v41 =	vld [tilespmem:s5+$0x0];
	v42 =	vadd.f32 v16, v2;
	[smem:$0x79E] =	sst s24  }
0x470: {  	v9 =	vadd.f32 v15, v4;
	[tilespmem:s17+$0x0] =	vst v10;
	s24 =	rddreg [dreg:$0x6]  }
0x471: {  	s19 =	sor.u32 s25, s15;
	[tilespmem:s0+$0x80] =	vst v42;
	v43 =	vadd.f32 v40, v1;
	v10 =	vld [tilespmem:s24+$0x180]  }
0x472: {  	s16 =	sor.u32 s26, s15;
	[tilespmem:s2+$0x0] =	vst v9;
	[smem:$0x79F] =	sst s23;
	s23 =	smov.u32 s10;
	v9 =	vadd.f32 v39, v8;
	v15 =	vld [tilespmem:s19+$0x0]  }
0x473: {  	s1 =	sor.u32 s30, s15;
	s17 =	sadd.s32 $0xE000, s18;
	[dreg:$0x6] =	wrdreg s23;
	v44 =	vld [tilespmem:s12+$0x0];
	[tilespmem:s6+$0x80] =	vst v43  }
0x474: {  	s2 =	sor.u32 s30, s17;
	s19 =	sor.u32 s28, s17;
	v12 =	vadd.f32 v41, v3;
	s12 =	sor.u32 s25, s17;
	[tilespmem:s4+$0x80] =	vst v9;
	v13 =	vld [tilespmem:s1+$0x0]  }
0x475: {  	v9 =	vadd.f32 v11, v7;
	s1 =	sadd.s32 $0x13000, s11;
	v11 =	vld [tilespmem:s16+$0x0];
	s16 =	sor.u32 s26, s17;
	s17 =	sld [smem:$0x792]  }
0x476: {  	[tilespmem:s8+$0x0] =	vst v12;
	s24 =	sor.u32 s3, s1;
	s8 =	rddreg [dreg:$0x5]  }
0x477: {  	s10 =	sor.u32 s22, s1;
	[smem:$0x7A0] =	sst s24  }
0x478: {  	[smem:$0x7A2] =	sst s10  }
0x479: {  	[tilespmem:s7+$0x100] =	vst v9;
	v47 =	vld [tilespmem:s14+$0x0];
	s24 =	sld [smem:$0x793];
	v10 =	vadd.f32 v10, v5  }
0x47a: {  	s10 =	sld [smem:$0x794];
	v9 =	vld [tilespmem:s19+$0x0];
	s19 =	sor.u32 s13, s1;
	v15 =	vadd.f32 v15, v2  }
0x47b: {  	s14 =	sld [smem:$0x795];
	s1 =	sor.u32 s9, s1;
	v45 =	vadd.f32 v44, v4;
	v46 =	vld [tilespmem:s17+$0x0];
	s17 =	sadd.s32 $0xC180, s20;
	[tilespmem:s19+$0x0] =	vst v10  }
0x47c: {  	[smem:$0x7A5] =	sst s1;
	[tilespmem:s0+$0x100] =	vst v15;
	v10 =	vadd.f32 v11, v8;
	v11 =	vld [tilespmem:s8+$0xA180];
	s8 =	sor.u32 s3, s17  }
0x47d: {  	[tilespmem:s24+$0x0] =	vst v45;
	s24 =	smov.u32 s10;
	s10 =	sor.u32 s22, s17;
	[smem:$0x7A8] =	sst s8  }
0x47e: {  	v48 =	vadd.f32 v13, v1;
	v15 =	vld [tilespmem:s12+$0x0];
	s12 =	sadd.s32 $0x13080, s11;
	[smem:$0x7AB] =	sst s10  }
0x47f: {  	v49 =	vld [tilespmem:s21+$0x0];
	s21 =	sor.u32 s22, s12;
	[dreg:$0x5] =	wrdreg s24  }
0x480: {  	[tilespmem:s6+$0x100] =	vst v48;
	s1 =	sor.u32 s9, s12;
	[smem:$0x7AA] =	sst s21  }
0x481: {  	[tilespmem:s4+$0x100] =	vst v10;
	v7 =	vadd.f32 v9, v7;
	v12 =	vld [tilespmem:s2+$0x0];
	[smem:$0x7AC] =	sst s1;
	s2 =	sor.u32 s9, s17  }
0x482: {  	v9 =	vld [tilespmem:s16+$0x0];
	v10 =	vadd.f32 v46, v6;
	s16 =	sor.u32 s3, s12;
	[smem:$0x7AD] =	sst s2  }
0x483: {  	s5 =	sor.u32 s3, s31;
	[tilespmem:s7+$0x180] =	vst v7;
	v7 =	vadd.f32 v47, v3;
	[smem:$0x7A7] =	sst s16  }
0x484: {  	s19 =	sor.u32 s13, s12;
	s16 =	sadd.s32 $0x13100, s11;
	[tilespmem:s14+$0x0] =	vst v10;
	v10 =	vadd.f32 v11, v5;
	v11 =	vld [tilespmem:s23+$0x80];
	s23 =	sld [smem:$0x796]  }
0x485: {  	s7 =	sor.u32 s13, s17;
	s17 =	sld [smem:$0x798];
	s1 =	sor.u32 s9, s16;
	[tilespmem:s5+$0x0] =	vst v7;
	v4 =	vadd.f32 v49, v4  }
0x486: {  	s15 =	sor.u32 s22, s31;
	v3 =	vld [tilespmem:s24+$0x1A100];
	v2 =	vadd.f32 v15, v2;
	[smem:$0x7AF] =	sst s1;
	[tilespmem:s19+$0x0] =	vst v10  }
0x487: {  	v50 =	vld [tilespmem:s23+$0x0];
	[tilespmem:s15+$0x0] =	vst v4;
	s15 =	sld [smem:$0x797]  }
0x488: {  	[tilespmem:s0+$0x180] =	vst v2;
	v7 =	vadd.f32 v9, v8;
	v8 =	vld [tilespmem:s7+$0x0];
	s7 =	sld [smem:$0x799]  }
0x489: {  	v2 =	vadd.f32 v12, v1;
	v1 =	vld [tilespmem:s29+$0x0];
	s29 =	sld [smem:$0x79A]  }
0x48a: {  	v9 =	vld [tilespmem:s17+$0x80];
	[tilespmem:s4+$0x180] =	vst v7;
	s4 =	sld [smem:$0x79B]  }
0x48b: {  	s1 =	sld [smem:$0x79D];
	[tilespmem:s6+$0x180] =	vst v2;
	v2 =	vadd.f32 v11, v3;
	v4 =	vld [tilespmem:s15+$0x1A100];
	s12 =	sadd.s32 $0x11000, s7  }
0x48c: {  	s19 =	sor.u32 s3, s16;
	s0 =	sld [smem:$0x79C];
	v7 =	vld [tilespmem:s29+$0x1A100];
	s14 =	sor.u32 s28, s12;
	v6 =	vadd.f32 v50, v6  }
0x48d: {  	s31 =	sor.u32 s9, s31;
	[smem:$0x7AE] =	sst s19;
	v10 =	vld [tilespmem:s4+$0x80];
	[tilespmem:s14+$0x0] =	vst v2  }
0x48e: {  	s20 =	sadd.s32 $0xE180, s20;
	s23 =	sor.u32 s22, s16;
	s19 =	rddreg [dreg:$0x9];
	v2 =	vadd.f32 v8, v5;
	v8 =	vld [tilespmem:s24+$0xA080];
	[tilespmem:s31+$0x0] =	vst v6  }
0x48f: {  	s21 =	sor.u32 s13, s16;
	s16 =	sor.u32 s22, s20;
	[smem:$0x7B0] =	sst s23;
	v6 =	vld [tilespmem:s0+$0x1A100]  }
0x490: {  	s2 =	sor.u32 s9, s20;
	[smem:$0x7A9] =	sst s16;
	s16 =	smov.u32 s17;
	[tilespmem:s21+$0x0] =	vst v2;
	v2 =	vadd.f32 v9, v4;
	v11 =	vld [tilespmem:s1+$0x80]  }
0x491: {  	s5 =	sor.u32 s13, s20;
	[dreg:$0x9] =	wrdreg s16;
	s6 =	sor.u32 s25, s12  }
0x492: {  	s8 =	sor.u32 s26, s12;
	s10 =	sor.u32 s30, s12;
	s12 =	sor.u32 s3, s20;
	v9 =	vld [tilespmem:s5+$0x0];
	[tilespmem:s6+$0x0] =	vst v2;
	v2 =	vadd.f32 v10, v7  }
0x493: {  	s31 =	smov.u32 s18;
	s21 =	sld [smem:$0x79E];
	s6 =	sadd.s32 $0x11080, s7;
	v10 =	vld [tilespmem:s19+$0x180];
	v8 =	vadd.f32 v8, v3  }
0x494: {  	s18 =	sadd.s32 $0x13180, s11;
	s5 =	smov.u32 s15;
	v51 =	vld [tilespmem:s15+$0xA080];
	s20 =	sor.u32 s28, s6;
	[tilespmem:s8+$0x0] =	vst v2  }
0x495: {  	s14 =	sadd.s32 $0xC080, s31;
	s13 =	sor.u32 s13, s18;
	s11 =	sor.u32 s3, s18;
	[tilespmem:s20+$0x0] =	vst v8;
	v8 =	vadd.f32 v11, v6  }
0x496: {  	s23 =	sor.u32 s28, s14;
	s15 =	sor.u32 s25, s6;
	s8 =	sld [smem:$0x79F];
	v52 =	vld [tilespmem:s29+$0xA080]  }
0x497: {  	s17 =	sor.u32 s26, s6;
	s19 =	sor.u32 s25, s14;
	v5 =	vadd.f32 v9, v5;
	v9 =	vld [tilespmem:s23+$0x0];
	[tilespmem:s10+$0x0] =	vst v8;
	s10 =	sld [smem:$0x7A0]  }
0x498: {  	v2 =	vld [tilespmem:s21+$0x0];
	s20 =	sor.u32 s30, s6;
	s21 =	sor.u32 s26, s14;
	s6 =	rddreg [dreg:$0xa];
	v10 =	vadd.f32 v10, v1  }
0x499: {  	s23 =	sor.u32 s30, s14;
	v11 =	vld [tilespmem:s6+$0x180];
	s6 =	sor.u32 s22, s18;
	s14 =	sor.u32 s9, s18;
	[tilespmem:s13+$0x0] =	vst v5;
	v5 =	vadd.f32 v51, v4  }
0x49a: {  	s22 =	smov.u32 s26;
	s9 =	smov.u32 s28;
	s18 =	sld [smem:$0x7A1];
	v8 =	vld [tilespmem:s8+$0x0];
	[tilespmem:s10+$0x0] =	vst v10  }
0x49b: {  	s26 =	sld [smem:$0x7B1];
	v53 =	vld [tilespmem:s0+$0xA080];
	s8 =	smov.u32 s4;
	s4 =	smov.u32 s7;
	[tilespmem:s15+$0x0] =	vst v5;
	v5 =	vadd.f32 v52, v7  }
0x49c: {  	s28 =	smov.u32 s30;
	s30 =	smov.u32 s1;
	v9 =	vadd.f32 v9, v3;
	v54 =	vld [tilespmem:s19+$0x0];
	s19 =	sadd.s32 $0x11100, s4  }
0x49d: {  	s1 =	sld [smem:$0x7A7];
	s13 =	smov.u32 s25;
	v10 =	vld [tilespmem:s18+$0x180];
	[tilespmem:s17+$0x0] =	vst v5;
	s25 =	sor.u32 s9, s19  }
0x49e: {  	s15 =	sadd.s32 $0xE080, s31;
	v5 =	vld [tilespmem:s26+$0xA180];
	[tilespmem:s25+$0x0] =	vst v9;
	s25 =	sld [smem:$0x7A2]  }
0x49f: {  	v11 =	vadd.f32 v11, v2;
	s7 =	sor.u32 s9, s15;
	s26 =	sld [smem:$0x7A3];
	v55 =	vld [tilespmem:s21+$0x0]  }
0x4a0: {  	v9 =	vadd.f32 v53, v6;
	v56 =	vld [tilespmem:s7+$0x0];
	s7 =	sld [smem:$0x7A4]  }
0x4a1: {  	s10 =	sor.u32 s13, s19;
	s18 =	sor.u32 s22, s19;
	s3 =	sor.u32 s28, s19;
	[tilespmem:s25+$0x0] =	vst v11  }
0x4a2: {  	[tilespmem:s20+$0x0] =	vst v9;
	v13 =	vadd.f32 v54, v4;
	v11 =	vld [tilespmem:s26+$0xA180];
	s26 =	smov.u32 s5;
	s5 =	smov.u32 s12;
	s12 =	sld [smem:$0x7A5]  }
0x4a3: {  	s19 =	sor.u32 s13, s15;
	s17 =	sld [smem:$0x7A6];
	s21 =	sor.u32 s22, s15;
	v10 =	vadd.f32 v10, v8;
	v9 =	vld [tilespmem:s7+$0x0]  }
0x4a4: {  	s25 =	smov.u32 s29;
	v57 =	vld [tilespmem:s23+$0x0];
	s29 =	smov.u32 s0;
	s0 =	rddreg [dreg:$0x1f];
	v5 =	vadd.f32 v5, v1;
	[tilespmem:s10+$0x0] =	vst v13  }
0x4a5: {  	s20 =	smov.u32 s2;
	s23 =	sadd.s32 $0x11180, s4;
	s7 =	sld [smem:$0x7A8];
	v59 =	vld [tilespmem:s19+$0x0];
	[tilespmem:s12+$0x0] =	vst v10;
	v10 =	vadd.f32 v55, v7  }
0x4a6: {  	s2 =	sor.u32 s28, s23;
	s10 =	sor.u32 s13, s23;
	s19 =	smov.u32 s6;
	v3 =	vadd.f32 v56, v3;
	[tilespmem:s1+$0x0] =	vst v5;
	v58 =	vld [tilespmem:s17+$0xA180]  }
0x4a7: {  	s6 =	sor.u32 s9, s23;
	s12 =	sor.u32 s22, s23;
	s23 =	rddreg [dreg:$0x6];
	[tilespmem:s18+$0x0] =	vst v10  }
0x4a8: {  	[tilespmem:s6+$0x0] =	vst v3;
	v3 =	vadd.f32 v9, v0;
	s18 =	sld [smem:$0x7AA];
	v60 =	vld [tilespmem:s21+$0x0]  }
0x4a9: {  	v10 =	vld [tilespmem:s7+$0x0];
	v11 =	vadd.f32 v11, v2;
	s7 =	sld [smem:$0x7AB]  }
0x4aa: {  	s17 =	smov.u32 s11;
	s11 =	sld [smem:$0x7AC];
	v0 =	vmov v8;
	v8 =	vadd.f32 v57, v6;
	v5 =	vld [tilespmem:s24+$0x1A180];
	[tilespmem:s0+$0x0] =	vst v3  }
0x4ab: {  	s6 =	smov.u32 s14;
	s14 =	sld [smem:$0x7AD];
	v9 =	vld [tilespmem:s23+$0x100];
	[tilespmem:s18+$0x0] =	vst v11;
	v11 =	vadd.f32 v58, v0  }
0x4ac: {  	[smem:$0x7B7] =	sst s31;
	s15 =	sor.u32 s28, s15;
	v3 =	vadd.f32 v59, v4;
	[tilespmem:s3+$0x0] =	vst v8;
	v61 =	vld [tilespmem:s7+$0x0]  }
0x4ad: {  	s18 =	sadd.s32 $0x12000, s4;
	v62 =	vld [tilespmem:s15+$0x0];
	s15 =	sld [smem:$0x7AE];
	[tilespmem:s11+$0x0] =	vst v11;
	v7 =	vadd.f32 v60, v7  }
0x4ae: {  	s31 =	smov.u32 s13;
	s21 =	smov.u32 s25;
	[tilespmem:s10+$0x0] =	vst v3;
	s3 =	sor.u32 s13, s18;
	v4 =	vadd.f32 v10, v1;
	v11 =	vld [tilespmem:s14+$0x0]  }
.Ltmp5:
0x4af: {  	s13 =	smov.u32 s9;
	s0 =	sor.u32 s28, s18;
	v3 =	vld [tilespmem:s26+$0x1A180];
	[tilespmem:s12+$0x0] =	vst v7;
	(pc) =	sbr.rel @p2 .LBB2_13-.Ltmp5, $4  }
0x4b0: {  	[tilespmem:s15+$0x0] =	vst v4;
	v7 =	vadd.f32 v9, v5;
	v4 =	vld [tilespmem:s25+$0x1A180];
	s25 =	sor.u32 s9, s18;
	s9 =	smov.u32 s28;
	s28 =	sld [smem:$0x7B0]  }
0x4b1: {  	[dreg:$0xa] =	wrdreg s8;
	v8 =	vld [tilespmem:s16+$0x100];
	v63 =	vadd.f32 v61, v2  }
0x4b2: {  	s1 =	sld [smem:$0x7A9];
	s23 =	smov.u32 s22;
	v10 =	vld [tilespmem:s8+$0x100];
	[tilespmem:s25+$0x0] =	vst v7  }
0x4b3: {  	s7 =	sor.u32 s22, s18;
	s11 =	smov.u32 s4;
	s16 =	sld [smem:$0x7AF];
	v6 =	vadd.f32 v62, v6;
	v9 =	vld [tilespmem:s24+$0xA100];
	[tilespmem:s28+$0x0] =	vst v63;
	v7 =	vadd.f32 v11, v0  }
0x4b4: {  	_ = 	snop  }
0x4b5: {  	[tilespmem:s2+$0x0] =	vst v6  }
0x4b6: {  	v6 =	vld [tilespmem:s29+$0x1A180]  }
0x4b7: {  	v11 =	vld [tilespmem:s30+$0x100]  }
0x4b8: {  	v8 =	vadd.f32 v8, v3;
	_ =	sdelay $0x1  }
0x4b9: {  	[tilespmem:s3+$0x0] =	vst v8;
	v8 =	vadd.f32 v10, v4;
	_ =	sdelay $0x1  }
0x4ba: {  	[tilespmem:s7+$0x0] =	vst v8;
	v8 =	vadd.f32 v11, v6;
	_ =	sdelay $0x1  }
0x4bb: {  	v10 =	vld [tilespmem:s26+$0xA100];
	[tilespmem:s0+$0x0] =	vst v8  }
0x4bc: {  	s22 =	sld [smem:$0x7B7]  }
0x4bd: {  	v11 =	vld [tilespmem:s21+$0xA100]  }
0x4be: {  	s18 =	sadd.s32 $0x12080, s11;
	v9 =	vadd.f32 v9, v5  }
0x4bf: {  	s25 =	sor.u32 s13, s18;
	v8 =	vld [tilespmem:s29+$0xA100];
	s24 =	sadd.s32 $0xC100, s22  }
0x4c0: {  	[tilespmem:s25+$0x0] =	vst v9;
	v9 =	vadd.f32 v10, v3;
	s28 =	sor.u32 s13, s24  }
0x4c1: {  	s4 =	sor.u32 s31, s18;
	v10 =	vld [tilespmem:s28+$0x0]  }
0x4c2: {  	[tilespmem:s4+$0x0] =	vst v9;
	v9 =	vadd.f32 v11, v4;
	s7 =	sor.u32 s31, s24  }
0x4c3: {  	s8 =	sor.u32 s23, s18;
	v11 =	vld [tilespmem:s7+$0x0]  }
0x4c4: {  	s10 =	sor.u32 s23, s24;
	[tilespmem:s8+$0x0] =	vst v9;
	v8 =	vadd.f32 v8, v6  }
0x4c5: {  	s2 =	sor.u32 s9, s18;
	v9 =	vld [tilespmem:s10+$0x0]  }
0x4c6: {  	s12 =	sadd.s32 $0x12100, s11;
	s0 =	sor.u32 s9, s24;
	[tilespmem:s2+$0x0] =	vst v8;
	v10 =	vadd.f32 v10, v5  }
0x4c7: {  	s15 =	sor.u32 s13, s12;
	v8 =	vld [tilespmem:s0+$0x0]  }
0x4c8: {  	s14 =	sadd.s32 $0xE100, s22;
	[tilespmem:s15+$0x0] =	vst v10;
	v10 =	vadd.f32 v11, v3  }
0x4c9: {  	s18 =	sor.u32 s13, s14;
	s24 =	sor.u32 s31, s12  }
0x4ca: {  	s25 =	sor.u32 s31, s14;
	v9 =	vadd.f32 v9, v4;
	v11 =	vld [tilespmem:s18+$0x0];
	[tilespmem:s24+$0x0] =	vst v10  }
0x4cb: {  	s28 =	sor.u32 s23, s12;
	v10 =	vld [tilespmem:s25+$0x0]  }
0x4cc: {  	s7 =	sor.u32 s23, s14;
	[tilespmem:s28+$0x0] =	vst v9;
	v8 =	vadd.f32 v8, v6  }
0x4cd: {  	s3 =	sor.u32 s9, s12;
	v9 =	vld [tilespmem:s7+$0x0]  }
0x4ce: {  	s8 =	sor.u32 s9, s14;
	[tilespmem:s3+$0x0] =	vst v8  }
0x4cf: {  	s10 =	sadd.s32 $0x12180, s11;
	v8 =	vld [tilespmem:s8+$0x0];
	v5 =	vadd.f32 v11, v5  }
0x4d0: {  	s12 =	sadd.s32 $0x1A200, s22;
	s14 =	sor.u32 s13, s10;
	v3 =	vadd.f32 v10, v3  }
0x4d1: {  	s15 =	sor.u32 s13, s12;
	s18 =	sor.u32 s31, s10;
	[tilespmem:s14+$0x0] =	vst v5  }
0x4d2: {  	v5 =	vld [tilespmem:s15+$0x0];
	s7 =	rddreg [dreg:$0x6];
	[tilespmem:s18+$0x0] =	vst v3;
	v3 =	vadd.f32 v9, v4  }
0x4d3: {  	s24 =	sor.u32 s31, s12;
	s25 =	sor.u32 s23, s10;
	v10 =	vld [tilespmem:s7+$0x180]  }
0x4d4: {  	s28 =	sor.u32 s23, s12;
	v4 =	vld [tilespmem:s24+$0x0];
	[tilespmem:s25+$0x0] =	vst v3;
	v3 =	vadd.f32 v8, v6  }
0x4d5: {  	s2 =	sor.u32 s9, s10;
	s4 =	rddreg [dreg:$0x9];
	v8 =	vld [tilespmem:s28+$0x0]  }
0x4d6: {  	v6 =	vld [tilespmem:s4+$0x180];
	s4 =	sor.u32 s9, s12;
	[tilespmem:s2+$0x0] =	vst v3  }
0x4d7: {  	s2 =	rddreg [dreg:$0xa];
	v9 =	vld [tilespmem:s4+$0x0]  }
0x4d8: {  	v3 =	vld [tilespmem:s2+$0x180]  }
0x4d9: {  	s7 =	sadd.s32 $0x13000, s11;
	v11 =	vld [tilespmem:s30+$0x180];
	v10 =	vadd.f32 v10, v5  }
0x4da: {  	s8 =	sor.u32 s13, s7  }
0x4db: {  	[tilespmem:s8+$0x0] =	vst v10  }
0x4dc: {  	s12 =	rddreg [dreg:$0x5];
	v6 =	vadd.f32 v6, v4  }
0x4dd: {  	s10 =	sor.u32 s31, s7;
	v10 =	vld [tilespmem:s12+$0xA180];
	v3 =	vadd.f32 v3, v8  }
0x4de: {  	s14 =	sor.u32 s23, s7;
	[tilespmem:s10+$0x0] =	vst v6;
	v6 =	vadd.f32 v11, v9  }
0x4df: {  	s0 =	sor.u32 s9, s7;
	v11 =	vld [tilespmem:s26+$0xA180];
	[tilespmem:s14+$0x0] =	vst v3  }
0x4e0: {  	[tilespmem:s0+$0x0] =	vst v6;
	v3 =	vld [tilespmem:s21+$0xA180]  }
0x4e1: {  	v6 =	vld [tilespmem:s29+$0xA180]  }
0x4e2: {  	s15 =	sadd.s32 $0x13080, s11;
	v10 =	vadd.f32 v10, v5  }
0x4e3: {  	s18 =	sadd.s32 $0xC180, s22;
	s21 =	sor.u32 s13, s15  }
0x4e4: {  	s24 =	sor.u32 s13, s18;
	[tilespmem:s21+$0x0] =	vst v10;
	v10 =	vadd.f32 v11, v4  }
0x4e5: {  	s25 =	sor.u32 s31, s15;
	v11 =	vld [tilespmem:s24+$0x0];
	v3 =	vadd.f32 v3, v8  }
0x4e6: {  	s28 =	sor.u32 s31, s18;
	s26 =	sor.u32 s23, s15;
	[tilespmem:s25+$0x0] =	vst v10;
	v6 =	vadd.f32 v6, v9  }
0x4e7: {  	s30 =	sor.u32 s23, s18;
	s0 =	sor.u32 s9, s15;
	v10 =	vld [tilespmem:s28+$0x0];
	[tilespmem:s26+$0x0] =	vst v3  }
0x4e8: {  	s2 =	sor.u32 s9, s18;
	[tilespmem:s0+$0x0] =	vst v6;
	v3 =	vld [tilespmem:s30+$0x0]  }
0x4e9: {  	v6 =	vld [tilespmem:s2+$0x0]  }
0x4ea: {  	s4 =	sadd.s32 $0x13100, s11;
	v11 =	vadd.f32 v11, v5  }
0x4eb: {  	v12 =	vld [tilespmem:s5+$0x0];
	s5 =	sadd.s32 $0xE180, s22;
	s7 =	sor.u32 s13, s4  }
0x4ec: {  	v13 =	vld [tilespmem:s1+$0x0];
	s8 =	sor.u32 s13, s5;
	[tilespmem:s7+$0x0] =	vst v11;
	v10 =	vadd.f32 v10, v4  }
0x4ed: {  	[tilespmem:s16+$0x0] =	vst v7;
	s10 =	sor.u32 s31, s4;
	v7 =	vld [tilespmem:s8+$0x0];
	v3 =	vadd.f32 v3, v8  }
0x4ee: {  	s12 =	sor.u32 s23, s4;
	s14 =	sor.u32 s31, s5;
	v11 =	vld [tilespmem:s20+$0x0];
	[tilespmem:s10+$0x0] =	vst v10;
	v6 =	vadd.f32 v6, v9  }
0x4ef: {  	s15 =	sor.u32 s23, s5;
	s0 =	sor.u32 s9, s4;
	[tilespmem:s12+$0x0] =	vst v3;
	v3 =	vld [tilespmem:s14+$0x0]  }
0x4f0: {  	v1 =	vadd.f32 v12, v1;
	s16 =	sor.u32 s9, s5;
	[tilespmem:s0+$0x0] =	vst v6;
	v6 =	vld [tilespmem:s15+$0x0]  }
0x4f1: {  	v2 =	vadd.f32 v13, v2;
	v10 =	vld [tilespmem:s16+$0x0]  }
0x4f2: {  	s18 =	sadd.s32 $0x13180, s11;
	[tilespmem:s17+$0x0] =	vst v1;
	v1 =	vadd.f32 v7, v5  }
0x4f3: {  	[tilespmem:s19+$0x0] =	vst v2;
	s20 =	sor.u32 s13, s18;
	v0 =	vadd.f32 v11, v0  }
0x4f4: {  	[tilespmem:s20+$0x0] =	vst v1;
	v1 =	vadd.f32 v3, v4  }
0x4f5: {  	s21 =	sor.u32 s31, s18;
	[tilespmem:s6+$0x0] =	vst v0;
	v0 =	vadd.f32 v6, v8  }
0x4f6: {  	s22 =	sor.u32 s23, s18;
	[tilespmem:s21+$0x0] =	vst v1;
	v1 =	vadd.f32 v10, v9  }
0x4f7: {  	s0 =	sor.u32 s9, s18;
	s1 =	sld [smem:$0x7E9];
	[tilespmem:s22+$0x0] =	vst v0  }
0x4f8: {  	[tilespmem:s0+$0x0] =	vst v1  }
0x4f9: {  	s0 =	sld [smem:$0x7F7]  }
0x4fa: {  	s23 =	simm.s32 $0x0;
	s1 =	sshll.u32 s1, $0x9  }
0x4fb: {  	s24 =	simm.s32 $0x10000;
	s25 =	simm.s32 $0x0;
	s1 =	sand.u32 $0x1FFFF000, s1  }
0x4fc: {  	s26 =	simm.s32 $0x6;
	[smem:$0x77E] =	sst s1;
	s0 =	sadd.s32 s1, s0  }
0x4fd: {  	[hbm4b:s0+s23] =	stream.linear.scatter [tilespmem:s24], [sflag:$0x5], $0x4000, $0x38;
	[tilespmem:$0x1F400] =	vst v63  }
0x4fe: {  	s5 =	sand.u32 $0x40, s25;
	s28 =	simm.s32 $0x0;
	_ =	swait.ge [sflag:s26], $0x4000  }
0x4ff: {  	s8 =	sand.u32 $0xFFFFFC00, s28;
	s21 =	sor.u32 $0x30, s5;
	[sflag:s26] =	ssyncset.done $0x0  }
0x500: {  	s30 =	sadd.s32 $0x8000, s8;
	s13 =	sor.u32 s21, s8;
	[sflag:s26] =	ssyncadd.s32 $0xFFFFC000  }
0x501: {  	s17 =	sor.u32 s21, s30;
	v0 =	vld [tilespmem:s13+$0x1A280]  }
0x502: {  	v1 =	vld [tilespmem:s17+$0x200];
	_ =	sdelay $0x2  }
0x503: {  	s3 =	simm.s32 $0x0  }
0x504: {  	s2 =	sand.u32 $0x3FFFFE00, s3  }
0x505: {  	s12 =	sadd.s32 $0x14000, s2;
	v1 =	vadd.f32 v1, v0  }
0x506: {  	s14 =	sadd.s32 $0xA200, s8;
	s4 =	sor.u32 s21, s12  }
0x507: {  	s6 =	sor.u32 s21, s14;
	[tilespmem:s4+$0x0] =	vst v1  }
0x508: {  	v1 =	vld [tilespmem:s6+$0x0]  }
0x509: {  	s22 =	sor.u32 s5, s30  }
0x50a: {  	s31 =	sor.u32 s5, s8;
	s24 =	sor.u32 $0x10, s5;
	v2 =	vld [tilespmem:s22+$0x200]  }
0x50b: {  	s9 =	sor.u32 s24, s30;
	v3 =	vld [tilespmem:s31+$0x1A280]  }
0x50c: {  	v4 =	vld [tilespmem:s9+$0x200];
	s4 =	sor.u32 s24, s8;
	[smem:$0x77F] =	sst s9  }
0x50d: {  	s11 =	sadd.s32 $0x14080, s2;
	v5 =	vld [tilespmem:s4+$0x1A280];
	v1 =	vadd.f32 v1, v0  }
0x50e: {  	s7 =	sor.u32 s21, s11;
	s6 =	sadd.s32 $0xC200, s8  }
0x50f: {  	s10 =	sor.u32 s21, s6;
	[tilespmem:s7+$0x0] =	vst v1  }
0x510: {  	v1 =	vadd.f32 v2, v3;
	v2 =	vld [tilespmem:s10+$0x0]  }
0x511: {  	s15 =	sor.u32 s5, s12  }
0x512: {  	s16 =	sor.u32 s5, s14;
	[tilespmem:s15+$0x0] =	vst v1;
	v1 =	vadd.f32 v4, v5  }
0x513: {  	s18 =	sor.u32 s24, s12;
	v4 =	vld [tilespmem:s16+$0x0]  }
0x514: {  	s19 =	sor.u32 s24, s14;
	[tilespmem:s18+$0x0] =	vst v1  }
0x515: {  	s0 =	sadd.s32 $0x14100, s2;
	v1 =	vld [tilespmem:s19+$0x0];
	v2 =	vadd.f32 v2, v0  }
0x516: {  	s3 =	sadd.s32 $0xE200, s8;
	s20 =	sor.u32 s21, s0  }
0x517: {  	s25 =	sor.u32 $0x20, s5;
	s23 =	sor.u32 s21, s3;
	[tilespmem:s20+$0x0] =	vst v2  }
0x518: {  	s10 =	sor.u32 s25, s30;
	v2 =	vadd.f32 v4, v3;
	v4 =	vld [tilespmem:s23+$0x0]  }
0x519: {  	s26 =	sor.u32 s5, s11;
	s7 =	sor.u32 s25, s8;
	v6 =	vld [tilespmem:s10+$0x200];
	[smem:$0x780] =	sst s10  }
0x51a: {  	s15 =	sor.u32 s5, s6;
	v7 =	vld [tilespmem:s7+$0x1A280];
	[tilespmem:s26+$0x0] =	vst v2;
	v1 =	vadd.f32 v1, v5  }
0x51b: {  	s28 =	sor.u32 s24, s11;
	v2 =	vld [tilespmem:s15+$0x0]  }
0x51c: {  	s30 =	sor.u32 s24, s6;
	[tilespmem:s28+$0x0] =	vst v1  }
0x51d: {  	s1 =	sadd.s32 $0x14180, s2;
	v1 =	vld [tilespmem:s30+$0x0];
	v0 =	vadd.f32 v4, v0  }
0x51e: {  	s16 =	sor.u32 s21, s1  }
0x51f: {  	v4 =	vadd.f32 v6, v7;
	[tilespmem:s16+$0x0] =	vst v0  }
0x520: {  	s12 =	sor.u32 s25, s12;
	v0 =	vadd.f32 v2, v3;
	v6 =	vld [tilespmem:s13+$0x1A300]  }
0x521: {  	s18 =	sor.u32 s5, s0;
	[tilespmem:s12+$0x0] =	vst v4;
	v2 =	vld [tilespmem:s17+$0x280]  }
0x522: {  	s14 =	sor.u32 s25, s14;
	[tilespmem:s18+$0x0] =	vst v0;
	v0 =	vadd.f32 v1, v5  }
0x523: {  	s19 =	sor.u32 s5, s3;
	s20 =	sor.u32 s24, s0;
	v4 =	vld [tilespmem:s14+$0x0]  }
0x524: {  	s23 =	sor.u32 s24, s3;
	v1 =	vld [tilespmem:s19+$0x0];
	[tilespmem:s20+$0x0] =	vst v0  }
0x525: {  	v0 =	vld [tilespmem:s23+$0x0]  }
0x526: {  	s15 =	sadd.s32 $0x15000, s2;
	v2 =	vadd.f32 v2, v6  }
0x527: {  	s26 =	sor.u32 s21, s15  }
0x528: {  	v4 =	vadd.f32 v4, v7;
	[tilespmem:s26+$0x0] =	vst v2  }
0x529: {  	s11 =	sor.u32 s25, s11;
	v1 =	vadd.f32 v1, v3;
	v2 =	vld [tilespmem:s13+$0xA280]  }
0x52a: {  	s6 =	sor.u32 s25, s6;
	s28 =	sor.u32 s5, s1;
	[tilespmem:s11+$0x0] =	vst v4;
	v0 =	vadd.f32 v0, v5  }
0x52b: {  	s30 =	sor.u32 s24, s1;
	v3 =	vld [tilespmem:s6+$0x0];
	[tilespmem:s28+$0x0] =	vst v1  }
0x52c: {  	v1 =	vld [tilespmem:s31+$0x1A300];
	[tilespmem:s30+$0x0] =	vst v0  }
0x52d: {  	v4 =	vld [tilespmem:s22+$0x280];
	[smem:$0x781] =	sst s4  }
0x52e: {  	s11 =	sadd.s32 $0x15080, s2;
	v0 =	vld [tilespmem:s4+$0x1A300];
	v2 =	vadd.f32 v2, v6  }
0x52f: {  	s16 =	sadd.s32 $0xC280, s8;
	v5 =	vld [tilespmem:s9+$0x280];
	s9 =	sor.u32 s21, s11  }
0x530: {  	s12 =	sor.u32 s21, s16;
	v3 =	vadd.f32 v3, v7;
	[tilespmem:s9+$0x0] =	vst v2  }
0x531: {  	s0 =	sor.u32 s25, s0;
	v2 =	vld [tilespmem:s12+$0x0]  }
0x532: {  	s3 =	sor.u32 s25, s3;
	[tilespmem:s0+$0x0] =	vst v3  }
0x533: {  	s18 =	simm.s32 $0x40;
	v3 =	vadd.f32 v4, v1;
	v4 =	vld [tilespmem:s3+$0x0]  }
0x534: {  	s14 =	sor.u32 s5, s15;
	s20 =	simm.s32 $0x200;
	s28 =	sand.u32 $0x40, s18;
	v5 =	vadd.f32 v5, v0  }
0x535: {  	s19 =	sor.u32 s24, s15;
	s30 =	sor.u32 $0x30, s28;
	[tilespmem:s14+$0x0] =	vst v3;
	s14 =	sand.u32 $0xFFFFFC00, s20  }
0x536: {  	s6 =	sadd.s32 $0x15100, s2;
	v3 =	vld [tilespmem:s31+$0xA280];
	s0 =	sor.u32 s30, s14;
	[tilespmem:s19+$0x0] =	vst v5;
	v2 =	vadd.f32 v2, v6  }
0x537: {  	s23 =	sor.u32 s21, s6;
	s3 =	sadd.s32 $0x8000, s14;
	v5 =	vld [tilespmem:s4+$0xA280];
	[smem:$0x784] =	sst s0  }
0x538: {  	s29 =	sadd.s32 $0xE280, s8;
	s9 =	sor.u32 s30, s3;
	v8 =	vld [tilespmem:s0+$0x1A280];
	[tilespmem:s23+$0x0] =	vst v2;
	v2 =	vadd.f32 v4, v7  }
0x539: {  	s26 =	sor.u32 s21, s29;
	s4 =	sor.u32 s25, s1;
	v4 =	vld [tilespmem:s9+$0x200];
	[smem:$0x783] =	sst s9  }
0x53a: {  	v7 =	vld [tilespmem:s26+$0x0];
	[tilespmem:s4+$0x0] =	vst v2  }
0x53b: {  	v3 =	vadd.f32 v3, v1;
	[smem:$0x782] =	sst s7  }
0x53c: {  	s12 =	sor.u32 s5, s11;
	s1 =	smov.u32 s7;
	v5 =	vadd.f32 v5, v0;
	v2 =	vld [tilespmem:s7+$0x1A300];
	s7 =	simm.s32 $0x100  }
0x53d: {  	s18 =	sor.u32 s24, s11;
	s20 =	sor.u32 s24, s16;
	[tilespmem:s12+$0x0] =	vst v3;
	s26 =	sand.u32 $0x3FFFFE00, s7  }
0x53e: {  	s19 =	sor.u32 s5, s16;
	v9 =	vld [tilespmem:s10+$0x280];
	v3 =	vadd.f32 v4, v8;
	[tilespmem:s18+$0x0] =	vst v5;
	s18 =	sadd.s32 $0x15180, s2;
	s4 =	sadd.s32 $0x14000, s26  }
0x53f: {  	v4 =	vld [tilespmem:s19+$0x0];
	s7 =	smov.u32 s2;
	s2 =	sadd.s32 $0xA200, s14;
	v5 =	vadd.f32 v7, v6;
	s23 =	sor.u32 s30, s4  }
0x540: {  	s19 =	sadd.s32 $0x1A380, s8;
	s0 =	sor.u32 s21, s18;
	s10 =	sor.u32 s30, s2;
	v6 =	vld [tilespmem:s20+$0x0];
	[tilespmem:s23+$0x0] =	vst v3  }
0x541: {  	s12 =	sor.u32 s21, s19;
	[tilespmem:s0+$0x0] =	vst v5;
	v3 =	vld [tilespmem:s10+$0x0]  }
0x542: {  	s10 =	sor.u32 s28, s3;
	v5 =	vld [tilespmem:s12+$0x0]  }
0x543: {  	s20 =	sor.u32 s28, s14;
	v7 =	vadd.f32 v9, v2;
	v9 =	vld [tilespmem:s10+$0x200];
	[smem:$0x785] =	sst s10  }
0x544: {  	s15 =	sor.u32 s25, s15;
	[smem:$0x78B] =	sst s20  }
0x545: {  	[tilespmem:s15+$0x0] =	vst v7;
	v10 =	vld [tilespmem:s20+$0x1A280];
	s15 =	sor.u32 $0x10, s28  }
0x546: {  	v7 =	vld [tilespmem:s1+$0xA280];
	s12 =	sor.u32 s15, s3  }
0x547: {  	s23 =	sor.u32 s15, s14;
	v11 =	vld [tilespmem:s12+$0x200];
	[smem:$0x786] =	sst s12  }
0x548: {  	s20 =	sadd.s32 $0x14080, s26;
	[smem:$0x78C] =	sst s23;
	v3 =	vadd.f32 v3, v8  }
0x549: {  	s1 =	sor.u32 s30, s20;
	v12 =	vld [tilespmem:s23+$0x1A280];
	s23 =	sadd.s32 $0xC200, s14  }
0x54a: {  	v13 =	vld [tilespmem:s17+$0x300];
	s17 =	sor.u32 $0x20, s28;
	[tilespmem:s1+$0x0] =	vst v3;
	s1 =	sor.u32 s30, s23  }
0x54b: {  	v3 =	vld [tilespmem:s1+$0x0];
	s1 =	sor.u32 s17, s3  }
0x54c: {  	[smem:$0x788] =	sst s1  }
0x54d: {  	v9 =	vadd.f32 v9, v10;
	v14 =	vld [tilespmem:s1+$0x200];
	s1 =	sor.u32 s17, s14  }
0x54e: {  	v7 =	vadd.f32 v7, v2;
	s3 =	sor.u32 s28, s4;
	[smem:$0x78D] =	sst s1  }
0x54f: {  	[tilespmem:s3+$0x0] =	vst v9;
	s3 =	sor.u32 s25, s11;
	v9 =	vadd.f32 v4, v1;
	v4 =	vld [tilespmem:s1+$0x1A280];
	s11 =	sor.u32 s28, s2  }
0x550: {  	v11 =	vadd.f32 v11, v12;
	s1 =	sor.u32 s25, s16;
	[tilespmem:s3+$0x0] =	vst v7;
	v7 =	vld [tilespmem:s11+$0x0];
	s11 =	sor.u32 s5, s6  }
0x551: {  	s0 =	sor.u32 s24, s6;
	v6 =	vadd.f32 v6, v0;
	s16 =	sor.u32 s5, s29;
	[tilespmem:s11+$0x0] =	vst v9;
	v9 =	vld [tilespmem:s1+$0x0];
	s1 =	sor.u32 s15, s4  }
0x552: {  	v3 =	vadd.f32 v3, v8;
	s3 =	sadd.s32 $0x14100, s26;
	s11 =	sadd.s32 $0xE200, s14;
	v15 =	vld [tilespmem:s16+$0x0];
	[tilespmem:s1+$0x0] =	vst v11;
	s16 =	sor.u32 s15, s2  }
0x553: {  	[tilespmem:s0+$0x0] =	vst v6;
	s0 =	sor.u32 s30, s3;
	s1 =	sor.u32 s24, s29;
	v11 =	vadd.f32 v13, v5;
	v6 =	vld [tilespmem:s16+$0x0];
	s16 =	sadd.s32 $0x16000, s7  }
0x554: {  	[tilespmem:s0+$0x0] =	vst v3;
	v13 =	vld [tilespmem:s1+$0x0];
	s1 =	sor.u32 s30, s11;
	s0 =	sor.u32 s21, s16  }
0x555: {  	v3 =	vadd.f32 v14, v4;
	[tilespmem:s0+$0x0] =	vst v11;
	v11 =	vld [tilespmem:s1+$0x0]  }
0x556: {  	s1 =	sor.u32 s17, s4;
	v7 =	vadd.f32 v7, v10  }
0x557: {  	s4 =	sor.u32 s17, s2;
	v14 =	vld [tilespmem:s13+$0xA300];
	[tilespmem:s1+$0x0] =	vst v3;
	v3 =	vadd.f32 v9, v2;
	s13 =	sor.u32 s28, s20  }
0x558: {  	s2 =	sor.u32 s25, s6;
	v16 =	vld [tilespmem:s4+$0x0];
	[tilespmem:s13+$0x0] =	vst v7;
	v1 =	vadd.f32 v15, v1;
	s4 =	sor.u32 s28, s23  }
0x559: {  	s6 =	sor.u32 s25, s29;
	s13 =	sor.u32 s5, s18;
	[tilespmem:s2+$0x0] =	vst v3;
	v3 =	vld [tilespmem:s4+$0x0];
	v6 =	vadd.f32 v6, v12  }
0x55a: {  	s29 =	sadd.s32 $0x14180, s26;
	s2 =	sor.u32 s5, s19;
	s4 =	sor.u32 s15, s20;
	[tilespmem:s13+$0x0] =	vst v1;
	v15 =	vld [tilespmem:s6+$0x0];
	v1 =	vadd.f32 v11, v8  }
0x55b: {  	s6 =	sor.u32 s15, s23;
	s13 =	sor.u32 s30, s29;
	v7 =	vld [tilespmem:s2+$0x0];
	[tilespmem:s4+$0x0] =	vst v6  }
0x55c: {  	v6 =	vld [tilespmem:s6+$0x0];
	[tilespmem:s13+$0x0] =	vst v1  }
0x55d: {  	v8 =	vld [tilespmem:s22+$0x300];
	v1 =	vadd.f32 v14, v5;
	s13 =	sadd.s32 $0x16080, s7;
	[smem:$0x787] =	sst s7  }
0x55e: {  	s22 =	sadd.s32 $0xC300, s8;
	v3 =	vadd.f32 v3, v10;
	s2 =	sld [smem:$0x784];
	s1 =	sor.u32 s21, s13  }
0x55f: {  	s4 =	sor.u32 s21, s22;
	s6 =	sor.u32 s28, s3;
	[tilespmem:s1+$0x0] =	vst v1;
	v1 =	vadd.f32 v16, v4;
	v11 =	vld [tilespmem:s9+$0x280]  }
0x560: {  	v0 =	vadd.f32 v13, v0;
	s9 =	sor.u32 s17, s20;
	v14 =	vld [tilespmem:s4+$0x0];
	[tilespmem:s6+$0x0] =	vst v3  }
0x561: {  	s20 =	sor.u32 s28, s11;
	s4 =	sor.u32 s24, s18;
	v9 =	vld [tilespmem:s2+$0x1A300];
	[tilespmem:s9+$0x0] =	vst v1;
	v6 =	vadd.f32 v6, v12  }
0x562: {  	s23 =	sor.u32 s17, s23;
	v3 =	vld [tilespmem:s20+$0x0];
	[tilespmem:s4+$0x0] =	vst v0;
	s9 =	sor.u32 s15, s3;
	v0 =	vadd.f32 v15, v2  }
0x563: {  	v13 =	vld [tilespmem:s23+$0x0];
	s23 =	sor.u32 s25, s18;
	[tilespmem:s9+$0x0] =	vst v6  }
0x564: {  	[tilespmem:s23+$0x0] =	vst v0  }
0x565: {  	s20 =	sor.u32 s15, s11;
	s0 =	sld [smem:$0x77F]  }
0x566: {  	s6 =	sor.u32 s24, s19;
	s18 =	sadd.s32 $0x15000, s26;
	v6 =	vld [tilespmem:s20+$0x0];
	v2 =	vadd.f32 v11, v9  }
0x567: {  	v1 =	vld [tilespmem:s6+$0x0];
	s4 =	sor.u32 s30, s18  }
0x568: {  	v11 =	vld [tilespmem:s0+$0x300];
	[tilespmem:s4+$0x0] =	vst v2;
	v2 =	vadd.f32 v3, v10  }
0x569: {  	s6 =	sor.u32 s28, s29  }
0x56a: {  	s1 =	sor.u32 s25, s19;
	v3 =	vadd.f32 v8, v7;
	v10 =	vld [tilespmem:s2+$0xA280];
	[tilespmem:s6+$0x0] =	vst v2  }
0x56b: {  	s9 =	sor.u32 s5, s16;
	v0 =	vld [tilespmem:s1+$0x0];
	v6 =	vadd.f32 v6, v12;
	s0 =	sld [smem:$0x780]  }
0x56c: {  	s19 =	sor.u32 s15, s29;
	s4 =	sld [smem:$0x78B];
	[tilespmem:s9+$0x0] =	vst v3;
	v8 =	vld [tilespmem:s10+$0x280]  }
0x56d: {  	[tilespmem:s19+$0x0] =	vst v6;
	v12 =	vld [tilespmem:s31+$0xA300];
	v6 =	vadd.f32 v11, v1  }
0x56e: {  	s20 =	sor.u32 s24, s16;
	s9 =	sld [smem:$0x78C];
	v11 =	vld [tilespmem:s12+$0x280]  }
0x56f: {  	s1 =	sadd.s32 $0x15080, s26;
	v2 =	vld [tilespmem:s4+$0x1A300];
	v10 =	vadd.f32 v10, v9;
	[tilespmem:s20+$0x0] =	vst v6  }
0x570: {  	s23 =	sor.u32 s30, s1;
	v15 =	vld [tilespmem:s0+$0x300];
	v6 =	vadd.f32 v13, v4;
	s20 =	sadd.s32 $0xC280, s14;
	s6 =	sld [smem:$0x781]  }
0x571: {  	s10 =	sor.u32 s17, s3;
	v3 =	vld [tilespmem:s9+$0x1A300];
	s12 =	sor.u32 s30, s20;
	[tilespmem:s23+$0x0] =	vst v10  }
0x572: {  	s7 =	sadd.s32 $0x16100, s7;
	v10 =	vadd.f32 v14, v5;
	[tilespmem:s10+$0x0] =	vst v6;
	v14 =	vld [tilespmem:s12+$0x0]  }
0x573: {  	s23 =	sadd.s32 $0xE300, s8;
	s8 =	sor.u32 s21, s7;
	v13 =	vld [tilespmem:s6+$0xA300];
	[smem:$0x789] =	sst s7  }
0x574: {  	s19 =	sor.u32 s17, s11;
	v8 =	vadd.f32 v8, v2;
	[tilespmem:s8+$0x0] =	vst v10  }
0x575: {  	s11 =	sor.u32 s28, s18;
	v10 =	vld [tilespmem:s19+$0x0];
	v15 =	vadd.f32 v15, v0;
	[smem:$0x78E] =	sst s23  }
0x576: {  	s12 =	sor.u32 s25, s16;
	[tilespmem:s11+$0x0] =	vst v8;
	v8 =	vadd.f32 v12, v7  }
0x577: {  	s16 =	sor.u32 s5, s13;
	[tilespmem:s12+$0x0] =	vst v15  }
0x578: {  	v12 =	vld [tilespmem:s4+$0xA280];
	[tilespmem:s16+$0x0] =	vst v8  }
0x579: {  	s10 =	sor.u32 s21, s23;
	v11 =	vadd.f32 v11, v3;
	s19 =	sld [smem:$0x782]  }
0x57a: {  	s0 =	sor.u32 s15, s18;
	s6 =	smov.u32 s23;
	s23 =	sor.u32 s5, s22;
	v6 =	vld [tilespmem:s10+$0x0];
	v8 =	vadd.f32 v13, v1  }
0x57b: {  	s3 =	sor.u32 s24, s13;
	[tilespmem:s0+$0x0] =	vst v11;
	v13 =	vld [tilespmem:s23+$0x0];
	v4 =	vadd.f32 v10, v4  }
0x57c: {  	s10 =	sor.u32 s17, s29;
	v14 =	vadd.f32 v14, v9;
	[tilespmem:s3+$0x0] =	vst v8;
	v15 =	vld [tilespmem:s19+$0xA300];
	s19 =	sadd.s32 $0x15100, s26  }
0x57d: {  	v10 =	vld [tilespmem:s9+$0xA280];
	[tilespmem:s10+$0x0] =	vst v4;
	v12 =	vadd.f32 v12, v2;
	s9 =	sor.u32 s30, s19  }
0x57e: {  	s12 =	sor.u32 s28, s1;
	[tilespmem:s9+$0x0] =	vst v14  }
0x57f: {  	s8 =	sadd.s32 $0xE280, s14;
	s4 =	sor.u32 s24, s22;
	s9 =	sld [smem:$0x78D];
	[tilespmem:s12+$0x0] =	vst v12  }
0x580: {  	s11 =	sor.u32 s30, s8;
	v11 =	vld [tilespmem:s4+$0x0];
	s10 =	sld [smem:$0x788]  }
0x581: {  	v4 =	vld [tilespmem:s11+$0x0];
	v14 =	vadd.f32 v15, v0  }
0x582: {  	s16 =	sor.u32 s25, s13;
	s13 =	sor.u32 s5, s6;
	v12 =	vadd.f32 v13, v7;
	v8 =	vld [tilespmem:s9+$0x1A300]  }
0x583: {  	s23 =	sor.u32 s25, s22;
	s22 =	sor.u32 s15, s1;
	s12 =	sor.u32 s5, s7;
	v15 =	vld [tilespmem:s10+$0x280];
	[tilespmem:s16+$0x0] =	vst v14  }
0x584: {  	s11 =	sor.u32 s28, s20;
	v10 =	vadd.f32 v10, v3;
	[tilespmem:s12+$0x0] =	vst v12;
	s16 =	simm.s32 $0x80;
	v12 =	vld [tilespmem:s23+$0x0];
	s23 =	simm.s32 $0x80  }
0x585: {  	s0 =	simm.s32 $0x400;
	v13 =	vld [tilespmem:s11+$0x0];
	s2 =	sand.u32 $0x40, s16;
	[dreg:$0x13] =	wrdreg s23  }
0x586: {  	s7 =	sor.u32 s15, s20;
	s23 =	sand.u32 $0xFFFFFC00, s0;
	s3 =	sor.u32 $0x30, s2;
	[tilespmem:s22+$0x0] =	vst v10;
	v10 =	vld [tilespmem:s13+$0x0]  }
0x587: {  	v4 =	vadd.f32 v4, v9;
	s16 =	sadd.s32 $0x15180, s26;
	s4 =	sadd.s32 $0x8000, s23;
	s31 =	sor.u32 s3, s23;
	v17 =	vld [tilespmem:s7+$0x0]  }
0x588: {  	s10 =	sor.u32 s30, s16;
	s13 =	sadd.s32 $0x1A380, s14;
	v16 =	vld [tilespmem:s31+$0x1A280];
	s11 =	sor.u32 s3, s4;
	v9 =	vadd.f32 v15, v8  }
0x589: {  	s12 =	sor.u32 s17, s18;
	[tilespmem:s10+$0x0] =	vst v4;
	s18 =	sor.u32 s30, s13;
	v4 =	vld [tilespmem:s11+$0x200]  }
0x58a: {  	s22 =	sor.u32 s2, s4;
	[tilespmem:s12+$0x0] =	vst v9;
	v9 =	vld [tilespmem:s18+$0x0]  }
0x58b: {  	v18 =	vld [tilespmem:s9+$0xA280];
	[dreg:$0x15] =	wrdreg s22  }
0x58c: {  	s6 =	sor.u32 s2, s23;
	s7 =	simm.s32 $0x200;
	s9 =	sld [smem:$0x783]  }
0x58d: {  	v19 =	vld [tilespmem:s22+$0x200];
	[smem:$0x78A] =	sst s6;
	s22 =	sand.u32 $0x3FFFFE00, s7;
	s7 =	sor.u32 $0x10, s2  }
0x58e: {  	v15 =	vld [tilespmem:s6+$0x1A280];
	s10 =	sor.u32 s7, s4  }
0x58f: {  	s18 =	sadd.s32 $0xA200, s23;
	v4 =	vadd.f32 v4, v16;
	s6 =	sadd.s32 $0x14000, s22;
	v20 =	vld [tilespmem:s9+$0x300];
	[dreg:$0xf] =	wrdreg s10  }
0x590: {  	s0 =	sor.u32 s7, s23;
	s12 =	sor.u32 s3, s6;
	s9 =	sor.u32 $0x20, s2;
	v21 =	vld [tilespmem:s10+$0x200]  }
0x591: {  	s29 =	sor.u32 s3, s18;
	[tilespmem:s12+$0x0] =	vst v4;
	v14 =	vld [tilespmem:s0+$0x1A280];
	s4 =	sor.u32 s9, s4  }
0x592: {  	s10 =	sor.u32 s9, s23;
	v4 =	vld [tilespmem:s29+$0x0];
	v18 =	vadd.f32 v18, v8;
	[dreg:$0x12] =	wrdreg s4  }
0x593: {  	s1 =	sor.u32 s17, s1;
	v22 =	vld [tilespmem:s4+$0x200];
	[smem:$0x78F] =	sst s10;
	v19 =	vadd.f32 v19, v15  }
0x594: {  	v51 =	vadd.f32 v13, v2;
	s12 =	sor.u32 s17, s20;
	[tilespmem:s1+$0x0] =	vst v18;
	v13 =	vld [tilespmem:s10+$0x1A280];
	s10 =	sor.u32 s2, s6  }
0x595: {  	v17 =	vadd.f32 v17, v3;
	s20 =	smov.u32 s0;
	s0 =	sor.u32 s2, s18;
	v52 =	vld [tilespmem:s12+$0x0];
	s12 =	sor.u32 s28, s19;
	[tilespmem:s10+$0x0] =	vst v19  }
0x596: {  	s29 =	sadd.s32 $0x14080, s22;
	s4 =	sor.u32 s15, s19;
	[tilespmem:s12+$0x0] =	vst v51;
	v21 =	vadd.f32 v21, v14;
	s10 =	sor.u32 s28, s8;
	v53 =	vld [tilespmem:s0+$0x0]  }
0x597: {  	[tilespmem:s4+$0x0] =	vst v17;
	s4 =	sor.u32 s7, s18;
	s12 =	sor.u32 s15, s8;
	v17 =	vld [tilespmem:s10+$0x0];
	v4 =	vadd.f32 v4, v16;
	s10 =	sor.u32 s7, s6  }
0x598: {  	v20 =	vadd.f32 v20, v9;
	v54 =	vld [tilespmem:s12+$0x0];
	s0 =	sadd.s32 $0xC200, s23;
	s12 =	sor.u32 s3, s29;
	[tilespmem:s10+$0x0] =	vst v21;
	s10 =	sadd.s32 $0x16000, s26  }
0x599: {  	[tilespmem:s12+$0x0] =	vst v4;
	v4 =	vld [tilespmem:s4+$0x0];
	v22 =	vadd.f32 v22, v13;
	s4 =	sor.u32 s30, s10;
	s12 =	sor.u32 s3, s0  }
0x59a: {  	[tilespmem:s4+$0x0] =	vst v20;
	v55 =	vld [tilespmem:s12+$0x0];
	s12 =	sor.u32 s9, s6  }
0x59b: {  	[tilespmem:s12+$0x0] =	vst v22  }
0x59c: {  	v19 =	vadd.f32 v52, v8;
	s1 =	sld [smem:$0x784]  }
0x59d: {  	s4 =	sor.u32 s17, s19;
	s6 =	sor.u32 s9, s18;
	v18 =	vadd.f32 v53, v15  }
0x59e: {  	s19 =	sor.u32 s2, s29;
	[tilespmem:s4+$0x0] =	vst v19;
	v57 =	vld [tilespmem:s6+$0x0];
	v2 =	vadd.f32 v17, v2  }
0x59f: {  	s12 =	sor.u32 s17, s8;
	s4 =	sor.u32 s28, s16;
	[tilespmem:s19+$0x0] =	vst v18;
	v4 =	vadd.f32 v4, v14;
	v56 =	vld [tilespmem:s1+$0xA300]  }
0x5a0: {  	s6 =	sor.u32 s2, s0;
	v17 =	vld [tilespmem:s12+$0x0];
	s12 =	sor.u32 s7, s29;
	[tilespmem:s4+$0x0] =	vst v2  }
0x5a1: {  	s8 =	sor.u32 s28, s13;
	v18 =	vld [tilespmem:s6+$0x0];
	v20 =	vadd.f32 v55, v16;
	s6 =	sor.u32 s7, s0;
	s1 =	sadd.s32 $0x14100, s22;
	[tilespmem:s12+$0x0] =	vst v4  }
0x5a2: {  	v2 =	vld [tilespmem:s8+$0x0];
	s8 =	sadd.s32 $0xE200, s23;
	s19 =	sor.u32 s3, s1;
	s4 =	sld [smem:$0x785]  }
0x5a3: {  	[tilespmem:s19+$0x0] =	vst v20;
	v58 =	vld [tilespmem:s6+$0x0];
	s6 =	sor.u32 s3, s8  }
0x5a4: {  	s12 =	sadd.s32 $0x16080, s26;
	v59 =	vld [tilespmem:s6+$0x0];
	v4 =	vadd.f32 v56, v9  }
0x5a5: {  	v19 =	vadd.f32 v57, v13;
	s19 =	sadd.s32 $0xC300, s14;
	v23 =	vld [tilespmem:s4+$0x300];
	s4 =	sor.u32 s30, s12  }
0x5a6: {  	v3 =	vadd.f32 v54, v3;
	s6 =	sor.u32 s30, s19;
	[tilespmem:s4+$0x0] =	vst v4;
	s4 =	sor.u32 s9, s29  }
0x5a7: {  	v4 =	vadd.f32 v18, v15;
	[tilespmem:s4+$0x0] =	vst v19;
	v60 =	vld [tilespmem:s6+$0x0];
	s6 =	sor.u32 s15, s16  }
0x5a8: {  	s0 =	sor.u32 s9, s0;
	[tilespmem:s6+$0x0] =	vst v3;
	s6 =	sor.u32 s2, s1;
	v3 =	vadd.f32 v17, v8  }
0x5a9: {  	s4 =	sor.u32 s17, s16;
	s16 =	sadd.s32 $0x14180, s22;
	v61 =	vld [tilespmem:s0+$0x0];
	v8 =	vadd.f32 v58, v14;
	[tilespmem:s6+$0x0] =	vst v4;
	s6 =	sor.u32 s2, s8  }
0x5aa: {  	v16 =	vadd.f32 v59, v16;
	s0 =	sor.u32 s15, s13;
	v17 =	vld [tilespmem:s6+$0x0];
	[tilespmem:s4+$0x0] =	vst v3;
	s6 =	sor.u32 s17, s13;
	s13 =	sor.u32 s7, s1  }
0x5ab: {  	v4 =	vld [tilespmem:s0+$0x0];
	s0 =	sld [smem:$0x786];
	[tilespmem:s13+$0x0] =	vst v8;
	s13 =	sor.u32 s3, s16  }
0x5ac: {  	v3 =	vld [tilespmem:s6+$0x0];
	s6 =	sor.u32 s7, s8;
	[tilespmem:s13+$0x0] =	vst v16  }
0x5ad: {  	v16 =	vld [tilespmem:s6+$0x0];
	s6 =	sld [smem:$0x787];
	_ =	sdelay $0x1  }
0x5ae: {  	v19 =	vadd.f32 v60, v9;
	s13 =	sadd.s32 $0x16100, s26  }
0x5af: {  	v5 =	vadd.f32 v6, v5;
	v62 =	vld [tilespmem:s0+$0x300];
	s0 =	sadd.s32 $0x16180, s6;
	s6 =	sadd.s32 $0xE300, s14;
	s14 =	sor.u32 s30, s13  }
0x5b0: {  	v6 =	vadd.f32 v17, v15;
	[tilespmem:s14+$0x0] =	vst v19;
	s21 =	sor.u32 s21, s0;
	s14 =	sor.u32 s30, s6  }
0x5b1: {  	[tilespmem:s21+$0x0] =	vst v5;
	v17 =	vld [tilespmem:s14+$0x0];
	s14 =	sor.u32 s2, s16  }
0x5b2: {  	[tilespmem:s14+$0x0] =	vst v6  }
0x5b3: {  	s18 =	smov.u32 s11;
	v15 =	vld [tilespmem:s11+$0x280];
	s11 =	sld [smem:$0x789];
	_ =	sdelay $0x1  }
0x5b4: {  	v8 =	vld [tilespmem:s31+$0x1A300];
	v5 =	vadd.f32 v11, v1;
	s4 =	sld [smem:$0x788]  }
0x5b5: {  	v6 =	vadd.f32 v61, v13;
	s21 =	sor.u32 s24, s11  }
0x5b6: {  	v63 =	vadd.f32 v23, v2;
	s1 =	sor.u32 s9, s1;
	[tilespmem:s21+$0x0] =	vst v5  }
0x5b7: {  	s8 =	sor.u32 s9, s8;
	v11 =	vld [tilespmem:s4+$0x300];
	s21 =	sor.u32 s28, s10;
	s14 =	sld [smem:$0x78A];
	[tilespmem:s1+$0x0] =	vst v6;
	v6 =	vadd.f32 v16, v14  }
0x5b8: {  	s4 =	rddreg [dreg:$0x15];
	[tilespmem:s21+$0x0] =	vst v63;
	v16 =	vld [tilespmem:s8+$0x0];
	s8 =	sor.u32 s7, s16  }
0x5b9: {  	v15 =	vadd.f32 v15, v8;
	s1 =	sadd.s32 $0x15000, s22;
	[tilespmem:s8+$0x0] =	vst v6  }
0x5ba: {  	v12 =	vadd.f32 v12, v0;
	s21 =	sor.u32 s3, s1;
	v14 =	vld [tilespmem:s4+$0x280];
	s4 =	sld [smem:$0x78B]  }
0x5bb: {  	s8 =	sor.u32 s25, s11;
	v5 =	vld [tilespmem:s14+$0x1A300];
	[tilespmem:s21+$0x0] =	vst v15  }
0x5bc: {  	v15 =	vadd.f32 v62, v4;
	v6 =	vld [tilespmem:s20+$0x1A300];
	[tilespmem:s8+$0x0] =	vst v12  }
0x5bd: {  	s11 =	sor.u32 s15, s10;
	v11 =	vadd.f32 v11, v3;
	v18 =	vld [tilespmem:s4+$0xA300];
	[dreg:$0xd] =	wrdreg s31  }
0x5be: {  	s21 =	sor.u32 s17, s10;
	[tilespmem:s11+$0x0] =	vst v15  }
0x5bf: {  	s10 =	rddreg [dreg:$0xf];
	[tilespmem:s21+$0x0] =	vst v11  }
0x5c0: {  	v14 =	vadd.f32 v14, v5;
	s4 =	sld [smem:$0x78C]  }
0x5c1: {  	s11 =	sor.u32 s2, s1  }
0x5c2: {  	[tilespmem:s11+$0x0] =	vst v14  }
0x5c3: {  	v11 =	vld [tilespmem:s4+$0xA300];
	s4 =	sld [smem:$0x78D]  }
0x5c4: {  	s5 =	sor.u32 s5, s0;
	v12 =	vld [tilespmem:s31+$0xA280]  }
0x5c5: {  	v13 =	vadd.f32 v16, v13;
	s31 =	sor.u32 s24, s0;
	s0 =	sor.u32 s25, s0;
	v15 =	vld [tilespmem:s10+$0x280];
	s21 =	sld [smem:$0x78E]  }
0x5c6: {  	v7 =	vadd.f32 v10, v7;
	s10 =	sor.u32 s9, s16;
	v14 =	vld [tilespmem:s4+$0xA300];
	[dreg:$0x18] =	wrdreg s0  }
0x5c7: {  	s11 =	sor.u32 s28, s12;
	v10 =	vadd.f32 v18, v2;
	[tilespmem:s10+$0x0] =	vst v13  }
0x5c8: {  	s29 =	sor.u32 s25, s21;
	s25 =	smov.u32 s14;
	s4 =	sor.u32 s24, s21;
	v13 =	vld [tilespmem:s14+$0xA280];
	[tilespmem:s5+$0x0] =	vst v7  }
0x5c9: {  	v12 =	vadd.f32 v12, v8;
	s24 =	sadd.s32 $0x15080, s22;
	s14 =	sor.u32 s28, s19;
	s10 =	sld [smem:$0x78F];
	[tilespmem:s11+$0x0] =	vst v10  }
0x5ca: {  	s8 =	sadd.s32 $0xC280, s23;
	v15 =	vadd.f32 v15, v6;
	s16 =	sor.u32 s3, s24;
	v16 =	vld [tilespmem:s14+$0x0]  }
0x5cb: {  	v9 =	vadd.f32 v17, v9;
	s0 =	sadd.s32 $0x16180, s26;
	s21 =	sor.u32 s7, s1;
	s5 =	rddreg [dreg:$0x12];
	[tilespmem:s16+$0x0] =	vst v12;
	v12 =	vadd.f32 v11, v4;
	v11 =	vld [tilespmem:s4+$0x0]  }
0x5cc: {  	s26 =	smov.u32 s23;
	s23 =	sor.u32 s3, s8;
	[tilespmem:s21+$0x0] =	vst v15;
	s14 =	sor.u32 s30, s0;
	v10 =	vld [tilespmem:s5+$0x280]  }
0x5cd: {  	s16 =	sor.u32 s15, s19;
	s5 =	sor.u32 s15, s12;
	v17 =	vld [tilespmem:s23+$0x0];
	[tilespmem:s14+$0x0] =	vst v9;
	v9 =	vadd.f32 v13, v5  }
0x5ce: {  	s30 =	sor.u32 s2, s24;
	s23 =	sor.u32 s28, s13;
	s14 =	sor.u32 s15, s13;
	v7 =	vld [tilespmem:s10+$0x1A300];
	[tilespmem:s5+$0x0] =	vst v12  }
0x5cf: {  	v15 =	vld [tilespmem:s20+$0xA280];
	s5 =	smov.u32 s10;
	s10 =	sor.u32 s17, s13;
	s13 =	sor.u32 s17, s6;
	v13 =	vadd.f32 v14, v3;
	[tilespmem:s30+$0x0] =	vst v9  }
0x5d0: {  	s12 =	sor.u32 s17, s12;
	v9 =	vld [tilespmem:s16+$0x0];
	[dreg:$0x1d] =	wrdreg s13  }
0x5d1: {  	s11 =	sor.u32 s28, s6;
	s28 =	sor.u32 s28, s0;
	s16 =	sor.u32 s2, s8;
	[tilespmem:s12+$0x0] =	vst v13  }
0x5d2: {  	s30 =	sor.u32 s15, s0;
	v12 =	vld [tilespmem:s16+$0x0];
	[smem:$0x790] =	sst s28  }
0x5d3: {  	s1 =	sor.u32 s9, s1;
	s0 =	sor.u32 s17, s0;
	v10 =	vadd.f32 v10, v7;
	[dreg:$0x1c] =	wrdreg s30  }
0x5d4: {  	s19 =	sor.u32 s17, s19;
	s21 =	smov.u32 s7;
	v13 =	vadd.f32 v16, v2;
	[dreg:$0x1a] =	wrdreg s0  }
0x5d5: {  	s7 =	sor.u32 s15, s6;
	s4 =	sor.u32 s9, s8;
	s15 =	sor.u32 s21, s24;
	[tilespmem:s1+$0x0] =	vst v10;
	v10 =	vld [tilespmem:s19+$0x0]  }
0x5d6: {  	s17 =	sor.u32 s21, s8;
	s13 =	sor.u32 s9, s24;
	v15 =	vadd.f32 v15, v6;
	v14 =	vadd.f32 v17, v8;
	s0 =	sadd.s32 $0x15100, s22;
	[tilespmem:s23+$0x0] =	vst v13;
	v13 =	vld [tilespmem:s5+$0xA280]  }
.LBB2_15:
0x5d7: {  	[smem:$0x769] =	sst s4  }
0x5d8: {  	[smem:$0x776] =	sst s20  }
0x5d9: {  	[smem:$0x78A] =	sst s25  }
0x5da: {  	[smem:$0x78F] =	sst s5  }
0x5db: {  	[smem:$0x778] =	sst s7  }
0x5dc: {  	s5 =	rddreg [dreg:$0x13]  }
0x5dd: {  	s23 =	smov.u32 s26;
	s1 =	sadd.s32 $0xE280, s26;
	s20 =	sor.u32 s9, s0  }
0x5de: {  	s6 =	sor.u32 s3, s0;
	s16 =	sor.u32 s21, s0;
	[tilespmem:s15+$0x0] =	vst v15;
	[smem:$0x76A] =	sst s20  }
0x5df: {  	s7 =	sadd.s32 $0x40, s5;
	v15 =	vld [tilespmem:s11+$0x0];
	[tilespmem:s6+$0x0] =	vst v14;
	s11 =	sor.u32 s3, s1;
	s20 =	sld [smem:$0x790]  }
0x5e0: {  	s25 =	sand.u32 $0x40, s7;
	s8 =	sshll.u32 s7, $0x3;
	v14 =	vld [tilespmem:s11+$0x0];
	s11 =	sor.u32 s2, s1  }
0x5e1: {  	s24 =	sshll.u32 s7, $0x2;
	[dreg:$0x13] =	wrdreg s7;
	p2 =	slt.u32 s7, $0x3C0  }
0x5e2: {  	v13 =	vadd.f32 v13, v7;
	s19 =	sand.u32 $0xFFFFFC00, s8;
	s28 =	sor.u32 $0x10, s25;
	s26 =	sor.u32 $0x30, s25  }
0x5e3: {  	v11 =	vadd.f32 v11, v1;
	v1 =	vmov v4;
	v4 =	vld [tilespmem:s17+$0x0];
	s5 =	sadd.s32 $0x8000, s19;
	s15 =	sor.u32 s26, s19;
	s17 =	sor.u32 s28, s19  }
0x5e4: {  	s30 =	sor.u32 $0x20, s25;
	v16 =	vadd.f32 v9, v1;
	[tilespmem:s13+$0x0] =	vst v13;
	s6 =	sor.u32 s25, s5;
	v9 =	vld [tilespmem:s15+$0x1A280];
	[smem:$0x772] =	sst s17  }
0x5e5: {  	v10 =	vadd.f32 v10, v3;
	[tilespmem:s31+$0x0] =	vst v11;
	v11 =	vadd.f32 v12, v5;
	s12 =	sor.u32 s28, s5;
	s31 =	sor.u32 s26, s5;
	v12 =	vld [tilespmem:s29+$0x0];
	[smem:$0x76C] =	sst s6  }
0x5e6: {  	s4 =	sand.u32 $0x3FFFFE00, s24;
	s13 =	sor.u32 s25, s19;
	[smem:$0x76D] =	sst s12;
	[tilespmem:s14+$0x0] =	vst v16;
	v13 =	vld [tilespmem:s31+$0x200]  }
0x5e7: {  	s8 =	sor.u32 s30, s5;
	[smem:$0x771] =	sst s13;
	v2 =	vadd.f32 v15, v2;
	v15 =	vld [tilespmem:s6+$0x200];
	s14 =	sor.u32 s2, s0;
	[tilespmem:s10+$0x0] =	vst v10  }
0x5e8: {  	s24 =	sadd.s32 $0x14000, s4;
	s5 =	sadd.s32 $0x15180, s22;
	[smem:$0x770] =	sst s8;
	v16 =	vld [tilespmem:s12+$0x200];
	[tilespmem:s14+$0x0] =	vst v11;
	v8 =	vadd.f32 v14, v8  }
0x5e9: {  	s6 =	sor.u32 s30, s19;
	s10 =	sadd.s32 $0x1A380, s23;
	s0 =	sor.u32 s3, s5;
	v4 =	vadd.f32 v4, v6;
	v11 =	vld [tilespmem:s13+$0x1A280];
	[tilespmem:s20+$0x0] =	vst v2  }
0x5ea: {  	s29 =	sor.u32 s26, s24;
	s7 =	smov.u32 s31;
	[smem:$0x774] =	sst s6;
	v14 =	vld [tilespmem:s8+$0x200];
	[tilespmem:s0+$0x0] =	vst v8  }
0x5eb: {  	s12 =	sor.u32 s21, s1;
	s8 =	sor.u32 s3, s10;
	[smem:$0x76E] =	sst s7;
	[tilespmem:s16+$0x0] =	vst v4;
	v2 =	vld [tilespmem:s18+$0x300]  }
0x5ec: {  	s14 =	sadd.s32 $0xA200, s19;
	s13 =	sor.u32 s9, s1;
	s1 =	rddreg [dreg:$0x18];
	v4 =	vadd.f32 v12, v0;
	v0 =	vmov v3;
	v3 =	vadd.f32 v13, v9;
	v13 =	vld [tilespmem:s17+$0x1A280]  }
0x5ed: {  	s20 =	sor.u32 s28, s24;
	[smem:$0x76B] =	sst s13;
	s13 =	sor.u32 s26, s14;
	v12 =	vld [tilespmem:s8+$0x0]  }
0x5ee: {  	s0 =	sor.u32 s30, s14;
	s16 =	sor.u32 s2, s5;
	s18 =	sor.u32 s25, s14;
	v17 =	vld [tilespmem:s12+$0x0];
	[tilespmem:s1+$0x0] =	vst v4;
	v4 =	vadd.f32 v15, v11  }
0x5ef: {  	s8 =	sor.u32 s25, s24;
	s17 =	smov.u32 s23;
	[tilespmem:s29+$0x0] =	vst v3;
	v10 =	vld [tilespmem:s6+$0x1A280];
	s6 =	sld [smem:$0x769]  }
0x5f0: {  	s1 =	sor.u32 s30, s24;
	s29 =	sor.u32 s21, s5;
	v3 =	vld [tilespmem:s13+$0x0];
	[tilespmem:s8+$0x0] =	vst v4;
	s8 =	rddreg [dreg:$0x1d]  }
0x5f1: {  	s24 =	sor.u32 s9, s5;
	s5 =	rddreg [dreg:$0x1a];
	v4 =	vld [tilespmem:s11+$0x0];
	s11 =	smov.u32 s8;
	v16 =	vadd.f32 v16, v13  }
0x5f2: {  	s23 =	sor.u32 s28, s14;
	v8 =	vld [tilespmem:s6+$0x0];
	s6 =	sadd.s32 $0x16000, s22;
	[smem:$0x773] =	sst s11  }
0x5f3: {  	s14 =	sor.u32 s21, s10;
	v2 =	vadd.f32 v2, v12;
	v15 =	vld [tilespmem:s18+$0x0];
	s18 =	sor.u32 s21, s6;
	[tilespmem:s20+$0x0] =	vst v16;
	s20 =	rddreg [dreg:$0xd]  }
0x5f4: {  	s13 =	sor.u32 s2, s10;
	s8 =	sor.u32 s3, s6;
	[smem:$0x76F] =	sst s18  }
0x5f5: {  	s11 =	sor.u32 s2, s6;
	s7 =	sor.u32 s9, s6;
	[tilespmem:s8+$0x0] =	vst v2;
	s8 =	rddreg [dreg:$0x1c];
	v2 =	vadd.f32 v14, v10  }
0x5f6: {  	s18 =	sadd.s32 $0x14080, s4;
	v3 =	vadd.f32 v3, v9;
	[smem:$0x775] =	sst s7;
	s12 =	smov.u32 s8  }
0x5f7: {  	s8 =	sadd.s32 $0xC200, s19;
	s7 =	sor.u32 s26, s18;
	v14 =	vld [tilespmem:s20+$0xA300];
	[tilespmem:s1+$0x0] =	vst v2;
	v2 =	vadd.f32 v4, v5;
	s1 =	sld [smem:$0x76A]  }
0x5f8: {  	v16 =	vld [tilespmem:s23+$0x0];
	s6 =	sor.u32 s25, s18;
	s20 =	sor.u32 s28, s18;
	[tilespmem:s7+$0x0] =	vst v3;
	s7 =	sor.u32 s26, s8;
	v3 =	vadd.f32 v8, v7  }
0x5f9: {  	[smem:$0x77A] =	sst s12;
	v4 =	vadd.f32 v15, v11;
	v8 =	vld [tilespmem:s7+$0x0];
	s7 =	smov.u32 s15;
	s15 =	smov.u32 s5;
	[tilespmem:s16+$0x0] =	vst v2  }
0x5fa: {  	s18 =	sor.u32 s30, s18;
	s23 =	sor.u32 s25, s8;
	v5 =	vld [tilespmem:s0+$0x0];
	[dreg:$0x18] =	wrdreg s15;
	[tilespmem:s1+$0x0] =	vst v3  }
0x5fb: {  	s31 =	sor.u32 s28, s8;
	s16 =	sld [smem:$0x76B];
	[tilespmem:s6+$0x0] =	vst v4;
	s1 =	sadd.s32 $0x16080, s22  }
0x5fc: {  	s12 =	sadd.s32 $0xC300, s17;
	[dreg:$0xd] =	wrdreg s7;
	v3 =	vadd.f32 v17, v6;
	v4 =	vadd.f32 v14, v12;
	v14 =	vld [tilespmem:s23+$0x0];
	s23 =	sor.u32 s2, s1  }
0x5fd: {  	s0 =	sor.u32 s2, s12;
	s6 =	smov.u32 s4;
	[smem:$0x777] =	sst s23  }
0x5fe: {  	v15 =	vadd.f32 v16, v13;
	s5 =	sor.u32 s3, s1;
	v6 =	vld [tilespmem:s16+$0x0];
	[tilespmem:s29+$0x0] =	vst v3;
	s16 =	rddreg [dreg:$0x15];
	s23 =	sor.u32 s21, s1  }
0x5ff: {  	v2 =	vld [tilespmem:s13+$0x0];
	s13 =	sadd.s32 $0x14100, s4;
	s1 =	sor.u32 s9, s1;
	v3 =	vadd.f32 v8, v9;
	[smem:$0x779] =	sst s23;
	[tilespmem:s5+$0x0] =	vst v4  }
0x600: {  	v8 =	vld [tilespmem:s16+$0x300];
	s5 =	sor.u32 s3, s12;
	s16 =	sadd.s32 $0xE200, s19;
	[tilespmem:s20+$0x0] =	vst v15;
	v4 =	vadd.f32 v5, v10;
	s23 =	sor.u32 s26, s13  }
0x601: {  	[smem:$0x77B] =	sst s1;
	v5 =	vld [tilespmem:s5+$0x0];
	s4 =	sor.u32 s26, s16;
	s20 =	sor.u32 s25, s16;
	[tilespmem:s23+$0x0] =	vst v3  }
0x602: {  	v15 =	vld [tilespmem:s31+$0x0];
	s23 =	sor.u32 s28, s16;
	[tilespmem:s18+$0x0] =	vst v4;
	s18 =	sor.u32 s30, s16;
	s16 =	sld [smem:$0x76C]  }
0x603: {  	s31 =	sor.u32 s21, s12;
	v4 =	vld [tilespmem:s14+$0x0];
	s14 =	sor.u32 s9, s12;
	s12 =	sld [smem:$0x76D]  }
0x604: {  	s1 =	sadd.s32 $0x16100, s22;
	[smem:$0x77D] =	sst s14  }
0x605: {  	s10 =	sor.u32 s9, s10;
	s14 =	sor.u32 s2, s1;
	v3 =	vadd.f32 v6, v7;
	v6 =	vld [tilespmem:s4+$0x0];
	s4 =	rddreg [dreg:$0xf]  }
0x606: {  	s8 =	sor.u32 s30, s8;
	s15 =	sor.u32 s25, s13;
	v7 =	vadd.f32 v14, v11;
	[smem:$0x77C] =	sst s14  }
0x607: {  	s5 =	sor.u32 s28, s13;
	v14 =	vld [tilespmem:s8+$0x0];
	s8 =	sor.u32 s21, s1;
	s14 =	sld [smem:$0x76E];
	[tilespmem:s24+$0x0] =	vst v3;
	v3 =	vadd.f32 v8, v2  }
0x608: {  	s29 =	smov.u32 s12;
	s12 =	sadd.s32 $0xE300, s17;
	s24 =	smov.u32 s16;
	[tilespmem:s15+$0x0] =	vst v7;
	v7 =	vld [tilespmem:s4+$0x300];
	v5 =	vadd.f32 v5, v12  }
0x609: {  	v8 =	vadd.f32 v15, v13;
	s15 =	sor.u32 s3, s1;
	s16 =	sadd.s32 $0x14180, s6;
	s4 =	sor.u32 s3, s12;
	v16 =	vld [tilespmem:s20+$0x0];
	[tilespmem:s11+$0x0] =	vst v3  }
0x60a: {  	s17 =	sor.u32 s25, s16;
	s20 =	sor.u32 s28, s16;
	v3 =	vld [tilespmem:s10+$0x0];
	[tilespmem:s15+$0x0] =	vst v5;
	s10 =	sor.u32 s26, s16;
	v6 =	vadd.f32 v6, v9  }
0x60b: {  	[tilespmem:s5+$0x0] =	vst v8;
	s15 =	sor.u32 s30, s16;
	s11 =	sor.u32 s2, s12;
	s16 =	sor.u32 s9, s1;
	v9 =	vld [tilespmem:s4+$0x0]  }
0x60c: {  	s1 =	sor.u32 s21, s12;
	s12 =	sor.u32 s9, s12;
	s5 =	sld [smem:$0x771];
	v5 =	vadd.f32 v14, v10;
	v14 =	vld [tilespmem:s23+$0x0];
	[tilespmem:s10+$0x0] =	vst v6  }
0x60d: {  	s13 =	sor.u32 s30, s13;
	[dreg:$0x1d] =	wrdreg s12;
	v8 =	vld [tilespmem:s7+$0x1A300]  }
0x60e: {  	[tilespmem:s13+$0x0] =	vst v5;
	v5 =	vadd.f32 v7, v4;
	s13 =	sld [smem:$0x76F];
	v6 =	vadd.f32 v16, v11;
	v7 =	vld [tilespmem:s14+$0x280]  }
0x60f: {  	s23 =	smov.u32 s19;
	s19 =	rddreg [dreg:$0x12];
	v11 =	vld [tilespmem:s18+$0x0];
	s18 =	sadd.s32 $0x16180, s22  }
0x610: {  	s22 =	sld [smem:$0x770];
	s12 =	sor.u32 s21, s18;
	[tilespmem:s17+$0x0] =	vst v6  }
0x611: {  	[tilespmem:s13+$0x0] =	vst v5;
	v6 =	vadd.f32 v9, v12;
	v9 =	vadd.f32 v14, v13;
	s13 =	sor.u32 s3, s18;
	s3 =	smov.u32 s26;
	s26 =	sld [smem:$0x772];
	v5 =	vld [tilespmem:s5+$0x1A300]  }
0x612: {  	s21 =	smov.u32 s28;
	[dreg:$0x1c] =	wrdreg s12;
	v12 =	vld [tilespmem:s24+$0x280]  }
0x613: {  	v15 =	vld [tilespmem:s19+$0x300];
	s4 =	smov.u32 s22;
	s22 =	smov.u32 s6;
	[tilespmem:s20+$0x0] =	vst v9;
	s20 =	sld [smem:$0x78A]  }
0x614: {  	s17 =	sor.u32 s9, s18;
	s6 =	sor.u32 s2, s18;
	[tilespmem:s13+$0x0] =	vst v6;
	s18 =	sadd.s32 $0x15000, s22;
	v7 =	vadd.f32 v7, v8;
	v6 =	vld [tilespmem:s26+$0x1A300]  }
0x615: {  	s9 =	smov.u32 s30;
	s30 =	sld [smem:$0x774];
	v10 =	vadd.f32 v11, v10;
	s28 =	sor.u32 s3, s18;
	v11 =	vld [tilespmem:s29+$0x280]  }
0x616: {  	s12 =	sld [smem:$0x776];
	v9 =	vld [tilespmem:s20+$0xA300];
	[tilespmem:s28+$0x0] =	vst v7  }
0x617: {  	s2 =	smov.u32 s25;
	[tilespmem:s15+$0x0] =	vst v10;
	v10 =	vld [tilespmem:s7+$0xA280];
	v12 =	vadd.f32 v12, v5;
	s7 =	sld [smem:$0x775]  }
0x618: {  	[dreg:$0x15] =	wrdreg s24;
	s24 =	sor.u32 s2, s18;
	v13 =	vadd.f32 v15, v3;
	v7 =	vld [tilespmem:s30+$0x1A300]  }
0x619: {  	[dreg:$0x1a] =	wrdreg s17;
	s25 =	smov.u32 s5;
	[tilespmem:s24+$0x0] =	vst v12;
	v12 =	vld [tilespmem:s12+$0xA300]  }
0x61a: {  	s17 =	sld [smem:$0x777];
	[tilespmem:s7+$0x0] =	vst v13;
	v14 =	vld [tilespmem:s25+$0xA280]  }
0x61b: {  	s13 =	sor.u32 s21, s18;
	s10 =	sor.u32 s9, s18;
	s18 =	sld [smem:$0x78F];
	v13 =	vld [tilespmem:s4+$0x280];
	v9 =	vadd.f32 v9, v2  }
0x61c: {  	[smem:$0x790] =	sst s6;
	s6 =	sadd.s32 $0x15080, s22  }
0x61d: {  	[dreg:$0x12] =	wrdreg s4;
	s5 =	smov.u32 s30;
	s19 =	sor.u32 s2, s6;
	[tilespmem:s17+$0x0] =	vst v9;
	v9 =	vadd.f32 v10, v8  }
0x61e: {  	s20 =	smov.u32 s26;
	s26 =	smov.u32 s23;
	s28 =	sor.u32 s3, s6;
	v11 =	vadd.f32 v11, v6;
	v10 =	vld [tilespmem:s18+$0xA300]  }
0x61f: {  	s15 =	sor.u32 s21, s6;
	s24 =	sadd.s32 $0xC280, s23;
	s23 =	sld [smem:$0x779];
	[tilespmem:s28+$0x0] =	vst v9;
	v9 =	vadd.f32 v12, v4;
	v12 =	vadd.f32 v14, v5  }
0x620: {  	s30 =	sor.u32 s3, s24;
	[tilespmem:s13+$0x0] =	vst v11;
	s13 =	sor.u32 s9, s6;
	s6 =	sor.u32 s2, s24;
	v15 =	vld [tilespmem:s0+$0x0];
	v11 =	vadd.f32 v13, v7  }
0x621: {  	s4 =	sor.u32 s9, s24;
	v16 =	vld [tilespmem:s20+$0xA280];
	s17 =	sor.u32 s21, s24;
	s24 =	sld [smem:$0x77B];
	[tilespmem:s19+$0x0] =	vst v12  }
0x622: {  	v17 =	vld [tilespmem:s30+$0x0];
	[tilespmem:s10+$0x0] =	vst v11;
	s10 =	smov.u32 s16;
	s16 =	sld [smem:$0x778]  }
.Ltmp6:
0x623: {  	s30 =	sld [smem:$0x77D];
	v10 =	vadd.f32 v10, v3;
	v12 =	vld [tilespmem:s6+$0x0];
	(pc) =	sbr.rel @p2 .LBB2_15-.Ltmp6, $4  }
0x624: {  	s28 =	sld [smem:$0x77C];
	v13 =	vld [tilespmem:s5+$0xA280]  }
0x625: {  	[dreg:$0xf] =	wrdreg s29;
	v18 =	vadd.f32 v15, v2;
	[tilespmem:s24+$0x0] =	vst v10;
	v11 =	vld [tilespmem:s16+$0x0]  }
0x626: {  	s29 =	sld [smem:$0x773];
	s7 =	smov.u32 s1;
	s18 =	smov.u32 s14;
	[tilespmem:s23+$0x0] =	vst v9;
	v10 =	vld [tilespmem:s30+$0x0]  }
0x627: {  	s14 =	smov.u32 s8;
	s0 =	sadd.s32 $0x15100, s22;
	v15 =	vadd.f32 v16, v6;
	v14 =	vadd.f32 v17, v8;
	[tilespmem:s28+$0x0] =	vst v18;
	v9 =	vld [tilespmem:s31+$0x0];
	s31 =	sld [smem:$0x77A]  }
0x628: {  	_ = 	snop  }
0x629: {  	[tilespmem:s15+$0x0] =	vst v15;
	v13 =	vadd.f32 v13, v7  }
0x62a: {  	v15 =	vld [tilespmem:s17+$0x0]  }
0x62b: {  	[tilespmem:s13+$0x0] =	vst v13  }
0x62c: {  	v13 =	vld [tilespmem:s4+$0x0]  }
0x62d: {  	s1 =	sadd.s32 $0xE280, s26;
	s23 =	sor.u32 s3, s0;
	v12 =	vadd.f32 v12, v5  }
0x62e: {  	s28 =	sor.u32 s2, s0;
	[tilespmem:s23+$0x0] =	vst v14;
	s24 =	sor.u32 s3, s1  }
0x62f: {  	s30 =	sor.u32 s2, s1;
	v14 =	vld [tilespmem:s24+$0x0];
	[tilespmem:s28+$0x0] =	vst v12;
	v12 =	vadd.f32 v15, v6  }
0x630: {  	s6 =	sor.u32 s21, s0;
	v15 =	vld [tilespmem:s30+$0x0]  }
0x631: {  	s8 =	sor.u32 s21, s1;
	[tilespmem:s6+$0x0] =	vst v12;
	v12 =	vadd.f32 v13, v7  }
0x632: {  	s12 =	sor.u32 s9, s0;
	v13 =	vld [tilespmem:s8+$0x0]  }
0x633: {  	s13 =	sor.u32 s9, s1;
	[tilespmem:s12+$0x0] =	vst v12  }
0x634: {  	s15 =	sadd.s32 $0x15180, s22;
	v8 =	vadd.f32 v14, v8;
	v12 =	vld [tilespmem:s13+$0x0]  }
0x635: {  	s16 =	sadd.s32 $0x1A380, s26;
	s17 =	sor.u32 s3, s15;
	v5 =	vadd.f32 v15, v5  }
0x636: {  	s19 =	sor.u32 s3, s16;
	s23 =	sor.u32 s2, s15;
	[tilespmem:s17+$0x0] =	vst v8  }
0x637: {  	v8 =	vld [tilespmem:s19+$0x0];
	[tilespmem:s23+$0x0] =	vst v5;
	v5 =	vadd.f32 v13, v6  }
0x638: {  	s24 =	sor.u32 s2, s16;
	s28 =	sor.u32 s21, s15;
	v14 =	vld [tilespmem:s18+$0x300]  }
0x639: {  	s30 =	sor.u32 s21, s16;
	v6 =	vld [tilespmem:s24+$0x0];
	[tilespmem:s28+$0x0] =	vst v5;
	v7 =	vadd.f32 v12, v7  }
0x63a: {  	s1 =	sor.u32 s9, s15;
	s4 =	rddreg [dreg:$0x15];
	v12 =	vld [tilespmem:s30+$0x0]  }
0x63b: {  	s0 =	sor.u32 s9, s16;
	v5 =	vld [tilespmem:s4+$0x300];
	[tilespmem:s1+$0x0] =	vst v7  }
0x63c: {  	s1 =	rddreg [dreg:$0xf];
	v13 =	vld [tilespmem:s0+$0x0]  }
0x63d: {  	v14 =	vadd.f32 v14, v8;
	s4 =	sadd.s32 $0x16000, s22;
	s6 =	rddreg [dreg:$0x12];
	v7 =	vld [tilespmem:s1+$0x300]  }
0x63e: {  	s8 =	sor.u32 s3, s4;
	v15 =	vld [tilespmem:s6+$0x300]  }
0x63f: {  	[tilespmem:s8+$0x0] =	vst v14  }
0x640: {  	s1 =	rddreg [dreg:$0xd];
	v5 =	vadd.f32 v5, v6  }
0x641: {  	s12 =	sor.u32 s2, s4;
	v14 =	vld [tilespmem:s1+$0xA300]  }
0x642: {  	[tilespmem:s12+$0x0] =	vst v5;
	v5 =	vadd.f32 v7, v12  }
0x643: {  	s13 =	sor.u32 s21, s4;
	v15 =	vadd.f32 v15, v13  }
0x644: {  	s0 =	sor.u32 s9, s4;
	v7 =	vld [tilespmem:s25+$0xA300];
	[tilespmem:s13+$0x0] =	vst v5  }
0x645: {  	[tilespmem:s0+$0x0] =	vst v15;
	v5 =	vld [tilespmem:s20+$0xA300]  }
0x646: {  	s15 =	sadd.s32 $0x16080, s22;
	v14 =	vadd.f32 v14, v8;
	v15 =	vld [tilespmem:s5+$0xA300]  }
0x647: {  	s16 =	sadd.s32 $0xC300, s26;
	s17 =	sor.u32 s3, s15  }
0x648: {  	s18 =	sor.u32 s3, s16;
	[tilespmem:s17+$0x0] =	vst v14  }
0x649: {  	v14 =	vld [tilespmem:s18+$0x0];
	v7 =	vadd.f32 v7, v6  }
0x64a: {  	s19 =	sor.u32 s2, s15;
	v5 =	vadd.f32 v5, v12  }
0x64b: {  	s23 =	sor.u32 s21, s15;
	s20 =	sor.u32 s2, s16;
	[tilespmem:s19+$0x0] =	vst v7;
	v15 =	vadd.f32 v15, v13  }
0x64c: {  	s24 =	sor.u32 s21, s16;
	s0 =	sor.u32 s9, s15;
	v7 =	vld [tilespmem:s20+$0x0];
	[tilespmem:s23+$0x0] =	vst v5  }
0x64d: {  	v9 =	vadd.f32 v9, v4;
	s1 =	sor.u32 s9, s16;
	[tilespmem:s0+$0x0] =	vst v15;
	v5 =	vld [tilespmem:s24+$0x0]  }
0x64e: {  	v1 =	vadd.f32 v11, v1;
	v11 =	vadd.f32 v14, v8;
	v14 =	vld [tilespmem:s1+$0x0]  }
0x64f: {  	[tilespmem:s14+$0x0] =	vst v9;
	v9 =	vadd.f32 v10, v3  }
0x650: {  	[tilespmem:s31+$0x0] =	vst v1;
	s25 =	sadd.s32 $0x16100, s22  }
0x651: {  	v1 =	vld [tilespmem:s29+$0x0];
	[tilespmem:s10+$0x0] =	vst v9;
	s28 =	sor.u32 s3, s25;
	v7 =	vadd.f32 v7, v6  }
0x652: {  	s26 =	sadd.s32 $0xE300, s26;
	s31 =	sor.u32 s2, s25;
	v15 =	vld [tilespmem:s11+$0x0];
	[tilespmem:s28+$0x0] =	vst v11;
	v5 =	vadd.f32 v5, v12  }
0x653: {  	s6 =	sor.u32 s2, s26;
	v11 =	vld [tilespmem:s7+$0x0];
	s7 =	sor.u32 s21, s25;
	[tilespmem:s31+$0x0] =	vst v7;
	v9 =	vadd.f32 v14, v13  }
0x654: {  	s30 =	sor.u32 s3, s26;
	s0 =	sor.u32 s9, s25;
	v7 =	vld [tilespmem:s6+$0x0];
	s6 =	rddreg [dreg:$0x1d];
	[tilespmem:s7+$0x0] =	vst v5  }
0x655: {  	v10 =	vld [tilespmem:s30+$0x0];
	[tilespmem:s0+$0x0] =	vst v9  }
0x656: {  	s0 =	sld [smem:$0x790]  }
0x657: {  	v2 =	vadd.f32 v15, v2;
	_ =	sdelay $0x1  }
0x658: {  	v0 =	vadd.f32 v1, v0;
	[tilespmem:s0+$0x0] =	vst v2  }
0x659: {  	s10 =	sadd.s32 $0x16180, s22;
	v14 =	vld [tilespmem:s6+$0x0];
	v2 =	vadd.f32 v10, v8;
	s11 =	rddreg [dreg:$0x18]  }
0x65a: {  	s12 =	sor.u32 s3, s10;
	[tilespmem:s11+$0x0] =	vst v0  }
0x65b: {  	v0 =	vadd.f32 v11, v4;
	[tilespmem:s12+$0x0] =	vst v2  }
0x65c: {  	v2 =	vadd.f32 v7, v6;
	s14 =	rddreg [dreg:$0x1c]  }
0x65d: {  	s13 =	sor.u32 s2, s10;
	[tilespmem:s14+$0x0] =	vst v0  }
0x65e: {  	s1 =	sor.u32 s9, s26;
	v0 =	vadd.f32 v14, v3;
	[tilespmem:s13+$0x0] =	vst v2  }
0x65f: {  	s8 =	sor.u32 s21, s26;
	v5 =	vld [tilespmem:s1+$0x0];
	s2 =	rddreg [dreg:$0x1a]  }
0x660: {  	v1 =	vld [tilespmem:s8+$0x0];
	[tilespmem:s2+$0x0] =	vst v0  }
0x661: {  	s2 =	sld [smem:$0x7FA]  }
0x662: {  	s3 =	sld [smem:$0x7ED];
	_ =	sdelay $0x1  }
0x663: {  	s15 =	sor.u32 s21, s10;
	s16 =	simm.s32 $0x0;
	v0 =	vadd.f32 v5, v13  }
0x664: {  	s17 =	simm.s32 $0x0;
	s0 =	sor.u32 s9, s10;
	v1 =	vadd.f32 v1, v12;
	s2 =	sadd.s32 @!p1 s3, s2  }
0x665: {  	s18 =	simm.s32 $0x3;
	[tilespmem:s0+$0x0] =	vst v0;
	s0 =	rddreg [dreg:$0x2];
	s1 =	sshll.u32 @!p1 s2, $0x7  }
0x666: {  	[tilespmem:s15+$0x0] =	vst v1;
	s2 =	simm.s32 @!p1 $0x1A000;
	s0 =	sadd.s32 @!p1 s0, s1;
	s1 =	simm.s32 @!p1 $0x0  }
0x667: {  	[tilespmem:s2], [sflag:$0x4] =	stream.linear.gather @!p1 [hbm4b:s0+s1], $0x2000, $0x38;
	[tilespmem:$0x1F400] =	vst v63  }
0x668: {  	s7 =	sand.u32 $0x40, s16;
	s1 =	sand.u32 $0xFFFFFC00, s17;
	_ =	swait.ge [sflag:s18], $0x2000  }
0x669: {  	s8 =	sor.u32 $0x30, s7;
	s19 =	sadd.s32 $0x18000, s1;
	[sflag:s18] =	ssyncset.done $0x0  }
0x66a: {  	s20 =	sadd.s32 $0x8000, s1;
	s21 =	sor.u32 s8, s19;
	[sflag:s18] =	ssyncadd.s32 $0xFFFFE000  }
0x66b: {  	s22 =	sor.u32 s8, s20;
	v7 =	vld [tilespmem:s21+$0x0]  }
0x66c: {  	s23 =	sor.u32 s7, s19;
	v1 =	vld [tilespmem:s22+$0x380]  }
0x66d: {  	s24 =	sor.u32 s7, s20;
	v0 =	vld [tilespmem:s23+$0x0]  }
0x66e: {  	s14 =	sor.u32 $0x10, s7;
	v2 =	vld [tilespmem:s24+$0x380]  }
0x66f: {  	s25 =	simm.s32 $0x0;
	s15 =	sor.u32 $0x20, s7;
	s29 =	sor.u32 s14, s20  }
0x670: {  	s12 =	sand.u32 $0x3FFFFE00, s25;
	s2 =	sor.u32 s15, s20;
	v4 =	vld [tilespmem:s29+$0x380]  }
0x671: {  	s28 =	sadd.s32 $0x17000, s12;
	s26 =	sor.u32 s14, s19;
	v6 =	vld [tilespmem:s2+$0x380];
	v3 =	vadd.f32 v1, v7  }
0x672: {  	s31 =	sor.u32 s8, s28;
	s30 =	sadd.s32 $0xA380, s1;
	s0 =	sor.u32 s15, s19;
	v1 =	vld [tilespmem:s26+$0x0]  }
0x673: {  	s9 =	sor.u32 s8, s30;
	[tilespmem:s31+$0x0] =	vst v3;
	v3 =	vadd.f32 v2, v0;
	v2 =	vld [tilespmem:s0+$0x0]  }
0x674: {  	s10 =	sor.u32 s7, s28;
	v5 =	vld [tilespmem:s9+$0x0]  }
0x675: {  	s22 =	sor.u32 s14, s28;
	s24 =	sor.u32 s15, s28;
	s28 =	simm.s32 $0x200  }
0x676: {  	s4 =	simm.s32 $0x40;
	s11 =	sor.u32 s7, s30;
	s6 =	sand.u32 $0xFFFFFC00, s28;
	[tilespmem:s10+$0x0] =	vst v3  }
0x677: {  	s0 =	sand.u32 $0x40, s4;
	s31 =	sadd.s32 $0x8000, s6;
	v3 =	vld [tilespmem:s11+$0x0];
	v4 =	vadd.f32 v4, v1  }
0x678: {  	s21 =	sor.u32 s0, s31;
	v6 =	vadd.f32 v6, v2  }
0x679: {  	s13 =	sadd.s32 $0x17080, s12;
	s25 =	sor.u32 s14, s30;
	s2 =	sor.u32 $0x30, s0;
	v11 =	vld [tilespmem:s21+$0x380];
	[tilespmem:s22+$0x0] =	vst v4;
	v5 =	vadd.f32 v5, v7  }
0x67a: {  	s23 =	sor.u32 s8, s13;
	s10 =	sadd.s32 $0xC380, s1;
	s19 =	sor.u32 s2, s31;
	v8 =	vld [tilespmem:s25+$0x0];
	[tilespmem:s24+$0x0] =	vst v6  }
0x67b: {  	s26 =	sor.u32 s8, s10;
	v6 =	vld [tilespmem:s19+$0x380];
	[tilespmem:s23+$0x0] =	vst v5  }
0x67c: {  	s17 =	sadd.s32 $0xE380, s1;
	s3 =	sor.u32 s15, s30;
	s11 =	sadd.s32 $0x18000, s6;
	v3 =	vadd.f32 v3, v0;
	v4 =	vld [tilespmem:s26+$0x0]  }
0x67d: {  	s29 =	sor.u32 s7, s13;
	s1 =	sor.u32 $0x10, s0;
	s18 =	sor.u32 s2, s11;
	v9 =	vld [tilespmem:s3+$0x0]  }
0x67e: {  	s3 =	sor.u32 $0x20, s0;
	s26 =	sor.u32 s1, s31;
	[tilespmem:s29+$0x0] =	vst v3;
	v3 =	vld [tilespmem:s18+$0x0]  }
0x67f: {  	s9 =	sor.u32 s15, s13;
	s24 =	sor.u32 s14, s13;
	s13 =	sor.u32 s3, s31;
	v13 =	vld [tilespmem:s26+$0x380]  }
0x680: {  	s20 =	sor.u32 s0, s11;
	v15 =	vld [tilespmem:s13+$0x380]  }
0x681: {  	s16 =	sadd.s32 $0x17100, s12;
	s30 =	sor.u32 s7, s10;
	s25 =	simm.s32 $0x100;
	v5 =	vadd.f32 v4, v7;
	v4 =	vld [tilespmem:s20+$0x0]  }
0x682: {  	s22 =	sor.u32 s8, s16;
	s19 =	sor.u32 s1, s11;
	s5 =	sand.u32 $0x3FFFFE00, s25;
	v10 =	vld [tilespmem:s30+$0x0]  }
0x683: {  	s23 =	sor.u32 s8, s17;
	v14 =	vadd.f32 v6, v3;
	[tilespmem:s22+$0x0] =	vst v5;
	v5 =	vld [tilespmem:s19+$0x0];
	s19 =	sadd.s32 $0x17000, s5  }
0x684: {  	s11 =	sor.u32 s3, s11;
	v8 =	vadd.f32 v8, v1;
	s20 =	sadd.s32 $0xA380, s6;
	v12 =	vld [tilespmem:s23+$0x0];
	s28 =	sor.u32 s2, s19  }
0x685: {  	s31 =	sor.u32 s7, s16;
	s26 =	sadd.s32 $0x17180, s12;
	v9 =	vadd.f32 v9, v2;
	v6 =	vld [tilespmem:s11+$0x0];
	s30 =	sor.u32 s2, s20;
	[tilespmem:s28+$0x0] =	vst v14  }
0x686: {  	s29 =	sor.u32 s14, s10;
	s13 =	sor.u32 s14, s17;
	s12 =	sor.u32 s7, s26;
	[tilespmem:s24+$0x0] =	vst v8;
	v14 =	vld [tilespmem:s30+$0x0];
	v8 =	vadd.f32 v11, v4  }
0x687: {  	s11 =	sor.u32 s14, s16;
	[tilespmem:s9+$0x0] =	vst v9;
	s9 =	sor.u32 s15, s16;
	v9 =	vadd.f32 v10, v0;
	s24 =	sor.u32 s0, s19;
	v11 =	vld [tilespmem:s29+$0x0]  }
0x688: {  	s25 =	sor.u32 s0, s20;
	s21 =	sor.u32 s3, s20;
	s22 =	sor.u32 s15, s10;
	[tilespmem:s24+$0x0] =	vst v8;
	v10 =	vadd.f32 v13, v5  }
0x689: {  	s10 =	sor.u32 s15, s17;
	s23 =	sor.u32 s7, s17;
	[tilespmem:s31+$0x0] =	vst v9;
	s29 =	sor.u32 s1, s19;
	v7 =	vadd.f32 v12, v7;
	v9 =	vld [tilespmem:s25+$0x0]  }
0x68a: {  	s7 =	sor.u32 s15, s26;
	s28 =	sor.u32 s8, s26;
	s8 =	sor.u32 s14, s26;
	v8 =	vld [tilespmem:s22+$0x0];
	v13 =	vadd.f32 v15, v6;
	[tilespmem:s29+$0x0] =	vst v10  }
0x68b: {  	s31 =	sor.u32 s1, s20;
	s14 =	sadd.s32 $0x17080, s5;
	s30 =	sor.u32 s3, s19;
	[tilespmem:s28+$0x0] =	vst v7;
	v7 =	vld [tilespmem:s23+$0x0]  }
0x68c: {  	s20 =	sadd.s32 $0xC380, s6;
	s16 =	sor.u32 s0, s14;
	s15 =	sor.u32 s2, s14;
	[tilespmem:s30+$0x0] =	vst v13;
	v10 =	vld [tilespmem:s31+$0x0];
	v12 =	vadd.f32 v14, v3;
	v11 =	vadd.f32 v11, v1  }
.LBB2_17:
0x68d: {  	s4 =	sadd.s32 $0x40, s4  }
0x68e: {  	v9 =	vadd.f32 v9, v4;
	s22 =	sor.u32 s1, s14;
	v13 =	vld [tilespmem:s21+$0x0];
	[tilespmem:s15+$0x0] =	vst v12;
	s15 =	sor.u32 s2, s20;
	s18 =	sor.u32 s0, s20  }
0x68f: {  	s21 =	sor.u32 s3, s14;
	s19 =	sor.u32 s1, s20;
	s17 =	sshll.u32 s4, $0x3;
	v12 =	vld [tilespmem:s15+$0x0];
	[tilespmem:s11+$0x0] =	vst v11;
	v8 =	vadd.f32 v8, v2  }
0x690: {  	s6 =	sadd.s32 $0xE380, s6;
	s14 =	sand.u32 $0x40, s4;
	s15 =	sand.u32 $0xFFFFFC00, s17;
	[tilespmem:s16+$0x0] =	vst v9;
	v7 =	vadd.f32 v7, v0;
	v9 =	vld [tilespmem:s13+$0x0];
	v0 =	vmov v4  }
0x691: {  	s17 =	sor.u32 $0x10, s14;
	s16 =	sor.u32 $0x30, s14;
	s11 =	sadd.s32 $0x18000, s15;
	v11 =	vld [tilespmem:s18+$0x0];
	v4 =	vadd.f32 v10, v5;
	[tilespmem:s9+$0x0] =	vst v8  }
0x692: {  	s9 =	sadd.s32 $0x8000, s15;
	s18 =	sor.u32 $0x20, s14;
	s13 =	sor.u32 s16, s11;
	[tilespmem:s12+$0x0] =	vst v7;
	v7 =	vld [tilespmem:s10+$0x0]  }
0x693: {  	s10 =	sor.u32 s14, s11;
	s12 =	sor.u32 s14, s9;
	v8 =	vld [tilespmem:s13+$0x0];
	s13 =	sor.u32 s16, s9;
	[tilespmem:s22+$0x0] =	vst v4;
	v10 =	vadd.f32 v13, v6  }
0x694: {  	s23 =	sor.u32 s17, s9;
	s22 =	sor.u32 s17, s11;
	v13 =	vld [tilespmem:s13+$0x380];
	s13 =	sadd.s32 $0x17100, s5;
	v12 =	vadd.f32 v12, v3  }
0x695: {  	s20 =	sor.u32 s3, s20;
	s24 =	sor.u32 s18, s11;
	v4 =	vld [tilespmem:s10+$0x0];
	[tilespmem:s21+$0x0] =	vst v10;
	s10 =	sor.u32 s2, s13;
	v9 =	vadd.f32 v9, v1;
	v1 =	vmov v5  }
0x696: {  	p1 =	slt.u32 s4, $0x3C0;
	v10 =	vld [tilespmem:s12+$0x380];
	s12 =	sor.u32 s18, s9;
	v11 =	vadd.f32 v11, v0;
	[tilespmem:s10+$0x0] =	vst v12;
	s9 =	sor.u32 s2, s6  }
0x697: {  	s21 =	sor.u32 s0, s13;
	s11 =	sor.u32 s1, s13;
	s10 =	sshll.u32 s4, $0x2;
	v12 =	vld [tilespmem:s9+$0x0];
	[tilespmem:s8+$0x0] =	vst v9;
	v7 =	vadd.f32 v7, v2;
	v2 =	vmov v6  }
0x698: {  	s25 =	sand.u32 $0x3FFFFE00, s10;
	s9 =	sor.u32 s3, s13;
	v5 =	vld [tilespmem:s22+$0x0];
	[tilespmem:s21+$0x0] =	vst v11;
	s22 =	sor.u32 s0, s6  }
0x699: {  	s13 =	sor.u32 s1, s6;
	s10 =	sor.u32 s3, s6;
	s8 =	sadd.s32 $0x17000, s25;
	v11 =	vld [tilespmem:s23+$0x380];
	v9 =	vadd.f32 v13, v8;
	[tilespmem:s7+$0x0] =	vst v7  }
0x69a: {  	s6 =	sor.u32 s14, s8;
	s7 =	sadd.s32 $0xA380, s15;
	s21 =	sor.u32 s16, s8;
	v6 =	vld [tilespmem:s24+$0x0]  }
0x69b: {  	s23 =	sor.u32 s17, s8;
	s24 =	sor.u32 s18, s8;
	s8 =	sor.u32 s16, s7;
	v7 =	vadd.f32 v10, v4;
	v10 =	vld [tilespmem:s12+$0x380];
	[tilespmem:s21+$0x0] =	vst v9  }
0x69c: {  	s5 =	sadd.s32 $0x17180, s5;
	s26 =	sor.u32 s14, s7;
	s28 =	sor.u32 s17, s7;
	v13 =	vld [tilespmem:s8+$0x0];
	v12 =	vadd.f32 v12, v3;
	v3 =	vmov v8  }
0x69d: {  	s21 =	sor.u32 s18, s7;
	s12 =	sor.u32 s0, s5;
	s0 =	sor.u32 s2, s5;
	[tilespmem:s6+$0x0] =	vst v7;
	v14 =	vld [tilespmem:s19+$0x0]  }
.Ltmp7:
0x69e: {  	s7 =	sor.u32 s3, s5;
	s8 =	sor.u32 s1, s5;
	v9 =	vld [tilespmem:s26+$0x0];
	v7 =	vadd.f32 v11, v5;
	[tilespmem:s0+$0x0] =	vst v12;
	(pc) =	sbr.rel @p1 .LBB2_17-.Ltmp7, $4  }
0x69f: {  	s1 =	smov.u32 s17;
	s6 =	smov.u32 s15;
	s0 =	smov.u32 s14;
	v8 =	vld [tilespmem:s20+$0x0]  }
0x6a0: {  	s2 =	smov.u32 s16;
	s3 =	smov.u32 s18;
	s5 =	smov.u32 s25;
	[tilespmem:s23+$0x0] =	vst v7;
	v11 =	vadd.f32 v10, v6;
	v7 =	vld [tilespmem:s22+$0x0]  }
0x6a1: {  	s14 =	sadd.s32 $0x17080, s5;
	v10 =	vld [tilespmem:s28+$0x0];
	v12 =	vadd.f32 v13, v3  }
0x6a2: {  	s16 =	sor.u32 s0, s14;
	s20 =	sadd.s32 $0xC380, s6;
	s15 =	sor.u32 s2, s14;
	[tilespmem:s24+$0x0] =	vst v11;
	v11 =	vadd.f32 v14, v1  }
0x6a3: {  	v13 =	vld [tilespmem:s21+$0x0];
	_ =	sdelay $0x2  }
0x6a4: {  	v9 =	vadd.f32 v9, v4  }
0x6a5: {  	[tilespmem:s15+$0x0] =	vst v12;
	s4 =	sor.u32 s2, s20;
	v10 =	vadd.f32 v10, v5  }
0x6a6: {  	s29 =	sor.u32 s1, s14;
	s17 =	sor.u32 s0, s20;
	v12 =	vld [tilespmem:s4+$0x0];
	[tilespmem:s16+$0x0] =	vst v9;
	v48 =	vadd.f32 v13, v6  }
0x6a7: {  	s30 =	sor.u32 s3, s14;
	s31 =	sor.u32 s1, s20;
	v49 =	vld [tilespmem:s17+$0x0];
	[tilespmem:s29+$0x0] =	vst v10  }
0x6a8: {  	s16 =	sor.u32 s3, s20;
	v50 =	vld [tilespmem:s31+$0x0];
	[tilespmem:s30+$0x0] =	vst v48  }
0x6a9: {  	v51 =	vld [tilespmem:s16+$0x0]  }
0x6aa: {  	v8 =	vadd.f32 v8, v2  }
0x6ab: {  	[tilespmem:s11+$0x0] =	vst v11;
	s17 =	sadd.s32 $0x17100, s5;
	v52 =	vadd.f32 v12, v3  }
0x6ac: {  	s6 =	sadd.s32 $0xE380, s6;
	v53 =	vld [tilespmem:s13+$0x0];
	[tilespmem:s9+$0x0] =	vst v8;
	s18 =	sor.u32 s2, s17;
	v54 =	vadd.f32 v49, v4  }
0x6ad: {  	s19 =	sor.u32 s2, s6;
	v55 =	vld [tilespmem:s10+$0x0];
	s20 =	sor.u32 s0, s17;
	[tilespmem:s18+$0x0] =	vst v52;
	v9 =	vadd.f32 v50, v5  }
0x6ae: {  	s22 =	sor.u32 s0, s6;
	s21 =	sor.u32 s1, s17;
	v11 =	vld [tilespmem:s19+$0x0];
	[tilespmem:s20+$0x0] =	vst v54;
	v56 =	vadd.f32 v51, v6  }
0x6af: {  	s23 =	sor.u32 s1, s6;
	s4 =	sor.u32 s3, s17;
	v57 =	vld [tilespmem:s22+$0x0];
	[tilespmem:s21+$0x0] =	vst v9  }
0x6b0: {  	s6 =	sor.u32 s3, s6;
	v0 =	vadd.f32 v7, v0;
	v58 =	vld [tilespmem:s23+$0x0];
	[tilespmem:s4+$0x0] =	vst v56  }
0x6b1: {  	v1 =	vadd.f32 v53, v1;
	v8 =	vld [tilespmem:s6+$0x0]  }
0x6b2: {  	[tilespmem:s12+$0x0] =	vst v0;
	v59 =	vadd.f32 v55, v2  }
0x6b3: {  	s24 =	sadd.s32 $0x17180, s5;
	[tilespmem:s8+$0x0] =	vst v1;
	v60 =	vadd.f32 v11, v3  }
0x6b4: {  	s25 =	sor.u32 s2, s24;
	[tilespmem:s7+$0x0] =	vst v59;
	v61 =	vadd.f32 v57, v4  }
0x6b5: {  	s26 =	sor.u32 s0, s24;
	[tilespmem:s25+$0x0] =	vst v60;
	v62 =	vadd.f32 v58, v5  }
0x6b6: {  	s28 =	sor.u32 s1, s24;
	[tilespmem:s26+$0x0] =	vst v61;
	v63 =	vadd.f32 v8, v6  }
0x6b7: {  	s29 =	sor.u32 s3, s24;
	[tilespmem:s28+$0x0] =	vst v62  }
0x6b8: {  	[tilespmem:s29+$0x0] =	vst v63  }
0x6b9: {  	s31 =	sld [smem:$0x7EA];
	_ =	sdelay $0x2  }
0x6ba: {  	s4 =	sadd.s32 $0x1, s31  }
0x6bb: {  	s0 =	sld [smem:$0x7F9];
	p1 =	sne.s32 s4, $0x10  }
.Ltmp8:
0x6bc: {  	s1 =	sld [smem:$0x77E];
	(pc) =	sbr.rel @p1 .LBB2_6-.Ltmp8, $3  }
0x6bd: {  	_ =	sdelay $0x1  }
0x6be: {  	s30 =	simm.s32 $0x14000;
	s7 =	simm.s32 $0x0;
	s0 =	sadd.s32 s1, s0  }
0x6bf: {  	[hbm4b:s0+s7] =	stream.linear.scatter [tilespmem:s30], [sflag:$0x6], $0x4000, $0x38;
	[tilespmem:$0x1F400] =	vst v63  }
0x6c0: {  	s0 =	simm.s32 $0x5  }
0x6c1: {  	_ =	swait.ge [sflag:s0], $0x4000  }
0x6c2: {  	[sflag:s0] =	ssyncset.done $0x0  }
0x6c3: {  	s1 =	simm.s32 $0x6;
	[sflag:s0] =	ssyncadd.s32 $0xFFFFC000  }
0x6c4: {  	_ =	swait.ge [sflag:s1], $0x4000  }
0x6c5: {  	s2 =	sld [smem:$0x7EF]  }
0x6c6: {  	s31 =	sld [smem:$0x7FB];
	_ =	sdelay $0x1  }
0x6c7: {  	s2 =	sadd.s32 $0x1, s2  }
0x6c8: {  	p1 =	sne.s32 s2, s31  }
.Ltmp9:
0x6c9: {  	_ = 	snop;
	(pc) =	sbr.rel @p1 .LBB2_1-.Ltmp9, $3  }
0x6ca: {  	_ =	sdelay $0x1  }
0x6cb: {  	[sflag:s1] =	ssyncset.done $0x0  }
0x6cc: {  	[sflag:s1] =	ssyncadd.s32 $0xFFFFC000  }
0x6cd: {  	_ =	sfence.sel $0x180000  }
0x6ce: {  	[bflag:$0x0] =	sbarrier.arrive $0xFFFF  }
0x6cf: {  	_ =	strace $0x90000047  }
0x6d0: {  	s0 =	stileid.u32;
	[bflag:$0x2] =	sbarrier.arrive $0xFFFF  }
0x6d1: {  	p0 =	sne.s32 s0, $0x0;
	s0 =	rddreg [dreg:$0x4]  }
0x6d2: {  	s0 =	sadd.s32 @!p0 $0x100000, s0  }
0x6d3: {  	[sflag:s0] =	ssyncadd.tile.s32 @!p0 $0x1;
	_ =	shalt  }
.Lfunc_end2:
_tile_overlayer_lowered:
.L_overlay_start_2:
0x6d4: {  	(tag) =	ssettag $0x2  }
0x6d5: {  	s0 =	rddreg [dreg:$0x0];
	s2 =	stileid.u32  }
0x6d6: {  	s1 =	rddreg [dreg:$0x1];
	p0 =	sne.s32 s2, $0x0  }
0x6d7: {  	s3 =	rddreg [dreg:$0x2];
	[bflag:$0x3] =	sbarrier.arrive $0xFFFF;
	s2 =	simm.s32 @!p0 $0x1C07  }
0x6d8: {  	[timem:s3], [sflag:s2] =	dma.local @!p0 [hbm:s0], s1  }
0x6d9: {  	s0 =	simm.s32 @!p0 $0x7  }
0x6da: {  	_ =	swait.ge @!p0 [sflag:s0], s1  }
0x6db: {  	s1 =	ssub.s32 @!p0 $0x0, s1;
	[sflag:s0] =	ssyncset.done @!p0 $0x0  }
0x6dc: {  	[sflag:s0] =	ssyncadd.s32 @!p0 s1  }
0x6dd: {  	[bflag:$0x3] =	sbarrier.arrive $0xFFFF  }
0x6de: {  	_ =	shalt  }

</sc_bundles>
